<compile_context>
chip_gen: v7x
topology: tpu7x:2x2x1
jax: 0.10.2.dev20260603
libtpu: 0.0.44.dev20260713+nightly
codegen_flags: <defaults>
</compile_context>

<pallas_src>
import functools

import jax
import jax.numpy as jnp
from jax import lax
from jax.experimental import pallas as pl
from jax.experimental.pallas import tpu as pltpu
from jax.experimental.pallas import tpu_sc as plsc

N_NODES = 10000
N_EDGES = 320000
D = 128

NUM_CORES = 2
NUM_SUBCORES = 16
NUM_WORKERS = NUM_CORES * NUM_SUBCORES

CHUNK = 128
G = 8

GROUPS_C0 = 18
GROUPS_C1 = 2
GROUPS_TOTAL = NUM_SUBCORES * (GROUPS_C0 + GROUPS_C1)
E_PAD = GROUPS_TOTAL * G * CHUNK

N_PAD = 10240
ROWS_PER_TILE = N_PAD // NUM_SUBCORES


def _seg_sum_body(h_hbm, idx_hbm, out_hbm,
                  islab0, islab1, rows0, rows1, agg_sh,
                  semi0, semi1, semg0, semg1, sems0, sems1):
  c = lax.axis_index("c")
  s = lax.axis_index("s")
  islab = (islab0, islab1)
  rows = (rows0, rows1)
  semi = (semi0, semi1)
  semg = (semg0, semg1)
  sems = (sems0, sems1)

  gbase = jnp.where(c == 0, s * GROUPS_C0,
                    NUM_SUBCORES * GROUPS_C0 + s * GROUPS_C1)
  ngroups = jnp.where(c == 0, GROUPS_C0, GROUPS_C1)

  pltpu.async_copy(idx_hbm.at[gbase], islab0, semi0)
  pltpu.async_copy(idx_hbm.at[gbase + 1], islab1, semi1)

  row0 = s * ROWS_PER_TILE
  zrow = jnp.zeros((16,), jnp.float32)

  def zbody(r, _):
    for kk in range(D // 16):
      rows0[r, pl.ds(kk * 16, 16)] = zrow
    return 0

  lax.fori_loop(0, CHUNK, zbody, 0)
  for t in range(ROWS_PER_TILE // CHUNK):
    pltpu.sync_copy(rows0, agg_sh.at[pl.ds(row0 + t * CHUNK, CHUNK)])
  plsc.subcore_barrier()

  def fire_idx(g, p):
    pltpu.async_copy(idx_hbm.at[gbase + g], islab[p], semi[p])

  def wait_idx(p):
    pltpu.make_async_copy(idx_hbm.at[gbase], islab[p], semi[p]).wait()

  def fire_gather(isl, k, p):
    pltpu.async_copy(h_hbm.at[isl.at[k, 0]], rows[p], semg[p])

  def wait_gather(p):
    pltpu.make_async_copy(h_hbm.at[islab0.at[0, 0]], rows[p], semg[p]).wait()

  def fire_scatter(isl, k, p):
    pltpu.async_copy(rows[p], agg_sh.at[isl.at[k, 1]], sems[p], add=True)

  def wait_scatter(p):
    pltpu.make_async_copy(rows[p], agg_sh.at[islab0.at[0, 1]], sems[p]).wait()

  wait_idx(0)
  fire_gather(islab0, 0, 0)
  fire_gather(islab0, 1, 1)

  def one_group(g, gp):
    isl = islab[gp]

    for k in range(G):
      p = k % 2
      wait_gather(p)
      fire_scatter(isl, k, p)
      wait_scatter(p)
      if k < G - 2:
        fire_gather(isl, k + 2, p)
      else:
        @pl.when(g + 1 < ngroups)
        def _():
          if k == G - 2:
            wait_idx(1 - gp)
          fire_gather(islab[1 - gp], k + 2 - G, p)

    @pl.when(g + 2 < ngroups)
    def _():
      fire_idx(g + 2, gp)

  def body(i, _):
    one_group(2 * i, 0)
    one_group(2 * i + 1, 1)
    return 0

  lax.fori_loop(0, ngroups // 2, body, 0)

  plsc.subcore_barrier()
  pltpu.sync_copy(agg_sh.at[pl.ds(row0, ROWS_PER_TILE)],
                  out_hbm.at[c, pl.ds(row0, ROWS_PER_TILE)])


def _seg_sum(h, idx):
  mesh = plsc.VectorSubcoreMesh(core_axis_name="c", subcore_axis_name="s")
  fn = pl.kernel(
      _seg_sum_body,
      out_type=jax.ShapeDtypeStruct((NUM_CORES, N_PAD, D), jnp.float32),
      mesh=mesh,
      scratch_types=[
          pltpu.VMEM((G, 2, CHUNK), jnp.int32),
          pltpu.VMEM((G, 2, CHUNK), jnp.int32),
          pltpu.VMEM((CHUNK, D), jnp.float32),
          pltpu.VMEM((CHUNK, D), jnp.float32),
          pltpu.VMEM_SHARED((N_PAD, D), jnp.float32),
          pltpu.SemaphoreType.DMA,
          pltpu.SemaphoreType.DMA,
          pltpu.SemaphoreType.DMA,
          pltpu.SemaphoreType.DMA,
          pltpu.SemaphoreType.DMA,
          pltpu.SemaphoreType.DMA,
      ],
  )
  return fn(h, idx)


def _pre_block(x_ref, wp_ref, bp_ref, w1_ref, o_ref):
  h = lax.dot_general(x_ref[...], wp_ref[...], (((1,), (1,)), ((), ())),
                      preferred_element_type=jnp.float32,
                      precision=lax.Precision.HIGHEST) + bp_ref[...]
  o_ref[...] = lax.dot_general(h, w1_ref[...], (((1,), (1,)), ((), ())),
                               preferred_element_type=jnp.float32,
                               precision=lax.Precision.HIGHEST)


def _mid_block(y_ref, a_ref, b_ref, b1_ref, w_ref, o_ref):
  h = jnp.maximum(y_ref[...] + a_ref[...] + b_ref[...] + b1_ref[...], 0.0)
  o_ref[...] = lax.dot_general(h, w_ref[...], (((1,), (1,)), ((), ())),
                               preferred_element_type=jnp.float32,
                               precision=lax.Precision.HIGHEST)


def _fin_block(z_ref, a_ref, b_ref, b2_ref, o_ref):
  o_ref[...] = z_ref[...] + a_ref[0] + b_ref[0] + b2_ref[...]


_BM = 512
_GRID = N_PAD // _BM


def _pre(x, wp, bp, w1):
  return pl.pallas_call(
      _pre_block,
      out_shape=jax.ShapeDtypeStruct((N_PAD, D), jnp.float32),
      grid=(_GRID,),
      in_specs=[
          pl.BlockSpec((_BM, D), lambda i: (i, 0)),
          pl.BlockSpec((D, D), lambda i: (0, 0)),
          pl.BlockSpec((1, D), lambda i: (0, 0)),
          pl.BlockSpec((D, D), lambda i: (0, 0)),
      ],
      out_specs=pl.BlockSpec((_BM, D), lambda i: (i, 0)),
  )(x, wp, bp, w1)


def _mid(y, agg2, b1, w):
  return pl.pallas_call(
      _mid_block,
      out_shape=jax.ShapeDtypeStruct((N_PAD, D), jnp.float32),
      grid=(_GRID,),
      in_specs=[
          pl.BlockSpec((_BM, D), lambda i: (i, 0)),
          pl.BlockSpec((_BM, D), lambda i: (i, 0)),
          pl.BlockSpec((_BM, D), lambda i: (i, 0)),
          pl.BlockSpec((1, D), lambda i: (0, 0)),
          pl.BlockSpec((D, D), lambda i: (0, 0)),
      ],
      out_specs=pl.BlockSpec((_BM, D), lambda i: (i, 0)),
  )(y, agg2[0], agg2[1], b1, w)


_BMF = 400
_GRIDF = N_NODES // _BMF


def _fin(z, agg2, b2):
  return pl.pallas_call(
      _fin_block,
      out_shape=jax.ShapeDtypeStruct((N_NODES, D), jnp.float32),
      grid=(_GRIDF,),
      in_specs=[
          pl.BlockSpec((_BMF, D), lambda i: (i, 0)),
          pl.BlockSpec((1, _BMF, D), lambda i: (0, i, 0)),
          pl.BlockSpec((1, _BMF, D), lambda i: (1, i, 0)),
          pl.BlockSpec((1, D), lambda i: (0, 0)),
      ],
      out_specs=pl.BlockSpec((_BMF, D), lambda i: (i, 0)),
  )(z, agg2, agg2, b2)


def kernel(x, edge_index, W_pre, b_pre, W1, b1, W2, b2):
  src = edge_index[0]
  dst = edge_index[1]
  pad = E_PAD - N_EDGES
  src = jnp.concatenate([src, jnp.zeros((pad,), jnp.int32)])
  dst = jnp.concatenate([dst, jnp.full((pad,), N_NODES, jnp.int32)])
  idx = jnp.stack([src.reshape(E_PAD // CHUNK, CHUNK),
                   dst.reshape(E_PAD // CHUNK, CHUNK)], axis=1)
  idx = idx.reshape(GROUPS_TOTAL, G, 2, CHUNK)

  xp = jnp.zeros((N_PAD, D), x.dtype).at[:N_NODES].set(x)
  bias_pre = b_pre.reshape(1, D)
  bias1 = b1.reshape(1, D)
  bias2 = b2.reshape(1, D)

  y1 = _pre(xp, W_pre, bias_pre, W1)
  a1 = _seg_sum(y1, idx)
  z = _mid(y1, a1, bias1, W2)
  a2 = _seg_sum(z, idx)
  return _fin(z, a2, bias2)

# --- scband reference (transcript-rebuilt; emitter-appended) ---
"""Pipeline reference for scband-tg-gin-7189775253562 (READ-ONLY COPY).

The authoritative reference and input builder live on the scoring server;
editing this copy changes nothing except your own understanding.
"""

import jax, jax.numpy as jnp
import numpy as np

N = 10000
E = 320000
D_IN = 128
D_FEAT = 128
D_HID = 128
D_OUT = 128


def _glorot(key, shape):
    fan_in, fan_out = shape[1], shape[0]
    limit = np.sqrt(6.0 / (fan_in + fan_out)).astype(np.float32)
    return jax.random.uniform(key, shape, dtype=jnp.float32, minval=-limit, maxval=limit)


def setup_inputs(seed: int = 0) -> dict:
    key = jax.random.key(seed)
    ks = jax.random.split(key, 8)
    x = jax.random.normal(ks[0], (N, D_IN), dtype=jnp.float32)
    edge_index = jax.random.randint(ks[1], (2, E), 0, N, dtype=jnp.int32)
    W_pre = _glorot(ks[2], (D_FEAT, D_IN))
    b_pre = jnp.zeros((D_FEAT,), dtype=jnp.float32)
    W1 = _glorot(ks[3], (D_HID, D_FEAT))
    b1 = jnp.zeros((D_HID,), dtype=jnp.float32)
    W2 = _glorot(ks[4], (D_OUT, D_HID))
    b2 = jnp.zeros((D_OUT,), dtype=jnp.float32)
    return {"x": x, "edge_index": edge_index, "W_pre": W_pre, "b_pre": b_pre,
            "W1": W1, "b1": b1, "W2": W2, "b2": b2}


def _gin_conv(h, edge_index, W, b, eps=0.0):
    # PyG GINConv: out = nn((1+eps)*x + sum_{j in N(i)} x_j)
    src = edge_index[0]
    dst = edge_index[1]
    agg = jnp.zeros_like(h).at[dst].add(h[src])
    hh = (1.0 + eps) * h + agg
    return hh @ W.T + b


def reference(x, edge_index, W_pre, b_pre, W1, b1, W2, b2):
    # feature_pre: linear_pre
    h = x @ W_pre.T + b_pre
    # conv_first (GINConv with Linear nn)
    h = _gin_conv(h, edge_index, W1, b1)
    h = jax.nn.relu(h)
    # dropout p=0.0 / eval mode -> identity
    # conv_out
    h = _gin_conv(h, edge_index, W2, b2)
    return h

if __name__ == "__main__":
    import jax
    _d = setup_inputs()
    print(jax.jit(kernel)(*tuple(_d.values())))

</pallas_src>

<mosaic_0001>
#map = affine_map<(d0, d1) -> (0, 0)>
#map1 = affine_map<(d0, d1) -> (0, 0, 0, 0)>
#map2 = affine_map<(d0, d1) -> (0, 0, 0)>
module attributes {stable_mosaic.version = 14 : i64} {
  func.func @_seg_sum_body(%arg0: i32, %arg1: i32, %arg2: memref<10240x128xf32, #tpu.memory_space<hbm>>, %arg3: memref<320x8x2x128xi32, #tpu.memory_space<hbm>>, %arg4: memref<2x10240x128xf32, #tpu.memory_space<hbm>>, %arg5: memref<8x2x128xi32, #tpu.memory_space<vmem>>, %arg6: memref<8x2x128xi32, #tpu.memory_space<vmem>>, %arg7: memref<128x128xf32, #tpu.memory_space<vmem>>, %arg8: memref<128x128xf32, #tpu.memory_space<vmem>>, %arg9: memref<10240x128xf32, #tpu.memory_space<vmem_shared>>, %arg10: memref<!tpu.dma_semaphore, #tpu.memory_space<semaphore_mem>>, %arg11: memref<!tpu.dma_semaphore, #tpu.memory_space<semaphore_mem>>, %arg12: memref<!tpu.dma_semaphore, #tpu.memory_space<semaphore_mem>>, %arg13: memref<!tpu.dma_semaphore, #tpu.memory_space<semaphore_mem>>, %arg14: memref<!tpu.dma_semaphore, #tpu.memory_space<semaphore_mem>>, %arg15: memref<!tpu.dma_semaphore, #tpu.memory_space<semaphore_mem>>) attributes {dimension_semantics = [#tpu.dimension_semantics<core_parallel>, #tpu.dimension_semantics<subcore_parallel>], iteration_bounds = array<i64: 2, 16>, scalar_prefetch = 0 : i64, scratch_operands = 11 : i64, tpu.core_type = #tpu.core_type<sc_vector_subcore>, window_params = [{transform_indices = #map}, {transform_indices = #map1}, {transform_indices = #map2}]} {
    %eq3A = arith.constant 0 : i32
    %eq3A_0 = arith.cmpi eq, %arg0, %eq3A : i32
    %mul3A = arith.constant 18 : i32
    %mul3A_1 = arith.muli %arg1, %mul3A : i32
    %mul3A_2 = arith.constant 2 : i32
    %mul3A_3 = arith.muli %arg1, %mul3A_2 : i32
    %add3A = arith.constant 288 : i32
    %add3A_4 = arith.addi %add3A, %mul3A_3 : i32
    %select_n3A = arith.select %eq3A_0, %mul3A_1, %add3A_4 : i32
    %eq3A_5 = arith.constant 0 : i32
    %eq3A_6 = arith.cmpi eq, %arg0, %eq3A_5 : i32
    %jit3A = arith.constant 18 : i32
    %jit3A_7 = arith.constant 2 : i32
    %select_n3A_8 = arith.select %eq3A_6, %jit3A, %jit3A_7 : i32
    %dma_start3A = arith.constant 0 : i32
    %dma_start3A_9 = arith.constant 0 : i32
    %dma_start3A_10 = arith.constant 0 : i32
    %dma_start3A_11 = tpu.memref_slice %arg3[%select_n3A, %dma_start3A, %dma_start3A_9, %dma_start3A_10] : memref<320x8x2x128xi32, #tpu.memory_space<hbm>> -> memref<1x8x2x128xi32, #tpu.memory_space<hbm>>
    %dma_start3A_12 = tpu.memref_squeeze %dma_start3A_11 : memref<1x8x2x128xi32, #tpu.memory_space<hbm>> -> memref<8x2x128xi32, #tpu.memory_space<hbm>>
    %dma_start3A_13 = arith.constant 0 : i32
    %dma_start3A_14 = arith.constant 0 : i32
    %dma_start3A_15 = arith.constant 0 : i32
    %dma_start3A_16 = tpu.memref_slice %arg3[%select_n3A, %dma_start3A_13, %dma_start3A_14, %dma_start3A_15] : memref<320x8x2x128xi32, #tpu.memory_space<hbm>> -> memref<1x8x2x128xi32, #tpu.memory_space<hbm>>
    %dma_start3A_17 = tpu.memref_squeeze %dma_start3A_16 : memref<1x8x2x128xi32, #tpu.memory_space<hbm>> -> memref<8x2x128xi32, #tpu.memory_space<hbm>>
    tpu.enqueue_dma source(%dma_start3A_17 : memref<8x2x128xi32, #tpu.memory_space<hbm>>) target(%arg5 : memref<8x2x128xi32, #tpu.memory_space<vmem>>) target_semaphore(%arg10 : memref<!tpu.dma_semaphore, #tpu.memory_space<semaphore_mem>>)
    %add3A_18 = arith.constant 1 : i32
    %add3A_19 = arith.addi %select_n3A, %add3A_18 : i32
    %dma_start3A_20 = arith.constant 0 : i32
    %dma_start3A_21 = arith.constant 0 : i32
    %dma_start3A_22 = arith.constant 0 : i32
    %dma_start3A_23 = tpu.memref_slice %arg3[%add3A_19, %dma_start3A_20, %dma_start3A_21, %dma_start3A_22] : memref<320x8x2x128xi32, #tpu.memory_space<hbm>> -> memref<1x8x2x128xi32, #tpu.memory_space<hbm>>
    %dma_start3A_24 = tpu.memref_squeeze %dma_start3A_23 : memref<1x8x2x128xi32, #tpu.memory_space<hbm>> -> memref<8x2x128xi32, #tpu.memory_space<hbm>>
    %dma_start3A_25 = arith.constant 0 : i32
    %dma_start3A_26 = arith.constant 0 : i32
    %dma_start3A_27 = arith.constant 0 : i32
    %dma_start3A_28 = tpu.memref_slice %arg3[%add3A_19, %dma_start3A_25, %dma_start3A_26, %dma_start3A_27] : memref<320x8x2x128xi32, #tpu.memory_space<hbm>> -> memref<1x8x2x128xi32, #tpu.memory_space<hbm>>
    %dma_start3A_29 = tpu.memref_squeeze %dma_start3A_28 : memref<1x8x2x128xi32, #tpu.memory_space<hbm>> -> memref<8x2x128xi32, #tpu.memory_space<hbm>>
    tpu.enqueue_dma source(%dma_start3A_29 : memref<8x2x128xi32, #tpu.memory_space<hbm>>) target(%arg6 : memref<8x2x128xi32, #tpu.memory_space<vmem>>) target_semaphore(%arg11 : memref<!tpu.dma_semaphore, #tpu.memory_space<semaphore_mem>>)
    %mul3A_30 = arith.constant 640 : i32
    %mul3A_31 = arith.muli %arg1, %mul3A_30 : i32
    %broadcast_in_dim3A = arith.constant 0.000000e+00 : f32
    %broadcast_in_dim3A_32 = vector.broadcast %broadcast_in_dim3A : f32 to vector<16xf32>
    %scan3A = arith.constant 0 : i32
    %scan3A_33 = arith.constant 0 : i32
    %scan3A_34 = arith.constant 128 : i32
    %scan3A_35 = arith.addi %scan3A_33, %scan3A_34 : i32
    %scan3A_36 = arith.constant 1 : i32
    %scan3A_37 = scf.for %scan3A_104 = %scan3A_33 to %scan3A_35 step %scan3A_36 iter_args(%scan3A_105 = %scan3A) -> (i32)  : i32 {
      %swap3A = arith.index_cast %scan3A_104 : i32 to index
      %swap3A_106 = arith.constant 0 : index
      %swap3A_107 = tpu.vector_load %arg7[%swap3A, %swap3A_106] {strides = array<i32>} : memref<128x128xf32, #tpu.memory_space<vmem>>, vector<1x16xf32>,
      %swap3A_108 = vector.shape_cast %swap3A_107 : vector<1x16xf32> to vector<16xf32>
      %swap3A_109 = vector.shape_cast %broadcast_in_dim3A_32 : vector<16xf32> to vector<1x16xf32>
      tpu.vector_store %arg7[%swap3A, %swap3A_106], %swap3A_109 {strides = array<i32>} : memref<128x128xf32, #tpu.memory_space<vmem>>, vector<1x16xf32>,
      %swap3A_110 = arith.index_cast %scan3A_104 : i32 to index
      %swap3A_111 = arith.constant 16 : index
      %swap3A_112 = tpu.vector_load %arg7[%swap3A_110, %swap3A_111] {strides = array<i32>} : memref<128x128xf32, #tpu.memory_space<vmem>>, vector<1x16xf32>,
      %swap3A_113 = vector.shape_cast %swap3A_112 : vector<1x16xf32> to vector<16xf32>
      %swap3A_114 = vector.shape_cast %broadcast_in_dim3A_32 : vector<16xf32> to vector<1x16xf32>
      tpu.vector_store %arg7[%swap3A_110, %swap3A_111], %swap3A_114 {strides = array<i32>} : memref<128x128xf32, #tpu.memory_space<vmem>>, vector<1x16xf32>,
      %swap3A_115 = arith.index_cast %scan3A_104 : i32 to index
      %swap3A_116 = arith.constant 32 : index
      %swap3A_117 = tpu.vector_load %arg7[%swap3A_115, %swap3A_116] {strides = array<i32>} : memref<128x128xf32, #tpu.memory_space<vmem>>, vector<1x16xf32>,
      %swap3A_118 = vector.shape_cast %swap3A_117 : vector<1x16xf32> to vector<16xf32>
      %swap3A_119 = vector.shape_cast %broadcast_in_dim3A_32 : vector<16xf32> to vector<1x16xf32>
      tpu.vector_store %arg7[%swap3A_115, %swap3A_116], %swap3A_119 {strides = array<i32>} : memref<128x128xf32, #tpu.memory_space<vmem>>, vector<1x16xf32>,
      %swap3A_120 = arith.index_cast %scan3A_104 : i32 to index
      %swap3A_121 = arith.constant 48 : index
      %swap3A_122 = tpu.vector_load %arg7[%swap3A_120, %swap3A_121] {strides = array<i32>} : memref<128x128xf32, #tpu.memory_space<vmem>>, vector<1x16xf32>,
      %swap3A_123 = vector.shape_cast %swap3A_122 : vector<1x16xf32> to vector<16xf32>
      %swap3A_124 = vector.shape_cast %broadcast_in_dim3A_32 : vector<16xf32> to vector<1x16xf32>
      tpu.vector_store %arg7[%swap3A_120, %swap3A_121], %swap3A_124 {strides = array<i32>} : memref<128x128xf32, #tpu.memory_space<vmem>>, vector<1x16xf32>,
      %swap3A_125 = arith.index_cast %scan3A_104 : i32 to index
      %swap3A_126 = arith.constant 64 : index
      %swap3A_127 = tpu.vector_load %arg7[%swap3A_125, %swap3A_126] {strides = array<i32>} : memref<128x128xf32, #tpu.memory_space<vmem>>, vector<1x16xf32>,
      %swap3A_128 = vector.shape_cast %swap3A_127 : vector<1x16xf32> to vector<16xf32>
      %swap3A_129 = vector.shape_cast %broadcast_in_dim3A_32 : vector<16xf32> to vector<1x16xf32>
      tpu.vector_store %arg7[%swap3A_125, %swap3A_126], %swap3A_129 {strides = array<i32>} : memref<128x128xf32, #tpu.memory_space<vmem>>, vector<1x16xf32>,
      %swap3A_130 = arith.index_cast %scan3A_104 : i32 to index
      %swap3A_131 = arith.constant 80 : index
      %swap3A_132 = tpu.vector_load %arg7[%swap3A_130, %swap3A_131] {strides = array<i32>} : memref<128x128xf32, #tpu.memory_space<vmem>>, vector<1x16xf32>,
      %swap3A_133 = vector.shape_cast %swap3A_132 : vector<1x16xf32> to vector<16xf32>
      %swap3A_134 = vector.shape_cast %broadcast_in_dim3A_32 : vector<16xf32> to vector<1x16xf32>
      tpu.vector_store %arg7[%swap3A_130, %swap3A_131], %swap3A_134 {strides = array<i32>} : memref<128x128xf32, #tpu.memory_space<vmem>>, vector<1x16xf32>,
      %swap3A_135 = arith.index_cast %scan3A_104 : i32 to index
      %swap3A_136 = arith.constant 96 : index
      %swap3A_137 = tpu.vector_load %arg7[%swap3A_135, %swap3A_136] {strides = array<i32>} : memref<128x128xf32, #tpu.memory_space<vmem>>, vector<1x16xf32>,
      %swap3A_138 = vector.shape_cast %swap3A_137 : vector<1x16xf32> to vector<16xf32>
      %swap3A_139 = vector.shape_cast %broadcast_in_dim3A_32 : vector<16xf32> to vector<1x16xf32>
      tpu.vector_store %arg7[%swap3A_135, %swap3A_136], %swap3A_139 {strides = array<i32>} : memref<128x128xf32, #tpu.memory_space<vmem>>, vector<1x16xf32>,
      %swap3A_140 = arith.index_cast %scan3A_104 : i32 to index
      %swap3A_141 = arith.constant 112 : index
      %swap3A_142 = tpu.vector_load %arg7[%swap3A_140, %swap3A_141] {strides = array<i32>} : memref<128x128xf32, #tpu.memory_space<vmem>>, vector<1x16xf32>,
      %swap3A_143 = vector.shape_cast %swap3A_142 : vector<1x16xf32> to vector<16xf32>
      %swap3A_144 = vector.shape_cast %broadcast_in_dim3A_32 : vector<16xf32> to vector<1x16xf32>
      tpu.vector_store %arg7[%swap3A_140, %swap3A_141], %swap3A_144 {strides = array<i32>} : memref<128x128xf32, #tpu.memory_space<vmem>>, vector<1x16xf32>,
      %scan3A_145 = arith.constant 0 : i32
      scf.yield %scan3A_145 : i32
    }
    %scan3A_38 = arith.constant 128 : i32
    %add3A_39 = arith.constant 0 : i32
    %add3A_40 = arith.addi %mul3A_31, %add3A_39 : i32
    "tpu.region"() ({
      %run_scoped3A = tpu.sem_alloc : memref<!tpu.dma_semaphore, #tpu.memory_space<semaphore_mem>>
      %dma_start3A_104 = arith.constant 0 : i32
      %dma_start3A_105 = tpu.memref_slice %arg9[%add3A_40, %dma_start3A_104] : memref<10240x128xf32, #tpu.memory_space<vmem_shared>> -> memref<128x128xf32, #tpu.memory_space<vmem_shared>>
      %dma_start3A_106 = arith.constant 0 : i32
      %dma_start3A_107 = tpu.memref_slice %arg9[%add3A_40, %dma_start3A_106] : memref<10240x128xf32, #tpu.memory_space<vmem_shared>> -> memref<128x128xf32, #tpu.memory_space<vmem_shared>>
      tpu.enqueue_dma source(%arg7 : memref<128x128xf32, #tpu.memory_space<vmem>>) target(%dma_start3A_107 : memref<128x128xf32, #tpu.memory_space<vmem_shared>>) target_semaphore(%run_scoped3A : memref<!tpu.dma_semaphore, #tpu.memory_space<semaphore_mem>>)
      %dma_wait3A_108 = arith.constant 0 : i32
      %dma_wait3A_109 = tpu.memref_slice %arg9[%add3A_40, %dma_wait3A_108] : memref<10240x128xf32, #tpu.memory_space<vmem_shared>> -> memref<128x128xf32, #tpu.memory_space<vmem_shared>>
      %dma_wait3A_110 = arith.constant 0 : i32
      %dma_wait3A_111 = tpu.memref_slice %arg9[%add3A_40, %dma_wait3A_110] : memref<10240x128xf32, #tpu.memory_space<vmem_shared>> -> memref<128x128xf32, #tpu.memory_space<vmem_shared>>
      tpu.wait_dma2 semaphore(%run_scoped3A : memref<!tpu.dma_semaphore, #tpu.memory_space<semaphore_mem>>) src(%arg7 : memref<128x128xf32, #tpu.memory_space<vmem>>) dst(%dma_wait3A_111 : memref<128x128xf32, #tpu.memory_space<vmem_shared>>)
      tpu.yield
    }) : () -> ()
    %add3A_41 = arith.constant 128 : i32
    %add3A_42 = arith.addi %mul3A_31, %add3A_41 : i32
    "tpu.region"() ({
      %run_scoped3A = tpu.sem_alloc : memref<!tpu.dma_semaphore, #tpu.memory_space<semaphore_mem>>
      %dma_start3A_104 = arith.constant 0 : i32
      %dma_start3A_105 = tpu.memref_slice %arg9[%add3A_42, %dma_start3A_104] : memref<10240x128xf32, #tpu.memory_space<vmem_shared>> -> memref<128x128xf32, #tpu.memory_space<vmem_shared>>
      %dma_start3A_106 = arith.constant 0 : i32
      %dma_start3A_107 = tpu.memref_slice %arg9[%add3A_42, %dma_start3A_106] : memref<10240x128xf32, #tpu.memory_space<vmem_shared>> -> memref<128x128xf32, #tpu.memory_space<vmem_shared>>
      tpu.enqueue_dma source(%arg7 : memref<128x128xf32, #tpu.memory_space<vmem>>) target(%dma_start3A_107 : memref<128x128xf32, #tpu.memory_space<vmem_shared>>) target_semaphore(%run_scoped3A : memref<!tpu.dma_semaphore, #tpu.memory_space<semaphore_mem>>)
      %dma_wait3A_108 = arith.constant 0 : i32
      %dma_wait3A_109 = tpu.memref_slice %arg9[%add3A_42, %dma_wait3A_108] : memref<10240x128xf32, #tpu.memory_space<vmem_shared>> -> memref<128x128xf32, #tpu.memory_space<vmem_shared>>
      %dma_wait3A_110 = arith.constant 0 : i32
      %dma_wait3A_111 = tpu.memref_slice %arg9[%add3A_42, %dma_wait3A_110] : memref<10240x128xf32, #tpu.memory_space<vmem_shared>> -> memref<128x128xf32, #tpu.memory_space<vmem_shared>>
      tpu.wait_dma2 semaphore(%run_scoped3A : memref<!tpu.dma_semaphore, #tpu.memory_space<semaphore_mem>>) src(%arg7 : memref<128x128xf32, #tpu.memory_space<vmem>>) dst(%dma_wait3A_111 : memref<128x128xf32, #tpu.memory_space<vmem_shared>>)
      tpu.yield
    }) : () -> ()
    %add3A_43 = arith.constant 256 : i32
    %add3A_44 = arith.addi %mul3A_31, %add3A_43 : i32
    "tpu.region"() ({
      %run_scoped3A = tpu.sem_alloc : memref<!tpu.dma_semaphore, #tpu.memory_space<semaphore_mem>>
      %dma_start3A_104 = arith.constant 0 : i32
      %dma_start3A_105 = tpu.memref_slice %arg9[%add3A_44, %dma_start3A_104] : memref<10240x128xf32, #tpu.memory_space<vmem_shared>> -> memref<128x128xf32, #tpu.memory_space<vmem_shared>>
      %dma_start3A_106 = arith.constant 0 : i32
      %dma_start3A_107 = tpu.memref_slice %arg9[%add3A_44, %dma_start3A_106] : memref<10240x128xf32, #tpu.memory_space<vmem_shared>> -> memref<128x128xf32, #tpu.memory_space<vmem_shared>>
      tpu.enqueue_dma source(%arg7 : memref<128x128xf32, #tpu.memory_space<vmem>>) target(%dma_start3A_107 : memref<128x128xf32, #tpu.memory_space<vmem_shared>>) target_semaphore(%run_scoped3A : memref<!tpu.dma_semaphore, #tpu.memory_space<semaphore_mem>>)
      %dma_wait3A_108 = arith.constant 0 : i32
      %dma_wait3A_109 = tpu.memref_slice %arg9[%add3A_44, %dma_wait3A_108] : memref<10240x128xf32, #tpu.memory_space<vmem_shared>> -> memref<128x128xf32, #tpu.memory_space<vmem_shared>>
      %dma_wait3A_110 = arith.constant 0 : i32
      %dma_wait3A_111 = tpu.memref_slice %arg9[%add3A_44, %dma_wait3A_110] : memref<10240x128xf32, #tpu.memory_space<vmem_shared>> -> memref<128x128xf32, #tpu.memory_space<vmem_shared>>
      tpu.wait_dma2 semaphore(%run_scoped3A : memref<!tpu.dma_semaphore, #tpu.memory_space<semaphore_mem>>) src(%arg7 : memref<128x128xf32, #tpu.memory_space<vmem>>) dst(%dma_wait3A_111 : memref<128x128xf32, #tpu.memory_space<vmem_shared>>)
      tpu.yield
    }) : () -> ()
    %add3A_45 = arith.constant 384 : i32
    %add3A_46 = arith.addi %mul3A_31, %add3A_45 : i32
    "tpu.region"() ({
      %run_scoped3A = tpu.sem_alloc : memref<!tpu.dma_semaphore, #tpu.memory_space<semaphore_mem>>
      %dma_start3A_104 = arith.constant 0 : i32
      %dma_start3A_105 = tpu.memref_slice %arg9[%add3A_46, %dma_start3A_104] : memref<10240x128xf32, #tpu.memory_space<vmem_shared>> -> memref<128x128xf32, #tpu.memory_space<vmem_shared>>
      %dma_start3A_106 = arith.constant 0 : i32
      %dma_start3A_107 = tpu.memref_slice %arg9[%add3A_46, %dma_start3A_106] : memref<10240x128xf32, #tpu.memory_space<vmem_shared>> -> memref<128x128xf32, #tpu.memory_space<vmem_shared>>
      tpu.enqueue_dma source(%arg7 : memref<128x128xf32, #tpu.memory_space<vmem>>) target(%dma_start3A_107 : memref<128x128xf32, #tpu.memory_space<vmem_shared>>) target_semaphore(%run_scoped3A : memref<!tpu.dma_semaphore, #tpu.memory_space<semaphore_mem>>)
      %dma_wait3A_108 = arith.constant 0 : i32
      %dma_wait3A_109 = tpu.memref_slice %arg9[%add3A_46, %dma_wait3A_108] : memref<10240x128xf32, #tpu.memory_space<vmem_shared>> -> memref<128x128xf32, #tpu.memory_space<vmem_shared>>
      %dma_wait3A_110 = arith.constant 0 : i32
      %dma_wait3A_111 = tpu.memref_slice %arg9[%add3A_46, %dma_wait3A_110] : memref<10240x128xf32, #tpu.memory_space<vmem_shared>> -> memref<128x128xf32, #tpu.memory_space<vmem_shared>>
      tpu.wait_dma2 semaphore(%run_scoped3A : memref<!tpu.dma_semaphore, #tpu.memory_space<semaphore_mem>>) src(%arg7 : memref<128x128xf32, #tpu.memory_space<vmem>>) dst(%dma_wait3A_111 : memref<128x128xf32, #tpu.memory_space<vmem_shared>>)
      tpu.yield
    }) : () -> ()
    %add3A_47 = arith.constant 512 : i32
    %add3A_48 = arith.addi %mul3A_31, %add3A_47 : i32
    "tpu.region"() ({
      %run_scoped3A = tpu.sem_alloc : memref<!tpu.dma_semaphore, #tpu.memory_space<semaphore_mem>>
      %dma_start3A_104 = arith.constant 0 : i32
      %dma_start3A_105 = tpu.memref_slice %arg9[%add3A_48, %dma_start3A_104] : memref<10240x128xf32, #tpu.memory_space<vmem_shared>> -> memref<128x128xf32, #tpu.memory_space<vmem_shared>>
      %dma_start3A_106 = arith.constant 0 : i32
      %dma_start3A_107 = tpu.memref_slice %arg9[%add3A_48, %dma_start3A_106] : memref<10240x128xf32, #tpu.memory_space<vmem_shared>> -> memref<128x128xf32, #tpu.memory_space<vmem_shared>>
      tpu.enqueue_dma source(%arg7 : memref<128x128xf32, #tpu.memory_space<vmem>>) target(%dma_start3A_107 : memref<128x128xf32, #tpu.memory_space<vmem_shared>>) target_semaphore(%run_scoped3A : memref<!tpu.dma_semaphore, #tpu.memory_space<semaphore_mem>>)
      %dma_wait3A_108 = arith.constant 0 : i32
      %dma_wait3A_109 = tpu.memref_slice %arg9[%add3A_48, %dma_wait3A_108] : memref<10240x128xf32, #tpu.memory_space<vmem_shared>> -> memref<128x128xf32, #tpu.memory_space<vmem_shared>>
      %dma_wait3A_110 = arith.constant 0 : i32
      %dma_wait3A_111 = tpu.memref_slice %arg9[%add3A_48, %dma_wait3A_110] : memref<10240x128xf32, #tpu.memory_space<vmem_shared>> -> memref<128x128xf32, #tpu.memory_space<vmem_shared>>
      tpu.wait_dma2 semaphore(%run_scoped3A : memref<!tpu.dma_semaphore, #tpu.memory_space<semaphore_mem>>) src(%arg7 : memref<128x128xf32, #tpu.memory_space<vmem>>) dst(%dma_wait3A_111 : memref<128x128xf32, #tpu.memory_space<vmem_shared>>)
      tpu.yield
    }) : () -> ()
    %barrier3A = arith.constant 0 : index
    tpu.barrier barrier_id(%barrier3A)
    %dma_wait3A = arith.constant 0 : i32
    %dma_wait3A_49 = arith.constant 0 : i32
    %dma_wait3A_50 = arith.constant 0 : i32
    %dma_wait3A_51 = tpu.memref_slice %arg3[%select_n3A, %dma_wait3A, %dma_wait3A_49, %dma_wait3A_50] : memref<320x8x2x128xi32, #tpu.memory_space<hbm>> -> memref<1x8x2x128xi32, #tpu.memory_space<hbm>>
    %dma_wait3A_52 = tpu.memref_squeeze %dma_wait3A_51 : memref<1x8x2x128xi32, #tpu.memory_space<hbm>> -> memref<8x2x128xi32, #tpu.memory_space<hbm>>
    %dma_wait3A_53 = arith.constant 0 : i32
    %dma_wait3A_54 = arith.constant 0 : i32
    %dma_wait3A_55 = arith.constant 0 : i32
    %dma_wait3A_56 = tpu.memref_slice %arg3[%select_n3A, %dma_wait3A_53, %dma_wait3A_54, %dma_wait3A_55] : memref<320x8x2x128xi32, #tpu.memory_space<hbm>> -> memref<1x8x2x128xi32, #tpu.memory_space<hbm>>
    %dma_wait3A_57 = tpu.memref_squeeze %dma_wait3A_56 : memref<1x8x2x128xi32, #tpu.memory_space<hbm>> -> memref<8x2x128xi32, #tpu.memory_space<hbm>>
    tpu.wait_dma2 semaphore(%arg10 : memref<!tpu.dma_semaphore, #tpu.memory_space<semaphore_mem>>) src(%dma_wait3A_57 : memref<8x2x128xi32, #tpu.memory_space<hbm>>) dst(%arg5 : memref<8x2x128xi32, #tpu.memory_space<vmem>>)
    %dma_start3A_58 = arith.constant 0 : i32
    %dma_start3A_59 = arith.constant 0 : i32
    %dma_start3A_60 = arith.constant 0 : i32
    %dma_start3A_61 = tpu.memref_slice %arg5[%dma_start3A_58, %dma_start3A_59, %dma_start3A_60] : memref<8x2x128xi32, #tpu.memory_space<vmem>> -> memref<1x1x128xi32, #tpu.memory_space<vmem>>
    %dma_start3A_62 = tpu.memref_squeeze %dma_start3A_61 : memref<1x1x128xi32, #tpu.memory_space<vmem>> -> memref<128xi32, #tpu.memory_space<vmem>>
    %dma_start3A_63 = arith.constant 0 : i32
    %dma_start3A_64 = arith.constant 0 : i32
    %dma_start3A_65 = tpu.memref_slice %arg2[%dma_start3A_63, %dma_start3A_64] : memref<10240x128xf32, #tpu.memory_space<hbm>> -> memref<10240x128xf32, #tpu.memory_space<hbm>>
    tpu.enqueue_indirect_dma source(%dma_start3A_65 : memref<10240x128xf32, #tpu.memory_space<hbm>>) target(%arg7 : memref<128x128xf32, #tpu.memory_space<vmem>>) offsets(%dma_start3A_62 : memref<128xi32, #tpu.memory_space<vmem>>) semaphore(%arg12 : memref<!tpu.dma_semaphore, #tpu.memory_space<semaphore_mem>>)
    %dma_start3A_66 = arith.constant 1 : i32
    %dma_start3A_67 = arith.constant 0 : i32
    %dma_start3A_68 = arith.constant 0 : i32
    %dma_start3A_69 = tpu.memref_slice %arg5[%dma_start3A_66, %dma_start3A_67, %dma_start3A_68] : memref<8x2x128xi32, #tpu.memory_space<vmem>> -> memref<1x1x128xi32, #tpu.memory_space<vmem>>
    %dma_start3A_70 = tpu.memref_squeeze %dma_start3A_69 : memref<1x1x128xi32, #tpu.memory_space<vmem>> -> memref<128xi32, #tpu.memory_space<vmem>>
    %dma_start3A_71 = arith.constant 0 : i32
    %dma_start3A_72 = arith.constant 0 : i32
    %dma_start3A_73 = tpu.memref_slice %arg2[%dma_start3A_71, %dma_start3A_72] : memref<10240x128xf32, #tpu.memory_space<hbm>> -> memref<10240x128xf32, #tpu.memory_space<hbm>>
    tpu.enqueue_indirect_dma source(%dma_start3A_73 : memref<10240x128xf32, #tpu.memory_space<hbm>>) target(%arg8 : memref<128x128xf32, #tpu.memory_space<vmem>>) offsets(%dma_start3A_70 : memref<128xi32, #tpu.memory_space<vmem>>) semaphore(%arg13 : memref<!tpu.dma_semaphore, #tpu.memory_space<semaphore_mem>>)
    %jit3A_74 = arith.constant 2 : i32
    %div3A = arith.divsi %select_n3A_8, %jit3A_74 : i32
    %sign3A = arith.constant 0 : i32
    %sign3A_75 = arith.cmpi sgt, %select_n3A_8, %sign3A : i32
    %sign3A_76 = arith.extui %sign3A_75 : i1 to i32
    %sign3A_77 = arith.constant 0 : i32
    %sign3A_78 = arith.cmpi slt, %select_n3A_8, %sign3A_77 : i32
    %sign3A_79 = arith.extui %sign3A_78 : i1 to i32
    %sign3A_80 = arith.subi %sign3A_76, %sign3A_79 : i32
    %sign3A_81 = arith.constant 0 : i32
    %sign3A_82 = arith.cmpi sgt, %jit3A_74, %sign3A_81 : i32
    %sign3A_83 = arith.extui %sign3A_82 : i1 to i32
    %sign3A_84 = arith.constant 0 : i32
    %sign3A_85 = arith.cmpi slt, %jit3A_74, %sign3A_84 : i32
    %sign3A_86 = arith.extui %sign3A_85 : i1 to i32
    %sign3A_87 = arith.subi %sign3A_83, %sign3A_86 : i32
    %ne3A = arith.cmpi ne, %sign3A_80, %sign3A_87 : i32
    %rem3A = arith.remsi %select_n3A_8, %jit3A_74 : i32
    %ne3A_88 = arith.constant 0 : i32
    %ne3A_89 = arith.cmpi ne, %rem3A, %ne3A_88 : i32
    %and3A = arith.andi %ne3A, %ne3A_89 : i1
    %sub3A = arith.constant 1 : i32
    %sub3A_90 = arith.subi %div3A, %sub3A : i32
    %select_n3A_91 = arith.select %and3A, %sub3A_90, %div3A : i32
    %while3A = arith.constant 0 : i32
    %while3A_92 = arith.constant 0 : i32
    %while3A_93 = arith.subi %select_n3A_91, %while3A : i32
    %while3A_94 = arith.addi %while3A, %while3A_93 : i32
    %while3A_95 = arith.constant 1 : i32
    %while3A_96 = arith.divsi %while3A_93, %while3A_95 : i32
    %while3A_97 = arith.muli %while3A_96, %while3A_95 : i32
    %while3A_98 = arith.addi %while3A, %while3A_97 : i32
    %while3A_99 = arith.constant 1 : i32
    %while3A_100 = scf.for %while3A_104 = %while3A to %while3A_98 step %while3A_99 iter_args(%while3A_105 = %while3A_92) -> (i32)  : i32 {
      %mul3A_106 = arith.constant 2 : i32
      %mul3A_107 = arith.muli %mul3A_106, %while3A_104 : i32
      %dma_wait3A_108 = arith.constant 0 : i32
      %dma_wait3A_109 = arith.constant 0 : i32
      %dma_wait3A_110 = arith.constant 0 : i32
      %dma_wait3A_111 = tpu.memref_slice %arg5[%dma_wait3A_108, %dma_wait3A_109, %dma_wait3A_110] : memref<8x2x128xi32, #tpu.memory_space<vmem>> -> memref<1x1x128xi32, #tpu.memory_space<vmem>>
      %dma_wait3A_112 = tpu.memref_squeeze %dma_wait3A_111 : memref<1x1x128xi32, #tpu.memory_space<vmem>> -> memref<128xi32, #tpu.memory_space<vmem>>
      %dma_wait3A_113 = arith.constant 0 : i32
      %dma_wait3A_114 = arith.constant 0 : i32
      %dma_wait3A_115 = tpu.memref_slice %arg2[%dma_wait3A_113, %dma_wait3A_114] : memref<10240x128xf32, #tpu.memory_space<hbm>> -> memref<10240x128xf32, #tpu.memory_space<hbm>>
      tpu.wait_indirect_dma semaphore(%arg12 : memref<!tpu.dma_semaphore, #tpu.memory_space<semaphore_mem>>) src(%dma_wait3A_115 : memref<10240x128xf32, #tpu.memory_space<hbm>>) dst(%arg7 : memref<128x128xf32, #tpu.memory_space<vmem>>)
      %dma_start3A_116 = arith.constant 0 : i32
      %dma_start3A_117 = arith.constant 1 : i32
      %dma_start3A_118 = arith.constant 0 : i32
      %dma_start3A_119 = tpu.memref_slice %arg5[%dma_start3A_116, %dma_start3A_117, %dma_start3A_118] : memref<8x2x128xi32, #tpu.memory_space<vmem>> -> memref<1x1x128xi32, #tpu.memory_space<vmem>>
      %dma_start3A_120 = tpu.memref_squeeze %dma_start3A_119 : memref<1x1x128xi32, #tpu.memory_space<vmem>> -> memref<128xi32, #tpu.memory_space<vmem>>
      %dma_start3A_121 = arith.constant 0 : i32
      %dma_start3A_122 = arith.constant 0 : i32
      %dma_start3A_123 = tpu.memref_slice %arg9[%dma_start3A_121, %dma_start3A_122] : memref<10240x128xf32, #tpu.memory_space<vmem_shared>> -> memref<10240x128xf32, #tpu.memory_space<vmem_shared>>
      tpu.enqueue_indirect_dma source(%arg7 : memref<128x128xf32, #tpu.memory_space<vmem>>) target(%dma_start3A_123 : memref<10240x128xf32, #tpu.memory_space<vmem_shared>>) offsets(%dma_start3A_120 : memref<128xi32, #tpu.memory_space<vmem>>) semaphore(%arg14 : memref<!tpu.dma_semaphore, #tpu.memory_space<semaphore_mem>>) {add = true}
      %dma_wait3A_124 = arith.constant 0 : i32
      %dma_wait3A_125 = arith.constant 1 : i32
      %dma_wait3A_126 = arith.constant 0 : i32
      %dma_wait3A_127 = tpu.memref_slice %arg5[%dma_wait3A_124, %dma_wait3A_125, %dma_wait3A_126] : memref<8x2x128xi32, #tpu.memory_space<vmem>> -> memref<1x1x128xi32, #tpu.memory_space<vmem>>
      %dma_wait3A_128 = tpu.memref_squeeze %dma_wait3A_127 : memref<1x1x128xi32, #tpu.memory_space<vmem>> -> memref<128xi32, #tpu.memory_space<vmem>>
      %dma_wait3A_129 = arith.constant 0 : i32
      %dma_wait3A_130 = arith.constant 0 : i32
      %dma_wait3A_131 = tpu.memref_slice %arg9[%dma_wait3A_129, %dma_wait3A_130] : memref<10240x128xf32, #tpu.memory_space<vmem_shared>> -> memref<10240x128xf32, #tpu.memory_space<vmem_shared>>
      tpu.wait_indirect_dma semaphore(%arg14 : memref<!tpu.dma_semaphore, #tpu.memory_space<semaphore_mem>>) src(%arg7 : memref<128x128xf32, #tpu.memory_space<vmem>>) dst(%dma_wait3A_131 : memref<10240x128xf32, #tpu.memory_space<vmem_shared>>)
      %dma_start3A_132 = arith.constant 2 : i32
      %dma_start3A_133 = arith.constant 0 : i32
      %dma_start3A_134 = arith.constant 0 : i32
      %dma_start3A_135 = tpu.memref_slice %arg5[%dma_start3A_132, %dma_start3A_133, %dma_start3A_134] : memref<8x2x128xi32, #tpu.memory_space<vmem>> -> memref<1x1x128xi32, #tpu.memory_space<vmem>>
      %dma_start3A_136 = tpu.memref_squeeze %dma_start3A_135 : memref<1x1x128xi32, #tpu.memory_space<vmem>> -> memref<128xi32, #tpu.memory_space<vmem>>
      %dma_start3A_137 = arith.constant 0 : i32
      %dma_start3A_138 = arith.constant 0 : i32
      %dma_start3A_139 = tpu.memref_slice %arg2[%dma_start3A_137, %dma_start3A_138] : memref<10240x128xf32, #tpu.memory_space<hbm>> -> memref<10240x128xf32, #tpu.memory_space<hbm>>
      tpu.enqueue_indirect_dma source(%dma_start3A_139 : memref<10240x128xf32, #tpu.memory_space<hbm>>) target(%arg7 : memref<128x128xf32, #tpu.memory_space<vmem>>) offsets(%dma_start3A_136 : memref<128xi32, #tpu.memory_space<vmem>>) semaphore(%arg12 : memref<!tpu.dma_semaphore, #tpu.memory_space<semaphore_mem>>)
      %dma_wait3A_140 = arith.constant 0 : i32
      %dma_wait3A_141 = arith.constant 0 : i32
      %dma_wait3A_142 = arith.constant 0 : i32
      %dma_wait3A_143 = tpu.memref_slice %arg5[%dma_wait3A_140, %dma_wait3A_141, %dma_wait3A_142] : memref<8x2x128xi32, #tpu.memory_space<vmem>> -> memref<1x1x128xi32, #tpu.memory_space<vmem>>
      %dma_wait3A_144 = tpu.memref_squeeze %dma_wait3A_143 : memref<1x1x128xi32, #tpu.memory_space<vmem>> -> memref<128xi32, #tpu.memory_space<vmem>>
      %dma_wait3A_145 = arith.constant 0 : i32
      %dma_wait3A_146 = arith.constant 0 : i32
      %dma_wait3A_147 = tpu.memref_slice %arg2[%dma_wait3A_145, %dma_wait3A_146] : memref<10240x128xf32, #tpu.memory_space<hbm>> -> memref<10240x128xf32, #tpu.memory_space<hbm>>
      tpu.wait_indirect_dma semaphore(%arg13 : memref<!tpu.dma_semaphore, #tpu.memory_space<semaphore_mem>>) src(%dma_wait3A_147 : memref<10240x128xf32, #tpu.memory_space<hbm>>) dst(%arg8 : memref<128x128xf32, #tpu.memory_space<vmem>>)
      %dma_start3A_148 = arith.constant 1 : i32
      %dma_start3A_149 = arith.constant 1 : i32
      %dma_start3A_150 = arith.constant 0 : i32
      %dma_start3A_151 = tpu.memref_slice %arg5[%dma_start3A_148, %dma_start3A_149, %dma_start3A_150] : memref<8x2x128xi32, #tpu.memory_space<vmem>> -> memref<1x1x128xi32, #tpu.memory_space<vmem>>
      %dma_start3A_152 = tpu.memref_squeeze %dma_start3A_151 : memref<1x1x128xi32, #tpu.memory_space<vmem>> -> memref<128xi32, #tpu.memory_space<vmem>>
      %dma_start3A_153 = arith.constant 0 : i32
      %dma_start3A_154 = arith.constant 0 : i32
      %dma_start3A_155 = tpu.memref_slice %arg9[%dma_start3A_153, %dma_start3A_154] : memref<10240x128xf32, #tpu.memory_space<vmem_shared>> -> memref<10240x128xf32, #tpu.memory_space<vmem_shared>>
      tpu.enqueue_indirect_dma source(%arg8 : memref<128x128xf32, #tpu.memory_space<vmem>>) target(%dma_start3A_155 : memref<10240x128xf32, #tpu.memory_space<vmem_shared>>) offsets(%dma_start3A_152 : memref<128xi32, #tpu.memory_space<vmem>>) semaphore(%arg15 : memref<!tpu.dma_semaphore, #tpu.memory_space<semaphore_mem>>) {add = true}
      %dma_wait3A_156 = arith.constant 0 : i32
      %dma_wait3A_157 = arith.constant 1 : i32
      %dma_wait3A_158 = arith.constant 0 : i32
      %dma_wait3A_159 = tpu.memref_slice %arg5[%dma_wait3A_156, %dma_wait3A_157, %dma_wait3A_158] : memref<8x2x128xi32, #tpu.memory_space<vmem>> -> memref<1x1x128xi32, #tpu.memory_space<vmem>>
      %dma_wait3A_160 = tpu.memref_squeeze %dma_wait3A_159 : memref<1x1x128xi32, #tpu.memory_space<vmem>> -> memref<128xi32, #tpu.memory_space<vmem>>
      %dma_wait3A_161 = arith.constant 0 : i32
      %dma_wait3A_162 = arith.constant 0 : i32
      %dma_wait3A_163 = tpu.memref_slice %arg9[%dma_wait3A_161, %dma_wait3A_162] : memref<10240x128xf32, #tpu.memory_space<vmem_shared>> -> memref<10240x128xf32, #tpu.memory_space<vmem_shared>>
      tpu.wait_indirect_dma semaphore(%arg15 : memref<!tpu.dma_semaphore, #tpu.memory_space<semaphore_mem>>) src(%arg8 : memref<128x128xf32, #tpu.memory_space<vmem>>) dst(%dma_wait3A_163 : memref<10240x128xf32, #tpu.memory_space<vmem_shared>>)
      %dma_start3A_164 = arith.constant 3 : i32
      %dma_start3A_165 = arith.constant 0 : i32
      %dma_start3A_166 = arith.constant 0 : i32
      %dma_start3A_167 = tpu.memref_slice %arg5[%dma_start3A_164, %dma_start3A_165, %dma_start3A_166] : memref<8x2x128xi32, #tpu.memory_space<vmem>> -> memref<1x1x128xi32, #tpu.memory_space<vmem>>
      %dma_start3A_168 = tpu.memref_squeeze %dma_start3A_167 : memref<1x1x128xi32, #tpu.memory_space<vmem>> -> memref<128xi32, #tpu.memory_space<vmem>>
      %dma_start3A_169 = arith.constant 0 : i32
      %dma_start3A_170 = arith.constant 0 : i32
      %dma_start3A_171 = tpu.memref_slice %arg2[%dma_start3A_169, %dma_start3A_170] : memref<10240x128xf32, #tpu.memory_space<hbm>> -> memref<10240x128xf32, #tpu.memory_space<hbm>>
      tpu.enqueue_indirect_dma source(%dma_start3A_171 : memref<10240x128xf32, #tpu.memory_space<hbm>>) target(%arg8 : memref<128x128xf32, #tpu.memory_space<vmem>>) offsets(%dma_start3A_168 : memref<128xi32, #tpu.memory_space<vmem>>) semaphore(%arg13 : memref<!tpu.dma_semaphore, #tpu.memory_space<semaphore_mem>>)
      %dma_wait3A_172 = arith.constant 0 : i32
      %dma_wait3A_173 = arith.constant 0 : i32
      %dma_wait3A_174 = arith.constant 0 : i32
      %dma_wait3A_175 = tpu.memref_slice %arg5[%dma_wait3A_172, %dma_wait3A_173, %dma_wait3A_174] : memref<8x2x128xi32, #tpu.memory_space<vmem>> -> memref<1x1x128xi32, #tpu.memory_space<vmem>>
      %dma_wait3A_176 = tpu.memref_squeeze %dma_wait3A_175 : memref<1x1x128xi32, #tpu.memory_space<vmem>> -> memref<128xi32, #tpu.memory_space<vmem>>
      %dma_wait3A_177 = arith.constant 0 : i32
      %dma_wait3A_178 = arith.constant 0 : i32
      %dma_wait3A_179 = tpu.memref_slice %arg2[%dma_wait3A_177, %dma_wait3A_178] : memref<10240x128xf32, #tpu.memory_space<hbm>> -> memref<10240x128xf32, #tpu.memory_space<hbm>>
      tpu.wait_indirect_dma semaphore(%arg12 : memref<!tpu.dma_semaphore, #tpu.memory_space<semaphore_mem>>) src(%dma_wait3A_179 : memref<10240x128xf32, #tpu.memory_space<hbm>>) dst(%arg7 : memref<128x128xf32, #tpu.memory_space<vmem>>)
      %dma_start3A_180 = arith.constant 2 : i32
      %dma_start3A_181 = arith.constant 1 : i32
      %dma_start3A_182 = arith.constant 0 : i32
      %dma_start3A_183 = tpu.memref_slice %arg5[%dma_start3A_180, %dma_start3A_181, %dma_start3A_182] : memref<8x2x128xi32, #tpu.memory_space<vmem>> -> memref<1x1x128xi32, #tpu.memory_space<vmem>>
      %dma_start3A_184 = tpu.memref_squeeze %dma_start3A_183 : memref<1x1x128xi32, #tpu.memory_space<vmem>> -> memref<128xi32, #tpu.memory_space<vmem>>
      %dma_start3A_185 = arith.constant 0 : i32
      %dma_start3A_186 = arith.constant 0 : i32
      %dma_start3A_187 = tpu.memref_slice %arg9[%dma_start3A_185, %dma_start3A_186] : memref<10240x128xf32, #tpu.memory_space<vmem_shared>> -> memref<10240x128xf32, #tpu.memory_space<vmem_shared>>
      tpu.enqueue_indirect_dma source(%arg7 : memref<128x128xf32, #tpu.memory_space<vmem>>) target(%dma_start3A_187 : memref<10240x128xf32, #tpu.memory_space<vmem_shared>>) offsets(%dma_start3A_184 : memref<128xi32, #tpu.memory_space<vmem>>) semaphore(%arg14 : memref<!tpu.dma_semaphore, #tpu.memory_space<semaphore_mem>>) {add = true}
      %dma_wait3A_188 = arith.constant 0 : i32
      %dma_wait3A_189 = arith.constant 1 : i32
      %dma_wait3A_190 = arith.constant 0 : i32
      %dma_wait3A_191 = tpu.memref_slice %arg5[%dma_wait3A_188, %dma_wait3A_189, %dma_wait3A_190] : memref<8x2x128xi32, #tpu.memory_space<vmem>> -> memref<1x1x128xi32, #tpu.memory_space<vmem>>
      %dma_wait3A_192 = tpu.memref_squeeze %dma_wait3A_191 : memref<1x1x128xi32, #tpu.memory_space<vmem>> -> memref<128xi32, #tpu.memory_space<vmem>>
      %dma_wait3A_193 = arith.constant 0 : i32
      %dma_wait3A_194 = arith.constant 0 : i32
      %dma_wait3A_195 = tpu.memref_slice %arg9[%dma_wait3A_193, %dma_wait3A_194] : memref<10240x128xf32, #tpu.memory_space<vmem_shared>> -> memref<10240x128xf32, #tpu.memory_space<vmem_shared>>
      tpu.wait_indirect_dma semaphore(%arg14 : memref<!tpu.dma_semaphore, #tpu.memory_space<semaphore_mem>>) src(%arg7 : memref<128x128xf32, #tpu.memory_space<vmem>>) dst(%dma_wait3A_195 : memref<10240x128xf32, #tpu.memory_space<vmem_shared>>)
      %dma_start3A_196 = arith.constant 4 : i32
      %dma_start3A_197 = arith.constant 0 : i32
      %dma_start3A_198 = arith.constant 0 : i32
      %dma_start3A_199 = tpu.memref_slice %arg5[%dma_start3A_196, %dma_start3A_197, %dma_start3A_198] : memref<8x2x128xi32, #tpu.memory_space<vmem>> -> memref<1x1x128xi32, #tpu.memory_space<vmem>>
      %dma_start3A_200 = tpu.memref_squeeze %dma_start3A_199 : memref<1x1x128xi32, #tpu.memory_space<vmem>> -> memref<128xi32, #tpu.memory_space<vmem>>
      %dma_start3A_201 = arith.constant 0 : i32
      %dma_start3A_202 = arith.constant 0 : i32
      %dma_start3A_203 = tpu.memref_slice %arg2[%dma_start3A_201, %dma_start3A_202] : memref<10240x128xf32, #tpu.memory_space<hbm>> -> memref<10240x128xf32, #tpu.memory_space<hbm>>
      tpu.enqueue_indirect_dma source(%dma_start3A_203 : memref<10240x128xf32, #tpu.memory_space<hbm>>) target(%arg7 : memref<128x128xf32, #tpu.memory_space<vmem>>) offsets(%dma_start3A_200 : memref<128xi32, #tpu.memory_space<vmem>>) semaphore(%arg12 : memref<!tpu.dma_semaphore, #tpu.memory_space<semaphore_mem>>)
      %dma_wait3A_204 = arith.constant 0 : i32
      %dma_wait3A_205 = arith.constant 0 : i32
      %dma_wait3A_206 = arith.constant 0 : i32
      %dma_wait3A_207 = tpu.memref_slice %arg5[%dma_wait3A_204, %dma_wait3A_205, %dma_wait3A_206] : memref<8x2x128xi32, #tpu.memory_space<vmem>> -> memref<1x1x128xi32, #tpu.memory_space<vmem>>
      %dma_wait3A_208 = tpu.memref_squeeze %dma_wait3A_207 : memref<1x1x128xi32, #tpu.memory_space<vmem>> -> memref<128xi32, #tpu.memory_space<vmem>>
      %dma_wait3A_209 = arith.constant 0 : i32
      %dma_wait3A_210 = arith.constant 0 : i32
      %dma_wait3A_211 = tpu.memref_slice %arg2[%dma_wait3A_209, %dma_wait3A_210] : memref<10240x128xf32, #tpu.memory_space<hbm>> -> memref<10240x128xf32, #tpu.memory_space<hbm>>
      tpu.wait_indirect_dma semaphore(%arg13 : memref<!tpu.dma_semaphore, #tpu.memory_space<semaphore_mem>>) src(%dma_wait3A_211 : memref<10240x128xf32, #tpu.memory_space<hbm>>) dst(%arg8 : memref<128x128xf32, #tpu.memory_space<vmem>>)
      %dma_start3A_212 = arith.constant 3 : i32
      %dma_start3A_213 = arith.constant 1 : i32
      %dma_start3A_214 = arith.constant 0 : i32
      %dma_start3A_215 = tpu.memref_slice %arg5[%dma_start3A_212, %dma_start3A_213, %dma_start3A_214] : memref<8x2x128xi32, #tpu.memory_space<vmem>> -> memref<1x1x128xi32, #tpu.memory_space<vmem>>
      %dma_start3A_216 = tpu.memref_squeeze %dma_start3A_215 : memref<1x1x128xi32, #tpu.memory_space<vmem>> -> memref<128xi32, #tpu.memory_space<vmem>>
      %dma_start3A_217 = arith.constant 0 : i32
      %dma_start3A_218 = arith.constant 0 : i32
      %dma_start3A_219 = tpu.memref_slice %arg9[%dma_start3A_217, %dma_start3A_218] : memref<10240x128xf32, #tpu.memory_space<vmem_shared>> -> memref<10240x128xf32, #tpu.memory_space<vmem_shared>>
      tpu.enqueue_indirect_dma source(%arg8 : memref<128x128xf32, #tpu.memory_space<vmem>>) target(%dma_start3A_219 : memref<10240x128xf32, #tpu.memory_space<vmem_shared>>) offsets(%dma_start3A_216 : memref<128xi32, #tpu.memory_space<vmem>>) semaphore(%arg15 : memref<!tpu.dma_semaphore, #tpu.memory_space<semaphore_mem>>) {add = true}
      %dma_wait3A_220 = arith.constant 0 : i32
      %dma_wait3A_221 = arith.constant 1 : i32
      %dma_wait3A_222 = arith.constant 0 : i32
      %dma_wait3A_223 = tpu.memref_slice %arg5[%dma_wait3A_220, %dma_wait3A_221, %dma_wait3A_222] : memref<8x2x128xi32, #tpu.memory_space<vmem>> -> memref<1x1x128xi32, #tpu.memory_space<vmem>>
      %dma_wait3A_224 = tpu.memref_squeeze %dma_wait3A_223 : memref<1x1x128xi32, #tpu.memory_space<vmem>> -> memref<128xi32, #tpu.memory_space<vmem>>
      %dma_wait3A_225 = arith.constant 0 : i32
      %dma_wait3A_226 = arith.constant 0 : i32
      %dma_wait3A_227 = tpu.memref_slice %arg9[%dma_wait3A_225, %dma_wait3A_226] : memref<10240x128xf32, #tpu.memory_space<vmem_shared>> -> memref<10240x128xf32, #tpu.memory_space<vmem_shared>>
      tpu.wait_indirect_dma semaphore(%arg15 : memref<!tpu.dma_semaphore, #tpu.memory_space<semaphore_mem>>) src(%arg8 : memref<128x128xf32, #tpu.memory_space<vmem>>) dst(%dma_wait3A_227 : memref<10240x128xf32, #tpu.memory_space<vmem_shared>>)
      %dma_start3A_228 = arith.constant 5 : i32
      %dma_start3A_229 = arith.constant 0 : i32
      %dma_start3A_230 = arith.constant 0 : i32
      %dma_start3A_231 = tpu.memref_slice %arg5[%dma_start3A_228, %dma_start3A_229, %dma_start3A_230] : memref<8x2x128xi32, #tpu.memory_space<vmem>> -> memref<1x1x128xi32, #tpu.memory_space<vmem>>
      %dma_start3A_232 = tpu.memref_squeeze %dma_start3A_231 : memref<1x1x128xi32, #tpu.memory_space<vmem>> -> memref<128xi32, #tpu.memory_space<vmem>>
      %dma_start3A_233 = arith.constant 0 : i32
      %dma_start3A_234 = arith.constant 0 : i32
      %dma_start3A_235 = tpu.memref_slice %arg2[%dma_start3A_233, %dma_start3A_234] : memref<10240x128xf32, #tpu.memory_space<hbm>> -> memref<10240x128xf32, #tpu.memory_space<hbm>>
      tpu.enqueue_indirect_dma source(%dma_start3A_235 : memref<10240x128xf32, #tpu.memory_space<hbm>>) target(%arg8 : memref<128x128xf32, #tpu.memory_space<vmem>>) offsets(%dma_start3A_232 : memref<128xi32, #tpu.memory_space<vmem>>) semaphore(%arg13 : memref<!tpu.dma_semaphore, #tpu.memory_space<semaphore_mem>>)
      %dma_wait3A_236 = arith.constant 0 : i32
      %dma_wait3A_237 = arith.constant 0 : i32
      %dma_wait3A_238 = arith.constant 0 : i32
      %dma_wait3A_239 = tpu.memref_slice %arg5[%dma_wait3A_236, %dma_wait3A_237, %dma_wait3A_238] : memref<8x2x128xi32, #tpu.memory_space<vmem>> -> memref<1x1x128xi32, #tpu.memory_space<vmem>>
      %dma_wait3A_240 = tpu.memref_squeeze %dma_wait3A_239 : memref<1x1x128xi32, #tpu.memory_space<vmem>> -> memref<128xi32, #tpu.memory_space<vmem>>
      %dma_wait3A_241 = arith.constant 0 : i32
      %dma_wait3A_242 = arith.constant 0 : i32
      %dma_wait3A_243 = tpu.memref_slice %arg2[%dma_wait3A_241, %dma_wait3A_242] : memref<10240x128xf32, #tpu.memory_space<hbm>> -> memref<10240x128xf32, #tpu.memory_space<hbm>>
      tpu.wait_indirect_dma semaphore(%arg12 : memref<!tpu.dma_semaphore, #tpu.memory_space<semaphore_mem>>) src(%dma_wait3A_243 : memref<10240x128xf32, #tpu.memory_space<hbm>>) dst(%arg7 : memref<128x128xf32, #tpu.memory_space<vmem>>)
      %dma_start3A_244 = arith.constant 4 : i32
      %dma_start3A_245 = arith.constant 1 : i32
      %dma_start3A_246 = arith.constant 0 : i32
      %dma_start3A_247 = tpu.memref_slice %arg5[%dma_start3A_244, %dma_start3A_245, %dma_start3A_246] : memref<8x2x128xi32, #tpu.memory_space<vmem>> -> memref<1x1x128xi32, #tpu.memory_space<vmem>>
      %dma_start3A_248 = tpu.memref_squeeze %dma_start3A_247 : memref<1x1x128xi32, #tpu.memory_space<vmem>> -> memref<128xi32, #tpu.memory_space<vmem>>
      %dma_start3A_249 = arith.constant 0 : i32
      %dma_start3A_250 = arith.constant 0 : i32
      %dma_start3A_251 = tpu.memref_slice %arg9[%dma_start3A_249, %dma_start3A_250] : memref<10240x128xf32, #tpu.memory_space<vmem_shared>> -> memref<10240x128xf32, #tpu.memory_space<vmem_shared>>
      tpu.enqueue_indirect_dma source(%arg7 : memref<128x128xf32, #tpu.memory_space<vmem>>) target(%dma_start3A_251 : memref<10240x128xf32, #tpu.memory_space<vmem_shared>>) offsets(%dma_start3A_248 : memref<128xi32, #tpu.memory_space<vmem>>) semaphore(%arg14 : memref<!tpu.dma_semaphore, #tpu.memory_space<semaphore_mem>>) {add = true}
      %dma_wait3A_252 = arith.constant 0 : i32
      %dma_wait3A_253 = arith.constant 1 : i32
      %dma_wait3A_254 = arith.constant 0 : i32
      %dma_wait3A_255 = tpu.memref_slice %arg5[%dma_wait3A_252, %dma_wait3A_253, %dma_wait3A_254] : memref<8x2x128xi32, #tpu.memory_space<vmem>> -> memref<1x1x128xi32, #tpu.memory_space<vmem>>
      %dma_wait3A_256 = tpu.memref_squeeze %dma_wait3A_255 : memref<1x1x128xi32, #tpu.memory_space<vmem>> -> memref<128xi32, #tpu.memory_space<vmem>>
      %dma_wait3A_257 = arith.constant 0 : i32
      %dma_wait3A_258 = arith.constant 0 : i32
      %dma_wait3A_259 = tpu.memref_slice %arg9[%dma_wait3A_257, %dma_wait3A_258] : memref<10240x128xf32, #tpu.memory_space<vmem_shared>> -> memref<10240x128xf32, #tpu.memory_space<vmem_shared>>
      tpu.wait_indirect_dma semaphore(%arg14 : memref<!tpu.dma_semaphore, #tpu.memory_space<semaphore_mem>>) src(%arg7 : memref<128x128xf32, #tpu.memory_space<vmem>>) dst(%dma_wait3A_259 : memref<10240x128xf32, #tpu.memory_space<vmem_shared>>)
      %dma_start3A_260 = arith.constant 6 : i32
      %dma_start3A_261 = arith.constant 0 : i32
      %dma_start3A_262 = arith.constant 0 : i32
      %dma_start3A_263 = tpu.memref_slice %arg5[%dma_start3A_260, %dma_start3A_261, %dma_start3A_262] : memref<8x2x128xi32, #tpu.memory_space<vmem>> -> memref<1x1x128xi32, #tpu.memory_space<vmem>>
      %dma_start3A_264 = tpu.memref_squeeze %dma_start3A_263 : memref<1x1x128xi32, #tpu.memory_space<vmem>> -> memref<128xi32, #tpu.memory_space<vmem>>
      %dma_start3A_265 = arith.constant 0 : i32
      %dma_start3A_266 = arith.constant 0 : i32
      %dma_start3A_267 = tpu.memref_slice %arg2[%dma_start3A_265, %dma_start3A_266] : memref<10240x128xf32, #tpu.memory_space<hbm>> -> memref<10240x128xf32, #tpu.memory_space<hbm>>
      tpu.enqueue_indirect_dma source(%dma_start3A_267 : memref<10240x128xf32, #tpu.memory_space<hbm>>) target(%arg7 : memref<128x128xf32, #tpu.memory_space<vmem>>) offsets(%dma_start3A_264 : memref<128xi32, #tpu.memory_space<vmem>>) semaphore(%arg12 : memref<!tpu.dma_semaphore, #tpu.memory_space<semaphore_mem>>)
      %dma_wait3A_268 = arith.constant 0 : i32
      %dma_wait3A_269 = arith.constant 0 : i32
      %dma_wait3A_270 = arith.constant 0 : i32
      %dma_wait3A_271 = tpu.memref_slice %arg5[%dma_wait3A_268, %dma_wait3A_269, %dma_wait3A_270] : memref<8x2x128xi32, #tpu.memory_space<vmem>> -> memref<1x1x128xi32, #tpu.memory_space<vmem>>
      %dma_wait3A_272 = tpu.memref_squeeze %dma_wait3A_271 : memref<1x1x128xi32, #tpu.memory_space<vmem>> -> memref<128xi32, #tpu.memory_space<vmem>>
      %dma_wait3A_273 = arith.constant 0 : i32
      %dma_wait3A_274 = arith.constant 0 : i32
      %dma_wait3A_275 = tpu.memref_slice %arg2[%dma_wait3A_273, %dma_wait3A_274] : memref<10240x128xf32, #tpu.memory_space<hbm>> -> memref<10240x128xf32, #tpu.memory_space<hbm>>
      tpu.wait_indirect_dma semaphore(%arg13 : memref<!tpu.dma_semaphore, #tpu.memory_space<semaphore_mem>>) src(%dma_wait3A_275 : memref<10240x128xf32, #tpu.memory_space<hbm>>) dst(%arg8 : memref<128x128xf32, #tpu.memory_space<vmem>>)
      %dma_start3A_276 = arith.constant 5 : i32
      %dma_start3A_277 = arith.constant 1 : i32
      %dma_start3A_278 = arith.constant 0 : i32
      %dma_start3A_279 = tpu.memref_slice %arg5[%dma_start3A_276, %dma_start3A_277, %dma_start3A_278] : memref<8x2x128xi32, #tpu.memory_space<vmem>> -> memref<1x1x128xi32, #tpu.memory_space<vmem>>
      %dma_start3A_280 = tpu.memref_squeeze %dma_start3A_279 : memref<1x1x128xi32, #tpu.memory_space<vmem>> -> memref<128xi32, #tpu.memory_space<vmem>>
      %dma_start3A_281 = arith.constant 0 : i32
      %dma_start3A_282 = arith.constant 0 : i32
      %dma_start3A_283 = tpu.memref_slice %arg9[%dma_start3A_281, %dma_start3A_282] : memref<10240x128xf32, #tpu.memory_space<vmem_shared>> -> memref<10240x128xf32, #tpu.memory_space<vmem_shared>>
      tpu.enqueue_indirect_dma source(%arg8 : memref<128x128xf32, #tpu.memory_space<vmem>>) target(%dma_start3A_283 : memref<10240x128xf32, #tpu.memory_space<vmem_shared>>) offsets(%dma_start3A_280 : memref<128xi32, #tpu.memory_space<vmem>>) semaphore(%arg15 : memref<!tpu.dma_semaphore, #tpu.memory_space<semaphore_mem>>) {add = true}
      %dma_wait3A_284 = arith.constant 0 : i32
      %dma_wait3A_285 = arith.constant 1 : i32
      %dma_wait3A_286 = arith.constant 0 : i32
      %dma_wait3A_287 = tpu.memref_slice %arg5[%dma_wait3A_284, %dma_wait3A_285, %dma_wait3A_286] : memref<8x2x128xi32, #tpu.memory_space<vmem>> -> memref<1x1x128xi32, #tpu.memory_space<vmem>>
      %dma_wait3A_288 = tpu.memref_squeeze %dma_wait3A_287 : memref<1x1x128xi32, #tpu.memory_space<vmem>> -> memref<128xi32, #tpu.memory_space<vmem>>
      %dma_wait3A_289 = arith.constant 0 : i32
      %dma_wait3A_290 = arith.constant 0 : i32
      %dma_wait3A_291 = tpu.memref_slice %arg9[%dma_wait3A_289, %dma_wait3A_290] : memref<10240x128xf32, #tpu.memory_space<vmem_shared>> -> memref<10240x128xf32, #tpu.memory_space<vmem_shared>>
      tpu.wait_indirect_dma semaphore(%arg15 : memref<!tpu.dma_semaphore, #tpu.memory_space<semaphore_mem>>) src(%arg8 : memref<128x128xf32, #tpu.memory_space<vmem>>) dst(%dma_wait3A_291 : memref<10240x128xf32, #tpu.memory_space<vmem_shared>>)
      %dma_start3A_292 = arith.constant 7 : i32
      %dma_start3A_293 = arith.constant 0 : i32
      %dma_start3A_294 = arith.constant 0 : i32
      %dma_start3A_295 = tpu.memref_slice %arg5[%dma_start3A_292, %dma_start3A_293, %dma_start3A_294] : memref<8x2x128xi32, #tpu.memory_space<vmem>> -> memref<1x1x128xi32, #tpu.memory_space<vmem>>
      %dma_start3A_296 = tpu.memref_squeeze %dma_start3A_295 : memref<1x1x128xi32, #tpu.memory_space<vmem>> -> memref<128xi32, #tpu.memory_space<vmem>>
      %dma_start3A_297 = arith.constant 0 : i32
      %dma_start3A_298 = arith.constant 0 : i32
      %dma_start3A_299 = tpu.memref_slice %arg2[%dma_start3A_297, %dma_start3A_298] : memref<10240x128xf32, #tpu.memory_space<hbm>> -> memref<10240x128xf32, #tpu.memory_space<hbm>>
      tpu.enqueue_indirect_dma source(%dma_start3A_299 : memref<10240x128xf32, #tpu.memory_space<hbm>>) target(%arg8 : memref<128x128xf32, #tpu.memory_space<vmem>>) offsets(%dma_start3A_296 : memref<128xi32, #tpu.memory_space<vmem>>) semaphore(%arg13 : memref<!tpu.dma_semaphore, #tpu.memory_space<semaphore_mem>>)
      %dma_wait3A_300 = arith.constant 0 : i32
      %dma_wait3A_301 = arith.constant 0 : i32
      %dma_wait3A_302 = arith.constant 0 : i32
      %dma_wait3A_303 = tpu.memref_slice %arg5[%dma_wait3A_300, %dma_wait3A_301, %dma_wait3A_302] : memref<8x2x128xi32, #tpu.memory_space<vmem>> -> memref<1x1x128xi32, #tpu.memory_space<vmem>>
      %dma_wait3A_304 = tpu.memref_squeeze %dma_wait3A_303 : memref<1x1x128xi32, #tpu.memory_space<vmem>> -> memref<128xi32, #tpu.memory_space<vmem>>
      %dma_wait3A_305 = arith.constant 0 : i32
      %dma_wait3A_306 = arith.constant 0 : i32
      %dma_wait3A_307 = tpu.memref_slice %arg2[%dma_wait3A_305, %dma_wait3A_306] : memref<10240x128xf32, #tpu.memory_space<hbm>> -> memref<10240x128xf32, #tpu.memory_space<hbm>>
      tpu.wait_indirect_dma semaphore(%arg12 : memref<!tpu.dma_semaphore, #tpu.memory_space<semaphore_mem>>) src(%dma_wait3A_307 : memref<10240x128xf32, #tpu.memory_space<hbm>>) dst(%arg7 : memref<128x128xf32, #tpu.memory_space<vmem>>)
      %dma_start3A_308 = arith.constant 6 : i32
      %dma_start3A_309 = arith.constant 1 : i32
      %dma_start3A_310 = arith.constant 0 : i32
      %dma_start3A_311 = tpu.memref_slice %arg5[%dma_start3A_308, %dma_start3A_309, %dma_start3A_310] : memref<8x2x128xi32, #tpu.memory_space<vmem>> -> memref<1x1x128xi32, #tpu.memory_space<vmem>>
      %dma_start3A_312 = tpu.memref_squeeze %dma_start3A_311 : memref<1x1x128xi32, #tpu.memory_space<vmem>> -> memref<128xi32, #tpu.memory_space<vmem>>
      %dma_start3A_313 = arith.constant 0 : i32
      %dma_start3A_314 = arith.constant 0 : i32
      %dma_start3A_315 = tpu.memref_slice %arg9[%dma_start3A_313, %dma_start3A_314] : memref<10240x128xf32, #tpu.memory_space<vmem_shared>> -> memref<10240x128xf32, #tpu.memory_space<vmem_shared>>
      tpu.enqueue_indirect_dma source(%arg7 : memref<128x128xf32, #tpu.memory_space<vmem>>) target(%dma_start3A_315 : memref<10240x128xf32, #tpu.memory_space<vmem_shared>>) offsets(%dma_start3A_312 : memref<128xi32, #tpu.memory_space<vmem>>) semaphore(%arg14 : memref<!tpu.dma_semaphore, #tpu.memory_space<semaphore_mem>>) {add = true}
      %dma_wait3A_316 = arith.constant 0 : i32
      %dma_wait3A_317 = arith.constant 1 : i32
      %dma_wait3A_318 = arith.constant 0 : i32
      %dma_wait3A_319 = tpu.memref_slice %arg5[%dma_wait3A_316, %dma_wait3A_317, %dma_wait3A_318] : memref<8x2x128xi32, #tpu.memory_space<vmem>> -> memref<1x1x128xi32, #tpu.memory_space<vmem>>
      %dma_wait3A_320 = tpu.memref_squeeze %dma_wait3A_319 : memref<1x1x128xi32, #tpu.memory_space<vmem>> -> memref<128xi32, #tpu.memory_space<vmem>>
      %dma_wait3A_321 = arith.constant 0 : i32
      %dma_wait3A_322 = arith.constant 0 : i32
      %dma_wait3A_323 = tpu.memref_slice %arg9[%dma_wait3A_321, %dma_wait3A_322] : memref<10240x128xf32, #tpu.memory_space<vmem_shared>> -> memref<10240x128xf32, #tpu.memory_space<vmem_shared>>
      tpu.wait_indirect_dma semaphore(%arg14 : memref<!tpu.dma_semaphore, #tpu.memory_space<semaphore_mem>>) src(%arg7 : memref<128x128xf32, #tpu.memory_space<vmem>>) dst(%dma_wait3A_323 : memref<10240x128xf32, #tpu.memory_space<vmem_shared>>)
      %add3A_324 = arith.constant 1 : i32
      %add3A_325 = arith.addi %mul3A_107, %add3A_324 : i32
      %lt3A = arith.cmpi slt, %add3A_325, %select_n3A_8 : i32
      %convert_element_type3A = arith.extui %lt3A : i1 to i32
      %cond3A = arith.constant 0 : i32
      %cond3A_326 = arith.cmpi ne, %convert_element_type3A, %cond3A : i32
      scf.if %cond3A_326 {
        %dma_wait3A_626 = arith.constant 0 : i32
        %dma_wait3A_627 = arith.constant 0 : i32
        %dma_wait3A_628 = arith.constant 0 : i32
        %dma_wait3A_629 = tpu.memref_slice %arg3[%select_n3A, %dma_wait3A_626, %dma_wait3A_627, %dma_wait3A_628] : memref<320x8x2x128xi32, #tpu.memory_space<hbm>> -> memref<1x8x2x128xi32, #tpu.memory_space<hbm>>
        %dma_wait3A_630 = tpu.memref_squeeze %dma_wait3A_629 : memref<1x8x2x128xi32, #tpu.memory_space<hbm>> -> memref<8x2x128xi32, #tpu.memory_space<hbm>>
        %dma_wait3A_631 = arith.constant 0 : i32
        %dma_wait3A_632 = arith.constant 0 : i32
        %dma_wait3A_633 = arith.constant 0 : i32
        %dma_wait3A_634 = tpu.memref_slice %arg3[%select_n3A, %dma_wait3A_631, %dma_wait3A_632, %dma_wait3A_633] : memref<320x8x2x128xi32, #tpu.memory_space<hbm>> -> memref<1x8x2x128xi32, #tpu.memory_space<hbm>>
        %dma_wait3A_635 = tpu.memref_squeeze %dma_wait3A_634 : memref<1x8x2x128xi32, #tpu.memory_space<hbm>> -> memref<8x2x128xi32, #tpu.memory_space<hbm>>
        tpu.wait_dma2 semaphore(%arg11 : memref<!tpu.dma_semaphore, #tpu.memory_space<semaphore_mem>>) src(%dma_wait3A_635 : memref<8x2x128xi32, #tpu.memory_space<hbm>>) dst(%arg6 : memref<8x2x128xi32, #tpu.memory_space<vmem>>)
        %dma_start3A_636 = arith.constant 0 : i32
        %dma_start3A_637 = arith.constant 0 : i32
        %dma_start3A_638 = arith.constant 0 : i32
        %dma_start3A_639 = tpu.memref_slice %arg6[%dma_start3A_636, %dma_start3A_637, %dma_start3A_638] : memref<8x2x128xi32, #tpu.memory_space<vmem>> -> memref<1x1x128xi32, #tpu.memory_space<vmem>>
        %dma_start3A_640 = tpu.memref_squeeze %dma_start3A_639 : memref<1x1x128xi32, #tpu.memory_space<vmem>> -> memref<128xi32, #tpu.memory_space<vmem>>
        %dma_start3A_641 = arith.constant 0 : i32
        %dma_start3A_642 = arith.constant 0 : i32
        %dma_start3A_643 = tpu.memref_slice %arg2[%dma_start3A_641, %dma_start3A_642] : memref<10240x128xf32, #tpu.memory_space<hbm>> -> memref<10240x128xf32, #tpu.memory_space<hbm>>
        tpu.enqueue_indirect_dma source(%dma_start3A_643 : memref<10240x128xf32, #tpu.memory_space<hbm>>) target(%arg7 : memref<128x128xf32, #tpu.memory_space<vmem>>) offsets(%dma_start3A_640 : memref<128xi32, #tpu.memory_space<vmem>>) semaphore(%arg12 : memref<!tpu.dma_semaphore, #tpu.memory_space<semaphore_mem>>)
      } else {
      }
      %dma_wait3A_327 = arith.constant 0 : i32
      %dma_wait3A_328 = arith.constant 0 : i32
      %dma_wait3A_329 = arith.constant 0 : i32
      %dma_wait3A_330 = tpu.memref_slice %arg5[%dma_wait3A_327, %dma_wait3A_328, %dma_wait3A_329] : memref<8x2x128xi32, #tpu.memory_space<vmem>> -> memref<1x1x128xi32, #tpu.memory_space<vmem>>
      %dma_wait3A_331 = tpu.memref_squeeze %dma_wait3A_330 : memref<1x1x128xi32, #tpu.memory_space<vmem>> -> memref<128xi32, #tpu.memory_space<vmem>>
      %dma_wait3A_332 = arith.constant 0 : i32
      %dma_wait3A_333 = arith.constant 0 : i32
      %dma_wait3A_334 = tpu.memref_slice %arg2[%dma_wait3A_332, %dma_wait3A_333] : memref<10240x128xf32, #tpu.memory_space<hbm>> -> memref<10240x128xf32, #tpu.memory_space<hbm>>
      tpu.wait_indirect_dma semaphore(%arg13 : memref<!tpu.dma_semaphore, #tpu.memory_space<semaphore_mem>>) src(%dma_wait3A_334 : memref<10240x128xf32, #tpu.memory_space<hbm>>) dst(%arg8 : memref<128x128xf32, #tpu.memory_space<vmem>>)
      %dma_start3A_335 = arith.constant 7 : i32
      %dma_start3A_336 = arith.constant 1 : i32
      %dma_start3A_337 = arith.constant 0 : i32
      %dma_start3A_338 = tpu.memref_slice %arg5[%dma_start3A_335, %dma_start3A_336, %dma_start3A_337] : memref<8x2x128xi32, #tpu.memory_space<vmem>> -> memref<1x1x128xi32, #tpu.memory_space<vmem>>
      %dma_start3A_339 = tpu.memref_squeeze %dma_start3A_338 : memref<1x1x128xi32, #tpu.memory_space<vmem>> -> memref<128xi32, #tpu.memory_space<vmem>>
      %dma_start3A_340 = arith.constant 0 : i32
      %dma_start3A_341 = arith.constant 0 : i32
      %dma_start3A_342 = tpu.memref_slice %arg9[%dma_start3A_340, %dma_start3A_341] : memref<10240x128xf32, #tpu.memory_space<vmem_shared>> -> memref<10240x128xf32, #tpu.memory_space<vmem_shared>>
      tpu.enqueue_indirect_dma source(%arg8 : memref<128x128xf32, #tpu.memory_space<vmem>>) target(%dma_start3A_342 : memref<10240x128xf32, #tpu.memory_space<vmem_shared>>) offsets(%dma_start3A_339 : memref<128xi32, #tpu.memory_space<vmem>>) semaphore(%arg15 : memref<!tpu.dma_semaphore, #tpu.memory_space<semaphore_mem>>) {add = true}
      %dma_wait3A_343 = arith.constant 0 : i32
      %dma_wait3A_344 = arith.constant 1 : i32
      %dma_wait3A_345 = arith.constant 0 : i32
      %dma_wait3A_346 = tpu.memref_slice %arg5[%dma_wait3A_343, %dma_wait3A_344, %dma_wait3A_345] : memref<8x2x128xi32, #tpu.memory_space<vmem>> -> memref<1x1x128xi32, #tpu.memory_space<vmem>>
      %dma_wait3A_347 = tpu.memref_squeeze %dma_wait3A_346 : memref<1x1x128xi32, #tpu.memory_space<vmem>> -> memref<128xi32, #tpu.memory_space<vmem>>
      %dma_wait3A_348 = arith.constant 0 : i32
      %dma_wait3A_349 = arith.constant 0 : i32
      %dma_wait3A_350 = tpu.memref_slice %arg9[%dma_wait3A_348, %dma_wait3A_349] : memref<10240x128xf32, #tpu.memory_space<vmem_shared>> -> memref<10240x128xf32, #tpu.memory_space<vmem_shared>>
      tpu.wait_indirect_dma semaphore(%arg15 : memref<!tpu.dma_semaphore, #tpu.memory_space<semaphore_mem>>) src(%arg8 : memref<128x128xf32, #tpu.memory_space<vmem>>) dst(%dma_wait3A_350 : memref<10240x128xf32, #tpu.memory_space<vmem_shared>>)
      %add3A_351 = arith.constant 1 : i32
      %add3A_352 = arith.addi %mul3A_107, %add3A_351 : i32
      %lt3A_353 = arith.cmpi slt, %add3A_352, %select_n3A_8 : i32
      %convert_element_type3A_354 = arith.extui %lt3A_353 : i1 to i32
      %cond3A_355 = arith.constant 0 : i32
      %cond3A_356 = arith.cmpi ne, %convert_element_type3A_354, %cond3A_355 : i32
      scf.if %cond3A_356 {
        %dma_start3A_626 = arith.constant 1 : i32
        %dma_start3A_627 = arith.constant 0 : i32
        %dma_start3A_628 = arith.constant 0 : i32
        %dma_start3A_629 = tpu.memref_slice %arg6[%dma_start3A_626, %dma_start3A_627, %dma_start3A_628] : memref<8x2x128xi32, #tpu.memory_space<vmem>> -> memref<1x1x128xi32, #tpu.memory_space<vmem>>
        %dma_start3A_630 = tpu.memref_squeeze %dma_start3A_629 : memref<1x1x128xi32, #tpu.memory_space<vmem>> -> memref<128xi32, #tpu.memory_space<vmem>>
        %dma_start3A_631 = arith.constant 0 : i32
        %dma_start3A_632 = arith.constant 0 : i32
        %dma_start3A_633 = tpu.memref_slice %arg2[%dma_start3A_631, %dma_start3A_632] : memref<10240x128xf32, #tpu.memory_space<hbm>> -> memref<10240x128xf32, #tpu.memory_space<hbm>>
        tpu.enqueue_indirect_dma source(%dma_start3A_633 : memref<10240x128xf32, #tpu.memory_space<hbm>>) target(%arg8 : memref<128x128xf32, #tpu.memory_space<vmem>>) offsets(%dma_start3A_630 : memref<128xi32, #tpu.memory_space<vmem>>) semaphore(%arg13 : memref<!tpu.dma_semaphore, #tpu.memory_space<semaphore_mem>>)
      } else {
      }
      %add3A_357 = arith.constant 2 : i32
      %add3A_358 = arith.addi %mul3A_107, %add3A_357 : i32
      %lt3A_359 = arith.cmpi slt, %add3A_358, %select_n3A_8 : i32
      %convert_element_type3A_360 = arith.extui %lt3A_359 : i1 to i32
      %cond3A_361 = arith.constant 0 : i32
      %cond3A_362 = arith.cmpi ne, %convert_element_type3A_360, %cond3A_361 : i32
      scf.if %cond3A_362 {
        %add3A_626 = arith.constant 2 : i32
        %add3A_627 = arith.addi %mul3A_107, %add3A_626 : i32
        %add3A_628 = arith.addi %select_n3A, %add3A_627 : i32
        %dma_start3A_629 = arith.constant 0 : i32
        %dma_start3A_630 = arith.constant 0 : i32
        %dma_start3A_631 = arith.constant 0 : i32
        %dma_start3A_632 = tpu.memref_slice %arg3[%add3A_628, %dma_start3A_629, %dma_start3A_630, %dma_start3A_631] : memref<320x8x2x128xi32, #tpu.memory_space<hbm>> -> memref<1x8x2x128xi32, #tpu.memory_space<hbm>>
        %dma_start3A_633 = tpu.memref_squeeze %dma_start3A_632 : memref<1x8x2x128xi32, #tpu.memory_space<hbm>> -> memref<8x2x128xi32, #tpu.memory_space<hbm>>
        %dma_start3A_634 = arith.constant 0 : i32
        %dma_start3A_635 = arith.constant 0 : i32
        %dma_start3A_636 = arith.constant 0 : i32
        %dma_start3A_637 = tpu.memref_slice %arg3[%add3A_628, %dma_start3A_634, %dma_start3A_635, %dma_start3A_636] : memref<320x8x2x128xi32, #tpu.memory_space<hbm>> -> memref<1x8x2x128xi32, #tpu.memory_space<hbm>>
        %dma_start3A_638 = tpu.memref_squeeze %dma_start3A_637 : memref<1x8x2x128xi32, #tpu.memory_space<hbm>> -> memref<8x2x128xi32, #tpu.memory_space<hbm>>
        tpu.enqueue_dma source(%dma_start3A_638 : memref<8x2x128xi32, #tpu.memory_space<hbm>>) target(%arg5 : memref<8x2x128xi32, #tpu.memory_space<vmem>>) target_semaphore(%arg10 : memref<!tpu.dma_semaphore, #tpu.memory_space<semaphore_mem>>)
      } else {
      }
      %mul3A_363 = arith.constant 2 : i32
      %mul3A_364 = arith.muli %mul3A_363, %while3A_104 : i32
      %add3A_365 = arith.constant 1 : i32
      %add3A_366 = arith.addi %mul3A_364, %add3A_365 : i32
      %dma_wait3A_367 = arith.constant 0 : i32
      %dma_wait3A_368 = arith.constant 0 : i32
      %dma_wait3A_369 = arith.constant 0 : i32
      %dma_wait3A_370 = tpu.memref_slice %arg5[%dma_wait3A_367, %dma_wait3A_368, %dma_wait3A_369] : memref<8x2x128xi32, #tpu.memory_space<vmem>> -> memref<1x1x128xi32, #tpu.memory_space<vmem>>
      %dma_wait3A_371 = tpu.memref_squeeze %dma_wait3A_370 : memref<1x1x128xi32, #tpu.memory_space<vmem>> -> memref<128xi32, #tpu.memory_space<vmem>>
      %dma_wait3A_372 = arith.constant 0 : i32
      %dma_wait3A_373 = arith.constant 0 : i32
      %dma_wait3A_374 = tpu.memref_slice %arg2[%dma_wait3A_372, %dma_wait3A_373] : memref<10240x128xf32, #tpu.memory_space<hbm>> -> memref<10240x128xf32, #tpu.memory_space<hbm>>
      tpu.wait_indirect_dma semaphore(%arg12 : memref<!tpu.dma_semaphore, #tpu.memory_space<semaphore_mem>>) src(%dma_wait3A_374 : memref<10240x128xf32, #tpu.memory_space<hbm>>) dst(%arg7 : memref<128x128xf32, #tpu.memory_space<vmem>>)
      %dma_start3A_375 = arith.constant 0 : i32
      %dma_start3A_376 = arith.constant 1 : i32
      %dma_start3A_377 = arith.constant 0 : i32
      %dma_start3A_378 = tpu.memref_slice %arg6[%dma_start3A_375, %dma_start3A_376, %dma_start3A_377] : memref<8x2x128xi32, #tpu.memory_space<vmem>> -> memref<1x1x128xi32, #tpu.memory_space<vmem>>
      %dma_start3A_379 = tpu.memref_squeeze %dma_start3A_378 : memref<1x1x128xi32, #tpu.memory_space<vmem>> -> memref<128xi32, #tpu.memory_space<vmem>>
      %dma_start3A_380 = arith.constant 0 : i32
      %dma_start3A_381 = arith.constant 0 : i32
      %dma_start3A_382 = tpu.memref_slice %arg9[%dma_start3A_380, %dma_start3A_381] : memref<10240x128xf32, #tpu.memory_space<vmem_shared>> -> memref<10240x128xf32, #tpu.memory_space<vmem_shared>>
      tpu.enqueue_indirect_dma source(%arg7 : memref<128x128xf32, #tpu.memory_space<vmem>>) target(%dma_start3A_382 : memref<10240x128xf32, #tpu.memory_space<vmem_shared>>) offsets(%dma_start3A_379 : memref<128xi32, #tpu.memory_space<vmem>>) semaphore(%arg14 : memref<!tpu.dma_semaphore, #tpu.memory_space<semaphore_mem>>) {add = true}
      %dma_wait3A_383 = arith.constant 0 : i32
      %dma_wait3A_384 = arith.constant 1 : i32
      %dma_wait3A_385 = arith.constant 0 : i32
      %dma_wait3A_386 = tpu.memref_slice %arg5[%dma_wait3A_383, %dma_wait3A_384, %dma_wait3A_385] : memref<8x2x128xi32, #tpu.memory_space<vmem>> -> memref<1x1x128xi32, #tpu.memory_space<vmem>>
      %dma_wait3A_387 = tpu.memref_squeeze %dma_wait3A_386 : memref<1x1x128xi32, #tpu.memory_space<vmem>> -> memref<128xi32, #tpu.memory_space<vmem>>
      %dma_wait3A_388 = arith.constant 0 : i32
      %dma_wait3A_389 = arith.constant 0 : i32
      %dma_wait3A_390 = tpu.memref_slice %arg9[%dma_wait3A_388, %dma_wait3A_389] : memref<10240x128xf32, #tpu.memory_space<vmem_shared>> -> memref<10240x128xf32, #tpu.memory_space<vmem_shared>>
      tpu.wait_indirect_dma semaphore(%arg14 : memref<!tpu.dma_semaphore, #tpu.memory_space<semaphore_mem>>) src(%arg7 : memref<128x128xf32, #tpu.memory_space<vmem>>) dst(%dma_wait3A_390 : memref<10240x128xf32, #tpu.memory_space<vmem_shared>>)
      %dma_start3A_391 = arith.constant 2 : i32
      %dma_start3A_392 = arith.constant 0 : i32
      %dma_start3A_393 = arith.constant 0 : i32
      %dma_start3A_394 = tpu.memref_slice %arg6[%dma_start3A_391, %dma_start3A_392, %dma_start3A_393] : memref<8x2x128xi32, #tpu.memory_space<vmem>> -> memref<1x1x128xi32, #tpu.memory_space<vmem>>
      %dma_start3A_395 = tpu.memref_squeeze %dma_start3A_394 : memref<1x1x128xi32, #tpu.memory_space<vmem>> -> memref<128xi32, #tpu.memory_space<vmem>>
      %dma_start3A_396 = arith.constant 0 : i32
      %dma_start3A_397 = arith.constant 0 : i32
      %dma_start3A_398 = tpu.memref_slice %arg2[%dma_start3A_396, %dma_start3A_397] : memref<10240x128xf32, #tpu.memory_space<hbm>> -> memref<10240x128xf32, #tpu.memory_space<hbm>>
      tpu.enqueue_indirect_dma source(%dma_start3A_398 : memref<10240x128xf32, #tpu.memory_space<hbm>>) target(%arg7 : memref<128x128xf32, #tpu.memory_space<vmem>>) offsets(%dma_start3A_395 : memref<128xi32, #tpu.memory_space<vmem>>) semaphore(%arg12 : memref<!tpu.dma_semaphore, #tpu.memory_space<semaphore_mem>>)
      %dma_wait3A_399 = arith.constant 0 : i32
      %dma_wait3A_400 = arith.constant 0 : i32
      %dma_wait3A_401 = arith.constant 0 : i32
      %dma_wait3A_402 = tpu.memref_slice %arg5[%dma_wait3A_399, %dma_wait3A_400, %dma_wait3A_401] : memref<8x2x128xi32, #tpu.memory_space<vmem>> -> memref<1x1x128xi32, #tpu.memory_space<vmem>>
      %dma_wait3A_403 = tpu.memref_squeeze %dma_wait3A_402 : memref<1x1x128xi32, #tpu.memory_space<vmem>> -> memref<128xi32, #tpu.memory_space<vmem>>
      %dma_wait3A_404 = arith.constant 0 : i32
      %dma_wait3A_405 = arith.constant 0 : i32
      %dma_wait3A_406 = tpu.memref_slice %arg2[%dma_wait3A_404, %dma_wait3A_405] : memref<10240x128xf32, #tpu.memory_space<hbm>> -> memref<10240x128xf32, #tpu.memory_space<hbm>>
      tpu.wait_indirect_dma semaphore(%arg13 : memref<!tpu.dma_semaphore, #tpu.memory_space<semaphore_mem>>) src(%dma_wait3A_406 : memref<10240x128xf32, #tpu.memory_space<hbm>>) dst(%arg8 : memref<128x128xf32, #tpu.memory_space<vmem>>)
      %dma_start3A_407 = arith.constant 1 : i32
      %dma_start3A_408 = arith.constant 1 : i32
      %dma_start3A_409 = arith.constant 0 : i32
      %dma_start3A_410 = tpu.memref_slice %arg6[%dma_start3A_407, %dma_start3A_408, %dma_start3A_409] : memref<8x2x128xi32, #tpu.memory_space<vmem>> -> memref<1x1x128xi32, #tpu.memory_space<vmem>>
      %dma_start3A_411 = tpu.memref_squeeze %dma_start3A_410 : memref<1x1x128xi32, #tpu.memory_space<vmem>> -> memref<128xi32, #tpu.memory_space<vmem>>
      %dma_start3A_412 = arith.constant 0 : i32
      %dma_start3A_413 = arith.constant 0 : i32
      %dma_start3A_414 = tpu.memref_slice %arg9[%dma_start3A_412, %dma_start3A_413] : memref<10240x128xf32, #tpu.memory_space<vmem_shared>> -> memref<10240x128xf32, #tpu.memory_space<vmem_shared>>
      tpu.enqueue_indirect_dma source(%arg8 : memref<128x128xf32, #tpu.memory_space<vmem>>) target(%dma_start3A_414 : memref<10240x128xf32, #tpu.memory_space<vmem_shared>>) offsets(%dma_start3A_411 : memref<128xi32, #tpu.memory_space<vmem>>) semaphore(%arg15 : memref<!tpu.dma_semaphore, #tpu.memory_space<semaphore_mem>>) {add = true}
      %dma_wait3A_415 = arith.constant 0 : i32
      %dma_wait3A_416 = arith.constant 1 : i32
      %dma_wait3A_417 = arith.constant 0 : i32
      %dma_wait3A_418 = tpu.memref_slice %arg5[%dma_wait3A_415, %dma_wait3A_416, %dma_wait3A_417] : memref<8x2x128xi32, #tpu.memory_space<vmem>> -> memref<1x1x128xi32, #tpu.memory_space<vmem>>
      %dma_wait3A_419 = tpu.memref_squeeze %dma_wait3A_418 : memref<1x1x128xi32, #tpu.memory_space<vmem>> -> memref<128xi32, #tpu.memory_space<vmem>>
      %dma_wait3A_420 = arith.constant 0 : i32
      %dma_wait3A_421 = arith.constant 0 : i32
      %dma_wait3A_422 = tpu.memref_slice %arg9[%dma_wait3A_420, %dma_wait3A_421] : memref<10240x128xf32, #tpu.memory_space<vmem_shared>> -> memref<10240x128xf32, #tpu.memory_space<vmem_shared>>
      tpu.wait_indirect_dma semaphore(%arg15 : memref<!tpu.dma_semaphore, #tpu.memory_space<semaphore_mem>>) src(%arg8 : memref<128x128xf32, #tpu.memory_space<vmem>>) dst(%dma_wait3A_422 : memref<10240x128xf32, #tpu.memory_space<vmem_shared>>)
      %dma_start3A_423 = arith.constant 3 : i32
      %dma_start3A_424 = arith.constant 0 : i32
      %dma_start3A_425 = arith.constant 0 : i32
      %dma_start3A_426 = tpu.memref_slice %arg6[%dma_start3A_423, %dma_start3A_424, %dma_start3A_425] : memref<8x2x128xi32, #tpu.memory_space<vmem>> -> memref<1x1x128xi32, #tpu.memory_space<vmem>>
      %dma_start3A_427 = tpu.memref_squeeze %dma_start3A_426 : memref<1x1x128xi32, #tpu.memory_space<vmem>> -> memref<128xi32, #tpu.memory_space<vmem>>
      %dma_start3A_428 = arith.constant 0 : i32
      %dma_start3A_429 = arith.constant 0 : i32
      %dma_start3A_430 = tpu.memref_slice %arg2[%dma_start3A_428, %dma_start3A_429] : memref<10240x128xf32, #tpu.memory_space<hbm>> -> memref<10240x128xf32, #tpu.memory_space<hbm>>
      tpu.enqueue_indirect_dma source(%dma_start3A_430 : memref<10240x128xf32, #tpu.memory_space<hbm>>) target(%arg8 : memref<128x128xf32, #tpu.memory_space<vmem>>) offsets(%dma_start3A_427 : memref<128xi32, #tpu.memory_space<vmem>>) semaphore(%arg13 : memref<!tpu.dma_semaphore, #tpu.memory_space<semaphore_mem>>)
      %dma_wait3A_431 = arith.constant 0 : i32
      %dma_wait3A_432 = arith.constant 0 : i32
      %dma_wait3A_433 = arith.constant 0 : i32
      %dma_wait3A_434 = tpu.memref_slice %arg5[%dma_wait3A_431, %dma_wait3A_432, %dma_wait3A_433] : memref<8x2x128xi32, #tpu.memory_space<vmem>> -> memref<1x1x128xi32, #tpu.memory_space<vmem>>
      %dma_wait3A_435 = tpu.memref_squeeze %dma_wait3A_434 : memref<1x1x128xi32, #tpu.memory_space<vmem>> -> memref<128xi32, #tpu.memory_space<vmem>>
      %dma_wait3A_436 = arith.constant 0 : i32
      %dma_wait3A_437 = arith.constant 0 : i32
      %dma_wait3A_438 = tpu.memref_slice %arg2[%dma_wait3A_436, %dma_wait3A_437] : memref<10240x128xf32, #tpu.memory_space<hbm>> -> memref<10240x128xf32, #tpu.memory_space<hbm>>
      tpu.wait_indirect_dma semaphore(%arg12 : memref<!tpu.dma_semaphore, #tpu.memory_space<semaphore_mem>>) src(%dma_wait3A_438 : memref<10240x128xf32, #tpu.memory_space<hbm>>) dst(%arg7 : memref<128x128xf32, #tpu.memory_space<vmem>>)
      %dma_start3A_439 = arith.constant 2 : i32
      %dma_start3A_440 = arith.constant 1 : i32
      %dma_start3A_441 = arith.constant 0 : i32
      %dma_start3A_442 = tpu.memref_slice %arg6[%dma_start3A_439, %dma_start3A_440, %dma_start3A_441] : memref<8x2x128xi32, #tpu.memory_space<vmem>> -> memref<1x1x128xi32, #tpu.memory_space<vmem>>
      %dma_start3A_443 = tpu.memref_squeeze %dma_start3A_442 : memref<1x1x128xi32, #tpu.memory_space<vmem>> -> memref<128xi32, #tpu.memory_space<vmem>>
      %dma_start3A_444 = arith.constant 0 : i32
      %dma_start3A_445 = arith.constant 0 : i32
      %dma_start3A_446 = tpu.memref_slice %arg9[%dma_start3A_444, %dma_start3A_445] : memref<10240x128xf32, #tpu.memory_space<vmem_shared>> -> memref<10240x128xf32, #tpu.memory_space<vmem_shared>>
      tpu.enqueue_indirect_dma source(%arg7 : memref<128x128xf32, #tpu.memory_space<vmem>>) target(%dma_start3A_446 : memref<10240x128xf32, #tpu.memory_space<vmem_shared>>) offsets(%dma_start3A_443 : memref<128xi32, #tpu.memory_space<vmem>>) semaphore(%arg14 : memref<!tpu.dma_semaphore, #tpu.memory_space<semaphore_mem>>) {add = true}
      %dma_wait3A_447 = arith.constant 0 : i32
      %dma_wait3A_448 = arith.constant 1 : i32
      %dma_wait3A_449 = arith.constant 0 : i32
      %dma_wait3A_450 = tpu.memref_slice %arg5[%dma_wait3A_447, %dma_wait3A_448, %dma_wait3A_449] : memref<8x2x128xi32, #tpu.memory_space<vmem>> -> memref<1x1x128xi32, #tpu.memory_space<vmem>>
      %dma_wait3A_451 = tpu.memref_squeeze %dma_wait3A_450 : memref<1x1x128xi32, #tpu.memory_space<vmem>> -> memref<128xi32, #tpu.memory_space<vmem>>
      %dma_wait3A_452 = arith.constant 0 : i32
      %dma_wait3A_453 = arith.constant 0 : i32
      %dma_wait3A_454 = tpu.memref_slice %arg9[%dma_wait3A_452, %dma_wait3A_453] : memref<10240x128xf32, #tpu.memory_space<vmem_shared>> -> memref<10240x128xf32, #tpu.memory_space<vmem_shared>>
      tpu.wait_indirect_dma semaphore(%arg14 : memref<!tpu.dma_semaphore, #tpu.memory_space<semaphore_mem>>) src(%arg7 : memref<128x128xf32, #tpu.memory_space<vmem>>) dst(%dma_wait3A_454 : memref<10240x128xf32, #tpu.memory_space<vmem_shared>>)
      %dma_start3A_455 = arith.constant 4 : i32
      %dma_start3A_456 = arith.constant 0 : i32
      %dma_start3A_457 = arith.constant 0 : i32
      %dma_start3A_458 = tpu.memref_slice %arg6[%dma_start3A_455, %dma_start3A_456, %dma_start3A_457] : memref<8x2x128xi32, #tpu.memory_space<vmem>> -> memref<1x1x128xi32, #tpu.memory_space<vmem>>
      %dma_start3A_459 = tpu.memref_squeeze %dma_start3A_458 : memref<1x1x128xi32, #tpu.memory_space<vmem>> -> memref<128xi32, #tpu.memory_space<vmem>>
      %dma_start3A_460 = arith.constant 0 : i32
      %dma_start3A_461 = arith.constant 0 : i32
      %dma_start3A_462 = tpu.memref_slice %arg2[%dma_start3A_460, %dma_start3A_461] : memref<10240x128xf32, #tpu.memory_space<hbm>> -> memref<10240x128xf32, #tpu.memory_space<hbm>>
      tpu.enqueue_indirect_dma source(%dma_start3A_462 : memref<10240x128xf32, #tpu.memory_space<hbm>>) target(%arg7 : memref<128x128xf32, #tpu.memory_space<vmem>>) offsets(%dma_start3A_459 : memref<128xi32, #tpu.memory_space<vmem>>) semaphore(%arg12 : memref<!tpu.dma_semaphore, #tpu.memory_space<semaphore_mem>>)
      %dma_wait3A_463 = arith.constant 0 : i32
      %dma_wait3A_464 = arith.constant 0 : i32
      %dma_wait3A_465 = arith.constant 0 : i32
      %dma_wait3A_466 = tpu.memref_slice %arg5[%dma_wait3A_463, %dma_wait3A_464, %dma_wait3A_465] : memref<8x2x128xi32, #tpu.memory_space<vmem>> -> memref<1x1x128xi32, #tpu.memory_space<vmem>>
      %dma_wait3A_467 = tpu.memref_squeeze %dma_wait3A_466 : memref<1x1x128xi32, #tpu.memory_space<vmem>> -> memref<128xi32, #tpu.memory_space<vmem>>
      %dma_wait3A_468 = arith.constant 0 : i32
      %dma_wait3A_469 = arith.constant 0 : i32
      %dma_wait3A_470 = tpu.memref_slice %arg2[%dma_wait3A_468, %dma_wait3A_469] : memref<10240x128xf32, #tpu.memory_space<hbm>> -> memref<10240x128xf32, #tpu.memory_space<hbm>>
      tpu.wait_indirect_dma semaphore(%arg13 : memref<!tpu.dma_semaphore, #tpu.memory_space<semaphore_mem>>) src(%dma_wait3A_470 : memref<10240x128xf32, #tpu.memory_space<hbm>>) dst(%arg8 : memref<128x128xf32, #tpu.memory_space<vmem>>)
      %dma_start3A_471 = arith.constant 3 : i32
      %dma_start3A_472 = arith.constant 1 : i32
      %dma_start3A_473 = arith.constant 0 : i32
      %dma_start3A_474 = tpu.memref_slice %arg6[%dma_start3A_471, %dma_start3A_472, %dma_start3A_473] : memref<8x2x128xi32, #tpu.memory_space<vmem>> -> memref<1x1x128xi32, #tpu.memory_space<vmem>>
      %dma_start3A_475 = tpu.memref_squeeze %dma_start3A_474 : memref<1x1x128xi32, #tpu.memory_space<vmem>> -> memref<128xi32, #tpu.memory_space<vmem>>
      %dma_start3A_476 = arith.constant 0 : i32
      %dma_start3A_477 = arith.constant 0 : i32
      %dma_start3A_478 = tpu.memref_slice %arg9[%dma_start3A_476, %dma_start3A_477] : memref<10240x128xf32, #tpu.memory_space<vmem_shared>> -> memref<10240x128xf32, #tpu.memory_space<vmem_shared>>
      tpu.enqueue_indirect_dma source(%arg8 : memref<128x128xf32, #tpu.memory_space<vmem>>) target(%dma_start3A_478 : memref<10240x128xf32, #tpu.memory_space<vmem_shared>>) offsets(%dma_start3A_475 : memref<128xi32, #tpu.memory_space<vmem>>) semaphore(%arg15 : memref<!tpu.dma_semaphore, #tpu.memory_space<semaphore_mem>>) {add = true}
      %dma_wait3A_479 = arith.constant 0 : i32
      %dma_wait3A_480 = arith.constant 1 : i32
      %dma_wait3A_481 = arith.constant 0 : i32
      %dma_wait3A_482 = tpu.memref_slice %arg5[%dma_wait3A_479, %dma_wait3A_480, %dma_wait3A_481] : memref<8x2x128xi32, #tpu.memory_space<vmem>> -> memref<1x1x128xi32, #tpu.memory_space<vmem>>
      %dma_wait3A_483 = tpu.memref_squeeze %dma_wait3A_482 : memref<1x1x128xi32, #tpu.memory_space<vmem>> -> memref<128xi32, #tpu.memory_space<vmem>>
      %dma_wait3A_484 = arith.constant 0 : i32
      %dma_wait3A_485 = arith.constant 0 : i32
      %dma_wait3A_486 = tpu.memref_slice %arg9[%dma_wait3A_484, %dma_wait3A_485] : memref<10240x128xf32, #tpu.memory_space<vmem_shared>> -> memref<10240x128xf32, #tpu.memory_space<vmem_shared>>
      tpu.wait_indirect_dma semaphore(%arg15 : memref<!tpu.dma_semaphore, #tpu.memory_space<semaphore_mem>>) src(%arg8 : memref<128x128xf32, #tpu.memory_space<vmem>>) dst(%dma_wait3A_486 : memref<10240x128xf32, #tpu.memory_space<vmem_shared>>)
      %dma_start3A_487 = arith.constant 5 : i32
      %dma_start3A_488 = arith.constant 0 : i32
      %dma_start3A_489 = arith.constant 0 : i32
      %dma_start3A_490 = tpu.memref_slice %arg6[%dma_start3A_487, %dma_start3A_488, %dma_start3A_489] : memref<8x2x128xi32, #tpu.memory_space<vmem>> -> memref<1x1x128xi32, #tpu.memory_space<vmem>>
      %dma_start3A_491 = tpu.memref_squeeze %dma_start3A_490 : memref<1x1x128xi32, #tpu.memory_space<vmem>> -> memref<128xi32, #tpu.memory_space<vmem>>
      %dma_start3A_492 = arith.constant 0 : i32
      %dma_start3A_493 = arith.constant 0 : i32
      %dma_start3A_494 = tpu.memref_slice %arg2[%dma_start3A_492, %dma_start3A_493] : memref<10240x128xf32, #tpu.memory_space<hbm>> -> memref<10240x128xf32, #tpu.memory_space<hbm>>
      tpu.enqueue_indirect_dma source(%dma_start3A_494 : memref<10240x128xf32, #tpu.memory_space<hbm>>) target(%arg8 : memref<128x128xf32, #tpu.memory_space<vmem>>) offsets(%dma_start3A_491 : memref<128xi32, #tpu.memory_space<vmem>>) semaphore(%arg13 : memref<!tpu.dma_semaphore, #tpu.memory_space<semaphore_mem>>)
      %dma_wait3A_495 = arith.constant 0 : i32
      %dma_wait3A_496 = arith.constant 0 : i32
      %dma_wait3A_497 = arith.constant 0 : i32
      %dma_wait3A_498 = tpu.memref_slice %arg5[%dma_wait3A_495, %dma_wait3A_496, %dma_wait3A_497] : memref<8x2x128xi32, #tpu.memory_space<vmem>> -> memref<1x1x128xi32, #tpu.memory_space<vmem>>
      %dma_wait3A_499 = tpu.memref_squeeze %dma_wait3A_498 : memref<1x1x128xi32, #tpu.memory_space<vmem>> -> memref<128xi32, #tpu.memory_space<vmem>>
      %dma_wait3A_500 = arith.constant 0 : i32
      %dma_wait3A_501 = arith.constant 0 : i32
      %dma_wait3A_502 = tpu.memref_slice %arg2[%dma_wait3A_500, %dma_wait3A_501] : memref<10240x128xf32, #tpu.memory_space<hbm>> -> memref<10240x128xf32, #tpu.memory_space<hbm>>
      tpu.wait_indirect_dma semaphore(%arg12 : memref<!tpu.dma_semaphore, #tpu.memory_space<semaphore_mem>>) src(%dma_wait3A_502 : memref<10240x128xf32, #tpu.memory_space<hbm>>) dst(%arg7 : memref<128x128xf32, #tpu.memory_space<vmem>>)
      %dma_start3A_503 = arith.constant 4 : i32
      %dma_start3A_504 = arith.constant 1 : i32
      %dma_start3A_505 = arith.constant 0 : i32
      %dma_start3A_506 = tpu.memref_slice %arg6[%dma_start3A_503, %dma_start3A_504, %dma_start3A_505] : memref<8x2x128xi32, #tpu.memory_space<vmem>> -> memref<1x1x128xi32, #tpu.memory_space<vmem>>
      %dma_start3A_507 = tpu.memref_squeeze %dma_start3A_506 : memref<1x1x128xi32, #tpu.memory_space<vmem>> -> memref<128xi32, #tpu.memory_space<vmem>>
      %dma_start3A_508 = arith.constant 0 : i32
      %dma_start3A_509 = arith.constant 0 : i32
      %dma_start3A_510 = tpu.memref_slice %arg9[%dma_start3A_508, %dma_start3A_509] : memref<10240x128xf32, #tpu.memory_space<vmem_shared>> -> memref<10240x128xf32, #tpu.memory_space<vmem_shared>>
      tpu.enqueue_indirect_dma source(%arg7 : memref<128x128xf32, #tpu.memory_space<vmem>>) target(%dma_start3A_510 : memref<10240x128xf32, #tpu.memory_space<vmem_shared>>) offsets(%dma_start3A_507 : memref<128xi32, #tpu.memory_space<vmem>>) semaphore(%arg14 : memref<!tpu.dma_semaphore, #tpu.memory_space<semaphore_mem>>) {add = true}
      %dma_wait3A_511 = arith.constant 0 : i32
      %dma_wait3A_512 = arith.constant 1 : i32
      %dma_wait3A_513 = arith.constant 0 : i32
      %dma_wait3A_514 = tpu.memref_slice %arg5[%dma_wait3A_511, %dma_wait3A_512, %dma_wait3A_513] : memref<8x2x128xi32, #tpu.memory_space<vmem>> -> memref<1x1x128xi32, #tpu.memory_space<vmem>>
      %dma_wait3A_515 = tpu.memref_squeeze %dma_wait3A_514 : memref<1x1x128xi32, #tpu.memory_space<vmem>> -> memref<128xi32, #tpu.memory_space<vmem>>
      %dma_wait3A_516 = arith.constant 0 : i32
      %dma_wait3A_517 = arith.constant 0 : i32
      %dma_wait3A_518 = tpu.memref_slice %arg9[%dma_wait3A_516, %dma_wait3A_517] : memref<10240x128xf32, #tpu.memory_space<vmem_shared>> -> memref<10240x128xf32, #tpu.memory_space<vmem_shared>>
      tpu.wait_indirect_dma semaphore(%arg14 : memref<!tpu.dma_semaphore, #tpu.memory_space<semaphore_mem>>) src(%arg7 : memref<128x128xf32, #tpu.memory_space<vmem>>) dst(%dma_wait3A_518 : memref<10240x128xf32, #tpu.memory_space<vmem_shared>>)
      %dma_start3A_519 = arith.constant 6 : i32
      %dma_start3A_520 = arith.constant 0 : i32
      %dma_start3A_521 = arith.constant 0 : i32
      %dma_start3A_522 = tpu.memref_slice %arg6[%dma_start3A_519, %dma_start3A_520, %dma_start3A_521] : memref<8x2x128xi32, #tpu.memory_space<vmem>> -> memref<1x1x128xi32, #tpu.memory_space<vmem>>
      %dma_start3A_523 = tpu.memref_squeeze %dma_start3A_522 : memref<1x1x128xi32, #tpu.memory_space<vmem>> -> memref<128xi32, #tpu.memory_space<vmem>>
      %dma_start3A_524 = arith.constant 0 : i32
      %dma_start3A_525 = arith.constant 0 : i32
      %dma_start3A_526 = tpu.memref_slice %arg2[%dma_start3A_524, %dma_start3A_525] : memref<10240x128xf32, #tpu.memory_space<hbm>> -> memref<10240x128xf32, #tpu.memory_space<hbm>>
      tpu.enqueue_indirect_dma source(%dma_start3A_526 : memref<10240x128xf32, #tpu.memory_space<hbm>>) target(%arg7 : memref<128x128xf32, #tpu.memory_space<vmem>>) offsets(%dma_start3A_523 : memref<128xi32, #tpu.memory_space<vmem>>) semaphore(%arg12 : memref<!tpu.dma_semaphore, #tpu.memory_space<semaphore_mem>>)
      %dma_wait3A_527 = arith.constant 0 : i32
      %dma_wait3A_528 = arith.constant 0 : i32
      %dma_wait3A_529 = arith.constant 0 : i32
      %dma_wait3A_530 = tpu.memref_slice %arg5[%dma_wait3A_527, %dma_wait3A_528, %dma_wait3A_529] : memref<8x2x128xi32, #tpu.memory_space<vmem>> -> memref<1x1x128xi32, #tpu.memory_space<vmem>>
      %dma_wait3A_531 = tpu.memref_squeeze %dma_wait3A_530 : memref<1x1x128xi32, #tpu.memory_space<vmem>> -> memref<128xi32, #tpu.memory_space<vmem>>
      %dma_wait3A_532 = arith.constant 0 : i32
      %dma_wait3A_533 = arith.constant 0 : i32
      %dma_wait3A_534 = tpu.memref_slice %arg2[%dma_wait3A_532, %dma_wait3A_533] : memref<10240x128xf32, #tpu.memory_space<hbm>> -> memref<10240x128xf32, #tpu.memory_space<hbm>>
      tpu.wait_indirect_dma semaphore(%arg13 : memref<!tpu.dma_semaphore, #tpu.memory_space<semaphore_mem>>) src(%dma_wait3A_534 : memref<10240x128xf32, #tpu.memory_space<hbm>>) dst(%arg8 : memref<128x128xf32, #tpu.memory_space<vmem>>)
      %dma_start3A_535 = arith.constant 5 : i32
      %dma_start3A_536 = arith.constant 1 : i32
      %dma_start3A_537 = arith.constant 0 : i32
      %dma_start3A_538 = tpu.memref_slice %arg6[%dma_start3A_535, %dma_start3A_536, %dma_start3A_537] : memref<8x2x128xi32, #tpu.memory_space<vmem>> -> memref<1x1x128xi32, #tpu.memory_space<vmem>>
      %dma_start3A_539 = tpu.memref_squeeze %dma_start3A_538 : memref<1x1x128xi32, #tpu.memory_space<vmem>> -> memref<128xi32, #tpu.memory_space<vmem>>
      %dma_start3A_540 = arith.constant 0 : i32
      %dma_start3A_541 = arith.constant 0 : i32
      %dma_start3A_542 = tpu.memref_slice %arg9[%dma_start3A_540, %dma_start3A_541] : memref<10240x128xf32, #tpu.memory_space<vmem_shared>> -> memref<10240x128xf32, #tpu.memory_space<vmem_shared>>
      tpu.enqueue_indirect_dma source(%arg8 : memref<128x128xf32, #tpu.memory_space<vmem>>) target(%dma_start3A_542 : memref<10240x128xf32, #tpu.memory_space<vmem_shared>>) offsets(%dma_start3A_539 : memref<128xi32, #tpu.memory_space<vmem>>) semaphore(%arg15 : memref<!tpu.dma_semaphore, #tpu.memory_space<semaphore_mem>>) {add = true}
      %dma_wait3A_543 = arith.constant 0 : i32
      %dma_wait3A_544 = arith.constant 1 : i32
      %dma_wait3A_545 = arith.constant 0 : i32
      %dma_wait3A_546 = tpu.memref_slice %arg5[%dma_wait3A_543, %dma_wait3A_544, %dma_wait3A_545] : memref<8x2x128xi32, #tpu.memory_space<vmem>> -> memref<1x1x128xi32, #tpu.memory_space<vmem>>
      %dma_wait3A_547 = tpu.memref_squeeze %dma_wait3A_546 : memref<1x1x128xi32, #tpu.memory_space<vmem>> -> memref<128xi32, #tpu.memory_space<vmem>>
      %dma_wait3A_548 = arith.constant 0 : i32
      %dma_wait3A_549 = arith.constant 0 : i32
      %dma_wait3A_550 = tpu.memref_slice %arg9[%dma_wait3A_548, %dma_wait3A_549] : memref<10240x128xf32, #tpu.memory_space<vmem_shared>> -> memref<10240x128xf32, #tpu.memory_space<vmem_shared>>
      tpu.wait_indirect_dma semaphore(%arg15 : memref<!tpu.dma_semaphore, #tpu.memory_space<semaphore_mem>>) src(%arg8 : memref<128x128xf32, #tpu.memory_space<vmem>>) dst(%dma_wait3A_550 : memref<10240x128xf32, #tpu.memory_space<vmem_shared>>)
      %dma_start3A_551 = arith.constant 7 : i32
      %dma_start3A_552 = arith.constant 0 : i32
      %dma_start3A_553 = arith.constant 0 : i32
      %dma_start3A_554 = tpu.memref_slice %arg6[%dma_start3A_551, %dma_start3A_552, %dma_start3A_553] : memref<8x2x128xi32, #tpu.memory_space<vmem>> -> memref<1x1x128xi32, #tpu.memory_space<vmem>>
      %dma_start3A_555 = tpu.memref_squeeze %dma_start3A_554 : memref<1x1x128xi32, #tpu.memory_space<vmem>> -> memref<128xi32, #tpu.memory_space<vmem>>
      %dma_start3A_556 = arith.constant 0 : i32
      %dma_start3A_557 = arith.constant 0 : i32
      %dma_start3A_558 = tpu.memref_slice %arg2[%dma_start3A_556, %dma_start3A_557] : memref<10240x128xf32, #tpu.memory_space<hbm>> -> memref<10240x128xf32, #tpu.memory_space<hbm>>
      tpu.enqueue_indirect_dma source(%dma_start3A_558 : memref<10240x128xf32, #tpu.memory_space<hbm>>) target(%arg8 : memref<128x128xf32, #tpu.memory_space<vmem>>) offsets(%dma_start3A_555 : memref<128xi32, #tpu.memory_space<vmem>>) semaphore(%arg13 : memref<!tpu.dma_semaphore, #tpu.memory_space<semaphore_mem>>)
      %dma_wait3A_559 = arith.constant 0 : i32
      %dma_wait3A_560 = arith.constant 0 : i32
      %dma_wait3A_561 = arith.constant 0 : i32
      %dma_wait3A_562 = tpu.memref_slice %arg5[%dma_wait3A_559, %dma_wait3A_560, %dma_wait3A_561] : memref<8x2x128xi32, #tpu.memory_space<vmem>> -> memref<1x1x128xi32, #tpu.memory_space<vmem>>
      %dma_wait3A_563 = tpu.memref_squeeze %dma_wait3A_562 : memref<1x1x128xi32, #tpu.memory_space<vmem>> -> memref<128xi32, #tpu.memory_space<vmem>>
      %dma_wait3A_564 = arith.constant 0 : i32
      %dma_wait3A_565 = arith.constant 0 : i32
      %dma_wait3A_566 = tpu.memref_slice %arg2[%dma_wait3A_564, %dma_wait3A_565] : memref<10240x128xf32, #tpu.memory_space<hbm>> -> memref<10240x128xf32, #tpu.memory_space<hbm>>
      tpu.wait_indirect_dma semaphore(%arg12 : memref<!tpu.dma_semaphore, #tpu.memory_space<semaphore_mem>>) src(%dma_wait3A_566 : memref<10240x128xf32, #tpu.memory_space<hbm>>) dst(%arg7 : memref<128x128xf32, #tpu.memory_space<vmem>>)
      %dma_start3A_567 = arith.constant 6 : i32
      %dma_start3A_568 = arith.constant 1 : i32
      %dma_start3A_569 = arith.constant 0 : i32
      %dma_start3A_570 = tpu.memref_slice %arg6[%dma_start3A_567, %dma_start3A_568, %dma_start3A_569] : memref<8x2x128xi32, #tpu.memory_space<vmem>> -> memref<1x1x128xi32, #tpu.memory_space<vmem>>
      %dma_start3A_571 = tpu.memref_squeeze %dma_start3A_570 : memref<1x1x128xi32, #tpu.memory_space<vmem>> -> memref<128xi32, #tpu.memory_space<vmem>>
      %dma_start3A_572 = arith.constant 0 : i32
      %dma_start3A_573 = arith.constant 0 : i32
      %dma_start3A_574 = tpu.memref_slice %arg9[%dma_start3A_572, %dma_start3A_573] : memref<10240x128xf32, #tpu.memory_space<vmem_shared>> -> memref<10240x128xf32, #tpu.memory_space<vmem_shared>>
      tpu.enqueue_indirect_dma source(%arg7 : memref<128x128xf32, #tpu.memory_space<vmem>>) target(%dma_start3A_574 : memref<10240x128xf32, #tpu.memory_space<vmem_shared>>) offsets(%dma_start3A_571 : memref<128xi32, #tpu.memory_space<vmem>>) semaphore(%arg14 : memref<!tpu.dma_semaphore, #tpu.memory_space<semaphore_mem>>) {add = true}
      %dma_wait3A_575 = arith.constant 0 : i32
      %dma_wait3A_576 = arith.constant 1 : i32
      %dma_wait3A_577 = arith.constant 0 : i32
      %dma_wait3A_578 = tpu.memref_slice %arg5[%dma_wait3A_575, %dma_wait3A_576, %dma_wait3A_577] : memref<8x2x128xi32, #tpu.memory_space<vmem>> -> memref<1x1x128xi32, #tpu.memory_space<vmem>>
      %dma_wait3A_579 = tpu.memref_squeeze %dma_wait3A_578 : memref<1x1x128xi32, #tpu.memory_space<vmem>> -> memref<128xi32, #tpu.memory_space<vmem>>
      %dma_wait3A_580 = arith.constant 0 : i32
      %dma_wait3A_581 = arith.constant 0 : i32
      %dma_wait3A_582 = tpu.memref_slice %arg9[%dma_wait3A_580, %dma_wait3A_581] : memref<10240x128xf32, #tpu.memory_space<vmem_shared>> -> memref<10240x128xf32, #tpu.memory_space<vmem_shared>>
      tpu.wait_indirect_dma semaphore(%arg14 : memref<!tpu.dma_semaphore, #tpu.memory_space<semaphore_mem>>) src(%arg7 : memref<128x128xf32, #tpu.memory_space<vmem>>) dst(%dma_wait3A_582 : memref<10240x128xf32, #tpu.memory_space<vmem_shared>>)
      %add3A_583 = arith.constant 1 : i32
      %add3A_584 = arith.addi %add3A_366, %add3A_583 : i32
      %lt3A_585 = arith.cmpi slt, %add3A_584, %select_n3A_8 : i32
      %convert_element_type3A_586 = arith.extui %lt3A_585 : i1 to i32
      %cond3A_587 = arith.constant 0 : i32
      %cond3A_588 = arith.cmpi ne, %convert_element_type3A_586, %cond3A_587 : i32
      scf.if %cond3A_588 {
        %dma_wait3A_626 = arith.constant 0 : i32
        %dma_wait3A_627 = arith.constant 0 : i32
        %dma_wait3A_628 = arith.constant 0 : i32
        %dma_wait3A_629 = tpu.memref_slice %arg3[%select_n3A, %dma_wait3A_626, %dma_wait3A_627, %dma_wait3A_628] : memref<320x8x2x128xi32, #tpu.memory_space<hbm>> -> memref<1x8x2x128xi32, #tpu.memory_space<hbm>>
        %dma_wait3A_630 = tpu.memref_squeeze %dma_wait3A_629 : memref<1x8x2x128xi32, #tpu.memory_space<hbm>> -> memref<8x2x128xi32, #tpu.memory_space<hbm>>
        %dma_wait3A_631 = arith.constant 0 : i32
        %dma_wait3A_632 = arith.constant 0 : i32
        %dma_wait3A_633 = arith.constant 0 : i32
        %dma_wait3A_634 = tpu.memref_slice %arg3[%select_n3A, %dma_wait3A_631, %dma_wait3A_632, %dma_wait3A_633] : memref<320x8x2x128xi32, #tpu.memory_space<hbm>> -> memref<1x8x2x128xi32, #tpu.memory_space<hbm>>
        %dma_wait3A_635 = tpu.memref_squeeze %dma_wait3A_634 : memref<1x8x2x128xi32, #tpu.memory_space<hbm>> -> memref<8x2x128xi32, #tpu.memory_space<hbm>>
        tpu.wait_dma2 semaphore(%arg10 : memref<!tpu.dma_semaphore, #tpu.memory_space<semaphore_mem>>) src(%dma_wait3A_635 : memref<8x2x128xi32, #tpu.memory_space<hbm>>) dst(%arg5 : memref<8x2x128xi32, #tpu.memory_space<vmem>>)
        %dma_start3A_636 = arith.constant 0 : i32
        %dma_start3A_637 = arith.constant 0 : i32
        %dma_start3A_638 = arith.constant 0 : i32
        %dma_start3A_639 = tpu.memref_slice %arg5[%dma_start3A_636, %dma_start3A_637, %dma_start3A_638] : memref<8x2x128xi32, #tpu.memory_space<vmem>> -> memref<1x1x128xi32, #tpu.memory_space<vmem>>
        %dma_start3A_640 = tpu.memref_squeeze %dma_start3A_639 : memref<1x1x128xi32, #tpu.memory_space<vmem>> -> memref<128xi32, #tpu.memory_space<vmem>>
        %dma_start3A_641 = arith.constant 0 : i32
        %dma_start3A_642 = arith.constant 0 : i32
        %dma_start3A_643 = tpu.memref_slice %arg2[%dma_start3A_641, %dma_start3A_642] : memref<10240x128xf32, #tpu.memory_space<hbm>> -> memref<10240x128xf32, #tpu.memory_space<hbm>>
        tpu.enqueue_indirect_dma source(%dma_start3A_643 : memref<10240x128xf32, #tpu.memory_space<hbm>>) target(%arg7 : memref<128x128xf32, #tpu.memory_space<vmem>>) offsets(%dma_start3A_640 : memref<128xi32, #tpu.memory_space<vmem>>) semaphore(%arg12 : memref<!tpu.dma_semaphore, #tpu.memory_space<semaphore_mem>>)
      } else {
      }
      %dma_wait3A_589 = arith.constant 0 : i32
      %dma_wait3A_590 = arith.constant 0 : i32
      %dma_wait3A_591 = arith.constant 0 : i32
      %dma_wait3A_592 = tpu.memref_slice %arg5[%dma_wait3A_589, %dma_wait3A_590, %dma_wait3A_591] : memref<8x2x128xi32, #tpu.memory_space<vmem>> -> memref<1x1x128xi32, #tpu.memory_space<vmem>>
      %dma_wait3A_593 = tpu.memref_squeeze %dma_wait3A_592 : memref<1x1x128xi32, #tpu.memory_space<vmem>> -> memref<128xi32, #tpu.memory_space<vmem>>
      %dma_wait3A_594 = arith.constant 0 : i32
      %dma_wait3A_595 = arith.constant 0 : i32
      %dma_wait3A_596 = tpu.memref_slice %arg2[%dma_wait3A_594, %dma_wait3A_595] : memref<10240x128xf32, #tpu.memory_space<hbm>> -> memref<10240x128xf32, #tpu.memory_space<hbm>>
      tpu.wait_indirect_dma semaphore(%arg13 : memref<!tpu.dma_semaphore, #tpu.memory_space<semaphore_mem>>) src(%dma_wait3A_596 : memref<10240x128xf32, #tpu.memory_space<hbm>>) dst(%arg8 : memref<128x128xf32, #tpu.memory_space<vmem>>)
      %dma_start3A_597 = arith.constant 7 : i32
      %dma_start3A_598 = arith.constant 1 : i32
      %dma_start3A_599 = arith.constant 0 : i32
      %dma_start3A_600 = tpu.memref_slice %arg6[%dma_start3A_597, %dma_start3A_598, %dma_start3A_599] : memref<8x2x128xi32, #tpu.memory_space<vmem>> -> memref<1x1x128xi32, #tpu.memory_space<vmem>>
      %dma_start3A_601 = tpu.memref_squeeze %dma_start3A_600 : memref<1x1x128xi32, #tpu.memory_space<vmem>> -> memref<128xi32, #tpu.memory_space<vmem>>
      %dma_start3A_602 = arith.constant 0 : i32
      %dma_start3A_603 = arith.constant 0 : i32
      %dma_start3A_604 = tpu.memref_slice %arg9[%dma_start3A_602, %dma_start3A_603] : memref<10240x128xf32, #tpu.memory_space<vmem_shared>> -> memref<10240x128xf32, #tpu.memory_space<vmem_shared>>
      tpu.enqueue_indirect_dma source(%arg8 : memref<128x128xf32, #tpu.memory_space<vmem>>) target(%dma_start3A_604 : memref<10240x128xf32, #tpu.memory_space<vmem_shared>>) offsets(%dma_start3A_601 : memref<128xi32, #tpu.memory_space<vmem>>) semaphore(%arg15 : memref<!tpu.dma_semaphore, #tpu.memory_space<semaphore_mem>>) {add = true}
      %dma_wait3A_605 = arith.constant 0 : i32
      %dma_wait3A_606 = arith.constant 1 : i32
      %dma_wait3A_607 = arith.constant 0 : i32
      %dma_wait3A_608 = tpu.memref_slice %arg5[%dma_wait3A_605, %dma_wait3A_606, %dma_wait3A_607] : memref<8x2x128xi32, #tpu.memory_space<vmem>> -> memref<1x1x128xi32, #tpu.memory_space<vmem>>
      %dma_wait3A_609 = tpu.memref_squeeze %dma_wait3A_608 : memref<1x1x128xi32, #tpu.memory_space<vmem>> -> memref<128xi32, #tpu.memory_space<vmem>>
      %dma_wait3A_610 = arith.constant 0 : i32
      %dma_wait3A_611 = arith.constant 0 : i32
      %dma_wait3A_612 = tpu.memref_slice %arg9[%dma_wait3A_610, %dma_wait3A_611] : memref<10240x128xf32, #tpu.memory_space<vmem_shared>> -> memref<10240x128xf32, #tpu.memory_space<vmem_shared>>
      tpu.wait_indirect_dma semaphore(%arg15 : memref<!tpu.dma_semaphore, #tpu.memory_space<semaphore_mem>>) src(%arg8 : memref<128x128xf32, #tpu.memory_space<vmem>>) dst(%dma_wait3A_612 : memref<10240x128xf32, #tpu.memory_space<vmem_shared>>)
      %add3A_613 = arith.constant 1 : i32
      %add3A_614 = arith.addi %add3A_366, %add3A_613 : i32
      %lt3A_615 = arith.cmpi slt, %add3A_614, %select_n3A_8 : i32
      %convert_element_type3A_616 = arith.extui %lt3A_615 : i1 to i32
      %cond3A_617 = arith.constant 0 : i32
      %cond3A_618 = arith.cmpi ne, %convert_element_type3A_616, %cond3A_617 : i32
      scf.if %cond3A_618 {
        %dma_start3A_626 = arith.constant 1 : i32
        %dma_start3A_627 = arith.constant 0 : i32
        %dma_start3A_628 = arith.constant 0 : i32
        %dma_start3A_629 = tpu.memref_slice %arg5[%dma_start3A_626, %dma_start3A_627, %dma_start3A_628] : memref<8x2x128xi32, #tpu.memory_space<vmem>> -> memref<1x1x128xi32, #tpu.memory_space<vmem>>
        %dma_start3A_630 = tpu.memref_squeeze %dma_start3A_629 : memref<1x1x128xi32, #tpu.memory_space<vmem>> -> memref<128xi32, #tpu.memory_space<vmem>>
        %dma_start3A_631 = arith.constant 0 : i32
        %dma_start3A_632 = arith.constant 0 : i32
        %dma_start3A_633 = tpu.memref_slice %arg2[%dma_start3A_631, %dma_start3A_632] : memref<10240x128xf32, #tpu.memory_space<hbm>> -> memref<10240x128xf32, #tpu.memory_space<hbm>>
        tpu.enqueue_indirect_dma source(%dma_start3A_633 : memref<10240x128xf32, #tpu.memory_space<hbm>>) target(%arg8 : memref<128x128xf32, #tpu.memory_space<vmem>>) offsets(%dma_start3A_630 : memref<128xi32, #tpu.memory_space<vmem>>) semaphore(%arg13 : memref<!tpu.dma_semaphore, #tpu.memory_space<semaphore_mem>>)
      } else {
      }
      %add3A_619 = arith.constant 2 : i32
      %add3A_620 = arith.addi %add3A_366, %add3A_619 : i32
      %lt3A_621 = arith.cmpi slt, %add3A_620, %select_n3A_8 : i32
      %convert_element_type3A_622 = arith.extui %lt3A_621 : i1 to i32
      %cond3A_623 = arith.constant 0 : i32
      %cond3A_624 = arith.cmpi ne, %convert_element_type3A_622, %cond3A_623 : i32
      scf.if %cond3A_624 {
        %add3A_626 = arith.constant 2 : i32
        %add3A_627 = arith.addi %add3A_366, %add3A_626 : i32
        %add3A_628 = arith.addi %select_n3A, %add3A_627 : i32
        %dma_start3A_629 = arith.constant 0 : i32
        %dma_start3A_630 = arith.constant 0 : i32
        %dma_start3A_631 = arith.constant 0 : i32
        %dma_start3A_632 = tpu.memref_slice %arg3[%add3A_628, %dma_start3A_629, %dma_start3A_630, %dma_start3A_631] : memref<320x8x2x128xi32, #tpu.memory_space<hbm>> -> memref<1x8x2x128xi32, #tpu.memory_space<hbm>>
        %dma_start3A_633 = tpu.memref_squeeze %dma_start3A_632 : memref<1x8x2x128xi32, #tpu.memory_space<hbm>> -> memref<8x2x128xi32, #tpu.memory_space<hbm>>
        %dma_start3A_634 = arith.constant 0 : i32
        %dma_start3A_635 = arith.constant 0 : i32
        %dma_start3A_636 = arith.constant 0 : i32
        %dma_start3A_637 = tpu.memref_slice %arg3[%add3A_628, %dma_start3A_634, %dma_start3A_635, %dma_start3A_636] : memref<320x8x2x128xi32, #tpu.memory_space<hbm>> -> memref<1x8x2x128xi32, #tpu.memory_space<hbm>>
        %dma_start3A_638 = tpu.memref_squeeze %dma_start3A_637 : memref<1x8x2x128xi32, #tpu.memory_space<hbm>> -> memref<8x2x128xi32, #tpu.memory_space<hbm>>
        tpu.enqueue_dma source(%dma_start3A_638 : memref<8x2x128xi32, #tpu.memory_space<hbm>>) target(%arg6 : memref<8x2x128xi32, #tpu.memory_space<vmem>>) target_semaphore(%arg11 : memref<!tpu.dma_semaphore, #tpu.memory_space<semaphore_mem>>)
      } else {
      }
      %while3A_625 = arith.constant 0 : i32
      scf.yield %while3A_625 : i32
    }
    %while3A_101 = arith.constant 1 : i32
    %while3A_102 = scf.for %while3A_104 = %while3A_98 to %while3A_94 step %while3A_101 iter_args(%while3A_105 = %while3A_100) -> (i32)  : i32 {
      %mul3A_106 = arith.constant 2 : i32
      %mul3A_107 = arith.muli %mul3A_106, %while3A_104 : i32
      %dma_wait3A_108 = arith.constant 0 : i32
      %dma_wait3A_109 = arith.constant 0 : i32
      %dma_wait3A_110 = arith.constant 0 : i32
      %dma_wait3A_111 = tpu.memref_slice %arg5[%dma_wait3A_108, %dma_wait3A_109, %dma_wait3A_110] : memref<8x2x128xi32, #tpu.memory_space<vmem>> -> memref<1x1x128xi32, #tpu.memory_space<vmem>>
      %dma_wait3A_112 = tpu.memref_squeeze %dma_wait3A_111 : memref<1x1x128xi32, #tpu.memory_space<vmem>> -> memref<128xi32, #tpu.memory_space<vmem>>
      %dma_wait3A_113 = arith.constant 0 : i32
      %dma_wait3A_114 = arith.constant 0 : i32
      %dma_wait3A_115 = tpu.memref_slice %arg2[%dma_wait3A_113, %dma_wait3A_114] : memref<10240x128xf32, #tpu.memory_space<hbm>> -> memref<10240x128xf32, #tpu.memory_space<hbm>>
      tpu.wait_indirect_dma semaphore(%arg12 : memref<!tpu.dma_semaphore, #tpu.memory_space<semaphore_mem>>) src(%dma_wait3A_115 : memref<10240x128xf32, #tpu.memory_space<hbm>>) dst(%arg7 : memref<128x128xf32, #tpu.memory_space<vmem>>)
      %dma_start3A_116 = arith.constant 0 : i32
      %dma_start3A_117 = arith.constant 1 : i32
      %dma_start3A_118 = arith.constant 0 : i32
      %dma_start3A_119 = tpu.memref_slice %arg5[%dma_start3A_116, %dma_start3A_117, %dma_start3A_118] : memref<8x2x128xi32, #tpu.memory_space<vmem>> -> memref<1x1x128xi32, #tpu.memory_space<vmem>>
      %dma_start3A_120 = tpu.memref_squeeze %dma_start3A_119 : memref<1x1x128xi32, #tpu.memory_space<vmem>> -> memref<128xi32, #tpu.memory_space<vmem>>
      %dma_start3A_121 = arith.constant 0 : i32
      %dma_start3A_122 = arith.constant 0 : i32
      %dma_start3A_123 = tpu.memref_slice %arg9[%dma_start3A_121, %dma_start3A_122] : memref<10240x128xf32, #tpu.memory_space<vmem_shared>> -> memref<10240x128xf32, #tpu.memory_space<vmem_shared>>
      tpu.enqueue_indirect_dma source(%arg7 : memref<128x128xf32, #tpu.memory_space<vmem>>) target(%dma_start3A_123 : memref<10240x128xf32, #tpu.memory_space<vmem_shared>>) offsets(%dma_start3A_120 : memref<128xi32, #tpu.memory_space<vmem>>) semaphore(%arg14 : memref<!tpu.dma_semaphore, #tpu.memory_space<semaphore_mem>>) {add = true}
      %dma_wait3A_124 = arith.constant 0 : i32
      %dma_wait3A_125 = arith.constant 1 : i32
      %dma_wait3A_126 = arith.constant 0 : i32
      %dma_wait3A_127 = tpu.memref_slice %arg5[%dma_wait3A_124, %dma_wait3A_125, %dma_wait3A_126] : memref<8x2x128xi32, #tpu.memory_space<vmem>> -> memref<1x1x128xi32, #tpu.memory_space<vmem>>
      %dma_wait3A_128 = tpu.memref_squeeze %dma_wait3A_127 : memref<1x1x128xi32, #tpu.memory_space<vmem>> -> memref<128xi32, #tpu.memory_space<vmem>>
      %dma_wait3A_129 = arith.constant 0 : i32
      %dma_wait3A_130 = arith.constant 0 : i32
      %dma_wait3A_131 = tpu.memref_slice %arg9[%dma_wait3A_129, %dma_wait3A_130] : memref<10240x128xf32, #tpu.memory_space<vmem_shared>> -> memref<10240x128xf32, #tpu.memory_space<vmem_shared>>
      tpu.wait_indirect_dma semaphore(%arg14 : memref<!tpu.dma_semaphore, #tpu.memory_space<semaphore_mem>>) src(%arg7 : memref<128x128xf32, #tpu.memory_space<vmem>>) dst(%dma_wait3A_131 : memref<10240x128xf32, #tpu.memory_space<vmem_shared>>)
      %dma_start3A_132 = arith.constant 2 : i32
      %dma_start3A_133 = arith.constant 0 : i32
      %dma_start3A_134 = arith.constant 0 : i32
      %dma_start3A_135 = tpu.memref_slice %arg5[%dma_start3A_132, %dma_start3A_133, %dma_start3A_134] : memref<8x2x128xi32, #tpu.memory_space<vmem>> -> memref<1x1x128xi32, #tpu.memory_space<vmem>>
      %dma_start3A_136 = tpu.memref_squeeze %dma_start3A_135 : memref<1x1x128xi32, #tpu.memory_space<vmem>> -> memref<128xi32, #tpu.memory_space<vmem>>
      %dma_start3A_137 = arith.constant 0 : i32
      %dma_start3A_138 = arith.constant 0 : i32
      %dma_start3A_139 = tpu.memref_slice %arg2[%dma_start3A_137, %dma_start3A_138] : memref<10240x128xf32, #tpu.memory_space<hbm>> -> memref<10240x128xf32, #tpu.memory_space<hbm>>
      tpu.enqueue_indirect_dma source(%dma_start3A_139 : memref<10240x128xf32, #tpu.memory_space<hbm>>) target(%arg7 : memref<128x128xf32, #tpu.memory_space<vmem>>) offsets(%dma_start3A_136 : memref<128xi32, #tpu.memory_space<vmem>>) semaphore(%arg12 : memref<!tpu.dma_semaphore, #tpu.memory_space<semaphore_mem>>)
      %dma_wait3A_140 = arith.constant 0 : i32
      %dma_wait3A_141 = arith.constant 0 : i32
      %dma_wait3A_142 = arith.constant 0 : i32
      %dma_wait3A_143 = tpu.memref_slice %arg5[%dma_wait3A_140, %dma_wait3A_141, %dma_wait3A_142] : memref<8x2x128xi32, #tpu.memory_space<vmem>> -> memref<1x1x128xi32, #tpu.memory_space<vmem>>
      %dma_wait3A_144 = tpu.memref_squeeze %dma_wait3A_143 : memref<1x1x128xi32, #tpu.memory_space<vmem>> -> memref<128xi32, #tpu.memory_space<vmem>>
      %dma_wait3A_145 = arith.constant 0 : i32
      %dma_wait3A_146 = arith.constant 0 : i32
      %dma_wait3A_147 = tpu.memref_slice %arg2[%dma_wait3A_145, %dma_wait3A_146] : memref<10240x128xf32, #tpu.memory_space<hbm>> -> memref<10240x128xf32, #tpu.memory_space<hbm>>
      tpu.wait_indirect_dma semaphore(%arg13 : memref<!tpu.dma_semaphore, #tpu.memory_space<semaphore_mem>>) src(%dma_wait3A_147 : memref<10240x128xf32, #tpu.memory_space<hbm>>) dst(%arg8 : memref<128x128xf32, #tpu.memory_space<vmem>>)
      %dma_start3A_148 = arith.constant 1 : i32
      %dma_start3A_149 = arith.constant 1 : i32
      %dma_start3A_150 = arith.constant 0 : i32
      %dma_start3A_151 = tpu.memref_slice %arg5[%dma_start3A_148, %dma_start3A_149, %dma_start3A_150] : memref<8x2x128xi32, #tpu.memory_space<vmem>> -> memref<1x1x128xi32, #tpu.memory_space<vmem>>
      %dma_start3A_152 = tpu.memref_squeeze %dma_start3A_151 : memref<1x1x128xi32, #tpu.memory_space<vmem>> -> memref<128xi32, #tpu.memory_space<vmem>>
      %dma_start3A_153 = arith.constant 0 : i32
      %dma_start3A_154 = arith.constant 0 : i32
      %dma_start3A_155 = tpu.memref_slice %arg9[%dma_start3A_153, %dma_start3A_154] : memref<10240x128xf32, #tpu.memory_space<vmem_shared>> -> memref<10240x128xf32, #tpu.memory_space<vmem_shared>>
      tpu.enqueue_indirect_dma source(%arg8 : memref<128x128xf32, #tpu.memory_space<vmem>>) target(%dma_start3A_155 : memref<10240x128xf32, #tpu.memory_space<vmem_shared>>) offsets(%dma_start3A_152 : memref<128xi32, #tpu.memory_space<vmem>>) semaphore(%arg15 : memref<!tpu.dma_semaphore, #tpu.memory_space<semaphore_mem>>) {add = true}
      %dma_wait3A_156 = arith.constant 0 : i32
      %dma_wait3A_157 = arith.constant 1 : i32
      %dma_wait3A_158 = arith.constant 0 : i32
      %dma_wait3A_159 = tpu.memref_slice %arg5[%dma_wait3A_156, %dma_wait3A_157, %dma_wait3A_158] : memref<8x2x128xi32, #tpu.memory_space<vmem>> -> memref<1x1x128xi32, #tpu.memory_space<vmem>>
      %dma_wait3A_160 = tpu.memref_squeeze %dma_wait3A_159 : memref<1x1x128xi32, #tpu.memory_space<vmem>> -> memref<128xi32, #tpu.memory_space<vmem>>
      %dma_wait3A_161 = arith.constant 0 : i32
      %dma_wait3A_162 = arith.constant 0 : i32
      %dma_wait3A_163 = tpu.memref_slice %arg9[%dma_wait3A_161, %dma_wait3A_162] : memref<10240x128xf32, #tpu.memory_space<vmem_shared>> -> memref<10240x128xf32, #tpu.memory_space<vmem_shared>>
      tpu.wait_indirect_dma semaphore(%arg15 : memref<!tpu.dma_semaphore, #tpu.memory_space<semaphore_mem>>) src(%arg8 : memref<128x128xf32, #tpu.memory_space<vmem>>) dst(%dma_wait3A_163 : memref<10240x128xf32, #tpu.memory_space<vmem_shared>>)
      %dma_start3A_164 = arith.constant 3 : i32
      %dma_start3A_165 = arith.constant 0 : i32
      %dma_start3A_166 = arith.constant 0 : i32
      %dma_start3A_167 = tpu.memref_slice %arg5[%dma_start3A_164, %dma_start3A_165, %dma_start3A_166] : memref<8x2x128xi32, #tpu.memory_space<vmem>> -> memref<1x1x128xi32, #tpu.memory_space<vmem>>
      %dma_start3A_168 = tpu.memref_squeeze %dma_start3A_167 : memref<1x1x128xi32, #tpu.memory_space<vmem>> -> memref<128xi32, #tpu.memory_space<vmem>>
      %dma_start3A_169 = arith.constant 0 : i32
      %dma_start3A_170 = arith.constant 0 : i32
      %dma_start3A_171 = tpu.memref_slice %arg2[%dma_start3A_169, %dma_start3A_170] : memref<10240x128xf32, #tpu.memory_space<hbm>> -> memref<10240x128xf32, #tpu.memory_space<hbm>>
      tpu.enqueue_indirect_dma source(%dma_start3A_171 : memref<10240x128xf32, #tpu.memory_space<hbm>>) target(%arg8 : memref<128x128xf32, #tpu.memory_space<vmem>>) offsets(%dma_start3A_168 : memref<128xi32, #tpu.memory_space<vmem>>) semaphore(%arg13 : memref<!tpu.dma_semaphore, #tpu.memory_space<semaphore_mem>>)
      %dma_wait3A_172 = arith.constant 0 : i32
      %dma_wait3A_173 = arith.constant 0 : i32
      %dma_wait3A_174 = arith.constant 0 : i32
      %dma_wait3A_175 = tpu.memref_slice %arg5[%dma_wait3A_172, %dma_wait3A_173, %dma_wait3A_174] : memref<8x2x128xi32, #tpu.memory_space<vmem>> -> memref<1x1x128xi32, #tpu.memory_space<vmem>>
      %dma_wait3A_176 = tpu.memref_squeeze %dma_wait3A_175 : memref<1x1x128xi32, #tpu.memory_space<vmem>> -> memref<128xi32, #tpu.memory_space<vmem>>
      %dma_wait3A_177 = arith.constant 0 : i32
      %dma_wait3A_178 = arith.constant 0 : i32
      %dma_wait3A_179 = tpu.memref_slice %arg2[%dma_wait3A_177, %dma_wait3A_178] : memref<10240x128xf32, #tpu.memory_space<hbm>> -> memref<10240x128xf32, #tpu.memory_space<hbm>>
      tpu.wait_indirect_dma semaphore(%arg12 : memref<!tpu.dma_semaphore, #tpu.memory_space<semaphore_mem>>) src(%dma_wait3A_179 : memref<10240x128xf32, #tpu.memory_space<hbm>>) dst(%arg7 : memref<128x128xf32, #tpu.memory_space<vmem>>)
      %dma_start3A_180 = arith.constant 2 : i32
      %dma_start3A_181 = arith.constant 1 : i32
      %dma_start3A_182 = arith.constant 0 : i32
      %dma_start3A_183 = tpu.memref_slice %arg5[%dma_start3A_180, %dma_start3A_181, %dma_start3A_182] : memref<8x2x128xi32, #tpu.memory_space<vmem>> -> memref<1x1x128xi32, #tpu.memory_space<vmem>>
      %dma_start3A_184 = tpu.memref_squeeze %dma_start3A_183 : memref<1x1x128xi32, #tpu.memory_space<vmem>> -> memref<128xi32, #tpu.memory_space<vmem>>
      %dma_start3A_185 = arith.constant 0 : i32
      %dma_start3A_186 = arith.constant 0 : i32
      %dma_start3A_187 = tpu.memref_slice %arg9[%dma_start3A_185, %dma_start3A_186] : memref<10240x128xf32, #tpu.memory_space<vmem_shared>> -> memref<10240x128xf32, #tpu.memory_space<vmem_shared>>
      tpu.enqueue_indirect_dma source(%arg7 : memref<128x128xf32, #tpu.memory_space<vmem>>) target(%dma_start3A_187 : memref<10240x128xf32, #tpu.memory_space<vmem_shared>>) offsets(%dma_start3A_184 : memref<128xi32, #tpu.memory_space<vmem>>) semaphore(%arg14 : memref<!tpu.dma_semaphore, #tpu.memory_space<semaphore_mem>>) {add = true}
      %dma_wait3A_188 = arith.constant 0 : i32
      %dma_wait3A_189 = arith.constant 1 : i32
      %dma_wait3A_190 = arith.constant 0 : i32
      %dma_wait3A_191 = tpu.memref_slice %arg5[%dma_wait3A_188, %dma_wait3A_189, %dma_wait3A_190] : memref<8x2x128xi32, #tpu.memory_space<vmem>> -> memref<1x1x128xi32, #tpu.memory_space<vmem>>
      %dma_wait3A_192 = tpu.memref_squeeze %dma_wait3A_191 : memref<1x1x128xi32, #tpu.memory_space<vmem>> -> memref<128xi32, #tpu.memory_space<vmem>>
      %dma_wait3A_193 = arith.constant 0 : i32
      %dma_wait3A_194 = arith.constant 0 : i32
      %dma_wait3A_195 = tpu.memref_slice %arg9[%dma_wait3A_193, %dma_wait3A_194] : memref<10240x128xf32, #tpu.memory_space<vmem_shared>> -> memref<10240x128xf32, #tpu.memory_space<vmem_shared>>
      tpu.wait_indirect_dma semaphore(%arg14 : memref<!tpu.dma_semaphore, #tpu.memory_space<semaphore_mem>>) src(%arg7 : memref<128x128xf32, #tpu.memory_space<vmem>>) dst(%dma_wait3A_195 : memref<10240x128xf32, #tpu.memory_space<vmem_shared>>)
      %dma_start3A_196 = arith.constant 4 : i32
      %dma_start3A_197 = arith.constant 0 : i32
      %dma_start3A_198 = arith.constant 0 : i32
      %dma_start3A_199 = tpu.memref_slice %arg5[%dma_start3A_196, %dma_start3A_197, %dma_start3A_198] : memref<8x2x128xi32, #tpu.memory_space<vmem>> -> memref<1x1x128xi32, #tpu.memory_space<vmem>>
      %dma_start3A_200 = tpu.memref_squeeze %dma_start3A_199 : memref<1x1x128xi32, #tpu.memory_space<vmem>> -> memref<128xi32, #tpu.memory_space<vmem>>
      %dma_start3A_201 = arith.constant 0 : i32
      %dma_start3A_202 = arith.constant 0 : i32
      %dma_start3A_203 = tpu.memref_slice %arg2[%dma_start3A_201, %dma_start3A_202] : memref<10240x128xf32, #tpu.memory_space<hbm>> -> memref<10240x128xf32, #tpu.memory_space<hbm>>
      tpu.enqueue_indirect_dma source(%dma_start3A_203 : memref<10240x128xf32, #tpu.memory_space<hbm>>) target(%arg7 : memref<128x128xf32, #tpu.memory_space<vmem>>) offsets(%dma_start3A_200 : memref<128xi32, #tpu.memory_space<vmem>>) semaphore(%arg12 : memref<!tpu.dma_semaphore, #tpu.memory_space<semaphore_mem>>)
      %dma_wait3A_204 = arith.constant 0 : i32
      %dma_wait3A_205 = arith.constant 0 : i32
      %dma_wait3A_206 = arith.constant 0 : i32
      %dma_wait3A_207 = tpu.memref_slice %arg5[%dma_wait3A_204, %dma_wait3A_205, %dma_wait3A_206] : memref<8x2x128xi32, #tpu.memory_space<vmem>> -> memref<1x1x128xi32, #tpu.memory_space<vmem>>
      %dma_wait3A_208 = tpu.memref_squeeze %dma_wait3A_207 : memref<1x1x128xi32, #tpu.memory_space<vmem>> -> memref<128xi32, #tpu.memory_space<vmem>>
      %dma_wait3A_209 = arith.constant 0 : i32
      %dma_wait3A_210 = arith.constant 0 : i32
      %dma_wait3A_211 = tpu.memref_slice %arg2[%dma_wait3A_209, %dma_wait3A_210] : memref<10240x128xf32, #tpu.memory_space<hbm>> -> memref<10240x128xf32, #tpu.memory_space<hbm>>
      tpu.wait_indirect_dma semaphore(%arg13 : memref<!tpu.dma_semaphore, #tpu.memory_space<semaphore_mem>>) src(%dma_wait3A_211 : memref<10240x128xf32, #tpu.memory_space<hbm>>) dst(%arg8 : memref<128x128xf32, #tpu.memory_space<vmem>>)
      %dma_start3A_212 = arith.constant 3 : i32
      %dma_start3A_213 = arith.constant 1 : i32
      %dma_start3A_214 = arith.constant 0 : i32
      %dma_start3A_215 = tpu.memref_slice %arg5[%dma_start3A_212, %dma_start3A_213, %dma_start3A_214] : memref<8x2x128xi32, #tpu.memory_space<vmem>> -> memref<1x1x128xi32, #tpu.memory_space<vmem>>
      %dma_start3A_216 = tpu.memref_squeeze %dma_start3A_215 : memref<1x1x128xi32, #tpu.memory_space<vmem>> -> memref<128xi32, #tpu.memory_space<vmem>>
      %dma_start3A_217 = arith.constant 0 : i32
      %dma_start3A_218 = arith.constant 0 : i32
      %dma_start3A_219 = tpu.memref_slice %arg9[%dma_start3A_217, %dma_start3A_218] : memref<10240x128xf32, #tpu.memory_space<vmem_shared>> -> memref<10240x128xf32, #tpu.memory_space<vmem_shared>>
      tpu.enqueue_indirect_dma source(%arg8 : memref<128x128xf32, #tpu.memory_space<vmem>>) target(%dma_start3A_219 : memref<10240x128xf32, #tpu.memory_space<vmem_shared>>) offsets(%dma_start3A_216 : memref<128xi32, #tpu.memory_space<vmem>>) semaphore(%arg15 : memref<!tpu.dma_semaphore, #tpu.memory_space<semaphore_mem>>) {add = true}
      %dma_wait3A_220 = arith.constant 0 : i32
      %dma_wait3A_221 = arith.constant 1 : i32
      %dma_wait3A_222 = arith.constant 0 : i32
      %dma_wait3A_223 = tpu.memref_slice %arg5[%dma_wait3A_220, %dma_wait3A_221, %dma_wait3A_222] : memref<8x2x128xi32, #tpu.memory_space<vmem>> -> memref<1x1x128xi32, #tpu.memory_space<vmem>>
      %dma_wait3A_224 = tpu.memref_squeeze %dma_wait3A_223 : memref<1x1x128xi32, #tpu.memory_space<vmem>> -> memref<128xi32, #tpu.memory_space<vmem>>
      %dma_wait3A_225 = arith.constant 0 : i32
      %dma_wait3A_226 = arith.constant 0 : i32
      %dma_wait3A_227 = tpu.memref_slice %arg9[%dma_wait3A_225, %dma_wait3A_226] : memref<10240x128xf32, #tpu.memory_space<vmem_shared>> -> memref<10240x128xf32, #tpu.memory_space<vmem_shared>>
      tpu.wait_indirect_dma semaphore(%arg15 : memref<!tpu.dma_semaphore, #tpu.memory_space<semaphore_mem>>) src(%arg8 : memref<128x128xf32, #tpu.memory_space<vmem>>) dst(%dma_wait3A_227 : memref<10240x128xf32, #tpu.memory_space<vmem_shared>>)
      %dma_start3A_228 = arith.constant 5 : i32
      %dma_start3A_229 = arith.constant 0 : i32
      %dma_start3A_230 = arith.constant 0 : i32
      %dma_start3A_231 = tpu.memref_slice %arg5[%dma_start3A_228, %dma_start3A_229, %dma_start3A_230] : memref<8x2x128xi32, #tpu.memory_space<vmem>> -> memref<1x1x128xi32, #tpu.memory_space<vmem>>
      %dma_start3A_232 = tpu.memref_squeeze %dma_start3A_231 : memref<1x1x128xi32, #tpu.memory_space<vmem>> -> memref<128xi32, #tpu.memory_space<vmem>>
      %dma_start3A_233 = arith.constant 0 : i32
      %dma_start3A_234 = arith.constant 0 : i32
      %dma_start3A_235 = tpu.memref_slice %arg2[%dma_start3A_233, %dma_start3A_234] : memref<10240x128xf32, #tpu.memory_space<hbm>> -> memref<10240x128xf32, #tpu.memory_space<hbm>>
      tpu.enqueue_indirect_dma source(%dma_start3A_235 : memref<10240x128xf32, #tpu.memory_space<hbm>>) target(%arg8 : memref<128x128xf32, #tpu.memory_space<vmem>>) offsets(%dma_start3A_232 : memref<128xi32, #tpu.memory_space<vmem>>) semaphore(%arg13 : memref<!tpu.dma_semaphore, #tpu.memory_space<semaphore_mem>>)
      %dma_wait3A_236 = arith.constant 0 : i32
      %dma_wait3A_237 = arith.constant 0 : i32
      %dma_wait3A_238 = arith.constant 0 : i32
      %dma_wait3A_239 = tpu.memref_slice %arg5[%dma_wait3A_236, %dma_wait3A_237, %dma_wait3A_238] : memref<8x2x128xi32, #tpu.memory_space<vmem>> -> memref<1x1x128xi32, #tpu.memory_space<vmem>>
      %dma_wait3A_240 = tpu.memref_squeeze %dma_wait3A_239 : memref<1x1x128xi32, #tpu.memory_space<vmem>> -> memref<128xi32, #tpu.memory_space<vmem>>
      %dma_wait3A_241 = arith.constant 0 : i32
      %dma_wait3A_242 = arith.constant 0 : i32
      %dma_wait3A_243 = tpu.memref_slice %arg2[%dma_wait3A_241, %dma_wait3A_242] : memref<10240x128xf32, #tpu.memory_space<hbm>> -> memref<10240x128xf32, #tpu.memory_space<hbm>>
      tpu.wait_indirect_dma semaphore(%arg12 : memref<!tpu.dma_semaphore, #tpu.memory_space<semaphore_mem>>) src(%dma_wait3A_243 : memref<10240x128xf32, #tpu.memory_space<hbm>>) dst(%arg7 : memref<128x128xf32, #tpu.memory_space<vmem>>)
      %dma_start3A_244 = arith.constant 4 : i32
      %dma_start3A_245 = arith.constant 1 : i32
      %dma_start3A_246 = arith.constant 0 : i32
      %dma_start3A_247 = tpu.memref_slice %arg5[%dma_start3A_244, %dma_start3A_245, %dma_start3A_246] : memref<8x2x128xi32, #tpu.memory_space<vmem>> -> memref<1x1x128xi32, #tpu.memory_space<vmem>>
      %dma_start3A_248 = tpu.memref_squeeze %dma_start3A_247 : memref<1x1x128xi32, #tpu.memory_space<vmem>> -> memref<128xi32, #tpu.memory_space<vmem>>
      %dma_start3A_249 = arith.constant 0 : i32
      %dma_start3A_250 = arith.constant 0 : i32
      %dma_start3A_251 = tpu.memref_slice %arg9[%dma_start3A_249, %dma_start3A_250] : memref<10240x128xf32, #tpu.memory_space<vmem_shared>> -> memref<10240x128xf32, #tpu.memory_space<vmem_shared>>
      tpu.enqueue_indirect_dma source(%arg7 : memref<128x128xf32, #tpu.memory_space<vmem>>) target(%dma_start3A_251 : memref<10240x128xf32, #tpu.memory_space<vmem_shared>>) offsets(%dma_start3A_248 : memref<128xi32, #tpu.memory_space<vmem>>) semaphore(%arg14 : memref<!tpu.dma_semaphore, #tpu.memory_space<semaphore_mem>>) {add = true}
      %dma_wait3A_252 = arith.constant 0 : i32
      %dma_wait3A_253 = arith.constant 1 : i32
      %dma_wait3A_254 = arith.constant 0 : i32
      %dma_wait3A_255 = tpu.memref_slice %arg5[%dma_wait3A_252, %dma_wait3A_253, %dma_wait3A_254] : memref<8x2x128xi32, #tpu.memory_space<vmem>> -> memref<1x1x128xi32, #tpu.memory_space<vmem>>
      %dma_wait3A_256 = tpu.memref_squeeze %dma_wait3A_255 : memref<1x1x128xi32, #tpu.memory_space<vmem>> -> memref<128xi32, #tpu.memory_space<vmem>>
      %dma_wait3A_257 = arith.constant 0 : i32
      %dma_wait3A_258 = arith.constant 0 : i32
      %dma_wait3A_259 = tpu.memref_slice %arg9[%dma_wait3A_257, %dma_wait3A_258] : memref<10240x128xf32, #tpu.memory_space<vmem_shared>> -> memref<10240x128xf32, #tpu.memory_space<vmem_shared>>
      tpu.wait_indirect_dma semaphore(%arg14 : memref<!tpu.dma_semaphore, #tpu.memory_space<semaphore_mem>>) src(%arg7 : memref<128x128xf32, #tpu.memory_space<vmem>>) dst(%dma_wait3A_259 : memref<10240x128xf32, #tpu.memory_space<vmem_shared>>)
      %dma_start3A_260 = arith.constant 6 : i32
      %dma_start3A_261 = arith.constant 0 : i32
      %dma_start3A_262 = arith.constant 0 : i32
      %dma_start3A_263 = tpu.memref_slice %arg5[%dma_start3A_260, %dma_start3A_261, %dma_start3A_262] : memref<8x2x128xi32, #tpu.memory_space<vmem>> -> memref<1x1x128xi32, #tpu.memory_space<vmem>>
      %dma_start3A_264 = tpu.memref_squeeze %dma_start3A_263 : memref<1x1x128xi32, #tpu.memory_space<vmem>> -> memref<128xi32, #tpu.memory_space<vmem>>
      %dma_start3A_265 = arith.constant 0 : i32
      %dma_start3A_266 = arith.constant 0 : i32
      %dma_start3A_267 = tpu.memref_slice %arg2[%dma_start3A_265, %dma_start3A_266] : memref<10240x128xf32, #tpu.memory_space<hbm>> -> memref<10240x128xf32, #tpu.memory_space<hbm>>
      tpu.enqueue_indirect_dma source(%dma_start3A_267 : memref<10240x128xf32, #tpu.memory_space<hbm>>) target(%arg7 : memref<128x128xf32, #tpu.memory_space<vmem>>) offsets(%dma_start3A_264 : memref<128xi32, #tpu.memory_space<vmem>>) semaphore(%arg12 : memref<!tpu.dma_semaphore, #tpu.memory_space<semaphore_mem>>)
      %dma_wait3A_268 = arith.constant 0 : i32
      %dma_wait3A_269 = arith.constant 0 : i32
      %dma_wait3A_270 = arith.constant 0 : i32
      %dma_wait3A_271 = tpu.memref_slice %arg5[%dma_wait3A_268, %dma_wait3A_269, %dma_wait3A_270] : memref<8x2x128xi32, #tpu.memory_space<vmem>> -> memref<1x1x128xi32, #tpu.memory_space<vmem>>
      %dma_wait3A_272 = tpu.memref_squeeze %dma_wait3A_271 : memref<1x1x128xi32, #tpu.memory_space<vmem>> -> memref<128xi32, #tpu.memory_space<vmem>>
      %dma_wait3A_273 = arith.constant 0 : i32
      %dma_wait3A_274 = arith.constant 0 : i32
      %dma_wait3A_275 = tpu.memref_slice %arg2[%dma_wait3A_273, %dma_wait3A_274] : memref<10240x128xf32, #tpu.memory_space<hbm>> -> memref<10240x128xf32, #tpu.memory_space<hbm>>
      tpu.wait_indirect_dma semaphore(%arg13 : memref<!tpu.dma_semaphore, #tpu.memory_space<semaphore_mem>>) src(%dma_wait3A_275 : memref<10240x128xf32, #tpu.memory_space<hbm>>) dst(%arg8 : memref<128x128xf32, #tpu.memory_space<vmem>>)
      %dma_start3A_276 = arith.constant 5 : i32
      %dma_start3A_277 = arith.constant 1 : i32
      %dma_start3A_278 = arith.constant 0 : i32
      %dma_start3A_279 = tpu.memref_slice %arg5[%dma_start3A_276, %dma_start3A_277, %dma_start3A_278] : memref<8x2x128xi32, #tpu.memory_space<vmem>> -> memref<1x1x128xi32, #tpu.memory_space<vmem>>
      %dma_start3A_280 = tpu.memref_squeeze %dma_start3A_279 : memref<1x1x128xi32, #tpu.memory_space<vmem>> -> memref<128xi32, #tpu.memory_space<vmem>>
      %dma_start3A_281 = arith.constant 0 : i32
      %dma_start3A_282 = arith.constant 0 : i32
      %dma_start3A_283 = tpu.memref_slice %arg9[%dma_start3A_281, %dma_start3A_282] : memref<10240x128xf32, #tpu.memory_space<vmem_shared>> -> memref<10240x128xf32, #tpu.memory_space<vmem_shared>>
      tpu.enqueue_indirect_dma source(%arg8 : memref<128x128xf32, #tpu.memory_space<vmem>>) target(%dma_start3A_283 : memref<10240x128xf32, #tpu.memory_space<vmem_shared>>) offsets(%dma_start3A_280 : memref<128xi32, #tpu.memory_space<vmem>>) semaphore(%arg15 : memref<!tpu.dma_semaphore, #tpu.memory_space<semaphore_mem>>) {add = true}
      %dma_wait3A_284 = arith.constant 0 : i32
      %dma_wait3A_285 = arith.constant 1 : i32
      %dma_wait3A_286 = arith.constant 0 : i32
      %dma_wait3A_287 = tpu.memref_slice %arg5[%dma_wait3A_284, %dma_wait3A_285, %dma_wait3A_286] : memref<8x2x128xi32, #tpu.memory_space<vmem>> -> memref<1x1x128xi32, #tpu.memory_space<vmem>>
      %dma_wait3A_288 = tpu.memref_squeeze %dma_wait3A_287 : memref<1x1x128xi32, #tpu.memory_space<vmem>> -> memref<128xi32, #tpu.memory_space<vmem>>
      %dma_wait3A_289 = arith.constant 0 : i32
      %dma_wait3A_290 = arith.constant 0 : i32
      %dma_wait3A_291 = tpu.memref_slice %arg9[%dma_wait3A_289, %dma_wait3A_290] : memref<10240x128xf32, #tpu.memory_space<vmem_shared>> -> memref<10240x128xf32, #tpu.memory_space<vmem_shared>>
      tpu.wait_indirect_dma semaphore(%arg15 : memref<!tpu.dma_semaphore, #tpu.memory_space<semaphore_mem>>) src(%arg8 : memref<128x128xf32, #tpu.memory_space<vmem>>) dst(%dma_wait3A_291 : memref<10240x128xf32, #tpu.memory_space<vmem_shared>>)
      %dma_start3A_292 = arith.constant 7 : i32
      %dma_start3A_293 = arith.constant 0 : i32
      %dma_start3A_294 = arith.constant 0 : i32
      %dma_start3A_295 = tpu.memref_slice %arg5[%dma_start3A_292, %dma_start3A_293, %dma_start3A_294] : memref<8x2x128xi32, #tpu.memory_space<vmem>> -> memref<1x1x128xi32, #tpu.memory_space<vmem>>
      %dma_start3A_296 = tpu.memref_squeeze %dma_start3A_295 : memref<1x1x128xi32, #tpu.memory_space<vmem>> -> memref<128xi32, #tpu.memory_space<vmem>>
      %dma_start3A_297 = arith.constant 0 : i32
      %dma_start3A_298 = arith.constant 0 : i32
      %dma_start3A_299 = tpu.memref_slice %arg2[%dma_start3A_297, %dma_start3A_298] : memref<10240x128xf32, #tpu.memory_space<hbm>> -> memref<10240x128xf32, #tpu.memory_space<hbm>>
      tpu.enqueue_indirect_dma source(%dma_start3A_299 : memref<10240x128xf32, #tpu.memory_space<hbm>>) target(%arg8 : memref<128x128xf32, #tpu.memory_space<vmem>>) offsets(%dma_start3A_296 : memref<128xi32, #tpu.memory_space<vmem>>) semaphore(%arg13 : memref<!tpu.dma_semaphore, #tpu.memory_space<semaphore_mem>>)
      %dma_wait3A_300 = arith.constant 0 : i32
      %dma_wait3A_301 = arith.constant 0 : i32
      %dma_wait3A_302 = arith.constant 0 : i32
      %dma_wait3A_303 = tpu.memref_slice %arg5[%dma_wait3A_300, %dma_wait3A_301, %dma_wait3A_302] : memref<8x2x128xi32, #tpu.memory_space<vmem>> -> memref<1x1x128xi32, #tpu.memory_space<vmem>>
      %dma_wait3A_304 = tpu.memref_squeeze %dma_wait3A_303 : memref<1x1x128xi32, #tpu.memory_space<vmem>> -> memref<128xi32, #tpu.memory_space<vmem>>
      %dma_wait3A_305 = arith.constant 0 : i32
      %dma_wait3A_306 = arith.constant 0 : i32
      %dma_wait3A_307 = tpu.memref_slice %arg2[%dma_wait3A_305, %dma_wait3A_306] : memref<10240x128xf32, #tpu.memory_space<hbm>> -> memref<10240x128xf32, #tpu.memory_space<hbm>>
      tpu.wait_indirect_dma semaphore(%arg12 : memref<!tpu.dma_semaphore, #tpu.memory_space<semaphore_mem>>) src(%dma_wait3A_307 : memref<10240x128xf32, #tpu.memory_space<hbm>>) dst(%arg7 : memref<128x128xf32, #tpu.memory_space<vmem>>)
      %dma_start3A_308 = arith.constant 6 : i32
      %dma_start3A_309 = arith.constant 1 : i32
      %dma_start3A_310 = arith.constant 0 : i32
      %dma_start3A_311 = tpu.memref_slice %arg5[%dma_start3A_308, %dma_start3A_309, %dma_start3A_310] : memref<8x2x128xi32, #tpu.memory_space<vmem>> -> memref<1x1x128xi32, #tpu.memory_space<vmem>>
      %dma_start3A_312 = tpu.memref_squeeze %dma_start3A_311 : memref<1x1x128xi32, #tpu.memory_space<vmem>> -> memref<128xi32, #tpu.memory_space<vmem>>
      %dma_start3A_313 = arith.constant 0 : i32
      %dma_start3A_314 = arith.constant 0 : i32
      %dma_start3A_315 = tpu.memref_slice %arg9[%dma_start3A_313, %dma_start3A_314] : memref<10240x128xf32, #tpu.memory_space<vmem_shared>> -> memref<10240x128xf32, #tpu.memory_space<vmem_shared>>
      tpu.enqueue_indirect_dma source(%arg7 : memref<128x128xf32, #tpu.memory_space<vmem>>) target(%dma_start3A_315 : memref<10240x128xf32, #tpu.memory_space<vmem_shared>>) offsets(%dma_start3A_312 : memref<128xi32, #tpu.memory_space<vmem>>) semaphore(%arg14 : memref<!tpu.dma_semaphore, #tpu.memory_space<semaphore_mem>>) {add = true}
      %dma_wait3A_316 = arith.constant 0 : i32
      %dma_wait3A_317 = arith.constant 1 : i32
      %dma_wait3A_318 = arith.constant 0 : i32
      %dma_wait3A_319 = tpu.memref_slice %arg5[%dma_wait3A_316, %dma_wait3A_317, %dma_wait3A_318] : memref<8x2x128xi32, #tpu.memory_space<vmem>> -> memref<1x1x128xi32, #tpu.memory_space<vmem>>
      %dma_wait3A_320 = tpu.memref_squeeze %dma_wait3A_319 : memref<1x1x128xi32, #tpu.memory_space<vmem>> -> memref<128xi32, #tpu.memory_space<vmem>>
      %dma_wait3A_321 = arith.constant 0 : i32
      %dma_wait3A_322 = arith.constant 0 : i32
      %dma_wait3A_323 = tpu.memref_slice %arg9[%dma_wait3A_321, %dma_wait3A_322] : memref<10240x128xf32, #tpu.memory_space<vmem_shared>> -> memref<10240x128xf32, #tpu.memory_space<vmem_shared>>
      tpu.wait_indirect_dma semaphore(%arg14 : memref<!tpu.dma_semaphore, #tpu.memory_space<semaphore_mem>>) src(%arg7 : memref<128x128xf32, #tpu.memory_space<vmem>>) dst(%dma_wait3A_323 : memref<10240x128xf32, #tpu.memory_space<vmem_shared>>)
      %add3A_324 = arith.constant 1 : i32
      %add3A_325 = arith.addi %mul3A_107, %add3A_324 : i32
      %lt3A = arith.cmpi slt, %add3A_325, %select_n3A_8 : i32
      %convert_element_type3A = arith.extui %lt3A : i1 to i32
      %cond3A = arith.constant 0 : i32
      %cond3A_326 = arith.cmpi ne, %convert_element_type3A, %cond3A : i32
      scf.if %cond3A_326 {
        %dma_wait3A_626 = arith.constant 0 : i32
        %dma_wait3A_627 = arith.constant 0 : i32
        %dma_wait3A_628 = arith.constant 0 : i32
        %dma_wait3A_629 = tpu.memref_slice %arg3[%select_n3A, %dma_wait3A_626, %dma_wait3A_627, %dma_wait3A_628] : memref<320x8x2x128xi32, #tpu.memory_space<hbm>> -> memref<1x8x2x128xi32, #tpu.memory_space<hbm>>
        %dma_wait3A_630 = tpu.memref_squeeze %dma_wait3A_629 : memref<1x8x2x128xi32, #tpu.memory_space<hbm>> -> memref<8x2x128xi32, #tpu.memory_space<hbm>>
        %dma_wait3A_631 = arith.constant 0 : i32
        %dma_wait3A_632 = arith.constant 0 : i32
        %dma_wait3A_633 = arith.constant 0 : i32
        %dma_wait3A_634 = tpu.memref_slice %arg3[%select_n3A, %dma_wait3A_631, %dma_wait3A_632, %dma_wait3A_633] : memref<320x8x2x128xi32, #tpu.memory_space<hbm>> -> memref<1x8x2x128xi32, #tpu.memory_space<hbm>>
        %dma_wait3A_635 = tpu.memref_squeeze %dma_wait3A_634 : memref<1x8x2x128xi32, #tpu.memory_space<hbm>> -> memref<8x2x128xi32, #tpu.memory_space<hbm>>
        tpu.wait_dma2 semaphore(%arg11 : memref<!tpu.dma_semaphore, #tpu.memory_space<semaphore_mem>>) src(%dma_wait3A_635 : memref<8x2x128xi32, #tpu.memory_space<hbm>>) dst(%arg6 : memref<8x2x128xi32, #tpu.memory_space<vmem>>)
        %dma_start3A_636 = arith.constant 0 : i32
        %dma_start3A_637 = arith.constant 0 : i32
        %dma_start3A_638 = arith.constant 0 : i32
        %dma_start3A_639 = tpu.memref_slice %arg6[%dma_start3A_636, %dma_start3A_637, %dma_start3A_638] : memref<8x2x128xi32, #tpu.memory_space<vmem>> -> memref<1x1x128xi32, #tpu.memory_space<vmem>>
        %dma_start3A_640 = tpu.memref_squeeze %dma_start3A_639 : memref<1x1x128xi32, #tpu.memory_space<vmem>> -> memref<128xi32, #tpu.memory_space<vmem>>
        %dma_start3A_641 = arith.constant 0 : i32
        %dma_start3A_642 = arith.constant 0 : i32
        %dma_start3A_643 = tpu.memref_slice %arg2[%dma_start3A_641, %dma_start3A_642] : memref<10240x128xf32, #tpu.memory_space<hbm>> -> memref<10240x128xf32, #tpu.memory_space<hbm>>
        tpu.enqueue_indirect_dma source(%dma_start3A_643 : memref<10240x128xf32, #tpu.memory_space<hbm>>) target(%arg7 : memref<128x128xf32, #tpu.memory_space<vmem>>) offsets(%dma_start3A_640 : memref<128xi32, #tpu.memory_space<vmem>>) semaphore(%arg12 : memref<!tpu.dma_semaphore, #tpu.memory_space<semaphore_mem>>)
      } else {
      }
      %dma_wait3A_327 = arith.constant 0 : i32
      %dma_wait3A_328 = arith.constant 0 : i32
      %dma_wait3A_329 = arith.constant 0 : i32
      %dma_wait3A_330 = tpu.memref_slice %arg5[%dma_wait3A_327, %dma_wait3A_328, %dma_wait3A_329] : memref<8x2x128xi32, #tpu.memory_space<vmem>> -> memref<1x1x128xi32, #tpu.memory_space<vmem>>
      %dma_wait3A_331 = tpu.memref_squeeze %dma_wait3A_330 : memref<1x1x128xi32, #tpu.memory_space<vmem>> -> memref<128xi32, #tpu.memory_space<vmem>>
      %dma_wait3A_332 = arith.constant 0 : i32
      %dma_wait3A_333 = arith.constant 0 : i32
      %dma_wait3A_334 = tpu.memref_slice %arg2[%dma_wait3A_332, %dma_wait3A_333] : memref<10240x128xf32, #tpu.memory_space<hbm>> -> memref<10240x128xf32, #tpu.memory_space<hbm>>
      tpu.wait_indirect_dma semaphore(%arg13 : memref<!tpu.dma_semaphore, #tpu.memory_space<semaphore_mem>>) src(%dma_wait3A_334 : memref<10240x128xf32, #tpu.memory_space<hbm>>) dst(%arg8 : memref<128x128xf32, #tpu.memory_space<vmem>>)
      %dma_start3A_335 = arith.constant 7 : i32
      %dma_start3A_336 = arith.constant 1 : i32
      %dma_start3A_337 = arith.constant 0 : i32
      %dma_start3A_338 = tpu.memref_slice %arg5[%dma_start3A_335, %dma_start3A_336, %dma_start3A_337] : memref<8x2x128xi32, #tpu.memory_space<vmem>> -> memref<1x1x128xi32, #tpu.memory_space<vmem>>
      %dma_start3A_339 = tpu.memref_squeeze %dma_start3A_338 : memref<1x1x128xi32, #tpu.memory_space<vmem>> -> memref<128xi32, #tpu.memory_space<vmem>>
      %dma_start3A_340 = arith.constant 0 : i32
      %dma_start3A_341 = arith.constant 0 : i32
      %dma_start3A_342 = tpu.memref_slice %arg9[%dma_start3A_340, %dma_start3A_341] : memref<10240x128xf32, #tpu.memory_space<vmem_shared>> -> memref<10240x128xf32, #tpu.memory_space<vmem_shared>>
      tpu.enqueue_indirect_dma source(%arg8 : memref<128x128xf32, #tpu.memory_space<vmem>>) target(%dma_start3A_342 : memref<10240x128xf32, #tpu.memory_space<vmem_shared>>) offsets(%dma_start3A_339 : memref<128xi32, #tpu.memory_space<vmem>>) semaphore(%arg15 : memref<!tpu.dma_semaphore, #tpu.memory_space<semaphore_mem>>) {add = true}
      %dma_wait3A_343 = arith.constant 0 : i32
      %dma_wait3A_344 = arith.constant 1 : i32
      %dma_wait3A_345 = arith.constant 0 : i32
      %dma_wait3A_346 = tpu.memref_slice %arg5[%dma_wait3A_343, %dma_wait3A_344, %dma_wait3A_345] : memref<8x2x128xi32, #tpu.memory_space<vmem>> -> memref<1x1x128xi32, #tpu.memory_space<vmem>>
      %dma_wait3A_347 = tpu.memref_squeeze %dma_wait3A_346 : memref<1x1x128xi32, #tpu.memory_space<vmem>> -> memref<128xi32, #tpu.memory_space<vmem>>
      %dma_wait3A_348 = arith.constant 0 : i32
      %dma_wait3A_349 = arith.constant 0 : i32
      %dma_wait3A_350 = tpu.memref_slice %arg9[%dma_wait3A_348, %dma_wait3A_349] : memref<10240x128xf32, #tpu.memory_space<vmem_shared>> -> memref<10240x128xf32, #tpu.memory_space<vmem_shared>>
      tpu.wait_indirect_dma semaphore(%arg15 : memref<!tpu.dma_semaphore, #tpu.memory_space<semaphore_mem>>) src(%arg8 : memref<128x128xf32, #tpu.memory_space<vmem>>) dst(%dma_wait3A_350 : memref<10240x128xf32, #tpu.memory_space<vmem_shared>>)
      %add3A_351 = arith.constant 1 : i32
      %add3A_352 = arith.addi %mul3A_107, %add3A_351 : i32
      %lt3A_353 = arith.cmpi slt, %add3A_352, %select_n3A_8 : i32
      %convert_element_type3A_354 = arith.extui %lt3A_353 : i1 to i32
      %cond3A_355 = arith.constant 0 : i32
      %cond3A_356 = arith.cmpi ne, %convert_element_type3A_354, %cond3A_355 : i32
      scf.if %cond3A_356 {
        %dma_start3A_626 = arith.constant 1 : i32
        %dma_start3A_627 = arith.constant 0 : i32
        %dma_start3A_628 = arith.constant 0 : i32
        %dma_start3A_629 = tpu.memref_slice %arg6[%dma_start3A_626, %dma_start3A_627, %dma_start3A_628] : memref<8x2x128xi32, #tpu.memory_space<vmem>> -> memref<1x1x128xi32, #tpu.memory_space<vmem>>
        %dma_start3A_630 = tpu.memref_squeeze %dma_start3A_629 : memref<1x1x128xi32, #tpu.memory_space<vmem>> -> memref<128xi32, #tpu.memory_space<vmem>>
        %dma_start3A_631 = arith.constant 0 : i32
        %dma_start3A_632 = arith.constant 0 : i32
        %dma_start3A_633 = tpu.memref_slice %arg2[%dma_start3A_631, %dma_start3A_632] : memref<10240x128xf32, #tpu.memory_space<hbm>> -> memref<10240x128xf32, #tpu.memory_space<hbm>>
        tpu.enqueue_indirect_dma source(%dma_start3A_633 : memref<10240x128xf32, #tpu.memory_space<hbm>>) target(%arg8 : memref<128x128xf32, #tpu.memory_space<vmem>>) offsets(%dma_start3A_630 : memref<128xi32, #tpu.memory_space<vmem>>) semaphore(%arg13 : memref<!tpu.dma_semaphore, #tpu.memory_space<semaphore_mem>>)
      } else {
      }
      %add3A_357 = arith.constant 2 : i32
      %add3A_358 = arith.addi %mul3A_107, %add3A_357 : i32
      %lt3A_359 = arith.cmpi slt, %add3A_358, %select_n3A_8 : i32
      %convert_element_type3A_360 = arith.extui %lt3A_359 : i1 to i32
      %cond3A_361 = arith.constant 0 : i32
      %cond3A_362 = arith.cmpi ne, %convert_element_type3A_360, %cond3A_361 : i32
      scf.if %cond3A_362 {
        %add3A_626 = arith.constant 2 : i32
        %add3A_627 = arith.addi %mul3A_107, %add3A_626 : i32
        %add3A_628 = arith.addi %select_n3A, %add3A_627 : i32
        %dma_start3A_629 = arith.constant 0 : i32
        %dma_start3A_630 = arith.constant 0 : i32
        %dma_start3A_631 = arith.constant 0 : i32
        %dma_start3A_632 = tpu.memref_slice %arg3[%add3A_628, %dma_start3A_629, %dma_start3A_630, %dma_start3A_631] : memref<320x8x2x128xi32, #tpu.memory_space<hbm>> -> memref<1x8x2x128xi32, #tpu.memory_space<hbm>>
        %dma_start3A_633 = tpu.memref_squeeze %dma_start3A_632 : memref<1x8x2x128xi32, #tpu.memory_space<hbm>> -> memref<8x2x128xi32, #tpu.memory_space<hbm>>
        %dma_start3A_634 = arith.constant 0 : i32
        %dma_start3A_635 = arith.constant 0 : i32
        %dma_start3A_636 = arith.constant 0 : i32
        %dma_start3A_637 = tpu.memref_slice %arg3[%add3A_628, %dma_start3A_634, %dma_start3A_635, %dma_start3A_636] : memref<320x8x2x128xi32, #tpu.memory_space<hbm>> -> memref<1x8x2x128xi32, #tpu.memory_space<hbm>>
        %dma_start3A_638 = tpu.memref_squeeze %dma_start3A_637 : memref<1x8x2x128xi32, #tpu.memory_space<hbm>> -> memref<8x2x128xi32, #tpu.memory_space<hbm>>
        tpu.enqueue_dma source(%dma_start3A_638 : memref<8x2x128xi32, #tpu.memory_space<hbm>>) target(%arg5 : memref<8x2x128xi32, #tpu.memory_space<vmem>>) target_semaphore(%arg10 : memref<!tpu.dma_semaphore, #tpu.memory_space<semaphore_mem>>)
      } else {
      }
      %mul3A_363 = arith.constant 2 : i32
      %mul3A_364 = arith.muli %mul3A_363, %while3A_104 : i32
      %add3A_365 = arith.constant 1 : i32
      %add3A_366 = arith.addi %mul3A_364, %add3A_365 : i32
      %dma_wait3A_367 = arith.constant 0 : i32
      %dma_wait3A_368 = arith.constant 0 : i32
      %dma_wait3A_369 = arith.constant 0 : i32
      %dma_wait3A_370 = tpu.memref_slice %arg5[%dma_wait3A_367, %dma_wait3A_368, %dma_wait3A_369] : memref<8x2x128xi32, #tpu.memory_space<vmem>> -> memref<1x1x128xi32, #tpu.memory_space<vmem>>
      %dma_wait3A_371 = tpu.memref_squeeze %dma_wait3A_370 : memref<1x1x128xi32, #tpu.memory_space<vmem>> -> memref<128xi32, #tpu.memory_space<vmem>>
      %dma_wait3A_372 = arith.constant 0 : i32
      %dma_wait3A_373 = arith.constant 0 : i32
      %dma_wait3A_374 = tpu.memref_slice %arg2[%dma_wait3A_372, %dma_wait3A_373] : memref<10240x128xf32, #tpu.memory_space<hbm>> -> memref<10240x128xf32, #tpu.memory_space<hbm>>
      tpu.wait_indirect_dma semaphore(%arg12 : memref<!tpu.dma_semaphore, #tpu.memory_space<semaphore_mem>>) src(%dma_wait3A_374 : memref<10240x128xf32, #tpu.memory_space<hbm>>) dst(%arg7 : memref<128x128xf32, #tpu.memory_space<vmem>>)
      %dma_start3A_375 = arith.constant 0 : i32
      %dma_start3A_376 = arith.constant 1 : i32
      %dma_start3A_377 = arith.constant 0 : i32
      %dma_start3A_378 = tpu.memref_slice %arg6[%dma_start3A_375, %dma_start3A_376, %dma_start3A_377] : memref<8x2x128xi32, #tpu.memory_space<vmem>> -> memref<1x1x128xi32, #tpu.memory_space<vmem>>
      %dma_start3A_379 = tpu.memref_squeeze %dma_start3A_378 : memref<1x1x128xi32, #tpu.memory_space<vmem>> -> memref<128xi32, #tpu.memory_space<vmem>>
      %dma_start3A_380 = arith.constant 0 : i32
      %dma_start3A_381 = arith.constant 0 : i32
      %dma_start3A_382 = tpu.memref_slice %arg9[%dma_start3A_380, %dma_start3A_381] : memref<10240x128xf32, #tpu.memory_space<vmem_shared>> -> memref<10240x128xf32, #tpu.memory_space<vmem_shared>>
      tpu.enqueue_indirect_dma source(%arg7 : memref<128x128xf32, #tpu.memory_space<vmem>>) target(%dma_start3A_382 : memref<10240x128xf32, #tpu.memory_space<vmem_shared>>) offsets(%dma_start3A_379 : memref<128xi32, #tpu.memory_space<vmem>>) semaphore(%arg14 : memref<!tpu.dma_semaphore, #tpu.memory_space<semaphore_mem>>) {add = true}
      %dma_wait3A_383 = arith.constant 0 : i32
      %dma_wait3A_384 = arith.constant 1 : i32
      %dma_wait3A_385 = arith.constant 0 : i32
      %dma_wait3A_386 = tpu.memref_slice %arg5[%dma_wait3A_383, %dma_wait3A_384, %dma_wait3A_385] : memref<8x2x128xi32, #tpu.memory_space<vmem>> -> memref<1x1x128xi32, #tpu.memory_space<vmem>>
      %dma_wait3A_387 = tpu.memref_squeeze %dma_wait3A_386 : memref<1x1x128xi32, #tpu.memory_space<vmem>> -> memref<128xi32, #tpu.memory_space<vmem>>
      %dma_wait3A_388 = arith.constant 0 : i32
      %dma_wait3A_389 = arith.constant 0 : i32
      %dma_wait3A_390 = tpu.memref_slice %arg9[%dma_wait3A_388, %dma_wait3A_389] : memref<10240x128xf32, #tpu.memory_space<vmem_shared>> -> memref<10240x128xf32, #tpu.memory_space<vmem_shared>>
      tpu.wait_indirect_dma semaphore(%arg14 : memref<!tpu.dma_semaphore, #tpu.memory_space<semaphore_mem>>) src(%arg7 : memref<128x128xf32, #tpu.memory_space<vmem>>) dst(%dma_wait3A_390 : memref<10240x128xf32, #tpu.memory_space<vmem_shared>>)
      %dma_start3A_391 = arith.constant 2 : i32
      %dma_start3A_392 = arith.constant 0 : i32
      %dma_start3A_393 = arith.constant 0 : i32
      %dma_start3A_394 = tpu.memref_slice %arg6[%dma_start3A_391, %dma_start3A_392, %dma_start3A_393] : memref<8x2x128xi32, #tpu.memory_space<vmem>> -> memref<1x1x128xi32, #tpu.memory_space<vmem>>
      %dma_start3A_395 = tpu.memref_squeeze %dma_start3A_394 : memref<1x1x128xi32, #tpu.memory_space<vmem>> -> memref<128xi32, #tpu.memory_space<vmem>>
      %dma_start3A_396 = arith.constant 0 : i32
      %dma_start3A_397 = arith.constant 0 : i32
      %dma_start3A_398 = tpu.memref_slice %arg2[%dma_start3A_396, %dma_start3A_397] : memref<10240x128xf32, #tpu.memory_space<hbm>> -> memref<10240x128xf32, #tpu.memory_space<hbm>>
      tpu.enqueue_indirect_dma source(%dma_start3A_398 : memref<10240x128xf32, #tpu.memory_space<hbm>>) target(%arg7 : memref<128x128xf32, #tpu.memory_space<vmem>>) offsets(%dma_start3A_395 : memref<128xi32, #tpu.memory_space<vmem>>) semaphore(%arg12 : memref<!tpu.dma_semaphore, #tpu.memory_space<semaphore_mem>>)
      %dma_wait3A_399 = arith.constant 0 : i32
      %dma_wait3A_400 = arith.constant 0 : i32
      %dma_wait3A_401 = arith.constant 0 : i32
      %dma_wait3A_402 = tpu.memref_slice %arg5[%dma_wait3A_399, %dma_wait3A_400, %dma_wait3A_401] : memref<8x2x128xi32, #tpu.memory_space<vmem>> -> memref<1x1x128xi32, #tpu.memory_space<vmem>>
      %dma_wait3A_403 = tpu.memref_squeeze %dma_wait3A_402 : memref<1x1x128xi32, #tpu.memory_space<vmem>> -> memref<128xi32, #tpu.memory_space<vmem>>
      %dma_wait3A_404 = arith.constant 0 : i32
      %dma_wait3A_405 = arith.constant 0 : i32
      %dma_wait3A_406 = tpu.memref_slice %arg2[%dma_wait3A_404, %dma_wait3A_405] : memref<10240x128xf32, #tpu.memory_space<hbm>> -> memref<10240x128xf32, #tpu.memory_space<hbm>>
      tpu.wait_indirect_dma semaphore(%arg13 : memref<!tpu.dma_semaphore, #tpu.memory_space<semaphore_mem>>) src(%dma_wait3A_406 : memref<10240x128xf32, #tpu.memory_space<hbm>>) dst(%arg8 : memref<128x128xf32, #tpu.memory_space<vmem>>)
      %dma_start3A_407 = arith.constant 1 : i32
      %dma_start3A_408 = arith.constant 1 : i32
      %dma_start3A_409 = arith.constant 0 : i32
      %dma_start3A_410 = tpu.memref_slice %arg6[%dma_start3A_407, %dma_start3A_408, %dma_start3A_409] : memref<8x2x128xi32, #tpu.memory_space<vmem>> -> memref<1x1x128xi32, #tpu.memory_space<vmem>>
      %dma_start3A_411 = tpu.memref_squeeze %dma_start3A_410 : memref<1x1x128xi32, #tpu.memory_space<vmem>> -> memref<128xi32, #tpu.memory_space<vmem>>
      %dma_start3A_412 = arith.constant 0 : i32
      %dma_start3A_413 = arith.constant 0 : i32
      %dma_start3A_414 = tpu.memref_slice %arg9[%dma_start3A_412, %dma_start3A_413] : memref<10240x128xf32, #tpu.memory_space<vmem_shared>> -> memref<10240x128xf32, #tpu.memory_space<vmem_shared>>
      tpu.enqueue_indirect_dma source(%arg8 : memref<128x128xf32, #tpu.memory_space<vmem>>) target(%dma_start3A_414 : memref<10240x128xf32, #tpu.memory_space<vmem_shared>>) offsets(%dma_start3A_411 : memref<128xi32, #tpu.memory_space<vmem>>) semaphore(%arg15 : memref<!tpu.dma_semaphore, #tpu.memory_space<semaphore_mem>>) {add = true}
      %dma_wait3A_415 = arith.constant 0 : i32
      %dma_wait3A_416 = arith.constant 1 : i32
      %dma_wait3A_417 = arith.constant 0 : i32
      %dma_wait3A_418 = tpu.memref_slice %arg5[%dma_wait3A_415, %dma_wait3A_416, %dma_wait3A_417] : memref<8x2x128xi32, #tpu.memory_space<vmem>> -> memref<1x1x128xi32, #tpu.memory_space<vmem>>
      %dma_wait3A_419 = tpu.memref_squeeze %dma_wait3A_418 : memref<1x1x128xi32, #tpu.memory_space<vmem>> -> memref<128xi32, #tpu.memory_space<vmem>>
      %dma_wait3A_420 = arith.constant 0 : i32
      %dma_wait3A_421 = arith.constant 0 : i32
      %dma_wait3A_422 = tpu.memref_slice %arg9[%dma_wait3A_420, %dma_wait3A_421] : memref<10240x128xf32, #tpu.memory_space<vmem_shared>> -> memref<10240x128xf32, #tpu.memory_space<vmem_shared>>
      tpu.wait_indirect_dma semaphore(%arg15 : memref<!tpu.dma_semaphore, #tpu.memory_space<semaphore_mem>>) src(%arg8 : memref<128x128xf32, #tpu.memory_space<vmem>>) dst(%dma_wait3A_422 : memref<10240x128xf32, #tpu.memory_space<vmem_shared>>)
      %dma_start3A_423 = arith.constant 3 : i32
      %dma_start3A_424 = arith.constant 0 : i32
      %dma_start3A_425 = arith.constant 0 : i32
      %dma_start3A_426 = tpu.memref_slice %arg6[%dma_start3A_423, %dma_start3A_424, %dma_start3A_425] : memref<8x2x128xi32, #tpu.memory_space<vmem>> -> memref<1x1x128xi32, #tpu.memory_space<vmem>>
      %dma_start3A_427 = tpu.memref_squeeze %dma_start3A_426 : memref<1x1x128xi32, #tpu.memory_space<vmem>> -> memref<128xi32, #tpu.memory_space<vmem>>
      %dma_start3A_428 = arith.constant 0 : i32
      %dma_start3A_429 = arith.constant 0 : i32
      %dma_start3A_430 = tpu.memref_slice %arg2[%dma_start3A_428, %dma_start3A_429] : memref<10240x128xf32, #tpu.memory_space<hbm>> -> memref<10240x128xf32, #tpu.memory_space<hbm>>
      tpu.enqueue_indirect_dma source(%dma_start3A_430 : memref<10240x128xf32, #tpu.memory_space<hbm>>) target(%arg8 : memref<128x128xf32, #tpu.memory_space<vmem>>) offsets(%dma_start3A_427 : memref<128xi32, #tpu.memory_space<vmem>>) semaphore(%arg13 : memref<!tpu.dma_semaphore, #tpu.memory_space<semaphore_mem>>)
      %dma_wait3A_431 = arith.constant 0 : i32
      %dma_wait3A_432 = arith.constant 0 : i32
      %dma_wait3A_433 = arith.constant 0 : i32
      %dma_wait3A_434 = tpu.memref_slice %arg5[%dma_wait3A_431, %dma_wait3A_432, %dma_wait3A_433] : memref<8x2x128xi32, #tpu.memory_space<vmem>> -> memref<1x1x128xi32, #tpu.memory_space<vmem>>
      %dma_wait3A_435 = tpu.memref_squeeze %dma_wait3A_434 : memref<1x1x128xi32, #tpu.memory_space<vmem>> -> memref<128xi32, #tpu.memory_space<vmem>>
      %dma_wait3A_436 = arith.constant 0 : i32
      %dma_wait3A_437 = arith.constant 0 : i32
      %dma_wait3A_438 = tpu.memref_slice %arg2[%dma_wait3A_436, %dma_wait3A_437] : memref<10240x128xf32, #tpu.memory_space<hbm>> -> memref<10240x128xf32, #tpu.memory_space<hbm>>
      tpu.wait_indirect_dma semaphore(%arg12 : memref<!tpu.dma_semaphore, #tpu.memory_space<semaphore_mem>>) src(%dma_wait3A_438 : memref<10240x128xf32, #tpu.memory_space<hbm>>) dst(%arg7 : memref<128x128xf32, #tpu.memory_space<vmem>>)
      %dma_start3A_439 = arith.constant 2 : i32
      %dma_start3A_440 = arith.constant 1 : i32
      %dma_start3A_441 = arith.constant 0 : i32
      %dma_start3A_442 = tpu.memref_slice %arg6[%dma_start3A_439, %dma_start3A_440, %dma_start3A_441] : memref<8x2x128xi32, #tpu.memory_space<vmem>> -> memref<1x1x128xi32, #tpu.memory_space<vmem>>
      %dma_start3A_443 = tpu.memref_squeeze %dma_start3A_442 : memref<1x1x128xi32, #tpu.memory_space<vmem>> -> memref<128xi32, #tpu.memory_space<vmem>>
      %dma_start3A_444 = arith.constant 0 : i32
      %dma_start3A_445 = arith.constant 0 : i32
      %dma_start3A_446 = tpu.memref_slice %arg9[%dma_start3A_444, %dma_start3A_445] : memref<10240x128xf32, #tpu.memory_space<vmem_shared>> -> memref<10240x128xf32, #tpu.memory_space<vmem_shared>>
      tpu.enqueue_indirect_dma source(%arg7 : memref<128x128xf32, #tpu.memory_space<vmem>>) target(%dma_start3A_446 : memref<10240x128xf32, #tpu.memory_space<vmem_shared>>) offsets(%dma_start3A_443 : memref<128xi32, #tpu.memory_space<vmem>>) semaphore(%arg14 : memref<!tpu.dma_semaphore, #tpu.memory_space<semaphore_mem>>) {add = true}
      %dma_wait3A_447 = arith.constant 0 : i32
      %dma_wait3A_448 = arith.constant 1 : i32
      %dma_wait3A_449 = arith.constant 0 : i32
      %dma_wait3A_450 = tpu.memref_slice %arg5[%dma_wait3A_447, %dma_wait3A_448, %dma_wait3A_449] : memref<8x2x128xi32, #tpu.memory_space<vmem>> -> memref<1x1x128xi32, #tpu.memory_space<vmem>>
      %dma_wait3A_451 = tpu.memref_squeeze %dma_wait3A_450 : memref<1x1x128xi32, #tpu.memory_space<vmem>> -> memref<128xi32, #tpu.memory_space<vmem>>
      %dma_wait3A_452 = arith.constant 0 : i32
      %dma_wait3A_453 = arith.constant 0 : i32
      %dma_wait3A_454 = tpu.memref_slice %arg9[%dma_wait3A_452, %dma_wait3A_453] : memref<10240x128xf32, #tpu.memory_space<vmem_shared>> -> memref<10240x128xf32, #tpu.memory_space<vmem_shared>>
      tpu.wait_indirect_dma semaphore(%arg14 : memref<!tpu.dma_semaphore, #tpu.memory_space<semaphore_mem>>) src(%arg7 : memref<128x128xf32, #tpu.memory_space<vmem>>) dst(%dma_wait3A_454 : memref<10240x128xf32, #tpu.memory_space<vmem_shared>>)
      %dma_start3A_455 = arith.constant 4 : i32
      %dma_start3A_456 = arith.constant 0 : i32
      %dma_start3A_457 = arith.constant 0 : i32
      %dma_start3A_458 = tpu.memref_slice %arg6[%dma_start3A_455, %dma_start3A_456, %dma_start3A_457] : memref<8x2x128xi32, #tpu.memory_space<vmem>> -> memref<1x1x128xi32, #tpu.memory_space<vmem>>
      %dma_start3A_459 = tpu.memref_squeeze %dma_start3A_458 : memref<1x1x128xi32, #tpu.memory_space<vmem>> -> memref<128xi32, #tpu.memory_space<vmem>>
      %dma_start3A_460 = arith.constant 0 : i32
      %dma_start3A_461 = arith.constant 0 : i32
      %dma_start3A_462 = tpu.memref_slice %arg2[%dma_start3A_460, %dma_start3A_461] : memref<10240x128xf32, #tpu.memory_space<hbm>> -> memref<10240x128xf32, #tpu.memory_space<hbm>>
      tpu.enqueue_indirect_dma source(%dma_start3A_462 : memref<10240x128xf32, #tpu.memory_space<hbm>>) target(%arg7 : memref<128x128xf32, #tpu.memory_space<vmem>>) offsets(%dma_start3A_459 : memref<128xi32, #tpu.memory_space<vmem>>) semaphore(%arg12 : memref<!tpu.dma_semaphore, #tpu.memory_space<semaphore_mem>>)
      %dma_wait3A_463 = arith.constant 0 : i32
      %dma_wait3A_464 = arith.constant 0 : i32
      %dma_wait3A_465 = arith.constant 0 : i32
      %dma_wait3A_466 = tpu.memref_slice %arg5[%dma_wait3A_463, %dma_wait3A_464, %dma_wait3A_465] : memref<8x2x128xi32, #tpu.memory_space<vmem>> -> memref<1x1x128xi32, #tpu.memory_space<vmem>>
      %dma_wait3A_467 = tpu.memref_squeeze %dma_wait3A_466 : memref<1x1x128xi32, #tpu.memory_space<vmem>> -> memref<128xi32, #tpu.memory_space<vmem>>
      %dma_wait3A_468 = arith.constant 0 : i32
      %dma_wait3A_469 = arith.constant 0 : i32
      %dma_wait3A_470 = tpu.memref_slice %arg2[%dma_wait3A_468, %dma_wait3A_469] : memref<10240x128xf32, #tpu.memory_space<hbm>> -> memref<10240x128xf32, #tpu.memory_space<hbm>>
      tpu.wait_indirect_dma semaphore(%arg13 : memref<!tpu.dma_semaphore, #tpu.memory_space<semaphore_mem>>) src(%dma_wait3A_470 : memref<10240x128xf32, #tpu.memory_space<hbm>>) dst(%arg8 : memref<128x128xf32, #tpu.memory_space<vmem>>)
      %dma_start3A_471 = arith.constant 3 : i32
      %dma_start3A_472 = arith.constant 1 : i32
      %dma_start3A_473 = arith.constant 0 : i32
      %dma_start3A_474 = tpu.memref_slice %arg6[%dma_start3A_471, %dma_start3A_472, %dma_start3A_473] : memref<8x2x128xi32, #tpu.memory_space<vmem>> -> memref<1x1x128xi32, #tpu.memory_space<vmem>>
      %dma_start3A_475 = tpu.memref_squeeze %dma_start3A_474 : memref<1x1x128xi32, #tpu.memory_space<vmem>> -> memref<128xi32, #tpu.memory_space<vmem>>
      %dma_start3A_476 = arith.constant 0 : i32
      %dma_start3A_477 = arith.constant 0 : i32
      %dma_start3A_478 = tpu.memref_slice %arg9[%dma_start3A_476, %dma_start3A_477] : memref<10240x128xf32, #tpu.memory_space<vmem_shared>> -> memref<10240x128xf32, #tpu.memory_space<vmem_shared>>
      tpu.enqueue_indirect_dma source(%arg8 : memref<128x128xf32, #tpu.memory_space<vmem>>) target(%dma_start3A_478 : memref<10240x128xf32, #tpu.memory_space<vmem_shared>>) offsets(%dma_start3A_475 : memref<128xi32, #tpu.memory_space<vmem>>) semaphore(%arg15 : memref<!tpu.dma_semaphore, #tpu.memory_space<semaphore_mem>>) {add = true}
      %dma_wait3A_479 = arith.constant 0 : i32
      %dma_wait3A_480 = arith.constant 1 : i32
      %dma_wait3A_481 = arith.constant 0 : i32
      %dma_wait3A_482 = tpu.memref_slice %arg5[%dma_wait3A_479, %dma_wait3A_480, %dma_wait3A_481] : memref<8x2x128xi32, #tpu.memory_space<vmem>> -> memref<1x1x128xi32, #tpu.memory_space<vmem>>
      %dma_wait3A_483 = tpu.memref_squeeze %dma_wait3A_482 : memref<1x1x128xi32, #tpu.memory_space<vmem>> -> memref<128xi32, #tpu.memory_space<vmem>>
      %dma_wait3A_484 = arith.constant 0 : i32
      %dma_wait3A_485 = arith.constant 0 : i32
      %dma_wait3A_486 = tpu.memref_slice %arg9[%dma_wait3A_484, %dma_wait3A_485] : memref<10240x128xf32, #tpu.memory_space<vmem_shared>> -> memref<10240x128xf32, #tpu.memory_space<vmem_shared>>
      tpu.wait_indirect_dma semaphore(%arg15 : memref<!tpu.dma_semaphore, #tpu.memory_space<semaphore_mem>>) src(%arg8 : memref<128x128xf32, #tpu.memory_space<vmem>>) dst(%dma_wait3A_486 : memref<10240x128xf32, #tpu.memory_space<vmem_shared>>)
      %dma_start3A_487 = arith.constant 5 : i32
      %dma_start3A_488 = arith.constant 0 : i32
      %dma_start3A_489 = arith.constant 0 : i32
      %dma_start3A_490 = tpu.memref_slice %arg6[%dma_start3A_487, %dma_start3A_488, %dma_start3A_489] : memref<8x2x128xi32, #tpu.memory_space<vmem>> -> memref<1x1x128xi32, #tpu.memory_space<vmem>>
      %dma_start3A_491 = tpu.memref_squeeze %dma_start3A_490 : memref<1x1x128xi32, #tpu.memory_space<vmem>> -> memref<128xi32, #tpu.memory_space<vmem>>
      %dma_start3A_492 = arith.constant 0 : i32
      %dma_start3A_493 = arith.constant 0 : i32
      %dma_start3A_494 = tpu.memref_slice %arg2[%dma_start3A_492, %dma_start3A_493] : memref<10240x128xf32, #tpu.memory_space<hbm>> -> memref<10240x128xf32, #tpu.memory_space<hbm>>
      tpu.enqueue_indirect_dma source(%dma_start3A_494 : memref<10240x128xf32, #tpu.memory_space<hbm>>) target(%arg8 : memref<128x128xf32, #tpu.memory_space<vmem>>) offsets(%dma_start3A_491 : memref<128xi32, #tpu.memory_space<vmem>>) semaphore(%arg13 : memref<!tpu.dma_semaphore, #tpu.memory_space<semaphore_mem>>)
      %dma_wait3A_495 = arith.constant 0 : i32
      %dma_wait3A_496 = arith.constant 0 : i32
      %dma_wait3A_497 = arith.constant 0 : i32
      %dma_wait3A_498 = tpu.memref_slice %arg5[%dma_wait3A_495, %dma_wait3A_496, %dma_wait3A_497] : memref<8x2x128xi32, #tpu.memory_space<vmem>> -> memref<1x1x128xi32, #tpu.memory_space<vmem>>
      %dma_wait3A_499 = tpu.memref_squeeze %dma_wait3A_498 : memref<1x1x128xi32, #tpu.memory_space<vmem>> -> memref<128xi32, #tpu.memory_space<vmem>>
      %dma_wait3A_500 = arith.constant 0 : i32
      %dma_wait3A_501 = arith.constant 0 : i32
      %dma_wait3A_502 = tpu.memref_slice %arg2[%dma_wait3A_500, %dma_wait3A_501] : memref<10240x128xf32, #tpu.memory_space<hbm>> -> memref<10240x128xf32, #tpu.memory_space<hbm>>
      tpu.wait_indirect_dma semaphore(%arg12 : memref<!tpu.dma_semaphore, #tpu.memory_space<semaphore_mem>>) src(%dma_wait3A_502 : memref<10240x128xf32, #tpu.memory_space<hbm>>) dst(%arg7 : memref<128x128xf32, #tpu.memory_space<vmem>>)
      %dma_start3A_503 = arith.constant 4 : i32
      %dma_start3A_504 = arith.constant 1 : i32
      %dma_start3A_505 = arith.constant 0 : i32
      %dma_start3A_506 = tpu.memref_slice %arg6[%dma_start3A_503, %dma_start3A_504, %dma_start3A_505] : memref<8x2x128xi32, #tpu.memory_space<vmem>> -> memref<1x1x128xi32, #tpu.memory_space<vmem>>
      %dma_start3A_507 = tpu.memref_squeeze %dma_start3A_506 : memref<1x1x128xi32, #tpu.memory_space<vmem>> -> memref<128xi32, #tpu.memory_space<vmem>>
      %dma_start3A_508 = arith.constant 0 : i32
      %dma_start3A_509 = arith.constant 0 : i32
      %dma_start3A_510 = tpu.memref_slice %arg9[%dma_start3A_508, %dma_start3A_509] : memref<10240x128xf32, #tpu.memory_space<vmem_shared>> -> memref<10240x128xf32, #tpu.memory_space<vmem_shared>>
      tpu.enqueue_indirect_dma source(%arg7 : memref<128x128xf32, #tpu.memory_space<vmem>>) target(%dma_start3A_510 : memref<10240x128xf32, #tpu.memory_space<vmem_shared>>) offsets(%dma_start3A_507 : memref<128xi32, #tpu.memory_space<vmem>>) semaphore(%arg14 : memref<!tpu.dma_semaphore, #tpu.memory_space<semaphore_mem>>) {add = true}
      %dma_wait3A_511 = arith.constant 0 : i32
      %dma_wait3A_512 = arith.constant 1 : i32
      %dma_wait3A_513 = arith.constant 0 : i32
      %dma_wait3A_514 = tpu.memref_slice %arg5[%dma_wait3A_511, %dma_wait3A_512, %dma_wait3A_513] : memref<8x2x128xi32, #tpu.memory_space<vmem>> -> memref<1x1x128xi32, #tpu.memory_space<vmem>>
      %dma_wait3A_515 = tpu.memref_squeeze %dma_wait3A_514 : memref<1x1x128xi32, #tpu.memory_space<vmem>> -> memref<128xi32, #tpu.memory_space<vmem>>
      %dma_wait3A_516 = arith.constant 0 : i32
      %dma_wait3A_517 = arith.constant 0 : i32
      %dma_wait3A_518 = tpu.memref_slice %arg9[%dma_wait3A_516, %dma_wait3A_517] : memref<10240x128xf32, #tpu.memory_space<vmem_shared>> -> memref<10240x128xf32, #tpu.memory_space<vmem_shared>>
      tpu.wait_indirect_dma semaphore(%arg14 : memref<!tpu.dma_semaphore, #tpu.memory_space<semaphore_mem>>) src(%arg7 : memref<128x128xf32, #tpu.memory_space<vmem>>) dst(%dma_wait3A_518 : memref<10240x128xf32, #tpu.memory_space<vmem_shared>>)
      %dma_start3A_519 = arith.constant 6 : i32
      %dma_start3A_520 = arith.constant 0 : i32
      %dma_start3A_521 = arith.constant 0 : i32
      %dma_start3A_522 = tpu.memref_slice %arg6[%dma_start3A_519, %dma_start3A_520, %dma_start3A_521] : memref<8x2x128xi32, #tpu.memory_space<vmem>> -> memref<1x1x128xi32, #tpu.memory_space<vmem>>
      %dma_start3A_523 = tpu.memref_squeeze %dma_start3A_522 : memref<1x1x128xi32, #tpu.memory_space<vmem>> -> memref<128xi32, #tpu.memory_space<vmem>>
      %dma_start3A_524 = arith.constant 0 : i32
      %dma_start3A_525 = arith.constant 0 : i32
      %dma_start3A_526 = tpu.memref_slice %arg2[%dma_start3A_524, %dma_start3A_525] : memref<10240x128xf32, #tpu.memory_space<hbm>> -> memref<10240x128xf32, #tpu.memory_space<hbm>>
      tpu.enqueue_indirect_dma source(%dma_start3A_526 : memref<10240x128xf32, #tpu.memory_space<hbm>>) target(%arg7 : memref<128x128xf32, #tpu.memory_space<vmem>>) offsets(%dma_start3A_523 : memref<128xi32, #tpu.memory_space<vmem>>) semaphore(%arg12 : memref<!tpu.dma_semaphore, #tpu.memory_space<semaphore_mem>>)
      %dma_wait3A_527 = arith.constant 0 : i32
      %dma_wait3A_528 = arith.constant 0 : i32
      %dma_wait3A_529 = arith.constant 0 : i32
      %dma_wait3A_530 = tpu.memref_slice %arg5[%dma_wait3A_527, %dma_wait3A_528, %dma_wait3A_529] : memref<8x2x128xi32, #tpu.memory_space<vmem>> -> memref<1x1x128xi32, #tpu.memory_space<vmem>>
      %dma_wait3A_531 = tpu.memref_squeeze %dma_wait3A_530 : memref<1x1x128xi32, #tpu.memory_space<vmem>> -> memref<128xi32, #tpu.memory_space<vmem>>
      %dma_wait3A_532 = arith.constant 0 : i32
      %dma_wait3A_533 = arith.constant 0 : i32
      %dma_wait3A_534 = tpu.memref_slice %arg2[%dma_wait3A_532, %dma_wait3A_533] : memref<10240x128xf32, #tpu.memory_space<hbm>> -> memref<10240x128xf32, #tpu.memory_space<hbm>>
      tpu.wait_indirect_dma semaphore(%arg13 : memref<!tpu.dma_semaphore, #tpu.memory_space<semaphore_mem>>) src(%dma_wait3A_534 : memref<10240x128xf32, #tpu.memory_space<hbm>>) dst(%arg8 : memref<128x128xf32, #tpu.memory_space<vmem>>)
      %dma_start3A_535 = arith.constant 5 : i32
      %dma_start3A_536 = arith.constant 1 : i32
      %dma_start3A_537 = arith.constant 0 : i32
      %dma_start3A_538 = tpu.memref_slice %arg6[%dma_start3A_535, %dma_start3A_536, %dma_start3A_537] : memref<8x2x128xi32, #tpu.memory_space<vmem>> -> memref<1x1x128xi32, #tpu.memory_space<vmem>>
      %dma_start3A_539 = tpu.memref_squeeze %dma_start3A_538 : memref<1x1x128xi32, #tpu.memory_space<vmem>> -> memref<128xi32, #tpu.memory_space<vmem>>
      %dma_start3A_540 = arith.constant 0 : i32
      %dma_start3A_541 = arith.constant 0 : i32
      %dma_start3A_542 = tpu.memref_slice %arg9[%dma_start3A_540, %dma_start3A_541] : memref<10240x128xf32, #tpu.memory_space<vmem_shared>> -> memref<10240x128xf32, #tpu.memory_space<vmem_shared>>
      tpu.enqueue_indirect_dma source(%arg8 : memref<128x128xf32, #tpu.memory_space<vmem>>) target(%dma_start3A_542 : memref<10240x128xf32, #tpu.memory_space<vmem_shared>>) offsets(%dma_start3A_539 : memref<128xi32, #tpu.memory_space<vmem>>) semaphore(%arg15 : memref<!tpu.dma_semaphore, #tpu.memory_space<semaphore_mem>>) {add = true}
      %dma_wait3A_543 = arith.constant 0 : i32
      %dma_wait3A_544 = arith.constant 1 : i32
      %dma_wait3A_545 = arith.constant 0 : i32
      %dma_wait3A_546 = tpu.memref_slice %arg5[%dma_wait3A_543, %dma_wait3A_544, %dma_wait3A_545] : memref<8x2x128xi32, #tpu.memory_space<vmem>> -> memref<1x1x128xi32, #tpu.memory_space<vmem>>
      %dma_wait3A_547 = tpu.memref_squeeze %dma_wait3A_546 : memref<1x1x128xi32, #tpu.memory_space<vmem>> -> memref<128xi32, #tpu.memory_space<vmem>>
      %dma_wait3A_548 = arith.constant 0 : i32
      %dma_wait3A_549 = arith.constant 0 : i32
      %dma_wait3A_550 = tpu.memref_slice %arg9[%dma_wait3A_548, %dma_wait3A_549] : memref<10240x128xf32, #tpu.memory_space<vmem_shared>> -> memref<10240x128xf32, #tpu.memory_space<vmem_shared>>
      tpu.wait_indirect_dma semaphore(%arg15 : memref<!tpu.dma_semaphore, #tpu.memory_space<semaphore_mem>>) src(%arg8 : memref<128x128xf32, #tpu.memory_space<vmem>>) dst(%dma_wait3A_550 : memref<10240x128xf32, #tpu.memory_space<vmem_shared>>)
      %dma_start3A_551 = arith.constant 7 : i32
      %dma_start3A_552 = arith.constant 0 : i32
      %dma_start3A_553 = arith.constant 0 : i32
      %dma_start3A_554 = tpu.memref_slice %arg6[%dma_start3A_551, %dma_start3A_552, %dma_start3A_553] : memref<8x2x128xi32, #tpu.memory_space<vmem>> -> memref<1x1x128xi32, #tpu.memory_space<vmem>>
      %dma_start3A_555 = tpu.memref_squeeze %dma_start3A_554 : memref<1x1x128xi32, #tpu.memory_space<vmem>> -> memref<128xi32, #tpu.memory_space<vmem>>
      %dma_start3A_556 = arith.constant 0 : i32
      %dma_start3A_557 = arith.constant 0 : i32
      %dma_start3A_558 = tpu.memref_slice %arg2[%dma_start3A_556, %dma_start3A_557] : memref<10240x128xf32, #tpu.memory_space<hbm>> -> memref<10240x128xf32, #tpu.memory_space<hbm>>
      tpu.enqueue_indirect_dma source(%dma_start3A_558 : memref<10240x128xf32, #tpu.memory_space<hbm>>) target(%arg8 : memref<128x128xf32, #tpu.memory_space<vmem>>) offsets(%dma_start3A_555 : memref<128xi32, #tpu.memory_space<vmem>>) semaphore(%arg13 : memref<!tpu.dma_semaphore, #tpu.memory_space<semaphore_mem>>)
      %dma_wait3A_559 = arith.constant 0 : i32
      %dma_wait3A_560 = arith.constant 0 : i32
      %dma_wait3A_561 = arith.constant 0 : i32
      %dma_wait3A_562 = tpu.memref_slice %arg5[%dma_wait3A_559, %dma_wait3A_560, %dma_wait3A_561] : memref<8x2x128xi32, #tpu.memory_space<vmem>> -> memref<1x1x128xi32, #tpu.memory_space<vmem>>
      %dma_wait3A_563 = tpu.memref_squeeze %dma_wait3A_562 : memref<1x1x128xi32, #tpu.memory_space<vmem>> -> memref<128xi32, #tpu.memory_space<vmem>>
      %dma_wait3A_564 = arith.constant 0 : i32
      %dma_wait3A_565 = arith.constant 0 : i32
      %dma_wait3A_566 = tpu.memref_slice %arg2[%dma_wait3A_564, %dma_wait3A_565] : memref<10240x128xf32, #tpu.memory_space<hbm>> -> memref<10240x128xf32, #tpu.memory_space<hbm>>
      tpu.wait_indirect_dma semaphore(%arg12 : memref<!tpu.dma_semaphore, #tpu.memory_space<semaphore_mem>>) src(%dma_wait3A_566 : memref<10240x128xf32, #tpu.memory_space<hbm>>) dst(%arg7 : memref<128x128xf32, #tpu.memory_space<vmem>>)
      %dma_start3A_567 = arith.constant 6 : i32
      %dma_start3A_568 = arith.constant 1 : i32
      %dma_start3A_569 = arith.constant 0 : i32
      %dma_start3A_570 = tpu.memref_slice %arg6[%dma_start3A_567, %dma_start3A_568, %dma_start3A_569] : memref<8x2x128xi32, #tpu.memory_space<vmem>> -> memref<1x1x128xi32, #tpu.memory_space<vmem>>
      %dma_start3A_571 = tpu.memref_squeeze %dma_start3A_570 : memref<1x1x128xi32, #tpu.memory_space<vmem>> -> memref<128xi32, #tpu.memory_space<vmem>>
      %dma_start3A_572 = arith.constant 0 : i32
      %dma_start3A_573 = arith.constant 0 : i32
      %dma_start3A_574 = tpu.memref_slice %arg9[%dma_start3A_572, %dma_start3A_573] : memref<10240x128xf32, #tpu.memory_space<vmem_shared>> -> memref<10240x128xf32, #tpu.memory_space<vmem_shared>>
      tpu.enqueue_indirect_dma source(%arg7 : memref<128x128xf32, #tpu.memory_space<vmem>>) target(%dma_start3A_574 : memref<10240x128xf32, #tpu.memory_space<vmem_shared>>) offsets(%dma_start3A_571 : memref<128xi32, #tpu.memory_space<vmem>>) semaphore(%arg14 : memref<!tpu.dma_semaphore, #tpu.memory_space<semaphore_mem>>) {add = true}
      %dma_wait3A_575 = arith.constant 0 : i32
      %dma_wait3A_576 = arith.constant 1 : i32
      %dma_wait3A_577 = arith.constant 0 : i32
      %dma_wait3A_578 = tpu.memref_slice %arg5[%dma_wait3A_575, %dma_wait3A_576, %dma_wait3A_577] : memref<8x2x128xi32, #tpu.memory_space<vmem>> -> memref<1x1x128xi32, #tpu.memory_space<vmem>>
      %dma_wait3A_579 = tpu.memref_squeeze %dma_wait3A_578 : memref<1x1x128xi32, #tpu.memory_space<vmem>> -> memref<128xi32, #tpu.memory_space<vmem>>
      %dma_wait3A_580 = arith.constant 0 : i32
      %dma_wait3A_581 = arith.constant 0 : i32
      %dma_wait3A_582 = tpu.memref_slice %arg9[%dma_wait3A_580, %dma_wait3A_581] : memref<10240x128xf32, #tpu.memory_space<vmem_shared>> -> memref<10240x128xf32, #tpu.memory_space<vmem_shared>>
      tpu.wait_indirect_dma semaphore(%arg14 : memref<!tpu.dma_semaphore, #tpu.memory_space<semaphore_mem>>) src(%arg7 : memref<128x128xf32, #tpu.memory_space<vmem>>) dst(%dma_wait3A_582 : memref<10240x128xf32, #tpu.memory_space<vmem_shared>>)
      %add3A_583 = arith.constant 1 : i32
      %add3A_584 = arith.addi %add3A_366, %add3A_583 : i32
      %lt3A_585 = arith.cmpi slt, %add3A_584, %select_n3A_8 : i32
      %convert_element_type3A_586 = arith.extui %lt3A_585 : i1 to i32
      %cond3A_587 = arith.constant 0 : i32
      %cond3A_588 = arith.cmpi ne, %convert_element_type3A_586, %cond3A_587 : i32
      scf.if %cond3A_588 {
        %dma_wait3A_626 = arith.constant 0 : i32
        %dma_wait3A_627 = arith.constant 0 : i32
        %dma_wait3A_628 = arith.constant 0 : i32
        %dma_wait3A_629 = tpu.memref_slice %arg3[%select_n3A, %dma_wait3A_626, %dma_wait3A_627, %dma_wait3A_628] : memref<320x8x2x128xi32, #tpu.memory_space<hbm>> -> memref<1x8x2x128xi32, #tpu.memory_space<hbm>>
        %dma_wait3A_630 = tpu.memref_squeeze %dma_wait3A_629 : memref<1x8x2x128xi32, #tpu.memory_space<hbm>> -> memref<8x2x128xi32, #tpu.memory_space<hbm>>
        %dma_wait3A_631 = arith.constant 0 : i32
        %dma_wait3A_632 = arith.constant 0 : i32
        %dma_wait3A_633 = arith.constant 0 : i32
        %dma_wait3A_634 = tpu.memref_slice %arg3[%select_n3A, %dma_wait3A_631, %dma_wait3A_632, %dma_wait3A_633] : memref<320x8x2x128xi32, #tpu.memory_space<hbm>> -> memref<1x8x2x128xi32, #tpu.memory_space<hbm>>
        %dma_wait3A_635 = tpu.memref_squeeze %dma_wait3A_634 : memref<1x8x2x128xi32, #tpu.memory_space<hbm>> -> memref<8x2x128xi32, #tpu.memory_space<hbm>>
        tpu.wait_dma2 semaphore(%arg10 : memref<!tpu.dma_semaphore, #tpu.memory_space<semaphore_mem>>) src(%dma_wait3A_635 : memref<8x2x128xi32, #tpu.memory_space<hbm>>) dst(%arg5 : memref<8x2x128xi32, #tpu.memory_space<vmem>>)
        %dma_start3A_636 = arith.constant 0 : i32
        %dma_start3A_637 = arith.constant 0 : i32
        %dma_start3A_638 = arith.constant 0 : i32
        %dma_start3A_639 = tpu.memref_slice %arg5[%dma_start3A_636, %dma_start3A_637, %dma_start3A_638] : memref<8x2x128xi32, #tpu.memory_space<vmem>> -> memref<1x1x128xi32, #tpu.memory_space<vmem>>
        %dma_start3A_640 = tpu.memref_squeeze %dma_start3A_639 : memref<1x1x128xi32, #tpu.memory_space<vmem>> -> memref<128xi32, #tpu.memory_space<vmem>>
        %dma_start3A_641 = arith.constant 0 : i32
        %dma_start3A_642 = arith.constant 0 : i32
        %dma_start3A_643 = tpu.memref_slice %arg2[%dma_start3A_641, %dma_start3A_642] : memref<10240x128xf32, #tpu.memory_space<hbm>> -> memref<10240x128xf32, #tpu.memory_space<hbm>>
        tpu.enqueue_indirect_dma source(%dma_start3A_643 : memref<10240x128xf32, #tpu.memory_space<hbm>>) target(%arg7 : memref<128x128xf32, #tpu.memory_space<vmem>>) offsets(%dma_start3A_640 : memref<128xi32, #tpu.memory_space<vmem>>) semaphore(%arg12 : memref<!tpu.dma_semaphore, #tpu.memory_space<semaphore_mem>>)
      } else {
      }
      %dma_wait3A_589 = arith.constant 0 : i32
      %dma_wait3A_590 = arith.constant 0 : i32
      %dma_wait3A_591 = arith.constant 0 : i32
      %dma_wait3A_592 = tpu.memref_slice %arg5[%dma_wait3A_589, %dma_wait3A_590, %dma_wait3A_591] : memref<8x2x128xi32, #tpu.memory_space<vmem>> -> memref<1x1x128xi32, #tpu.memory_space<vmem>>
      %dma_wait3A_593 = tpu.memref_squeeze %dma_wait3A_592 : memref<1x1x128xi32, #tpu.memory_space<vmem>> -> memref<128xi32, #tpu.memory_space<vmem>>
      %dma_wait3A_594 = arith.constant 0 : i32
      %dma_wait3A_595 = arith.constant 0 : i32
      %dma_wait3A_596 = tpu.memref_slice %arg2[%dma_wait3A_594, %dma_wait3A_595] : memref<10240x128xf32, #tpu.memory_space<hbm>> -> memref<10240x128xf32, #tpu.memory_space<hbm>>
      tpu.wait_indirect_dma semaphore(%arg13 : memref<!tpu.dma_semaphore, #tpu.memory_space<semaphore_mem>>) src(%dma_wait3A_596 : memref<10240x128xf32, #tpu.memory_space<hbm>>) dst(%arg8 : memref<128x128xf32, #tpu.memory_space<vmem>>)
      %dma_start3A_597 = arith.constant 7 : i32
      %dma_start3A_598 = arith.constant 1 : i32
      %dma_start3A_599 = arith.constant 0 : i32
      %dma_start3A_600 = tpu.memref_slice %arg6[%dma_start3A_597, %dma_start3A_598, %dma_start3A_599] : memref<8x2x128xi32, #tpu.memory_space<vmem>> -> memref<1x1x128xi32, #tpu.memory_space<vmem>>
      %dma_start3A_601 = tpu.memref_squeeze %dma_start3A_600 : memref<1x1x128xi32, #tpu.memory_space<vmem>> -> memref<128xi32, #tpu.memory_space<vmem>>
      %dma_start3A_602 = arith.constant 0 : i32
      %dma_start3A_603 = arith.constant 0 : i32
      %dma_start3A_604 = tpu.memref_slice %arg9[%dma_start3A_602, %dma_start3A_603] : memref<10240x128xf32, #tpu.memory_space<vmem_shared>> -> memref<10240x128xf32, #tpu.memory_space<vmem_shared>>
      tpu.enqueue_indirect_dma source(%arg8 : memref<128x128xf32, #tpu.memory_space<vmem>>) target(%dma_start3A_604 : memref<10240x128xf32, #tpu.memory_space<vmem_shared>>) offsets(%dma_start3A_601 : memref<128xi32, #tpu.memory_space<vmem>>) semaphore(%arg15 : memref<!tpu.dma_semaphore, #tpu.memory_space<semaphore_mem>>) {add = true}
      %dma_wait3A_605 = arith.constant 0 : i32
      %dma_wait3A_606 = arith.constant 1 : i32
      %dma_wait3A_607 = arith.constant 0 : i32
      %dma_wait3A_608 = tpu.memref_slice %arg5[%dma_wait3A_605, %dma_wait3A_606, %dma_wait3A_607] : memref<8x2x128xi32, #tpu.memory_space<vmem>> -> memref<1x1x128xi32, #tpu.memory_space<vmem>>
      %dma_wait3A_609 = tpu.memref_squeeze %dma_wait3A_608 : memref<1x1x128xi32, #tpu.memory_space<vmem>> -> memref<128xi32, #tpu.memory_space<vmem>>
      %dma_wait3A_610 = arith.constant 0 : i32
      %dma_wait3A_611 = arith.constant 0 : i32
      %dma_wait3A_612 = tpu.memref_slice %arg9[%dma_wait3A_610, %dma_wait3A_611] : memref<10240x128xf32, #tpu.memory_space<vmem_shared>> -> memref<10240x128xf32, #tpu.memory_space<vmem_shared>>
      tpu.wait_indirect_dma semaphore(%arg15 : memref<!tpu.dma_semaphore, #tpu.memory_space<semaphore_mem>>) src(%arg8 : memref<128x128xf32, #tpu.memory_space<vmem>>) dst(%dma_wait3A_612 : memref<10240x128xf32, #tpu.memory_space<vmem_shared>>)
      %add3A_613 = arith.constant 1 : i32
      %add3A_614 = arith.addi %add3A_366, %add3A_613 : i32
      %lt3A_615 = arith.cmpi slt, %add3A_614, %select_n3A_8 : i32
      %convert_element_type3A_616 = arith.extui %lt3A_615 : i1 to i32
      %cond3A_617 = arith.constant 0 : i32
      %cond3A_618 = arith.cmpi ne, %convert_element_type3A_616, %cond3A_617 : i32
      scf.if %cond3A_618 {
        %dma_start3A_626 = arith.constant 1 : i32
        %dma_start3A_627 = arith.constant 0 : i32
        %dma_start3A_628 = arith.constant 0 : i32
        %dma_start3A_629 = tpu.memref_slice %arg5[%dma_start3A_626, %dma_start3A_627, %dma_start3A_628] : memref<8x2x128xi32, #tpu.memory_space<vmem>> -> memref<1x1x128xi32, #tpu.memory_space<vmem>>
        %dma_start3A_630 = tpu.memref_squeeze %dma_start3A_629 : memref<1x1x128xi32, #tpu.memory_space<vmem>> -> memref<128xi32, #tpu.memory_space<vmem>>
        %dma_start3A_631 = arith.constant 0 : i32
        %dma_start3A_632 = arith.constant 0 : i32
        %dma_start3A_633 = tpu.memref_slice %arg2[%dma_start3A_631, %dma_start3A_632] : memref<10240x128xf32, #tpu.memory_space<hbm>> -> memref<10240x128xf32, #tpu.memory_space<hbm>>
        tpu.enqueue_indirect_dma source(%dma_start3A_633 : memref<10240x128xf32, #tpu.memory_space<hbm>>) target(%arg8 : memref<128x128xf32, #tpu.memory_space<vmem>>) offsets(%dma_start3A_630 : memref<128xi32, #tpu.memory_space<vmem>>) semaphore(%arg13 : memref<!tpu.dma_semaphore, #tpu.memory_space<semaphore_mem>>)
      } else {
      }
      %add3A_619 = arith.constant 2 : i32
      %add3A_620 = arith.addi %add3A_366, %add3A_619 : i32
      %lt3A_621 = arith.cmpi slt, %add3A_620, %select_n3A_8 : i32
      %convert_element_type3A_622 = arith.extui %lt3A_621 : i1 to i32
      %cond3A_623 = arith.constant 0 : i32
      %cond3A_624 = arith.cmpi ne, %convert_element_type3A_622, %cond3A_623 : i32
      scf.if %cond3A_624 {
        %add3A_626 = arith.constant 2 : i32
        %add3A_627 = arith.addi %add3A_366, %add3A_626 : i32
        %add3A_628 = arith.addi %select_n3A, %add3A_627 : i32
        %dma_start3A_629 = arith.constant 0 : i32
        %dma_start3A_630 = arith.constant 0 : i32
        %dma_start3A_631 = arith.constant 0 : i32
        %dma_start3A_632 = tpu.memref_slice %arg3[%add3A_628, %dma_start3A_629, %dma_start3A_630, %dma_start3A_631] : memref<320x8x2x128xi32, #tpu.memory_space<hbm>> -> memref<1x8x2x128xi32, #tpu.memory_space<hbm>>
        %dma_start3A_633 = tpu.memref_squeeze %dma_start3A_632 : memref<1x8x2x128xi32, #tpu.memory_space<hbm>> -> memref<8x2x128xi32, #tpu.memory_space<hbm>>
        %dma_start3A_634 = arith.constant 0 : i32
        %dma_start3A_635 = arith.constant 0 : i32
        %dma_start3A_636 = arith.constant 0 : i32
        %dma_start3A_637 = tpu.memref_slice %arg3[%add3A_628, %dma_start3A_634, %dma_start3A_635, %dma_start3A_636] : memref<320x8x2x128xi32, #tpu.memory_space<hbm>> -> memref<1x8x2x128xi32, #tpu.memory_space<hbm>>
        %dma_start3A_638 = tpu.memref_squeeze %dma_start3A_637 : memref<1x8x2x128xi32, #tpu.memory_space<hbm>> -> memref<8x2x128xi32, #tpu.memory_space<hbm>>
        tpu.enqueue_dma source(%dma_start3A_638 : memref<8x2x128xi32, #tpu.memory_space<hbm>>) target(%arg6 : memref<8x2x128xi32, #tpu.memory_space<vmem>>) target_semaphore(%arg11 : memref<!tpu.dma_semaphore, #tpu.memory_space<semaphore_mem>>)
      } else {
      }
      %while3A_625 = arith.constant 0 : i32
      scf.yield %while3A_625 : i32
    }
    %barrier3A_103 = arith.constant 0 : index
    tpu.barrier barrier_id(%barrier3A_103)
    "tpu.region"() ({
      %run_scoped3A = tpu.sem_alloc : memref<!tpu.dma_semaphore, #tpu.memory_space<semaphore_mem>>
      %dma_start3A_104 = arith.constant 0 : i32
      %dma_start3A_105 = tpu.memref_slice %arg4[%arg0, %mul3A_31, %dma_start3A_104] : memref<2x10240x128xf32, #tpu.memory_space<hbm>> -> memref<1x640x128xf32, #tpu.memory_space<hbm>>
      %dma_start3A_106 = tpu.memref_squeeze %dma_start3A_105 : memref<1x640x128xf32, #tpu.memory_space<hbm>> -> memref<640x128xf32, #tpu.memory_space<hbm>>
      %dma_start3A_107 = arith.constant 0 : i32
      %dma_start3A_108 = tpu.memref_slice %arg9[%mul3A_31, %dma_start3A_107] : memref<10240x128xf32, #tpu.memory_space<vmem_shared>> -> memref<640x128xf32, #tpu.memory_space<vmem_shared>>
      tpu.enqueue_dma source(%dma_start3A_108 : memref<640x128xf32, #tpu.memory_space<vmem_shared>>) target(%dma_start3A_106 : memref<640x128xf32, #tpu.memory_space<hbm>>) target_semaphore(%run_scoped3A : memref<!tpu.dma_semaphore, #tpu.memory_space<semaphore_mem>>)
      %dma_wait3A_109 = arith.constant 0 : i32
      %dma_wait3A_110 = tpu.memref_slice %arg4[%arg0, %mul3A_31, %dma_wait3A_109] : memref<2x10240x128xf32, #tpu.memory_space<hbm>> -> memref<1x640x128xf32, #tpu.memory_space<hbm>>
      %dma_wait3A_111 = tpu.memref_squeeze %dma_wait3A_110 : memref<1x640x128xf32, #tpu.memory_space<hbm>> -> memref<640x128xf32, #tpu.memory_space<hbm>>
      %dma_wait3A_112 = arith.constant 0 : i32
      %dma_wait3A_113 = tpu.memref_slice %arg9[%mul3A_31, %dma_wait3A_112] : memref<10240x128xf32, #tpu.memory_space<vmem_shared>> -> memref<640x128xf32, #tpu.memory_space<vmem_shared>>
      tpu.wait_dma2 semaphore(%run_scoped3A : memref<!tpu.dma_semaphore, #tpu.memory_space<semaphore_mem>>) src(%dma_wait3A_113 : memref<640x128xf32, #tpu.memory_space<vmem_shared>>) dst(%dma_wait3A_111 : memref<640x128xf32, #tpu.memory_space<hbm>>)
      tpu.yield
    }) : () -> ()
    return
  }
}

#map = affine_map<(d0, d1) -> (0, 0)>
#map1 = affine_map<(d0, d1) -> (0, 0, 0, 0)>
#map2 = affine_map<(d0, d1) -> (0, 0, 0)>
module attributes {stable_mosaic.version = 14 : i64} {
  func.func @_seg_sum_body(%arg0: i32, %arg1: i32, %arg2: memref<10240x128xf32, #tpu.memory_space<hbm>>, %arg3: memref<320x8x2x128xi32, #tpu.memory_space<hbm>>, %arg4: memref<2x10240x128xf32, #tpu.memory_space<hbm>>, %arg5: memref<8x2x128xi32, #tpu.memory_space<vmem>>, %arg6: memref<8x2x128xi32, #tpu.memory_space<vmem>>, %arg7: memref<128x128xf32, #tpu.memory_space<vmem>>, %arg8: memref<128x128xf32, #tpu.memory_space<vmem>>, %arg9: memref<10240x128xf32, #tpu.memory_space<vmem_shared>>, %arg10: memref<!tpu.dma_semaphore, #tpu.memory_space<semaphore_mem>>, %arg11: memref<!tpu.dma_semaphore, #tpu.memory_space<semaphore_mem>>, %arg12: memref<!tpu.dma_semaphore, #tpu.memory_space<semaphore_mem>>, %arg13: memref<!tpu.dma_semaphore, #tpu.memory_space<semaphore_mem>>, %arg14: memref<!tpu.dma_semaphore, #tpu.memory_space<semaphore_mem>>, %arg15: memref<!tpu.dma_semaphore, #tpu.memory_space<semaphore_mem>>) attributes {dimension_semantics = [#tpu.dimension_semantics<core_parallel>, #tpu.dimension_semantics<subcore_parallel>], iteration_bounds = array<i64: 2, 16>, scalar_prefetch = 0 : i64, scratch_operands = 11 : i64, tpu.core_type = #tpu.core_type<sc_vector_subcore>, window_params = [{transform_indices = #map}, {transform_indices = #map1}, {transform_indices = #map2}]} {
    %eq3A = arith.constant 0 : i32
    %eq3A_0 = arith.cmpi eq, %arg0, %eq3A : i32
    %mul3A = arith.constant 18 : i32
    %mul3A_1 = arith.muli %arg1, %mul3A : i32
    %mul3A_2 = arith.constant 2 : i32
    %mul3A_3 = arith.muli %arg1, %mul3A_2 : i32
    %add3A = arith.constant 288 : i32
    %add3A_4 = arith.addi %add3A, %mul3A_3 : i32
    %select_n3A = arith.select %eq3A_0, %mul3A_1, %add3A_4 : i32
    %eq3A_5 = arith.constant 0 : i32
    %eq3A_6 = arith.cmpi eq, %arg0, %eq3A_5 : i32
    %jit3A = arith.constant 18 : i32
    %jit3A_7 = arith.constant 2 : i32
    %select_n3A_8 = arith.select %eq3A_6, %jit3A, %jit3A_7 : i32
    %dma_start3A = arith.constant 0 : i32
    %dma_start3A_9 = arith.constant 0 : i32
    %dma_start3A_10 = arith.constant 0 : i32
    %dma_start3A_11 = tpu.memref_slice %arg3[%select_n3A, %dma_start3A, %dma_start3A_9, %dma_start3A_10] : memref<320x8x2x128xi32, #tpu.memory_space<hbm>> -> memref<1x8x2x128xi32, #tpu.memory_space<hbm>>
    %dma_start3A_12 = tpu.memref_squeeze %dma_start3A_11 : memref<1x8x2x128xi32, #tpu.memory_space<hbm>> -> memref<8x2x128xi32, #tpu.memory_space<hbm>>
    %dma_start3A_13 = arith.constant 0 : i32
    %dma_start3A_14 = arith.constant 0 : i32
    %dma_start3A_15 = arith.constant 0 : i32
    %dma_start3A_16 = tpu.memref_slice %arg3[%select_n3A, %dma_start3A_13, %dma_start3A_14, %dma_start3A_15] : memref<320x8x2x128xi32, #tpu.memory_space<hbm>> -> memref<1x8x2x128xi32, #tpu.memory_space<hbm>>
    %dma_start3A_17 = tpu.memref_squeeze %dma_start3A_16 : memref<1x8x2x128xi32, #tpu.memory_space<hbm>> -> memref<8x2x128xi32, #tpu.memory_space<hbm>>
    tpu.enqueue_dma source(%dma_start3A_17 : memref<8x2x128xi32, #tpu.memory_space<hbm>>) target(%arg5 : memref<8x2x128xi32, #tpu.memory_space<vmem>>) target_semaphore(%arg10 : memref<!tpu.dma_semaphore, #tpu.memory_space<semaphore_mem>>)
    %add3A_18 = arith.constant 1 : i32
    %add3A_19 = arith.addi %select_n3A, %add3A_18 : i32
    %dma_start3A_20 = arith.constant 0 : i32
    %dma_start3A_21 = arith.constant 0 : i32
    %dma_start3A_22 = arith.constant 0 : i32
    %dma_start3A_23 = tpu.memref_slice %arg3[%add3A_19, %dma_start3A_20, %dma_start3A_21, %dma_start3A_22] : memref<320x8x2x128xi32, #tpu.memory_space<hbm>> -> memref<1x8x2x128xi32, #tpu.memory_space<hbm>>
    %dma_start3A_24 = tpu.memref_squeeze %dma_start3A_23 : memref<1x8x2x128xi32, #tpu.memory_space<hbm>> -> memref<8x2x128xi32, #tpu.memory_space<hbm>>
    %dma_start3A_25 = arith.constant 0 : i32
    %dma_start3A_26 = arith.constant 0 : i32
    %dma_start3A_27 = arith.constant 0 : i32
    %dma_start3A_28 = tpu.memref_slice %arg3[%add3A_19, %dma_start3A_25, %dma_start3A_26, %dma_start3A_27] : memref<320x8x2x128xi32, #tpu.memory_space<hbm>> -> memref<1x8x2x128xi32, #tpu.memory_space<hbm>>
    %dma_start3A_29 = tpu.memref_squeeze %dma_start3A_28 : memref<1x8x2x128xi32, #tpu.memory_space<hbm>> -> memref<8x2x128xi32, #tpu.memory_space<hbm>>
    tpu.enqueue_dma source(%dma_start3A_29 : memref<8x2x128xi32, #tpu.memory_space<hbm>>) target(%arg6 : memref<8x2x128xi32, #tpu.memory_space<vmem>>) target_semaphore(%arg11 : memref<!tpu.dma_semaphore, #tpu.memory_space<semaphore_mem>>)
    %mul3A_30 = arith.constant 640 : i32
    %mul3A_31 = arith.muli %arg1, %mul3A_30 : i32
    %broadcast_in_dim3A = arith.constant 0.000000e+00 : f32
    %broadcast_in_dim3A_32 = vector.broadcast %broadcast_in_dim3A : f32 to vector<16xf32>
    %scan3A = arith.constant 0 : i32
    %scan3A_33 = arith.constant 0 : i32
    %scan3A_34 = arith.constant 128 : i32
    %scan3A_35 = arith.addi %scan3A_33, %scan3A_34 : i32
    %scan3A_36 = arith.constant 1 : i32
    %scan3A_37 = scf.for %scan3A_104 = %scan3A_33 to %scan3A_35 step %scan3A_36 iter_args(%scan3A_105 = %scan3A) -> (i32)  : i32 {
      %swap3A = arith.index_cast %scan3A_104 : i32 to index
      %swap3A_106 = arith.constant 0 : index
      %swap3A_107 = tpu.vector_load %arg7[%swap3A, %swap3A_106] {strides = array<i32>} : memref<128x128xf32, #tpu.memory_space<vmem>>, vector<1x16xf32>,
      %swap3A_108 = vector.shape_cast %swap3A_107 : vector<1x16xf32> to vector<16xf32>
      %swap3A_109 = vector.shape_cast %broadcast_in_dim3A_32 : vector<16xf32> to vector<1x16xf32>
      tpu.vector_store %arg7[%swap3A, %swap3A_106], %swap3A_109 {strides = array<i32>} : memref<128x128xf32, #tpu.memory_space<vmem>>, vector<1x16xf32>,
      %swap3A_110 = arith.index_cast %scan3A_104 : i32 to index
      %swap3A_111 = arith.constant 16 : index
      %swap3A_112 = tpu.vector_load %arg7[%swap3A_110, %swap3A_111] {strides = array<i32>} : memref<128x128xf32, #tpu.memory_space<vmem>>, vector<1x16xf32>,
      %swap3A_113 = vector.shape_cast %swap3A_112 : vector<1x16xf32> to vector<16xf32>
      %swap3A_114 = vector.shape_cast %broadcast_in_dim3A_32 : vector<16xf32> to vector<1x16xf32>
      tpu.vector_store %arg7[%swap3A_110, %swap3A_111], %swap3A_114 {strides = array<i32>} : memref<128x128xf32, #tpu.memory_space<vmem>>, vector<1x16xf32>,
      %swap3A_115 = arith.index_cast %scan3A_104 : i32 to index
      %swap3A_116 = arith.constant 32 : index
      %swap3A_117 = tpu.vector_load %arg7[%swap3A_115, %swap3A_116] {strides = array<i32>} : memref<128x128xf32, #tpu.memory_space<vmem>>, vector<1x16xf32>,
      %swap3A_118 = vector.shape_cast %swap3A_117 : vector<1x16xf32> to vector<16xf32>
      %swap3A_119 = vector.shape_cast %broadcast_in_dim3A_32 : vector<16xf32> to vector<1x16xf32>
      tpu.vector_store %arg7[%swap3A_115, %swap3A_116], %swap3A_119 {strides = array<i32>} : memref<128x128xf32, #tpu.memory_space<vmem>>, vector<1x16xf32>,
      %swap3A_120 = arith.index_cast %scan3A_104 : i32 to index
      %swap3A_121 = arith.constant 48 : index
      %swap3A_122 = tpu.vector_load %arg7[%swap3A_120, %swap3A_121] {strides = array<i32>} : memref<128x128xf32, #tpu.memory_space<vmem>>, vector<1x16xf32>,
      %swap3A_123 = vector.shape_cast %swap3A_122 : vector<1x16xf32> to vector<16xf32>
      %swap3A_124 = vector.shape_cast %broadcast_in_dim3A_32 : vector<16xf32> to vector<1x16xf32>
      tpu.vector_store %arg7[%swap3A_120, %swap3A_121], %swap3A_124 {strides = array<i32>} : memref<128x128xf32, #tpu.memory_space<vmem>>, vector<1x16xf32>,
      %swap3A_125 = arith.index_cast %scan3A_104 : i32 to index
      %swap3A_126 = arith.constant 64 : index
      %swap3A_127 = tpu.vector_load %arg7[%swap3A_125, %swap3A_126] {strides = array<i32>} : memref<128x128xf32, #tpu.memory_space<vmem>>, vector<1x16xf32>,
      %swap3A_128 = vector.shape_cast %swap3A_127 : vector<1x16xf32> to vector<16xf32>
      %swap3A_129 = vector.shape_cast %broadcast_in_dim3A_32 : vector<16xf32> to vector<1x16xf32>
      tpu.vector_store %arg7[%swap3A_125, %swap3A_126], %swap3A_129 {strides = array<i32>} : memref<128x128xf32, #tpu.memory_space<vmem>>, vector<1x16xf32>,
      %swap3A_130 = arith.index_cast %scan3A_104 : i32 to index
      %swap3A_131 = arith.constant 80 : index
      %swap3A_132 = tpu.vector_load %arg7[%swap3A_130, %swap3A_131] {strides = array<i32>} : memref<128x128xf32, #tpu.memory_space<vmem>>, vector<1x16xf32>,
      %swap3A_133 = vector.shape_cast %swap3A_132 : vector<1x16xf32> to vector<16xf32>
      %swap3A_134 = vector.shape_cast %broadcast_in_dim3A_32 : vector<16xf32> to vector<1x16xf32>
      tpu.vector_store %arg7[%swap3A_130, %swap3A_131], %swap3A_134 {strides = array<i32>} : memref<128x128xf32, #tpu.memory_space<vmem>>, vector<1x16xf32>,
      %swap3A_135 = arith.index_cast %scan3A_104 : i32 to index
      %swap3A_136 = arith.constant 96 : index
      %swap3A_137 = tpu.vector_load %arg7[%swap3A_135, %swap3A_136] {strides = array<i32>} : memref<128x128xf32, #tpu.memory_space<vmem>>, vector<1x16xf32>,
      %swap3A_138 = vector.shape_cast %swap3A_137 : vector<1x16xf32> to vector<16xf32>
      %swap3A_139 = vector.shape_cast %broadcast_in_dim3A_32 : vector<16xf32> to vector<1x16xf32>
      tpu.vector_store %arg7[%swap3A_135, %swap3A_136], %swap3A_139 {strides = array<i32>} : memref<128x128xf32, #tpu.memory_space<vmem>>, vector<1x16xf32>,
      %swap3A_140 = arith.index_cast %scan3A_104 : i32 to index
      %swap3A_141 = arith.constant 112 : index
      %swap3A_142 = tpu.vector_load %arg7[%swap3A_140, %swap3A_141] {strides = array<i32>} : memref<128x128xf32, #tpu.memory_space<vmem>>, vector<1x16xf32>,
      %swap3A_143 = vector.shape_cast %swap3A_142 : vector<1x16xf32> to vector<16xf32>
      %swap3A_144 = vector.shape_cast %broadcast_in_dim3A_32 : vector<16xf32> to vector<1x16xf32>
      tpu.vector_store %arg7[%swap3A_140, %swap3A_141], %swap3A_144 {strides = array<i32>} : memref<128x128xf32, #tpu.memory_space<vmem>>, vector<1x16xf32>,
      %scan3A_145 = arith.constant 0 : i32
      scf.yield %scan3A_145 : i32
    }
    %scan3A_38 = arith.constant 128 : i32
    %add3A_39 = arith.constant 0 : i32
    %add3A_40 = arith.addi %mul3A_31, %add3A_39 : i32
    "tpu.region"() ({
      %run_scoped3A = tpu.sem_alloc : memref<!tpu.dma_semaphore, #tpu.memory_space<semaphore_mem>>
      %dma_start3A_104 = arith.constant 0 : i32
      %dma_start3A_105 = tpu.memref_slice %arg9[%add3A_40, %dma_start3A_104] : memref<10240x128xf32, #tpu.memory_space<vmem_shared>> -> memref<128x128xf32, #tpu.memory_space<vmem_shared>>
      %dma_start3A_106 = arith.constant 0 : i32
      %dma_start3A_107 = tpu.memref_slice %arg9[%add3A_40, %dma_start3A_106] : memref<10240x128xf32, #tpu.memory_space<vmem_shared>> -> memref<128x128xf32, #tpu.memory_space<vmem_shared>>
      tpu.enqueue_dma source(%arg7 : memref<128x128xf32, #tpu.memory_space<vmem>>) target(%dma_start3A_107 : memref<128x128xf32, #tpu.memory_space<vmem_shared>>) target_semaphore(%run_scoped3A : memref<!tpu.dma_semaphore, #tpu.memory_space<semaphore_mem>>)
      %dma_wait3A_108 = arith.constant 0 : i32
      %dma_wait3A_109 = tpu.memref_slice %arg9[%add3A_40, %dma_wait3A_108] : memref<10240x128xf32, #tpu.memory_space<vmem_shared>> -> memref<128x128xf32, #tpu.memory_space<vmem_shared>>
      %dma_wait3A_110 = arith.constant 0 : i32
      %dma_wait3A_111 = tpu.memref_slice %arg9[%add3A_40, %dma_wait3A_110] : memref<10240x128xf32, #tpu.memory_space<vmem_shared>> -> memref<128x128xf32, #tpu.memory_space<vmem_shared>>
      tpu.wait_dma2 semaphore(%run_scoped3A : memref<!tpu.dma_semaphore, #tpu.memory_space<semaphore_mem>>) src(%arg7 : memref<128x128xf32, #tpu.memory_space<vmem>>) dst(%dma_wait3A_111 : memref<128x128xf32, #tpu.memory_space<vmem_shared>>)
      tpu.yield
    }) : () -> ()
    %add3A_41 = arith.constant 128 : i32
    %add3A_42 = arith.addi %mul3A_31, %add3A_41 : i32
    "tpu.region"() ({
      %run_scoped3A = tpu.sem_alloc : memref<!tpu.dma_semaphore, #tpu.memory_space<semaphore_mem>>
      %dma_start3A_104 = arith.constant 0 : i32
      %dma_start3A_105 = tpu.memref_slice %arg9[%add3A_42, %dma_start3A_104] : memref<10240x128xf32, #tpu.memory_space<vmem_shared>> -> memref<128x128xf32, #tpu.memory_space<vmem_shared>>
      %dma_start3A_106 = arith.constant 0 : i32
      %dma_start3A_107 = tpu.memref_slice %arg9[%add3A_42, %dma_start3A_106] : memref<10240x128xf32, #tpu.memory_space<vmem_shared>> -> memref<128x128xf32, #tpu.memory_space<vmem_shared>>
      tpu.enqueue_dma source(%arg7 : memref<128x128xf32, #tpu.memory_space<vmem>>) target(%dma_start3A_107 : memref<128x128xf32, #tpu.memory_space<vmem_shared>>) target_semaphore(%run_scoped3A : memref<!tpu.dma_semaphore, #tpu.memory_space<semaphore_mem>>)
      %dma_wait3A_108 = arith.constant 0 : i32
      %dma_wait3A_109 = tpu.memref_slice %arg9[%add3A_42, %dma_wait3A_108] : memref<10240x128xf32, #tpu.memory_space<vmem_shared>> -> memref<128x128xf32, #tpu.memory_space<vmem_shared>>
      %dma_wait3A_110 = arith.constant 0 : i32
      %dma_wait3A_111 = tpu.memref_slice %arg9[%add3A_42, %dma_wait3A_110] : memref<10240x128xf32, #tpu.memory_space<vmem_shared>> -> memref<128x128xf32, #tpu.memory_space<vmem_shared>>
      tpu.wait_dma2 semaphore(%run_scoped3A : memref<!tpu.dma_semaphore, #tpu.memory_space<semaphore_mem>>) src(%arg7 : memref<128x128xf32, #tpu.memory_space<vmem>>) dst(%dma_wait3A_111 : memref<128x128xf32, #tpu.memory_space<vmem_shared>>)
      tpu.yield
    }) : () -> ()
    %add3A_43 = arith.constant 256 : i32
    %add3A_44 = arith.addi %mul3A_31, %add3A_43 : i32
    "tpu.region"() ({
      %run_scoped3A = tpu.sem_alloc : memref<!tpu.dma_semaphore, #tpu.memory_space<semaphore_mem>>
      %dma_start3A_104 = arith.constant 0 : i32
      %dma_start3A_105 = tpu.memref_slice %arg9[%add3A_44, %dma_start3A_104] : memref<10240x128xf32, #tpu.memory_space<vmem_shared>> -> memref<128x128xf32, #tpu.memory_space<vmem_shared>>
      %dma_start3A_106 = arith.constant 0 : i32
      %dma_start3A_107 = tpu.memref_slice %arg9[%add3A_44, %dma_start3A_106] : memref<10240x128xf32, #tpu.memory_space<vmem_shared>> -> memref<128x128xf32, #tpu.memory_space<vmem_shared>>
      tpu.enqueue_dma source(%arg7 : memref<128x128xf32, #tpu.memory_space<vmem>>) target(%dma_start3A_107 : memref<128x128xf32, #tpu.memory_space<vmem_shared>>) target_semaphore(%run_scoped3A : memref<!tpu.dma_semaphore, #tpu.memory_space<semaphore_mem>>)
      %dma_wait3A_108 = arith.constant 0 : i32
      %dma_wait3A_109 = tpu.memref_slice %arg9[%add3A_44, %dma_wait3A_108] : memref<10240x128xf32, #tpu.memory_space<vmem_shared>> -> memref<128x128xf32, #tpu.memory_space<vmem_shared>>
      %dma_wait3A_110 = arith.constant 0 : i32
      %dma_wait3A_111 = tpu.memref_slice %arg9[%add3A_44, %dma_wait3A_110] : memref<10240x128xf32, #tpu.memory_space<vmem_shared>> -> memref<128x128xf32, #tpu.memory_space<vmem_shared>>
      tpu.wait_dma2 semaphore(%run_scoped3A : memref<!tpu.dma_semaphore, #tpu.memory_space<semaphore_mem>>) src(%arg7 : memref<128x128xf32, #tpu.memory_space<vmem>>) dst(%dma_wait3A_111 : memref<128x128xf32, #tpu.memory_space<vmem_shared>>)
      tpu.yield
    }) : () -> ()
    %add3A_45 = arith.constant 384 : i32
    %add3A_46 = arith.addi %mul3A_31, %add3A_45 : i32
    "tpu.region"() ({
      %run_scoped3A = tpu.sem_alloc : memref<!tpu.dma_semaphore, #tpu.memory_space<semaphore_mem>>
      %dma_start3A_104 = arith.constant 0 : i32
      %dma_start3A_105 = tpu.memref_slice %arg9[%add3A_46, %dma_start3A_104] : memref<10240x128xf32, #tpu.memory_space<vmem_shared>> -> memref<128x128xf32, #tpu.memory_space<vmem_shared>>
      %dma_start3A_106 = arith.constant 0 : i32
      %dma_start3A_107 = tpu.memref_slice %arg9[%add3A_46, %dma_start3A_106] : memref<10240x128xf32, #tpu.memory_space<vmem_shared>> -> memref<128x128xf32, #tpu.memory_space<vmem_shared>>
      tpu.enqueue_dma source(%arg7 : memref<128x128xf32, #tpu.memory_space<vmem>>) target(%dma_start3A_107 : memref<128x128xf32, #tpu.memory_space<vmem_shared>>) target_semaphore(%run_scoped3A : memref<!tpu.dma_semaphore, #tpu.memory_space<semaphore_mem>>)
      %dma_wait3A_108 = arith.constant 0 : i32
      %dma_wait3A_109 = tpu.memref_slice %arg9[%add3A_46, %dma_wait3A_108] : memref<10240x128xf32, #tpu.memory_space<vmem_shared>> -> memref<128x128xf32, #tpu.memory_space<vmem_shared>>
      %dma_wait3A_110 = arith.constant 0 : i32
      %dma_wait3A_111 = tpu.memref_slice %arg9[%add3A_46, %dma_wait3A_110] : memref<10240x128xf32, #tpu.memory_space<vmem_shared>> -> memref<128x128xf32, #tpu.memory_space<vmem_shared>>
      tpu.wait_dma2 semaphore(%run_scoped3A : memref<!tpu.dma_semaphore, #tpu.memory_space<semaphore_mem>>) src(%arg7 : memref<128x128xf32, #tpu.memory_space<vmem>>) dst(%dma_wait3A_111 : memref<128x128xf32, #tpu.memory_space<vmem_shared>>)
      tpu.yield
    }) : () -> ()
    %add3A_47 = arith.constant 512 : i32
    %add3A_48 = arith.addi %mul3A_31, %add3A_47 : i32
    "tpu.region"() ({
      %run_scoped3A = tpu.sem_alloc : memref<!tpu.dma_semaphore, #tpu.memory_space<semaphore_mem>>
      %dma_start3A_104 = arith.constant 0 : i32
      %dma_start3A_105 = tpu.memref_slice %arg9[%add3A_48, %dma_start3A_104] : memref<10240x128xf32, #tpu.memory_space<vmem_shared>> -> memref<128x128xf32, #tpu.memory_space<vmem_shared>>
      %dma_start3A_106 = arith.constant 0 : i32
      %dma_start3A_107 = tpu.memref_slice %arg9[%add3A_48, %dma_start3A_106] : memref<10240x128xf32, #tpu.memory_space<vmem_shared>> -> memref<128x128xf32, #tpu.memory_space<vmem_shared>>
      tpu.enqueue_dma source(%arg7 : memref<128x128xf32, #tpu.memory_space<vmem>>) target(%dma_start3A_107 : memref<128x128xf32, #tpu.memory_space<vmem_shared>>) target_semaphore(%run_scoped3A : memref<!tpu.dma_semaphore, #tpu.memory_space<semaphore_mem>>)
      %dma_wait3A_108 = arith.constant 0 : i32
      %dma_wait3A_109 = tpu.memref_slice %arg9[%add3A_48, %dma_wait3A_108] : memref<10240x128xf32, #tpu.memory_space<vmem_shared>> -> memref<128x128xf32, #tpu.memory_space<vmem_shared>>
      %dma_wait3A_110 = arith.constant 0 : i32
      %dma_wait3A_111 = tpu.memref_slice %arg9[%add3A_48, %dma_wait3A_110] : memref<10240x128xf32, #tpu.memory_space<vmem_shared>> -> memref<128x128xf32, #tpu.memory_space<vmem_shared>>
      tpu.wait_dma2 semaphore(%run_scoped3A : memref<!tpu.dma_semaphore, #tpu.memory_space<semaphore_mem>>) src(%arg7 : memref<128x128xf32, #tpu.memory_space<vmem>>) dst(%dma_wait3A_111 : memref<128x128xf32, #tpu.memory_space<vmem_shared>>)
      tpu.yield
    }) : () -> ()
    %barrier3A = arith.constant 0 : index
    tpu.barrier barrier_id(%barrier3A)
    %dma_wait3A = arith.constant 0 : i32
    %dma_wait3A_49 = arith.constant 0 : i32
    %dma_wait3A_50 = arith.constant 0 : i32
    %dma_wait3A_51 = tpu.memref_slice %arg3[%select_n3A, %dma_wait3A, %dma_wait3A_49, %dma_wait3A_50] : memref<320x8x2x128xi32, #tpu.memory_space<hbm>> -> memref<1x8x2x128xi32, #tpu.memory_space<hbm>>
    %dma_wait3A_52 = tpu.memref_squeeze %dma_wait3A_51 : memref<1x8x2x128xi32, #tpu.memory_space<hbm>> -> memref<8x2x128xi32, #tpu.memory_space<hbm>>
    %dma_wait3A_53 = arith.constant 0 : i32
    %dma_wait3A_54 = arith.constant 0 : i32
    %dma_wait3A_55 = arith.constant 0 : i32
    %dma_wait3A_56 = tpu.memref_slice %arg3[%select_n3A, %dma_wait3A_53, %dma_wait3A_54, %dma_wait3A_55] : memref<320x8x2x128xi32, #tpu.memory_space<hbm>> -> memref<1x8x2x128xi32, #tpu.memory_space<hbm>>
    %dma_wait3A_57 = tpu.memref_squeeze %dma_wait3A_56 : memref<1x8x2x128xi32, #tpu.memory_space<hbm>> -> memref<8x2x128xi32, #tpu.memory_space<hbm>>
    tpu.wait_dma2 semaphore(%arg10 : memref<!tpu.dma_semaphore, #tpu.memory_space<semaphore_mem>>) src(%dma_wait3A_57 : memref<8x2x128xi32, #tpu.memory_space<hbm>>) dst(%arg5 : memref<8x2x128xi32, #tpu.memory_space<vmem>>)
    %dma_start3A_58 = arith.constant 0 : i32
    %dma_start3A_59 = arith.constant 0 : i32
    %dma_start3A_60 = arith.constant 0 : i32
    %dma_start3A_61 = tpu.memref_slice %arg5[%dma_start3A_58, %dma_start3A_59, %dma_start3A_60] : memref<8x2x128xi32, #tpu.memory_space<vmem>> -> memref<1x1x128xi32, #tpu.memory_space<vmem>>
    %dma_start3A_62 = tpu.memref_squeeze %dma_start3A_61 : memref<1x1x128xi32, #tpu.memory_space<vmem>> -> memref<128xi32, #tpu.memory_space<vmem>>
    %dma_start3A_63 = arith.constant 0 : i32
    %dma_start3A_64 = arith.constant 0 : i32
    %dma_start3A_65 = tpu.memref_slice %arg2[%dma_start3A_63, %dma_start3A_64] : memref<10240x128xf32, #tpu.memory_space<hbm>> -> memref<10240x128xf32, #tpu.memory_space<hbm>>
    tpu.enqueue_indirect_dma source(%dma_start3A_65 : memref<10240x128xf32, #tpu.memory_space<hbm>>) target(%arg7 : memref<128x128xf32, #tpu.memory_space<vmem>>) offsets(%dma_start3A_62 : memref<128xi32, #tpu.memory_space<vmem>>) semaphore(%arg12 : memref<!tpu.dma_semaphore, #tpu.memory_space<semaphore_mem>>)
    %dma_start3A_66 = arith.constant 1 : i32
    %dma_start3A_67 = arith.constant 0 : i32
    %dma_start3A_68 = arith.constant 0 : i32
    %dma_start3A_69 = tpu.memref_slice %arg5[%dma_start3A_66, %dma_start3A_67, %dma_start3A_68] : memref<8x2x128xi32, #tpu.memory_space<vmem>> -> memref<1x1x128xi32, #tpu.memory_space<vmem>>
    %dma_start3A_70 = tpu.memref_squeeze %dma_start3A_69 : memref<1x1x128xi32, #tpu.memory_space<vmem>> -> memref<128xi32, #tpu.memory_space<vmem>>
    %dma_start3A_71 = arith.constant 0 : i32
    %dma_start3A_72 = arith.constant 0 : i32
    %dma_start3A_73 = tpu.memref_slice %arg2[%dma_start3A_71, %dma_start3A_72] : memref<10240x128xf32, #tpu.memory_space<hbm>> -> memref<10240x128xf32, #tpu.memory_space<hbm>>
    tpu.enqueue_indirect_dma source(%dma_start3A_73 : memref<10240x128xf32, #tpu.memory_space<hbm>>) target(%arg8 : memref<128x128xf32, #tpu.memory_space<vmem>>) offsets(%dma_start3A_70 : memref<128xi32, #tpu.memory_space<vmem>>) semaphore(%arg13 : memref<!tpu.dma_semaphore, #tpu.memory_space<semaphore_mem>>)
    %jit3A_74 = arith.constant 2 : i32
    %div3A = arith.divsi %select_n3A_8, %jit3A_74 : i32
    %sign3A = arith.constant 0 : i32
    %sign3A_75 = arith.cmpi sgt, %select_n3A_8, %sign3A : i32
    %sign3A_76 = arith.extui %sign3A_75 : i1 to i32
    %sign3A_77 = arith.constant 0 : i32
    %sign3A_78 = arith.cmpi slt, %select_n3A_8, %sign3A_77 : i32
    %sign3A_79 = arith.extui %sign3A_78 : i1 to i32
    %sign3A_80 = arith.subi %sign3A_76, %sign3A_79 : i32
    %sign3A_81 = arith.constant 0 : i32
    %sign3A_82 = arith.cmpi sgt, %jit3A_74, %sign3A_81 : i32
    %sign3A_83 = arith.extui %sign3A_82 : i1 to i32
    %sign3A_84 = arith.constant 0 : i32
    %sign3A_85 = arith.cmpi slt, %jit3A_74, %sign3A_84 : i32
    %sign3A_86 = arith.extui %sign3A_85 : i1 to i32
    %sign3A_87 = arith.subi %sign3A_83, %sign3A_86 : i32
    %ne3A = arith.cmpi ne, %sign3A_80, %sign3A_87 : i32
    %rem3A = arith.remsi %select_n3A_8, %jit3A_74 : i32
    %ne3A_88 = arith.constant 0 : i32
    %ne3A_89 = arith.cmpi ne, %rem3A, %ne3A_88 : i32
    %and3A = arith.andi %ne3A, %ne3A_89 : i1
    %sub3A = arith.constant 1 : i32
    %sub3A_90 = arith.subi %div3A, %sub3A : i32
    %select_n3A_91 = arith.select %and3A, %sub3A_90, %div3A : i32
    %while3A = arith.constant 0 : i32
    %while3A_92 = arith.constant 0 : i32
    %while3A_93 = arith.subi %select_n3A_91, %while3A : i32
    %while3A_94 = arith.addi %while3A, %while3A_93 : i32
    %while3A_95 = arith.constant 1 : i32
    %while3A_96 = arith.divsi %while3A_93, %while3A_95 : i32
    %while3A_97 = arith.muli %while3A_96, %while3A_95 : i32
    %while3A_98 = arith.addi %while3A, %while3A_97 : i32
    %while3A_99 = arith.constant 1 : i32
    %while3A_100 = scf.for %while3A_104 = %while3A to %while3A_98 step %while3A_99 iter_args(%while3A_105 = %while3A_92) -> (i32)  : i32 {
      %mul3A_106 = arith.constant 2 : i32
      %mul3A_107 = arith.muli %mul3A_106, %while3A_104 : i32
      %dma_wait3A_108 = arith.constant 0 : i32
      %dma_wait3A_109 = arith.constant 0 : i32
      %dma_wait3A_110 = arith.constant 0 : i32
      %dma_wait3A_111 = tpu.memref_slice %arg5[%dma_wait3A_108, %dma_wait3A_109, %dma_wait3A_110] : memref<8x2x128xi32, #tpu.memory_space<vmem>> -> memref<1x1x128xi32, #tpu.memory_space<vmem>>
      %dma_wait3A_112 = tpu.memref_squeeze %dma_wait3A_111 : memref<1x1x128xi32, #tpu.memory_space<vmem>> -> memref<128xi32, #tpu.memory_space<vmem>>
      %dma_wait3A_113 = arith.constant 0 : i32
      %dma_wait3A_114 = arith.constant 0 : i32
      %dma_wait3A_115 = tpu.memref_slice %arg2[%dma_wait3A_113, %dma_wait3A_114] : memref<10240x128xf32, #tpu.memory_space<hbm>> -> memref<10240x128xf32, #tpu.memory_space<hbm>>
      tpu.wait_indirect_dma semaphore(%arg12 : memref<!tpu.dma_semaphore, #tpu.memory_space<semaphore_mem>>) src(%dma_wait3A_115 : memref<10240x128xf32, #tpu.memory_space<hbm>>) dst(%arg7 : memref<128x128xf32, #tpu.memory_space<vmem>>)
      %dma_start3A_116 = arith.constant 0 : i32
      %dma_start3A_117 = arith.constant 1 : i32
      %dma_start3A_118 = arith.constant 0 : i32
      %dma_start3A_119 = tpu.memref_slice %arg5[%dma_start3A_116, %dma_start3A_117, %dma_start3A_118] : memref<8x2x128xi32, #tpu.memory_space<vmem>> -> memref<1x1x128xi32, #tpu.memory_space<vmem>>
      %dma_start3A_120 = tpu.memref_squeeze %dma_start3A_119 : memref<1x1x128xi32, #tpu.memory_space<vmem>> -> memref<128xi32, #tpu.memory_space<vmem>>
      %dma_start3A_121 = arith.constant 0 : i32
      %dma_start3A_122 = arith.constant 0 : i32
      %dma_start3A_123 = tpu.memref_slice %arg9[%dma_start3A_121, %dma_start3A_122] : memref<10240x128xf32, #tpu.memory_space<vmem_shared>> -> memref<10240x128xf32, #tpu.memory_space<vmem_shared>>
      tpu.enqueue_indirect_dma source(%arg7 : memref<128x128xf32, #tpu.memory_space<vmem>>) target(%dma_start3A_123 : memref<10240x128xf32, #tpu.memory_space<vmem_shared>>) offsets(%dma_start3A_120 : memref<128xi32, #tpu.memory_space<vmem>>) semaphore(%arg14 : memref<!tpu.dma_semaphore, #tpu.memory_space<semaphore_mem>>) {add = true}
      %dma_wait3A_124 = arith.constant 0 : i32
      %dma_wait3A_125 = arith.constant 1 : i32
      %dma_wait3A_126 = arith.constant 0 : i32
      %dma_wait3A_127 = tpu.memref_slice %arg5[%dma_wait3A_124, %dma_wait3A_125, %dma_wait3A_126] : memref<8x2x128xi32, #tpu.memory_space<vmem>> -> memref<1x1x128xi32, #tpu.memory_space<vmem>>
      %dma_wait3A_128 = tpu.memref_squeeze %dma_wait3A_127 : memref<1x1x128xi32, #tpu.memory_space<vmem>> -> memref<128xi32, #tpu.memory_space<vmem>>
      %dma_wait3A_129 = arith.constant 0 : i32
      %dma_wait3A_130 = arith.constant 0 : i32
      %dma_wait3A_131 = tpu.memref_slice %arg9[%dma_wait3A_129, %dma_wait3A_130] : memref<10240x128xf32, #tpu.memory_space<vmem_shared>> -> memref<10240x128xf32, #tpu.memory_space<vmem_shared>>
      tpu.wait_indirect_dma semaphore(%arg14 : memref<!tpu.dma_semaphore, #tpu.memory_space<semaphore_mem>>) src(%arg7 : memref<128x128xf32, #tpu.memory_space<vmem>>) dst(%dma_wait3A_131 : memref<10240x128xf32, #tpu.memory_space<vmem_shared>>)
      %dma_start3A_132 = arith.constant 2 : i32
      %dma_start3A_133 = arith.constant 0 : i32
      %dma_start3A_134 = arith.constant 0 : i32
      %dma_start3A_135 = tpu.memref_slice %arg5[%dma_start3A_132, %dma_start3A_133, %dma_start3A_134] : memref<8x2x128xi32, #tpu.memory_space<vmem>> -> memref<1x1x128xi32, #tpu.memory_space<vmem>>
      %dma_start3A_136 = tpu.memref_squeeze %dma_start3A_135 : memref<1x1x128xi32, #tpu.memory_space<vmem>> -> memref<128xi32, #tpu.memory_space<vmem>>
      %dma_start3A_137 = arith.constant 0 : i32
      %dma_start3A_138 = arith.constant 0 : i32
      %dma_start3A_139 = tpu.memref_slice %arg2[%dma_start3A_137, %dma_start3A_138] : memref<10240x128xf32, #tpu.memory_space<hbm>> -> memref<10240x128xf32, #tpu.memory_space<hbm>>
      tpu.enqueue_indirect_dma source(%dma_start3A_139 : memref<10240x128xf32, #tpu.memory_space<hbm>>) target(%arg7 : memref<128x128xf32, #tpu.memory_space<vmem>>) offsets(%dma_start3A_136 : memref<128xi32, #tpu.memory_space<vmem>>) semaphore(%arg12 : memref<!tpu.dma_semaphore, #tpu.memory_space<semaphore_mem>>)
      %dma_wait3A_140 = arith.constant 0 : i32
      %dma_wait3A_141 = arith.constant 0 : i32
      %dma_wait3A_142 = arith.constant 0 : i32
      %dma_wait3A_143 = tpu.memref_slice %arg5[%dma_wait3A_140, %dma_wait3A_141, %dma_wait3A_142] : memref<8x2x128xi32, #tpu.memory_space<vmem>> -> memref<1x1x128xi32, #tpu.memory_space<vmem>>
      %dma_wait3A_144 = tpu.memref_squeeze %dma_wait3A_143 : memref<1x1x128xi32, #tpu.memory_space<vmem>> -> memref<128xi32, #tpu.memory_space<vmem>>
      %dma_wait3A_145 = arith.constant 0 : i32
      %dma_wait3A_146 = arith.constant 0 : i32
      %dma_wait3A_147 = tpu.memref_slice %arg2[%dma_wait3A_145, %dma_wait3A_146] : memref<10240x128xf32, #tpu.memory_space<hbm>> -> memref<10240x128xf32, #tpu.memory_space<hbm>>
      tpu.wait_indirect_dma semaphore(%arg13 : memref<!tpu.dma_semaphore, #tpu.memory_space<semaphore_mem>>) src(%dma_wait3A_147 : memref<10240x128xf32, #tpu.memory_space<hbm>>) dst(%arg8 : memref<128x128xf32, #tpu.memory_space<vmem>>)
      %dma_start3A_148 = arith.constant 1 : i32
      %dma_start3A_149 = arith.constant 1 : i32
      %dma_start3A_150 = arith.constant 0 : i32
      %dma_start3A_151 = tpu.memref_slice %arg5[%dma_start3A_148, %dma_start3A_149, %dma_start3A_150] : memref<8x2x128xi32, #tpu.memory_space<vmem>> -> memref<1x1x128xi32, #tpu.memory_space<vmem>>
      %dma_start3A_152 = tpu.memref_squeeze %dma_start3A_151 : memref<1x1x128xi32, #tpu.memory_space<vmem>> -> memref<128xi32, #tpu.memory_space<vmem>>
      %dma_start3A_153 = arith.constant 0 : i32
      %dma_start3A_154 = arith.constant 0 : i32
      %dma_start3A_155 = tpu.memref_slice %arg9[%dma_start3A_153, %dma_start3A_154] : memref<10240x128xf32, #tpu.memory_space<vmem_shared>> -> memref<10240x128xf32, #tpu.memory_space<vmem_shared>>
      tpu.enqueue_indirect_dma source(%arg8 : memref<128x128xf32, #tpu.memory_space<vmem>>) target(%dma_start3A_155 : memref<10240x128xf32, #tpu.memory_space<vmem_shared>>) offsets(%dma_start3A_152 : memref<128xi32, #tpu.memory_space<vmem>>) semaphore(%arg15 : memref<!tpu.dma_semaphore, #tpu.memory_space<semaphore_mem>>) {add = true}
      %dma_wait3A_156 = arith.constant 0 : i32
      %dma_wait3A_157 = arith.constant 1 : i32
      %dma_wait3A_158 = arith.constant 0 : i32
      %dma_wait3A_159 = tpu.memref_slice %arg5[%dma_wait3A_156, %dma_wait3A_157, %dma_wait3A_158] : memref<8x2x128xi32, #tpu.memory_space<vmem>> -> memref<1x1x128xi32, #tpu.memory_space<vmem>>
      %dma_wait3A_160 = tpu.memref_squeeze %dma_wait3A_159 : memref<1x1x128xi32, #tpu.memory_space<vmem>> -> memref<128xi32, #tpu.memory_space<vmem>>
      %dma_wait3A_161 = arith.constant 0 : i32
      %dma_wait3A_162 = arith.constant 0 : i32
      %dma_wait3A_163 = tpu.memref_slice %arg9[%dma_wait3A_161, %dma_wait3A_162] : memref<10240x128xf32, #tpu.memory_space<vmem_shared>> -> memref<10240x128xf32, #tpu.memory_space<vmem_shared>>
      tpu.wait_indirect_dma semaphore(%arg15 : memref<!tpu.dma_semaphore, #tpu.memory_space<semaphore_mem>>) src(%arg8 : memref<128x128xf32, #tpu.memory_space<vmem>>) dst(%dma_wait3A_163 : memref<10240x128xf32, #tpu.memory_space<vmem_shared>>)
      %dma_start3A_164 = arith.constant 3 : i32
      %dma_start3A_165 = arith.constant 0 : i32
      %dma_start3A_166 = arith.constant 0 : i32
      %dma_start3A_167 = tpu.memref_slice %arg5[%dma_start3A_164, %dma_start3A_165, %dma_start3A_166] : memref<8x2x128xi32, #tpu.memory_space<vmem>> -> memref<1x1x128xi32, #tpu.memory_space<vmem>>
      %dma_start3A_168 = tpu.memref_squeeze %dma_start3A_167 : memref<1x1x128xi32, #tpu.memory_space<vmem>> -> memref<128xi32, #tpu.memory_space<vmem>>
      %dma_start3A_169 = arith.constant 0 : i32
      %dma_start3A_170 = arith.constant 0 : i32
      %dma_start3A_171 = tpu.memref_slice %arg2[%dma_start3A_169, %dma_start3A_170] : memref<10240x128xf32, #tpu.memory_space<hbm>> -> memref<10240x128xf32, #tpu.memory_space<hbm>>
      tpu.enqueue_indirect_dma source(%dma_start3A_171 : memref<10240x128xf32, #tpu.memory_space<hbm>>) target(%arg8 : memref<128x128xf32, #tpu.memory_space<vmem>>) offsets(%dma_start3A_168 : memref<128xi32, #tpu.memory_space<vmem>>) semaphore(%arg13 : memref<!tpu.dma_semaphore, #tpu.memory_space<semaphore_mem>>)
      %dma_wait3A_172 = arith.constant 0 : i32
      %dma_wait3A_173 = arith.constant 0 : i32
      %dma_wait3A_174 = arith.constant 0 : i32
      %dma_wait3A_175 = tpu.memref_slice %arg5[%dma_wait3A_172, %dma_wait3A_173, %dma_wait3A_174] : memref<8x2x128xi32, #tpu.memory_space<vmem>> -> memref<1x1x128xi32, #tpu.memory_space<vmem>>
      %dma_wait3A_176 = tpu.memref_squeeze %dma_wait3A_175 : memref<1x1x128xi32, #tpu.memory_space<vmem>> -> memref<128xi32, #tpu.memory_space<vmem>>
      %dma_wait3A_177 = arith.constant 0 : i32
      %dma_wait3A_178 = arith.constant 0 : i32
      %dma_wait3A_179 = tpu.memref_slice %arg2[%dma_wait3A_177, %dma_wait3A_178] : memref<10240x128xf32, #tpu.memory_space<hbm>> -> memref<10240x128xf32, #tpu.memory_space<hbm>>
      tpu.wait_indirect_dma semaphore(%arg12 : memref<!tpu.dma_semaphore, #tpu.memory_space<semaphore_mem>>) src(%dma_wait3A_179 : memref<10240x128xf32, #tpu.memory_space<hbm>>) dst(%arg7 : memref<128x128xf32, #tpu.memory_space<vmem>>)
      %dma_start3A_180 = arith.constant 2 : i32
      %dma_start3A_181 = arith.constant 1 : i32
      %dma_start3A_182 = arith.constant 0 : i32
      %dma_start3A_183 = tpu.memref_slice %arg5[%dma_start3A_180, %dma_start3A_181, %dma_start3A_182] : memref<8x2x128xi32, #tpu.memory_space<vmem>> -> memref<1x1x128xi32, #tpu.memory_space<vmem>>
      %dma_start3A_184 = tpu.memref_squeeze %dma_start3A_183 : memref<1x1x128xi32, #tpu.memory_space<vmem>> -> memref<128xi32, #tpu.memory_space<vmem>>
      %dma_start3A_185 = arith.constant 0 : i32
      %dma_start3A_186 = arith.constant 0 : i32
      %dma_start3A_187 = tpu.memref_slice %arg9[%dma_start3A_185, %dma_start3A_186] : memref<10240x128xf32, #tpu.memory_space<vmem_shared>> -> memref<10240x128xf32, #tpu.memory_space<vmem_shared>>
      tpu.enqueue_indirect_dma source(%arg7 : memref<128x128xf32, #tpu.memory_space<vmem>>) target(%dma_start3A_187 : memref<10240x128xf32, #tpu.memory_space<vmem_shared>>) offsets(%dma_start3A_184 : memref<128xi32, #tpu.memory_space<vmem>>) semaphore(%arg14 : memref<!tpu.dma_semaphore, #tpu.memory_space<semaphore_mem>>) {add = true}
      %dma_wait3A_188 = arith.constant 0 : i32
      %dma_wait3A_189 = arith.constant 1 : i32
      %dma_wait3A_190 = arith.constant 0 : i32
      %dma_wait3A_191 = tpu.memref_slice %arg5[%dma_wait3A_188, %dma_wait3A_189, %dma_wait3A_190] : memref<8x2x128xi32, #tpu.memory_space<vmem>> -> memref<1x1x128xi32, #tpu.memory_space<vmem>>
      %dma_wait3A_192 = tpu.memref_squeeze %dma_wait3A_191 : memref<1x1x128xi32, #tpu.memory_space<vmem>> -> memref<128xi32, #tpu.memory_space<vmem>>
      %dma_wait3A_193 = arith.constant 0 : i32
      %dma_wait3A_194 = arith.constant 0 : i32
      %dma_wait3A_195 = tpu.memref_slice %arg9[%dma_wait3A_193, %dma_wait3A_194] : memref<10240x128xf32, #tpu.memory_space<vmem_shared>> -> memref<10240x128xf32, #tpu.memory_space<vmem_shared>>
      tpu.wait_indirect_dma semaphore(%arg14 : memref<!tpu.dma_semaphore, #tpu.memory_space<semaphore_mem>>) src(%arg7 : memref<128x128xf32, #tpu.memory_space<vmem>>) dst(%dma_wait3A_195 : memref<10240x128xf32, #tpu.memory_space<vmem_shared>>)
      %dma_start3A_196 = arith.constant 4 : i32
      %dma_start3A_197 = arith.constant 0 : i32
      %dma_start3A_198 = arith.constant 0 : i32
      %dma_start3A_199 = tpu.memref_slice %arg5[%dma_start3A_196, %dma_start3A_197, %dma_start3A_198] : memref<8x2x128xi32, #tpu.memory_space<vmem>> -> memref<1x1x128xi32, #tpu.memory_space<vmem>>
      %dma_start3A_200 = tpu.memref_squeeze %dma_start3A_199 : memref<1x1x128xi32, #tpu.memory_space<vmem>> -> memref<128xi32, #tpu.memory_space<vmem>>
      %dma_start3A_201 = arith.constant 0 : i32
      %dma_start3A_202 = arith.constant 0 : i32
      %dma_start3A_203 = tpu.memref_slice %arg2[%dma_start3A_201, %dma_start3A_202] : memref<10240x128xf32, #tpu.memory_space<hbm>> -> memref<10240x128xf32, #tpu.memory_space<hbm>>
      tpu.enqueue_indirect_dma source(%dma_start3A_203 : memref<10240x128xf32, #tpu.memory_space<hbm>>) target(%arg7 : memref<128x128xf32, #tpu.memory_space<vmem>>) offsets(%dma_start3A_200 : memref<128xi32, #tpu.memory_space<vmem>>) semaphore(%arg12 : memref<!tpu.dma_semaphore, #tpu.memory_space<semaphore_mem>>)
      %dma_wait3A_204 = arith.constant 0 : i32
      %dma_wait3A_205 = arith.constant 0 : i32
      %dma_wait3A_206 = arith.constant 0 : i32
      %dma_wait3A_207 = tpu.memref_slice %arg5[%dma_wait3A_204, %dma_wait3A_205, %dma_wait3A_206] : memref<8x2x128xi32, #tpu.memory_space<vmem>> -> memref<1x1x128xi32, #tpu.memory_space<vmem>>
      %dma_wait3A_208 = tpu.memref_squeeze %dma_wait3A_207 : memref<1x1x128xi32, #tpu.memory_space<vmem>> -> memref<128xi32, #tpu.memory_space<vmem>>
      %dma_wait3A_209 = arith.constant 0 : i32
      %dma_wait3A_210 = arith.constant 0 : i32
      %dma_wait3A_211 = tpu.memref_slice %arg2[%dma_wait3A_209, %dma_wait3A_210] : memref<10240x128xf32, #tpu.memory_space<hbm>> -> memref<10240x128xf32, #tpu.memory_space<hbm>>
      tpu.wait_indirect_dma semaphore(%arg13 : memref<!tpu.dma_semaphore, #tpu.memory_space<semaphore_mem>>) src(%dma_wait3A_211 : memref<10240x128xf32, #tpu.memory_space<hbm>>) dst(%arg8 : memref<128x128xf32, #tpu.memory_space<vmem>>)
      %dma_start3A_212 = arith.constant 3 : i32
      %dma_start3A_213 = arith.constant 1 : i32
      %dma_start3A_214 = arith.constant 0 : i32
      %dma_start3A_215 = tpu.memref_slice %arg5[%dma_start3A_212, %dma_start3A_213, %dma_start3A_214] : memref<8x2x128xi32, #tpu.memory_space<vmem>> -> memref<1x1x128xi32, #tpu.memory_space<vmem>>
      %dma_start3A_216 = tpu.memref_squeeze %dma_start3A_215 : memref<1x1x128xi32, #tpu.memory_space<vmem>> -> memref<128xi32, #tpu.memory_space<vmem>>
      %dma_start3A_217 = arith.constant 0 : i32
      %dma_start3A_218 = arith.constant 0 : i32
      %dma_start3A_219 = tpu.memref_slice %arg9[%dma_start3A_217, %dma_start3A_218] : memref<10240x128xf32, #tpu.memory_space<vmem_shared>> -> memref<10240x128xf32, #tpu.memory_space<vmem_shared>>
      tpu.enqueue_indirect_dma source(%arg8 : memref<128x128xf32, #tpu.memory_space<vmem>>) target(%dma_start3A_219 : memref<10240x128xf32, #tpu.memory_space<vmem_shared>>) offsets(%dma_start3A_216 : memref<128xi32, #tpu.memory_space<vmem>>) semaphore(%arg15 : memref<!tpu.dma_semaphore, #tpu.memory_space<semaphore_mem>>) {add = true}
      %dma_wait3A_220 = arith.constant 0 : i32
      %dma_wait3A_221 = arith.constant 1 : i32
      %dma_wait3A_222 = arith.constant 0 : i32
      %dma_wait3A_223 = tpu.memref_slice %arg5[%dma_wait3A_220, %dma_wait3A_221, %dma_wait3A_222] : memref<8x2x128xi32, #tpu.memory_space<vmem>> -> memref<1x1x128xi32, #tpu.memory_space<vmem>>
      %dma_wait3A_224 = tpu.memref_squeeze %dma_wait3A_223 : memref<1x1x128xi32, #tpu.memory_space<vmem>> -> memref<128xi32, #tpu.memory_space<vmem>>
      %dma_wait3A_225 = arith.constant 0 : i32
      %dma_wait3A_226 = arith.constant 0 : i32
      %dma_wait3A_227 = tpu.memref_slice %arg9[%dma_wait3A_225, %dma_wait3A_226] : memref<10240x128xf32, #tpu.memory_space<vmem_shared>> -> memref<10240x128xf32, #tpu.memory_space<vmem_shared>>
      tpu.wait_indirect_dma semaphore(%arg15 : memref<!tpu.dma_semaphore, #tpu.memory_space<semaphore_mem>>) src(%arg8 : memref<128x128xf32, #tpu.memory_space<vmem>>) dst(%dma_wait3A_227 : memref<10240x128xf32, #tpu.memory_space<vmem_shared>>)
      %dma_start3A_228 = arith.constant 5 : i32
      %dma_start3A_229 = arith.constant 0 : i32
      %dma_start3A_230 = arith.constant 0 : i32
      %dma_start3A_231 = tpu.memref_slice %arg5[%dma_start3A_228, %dma_start3A_229, %dma_start3A_230] : memref<8x2x128xi32, #tpu.memory_space<vmem>> -> memref<1x1x128xi32, #tpu.memory_space<vmem>>
      %dma_start3A_232 = tpu.memref_squeeze %dma_start3A_231 : memref<1x1x128xi32, #tpu.memory_space<vmem>> -> memref<128xi32, #tpu.memory_space<vmem>>
      %dma_start3A_233 = arith.constant 0 : i32
      %dma_start3A_234 = arith.constant 0 : i32
      %dma_start3A_235 = tpu.memref_slice %arg2[%dma_start3A_233, %dma_start3A_234] : memref<10240x128xf32, #tpu.memory_space<hbm>> -> memref<10240x128xf32, #tpu.memory_space<hbm>>
      tpu.enqueue_indirect_dma source(%dma_start3A_235 : memref<10240x128xf32, #tpu.memory_space<hbm>>) target(%arg8 : memref<128x128xf32, #tpu.memory_space<vmem>>) offsets(%dma_start3A_232 : memref<128xi32, #tpu.memory_space<vmem>>) semaphore(%arg13 : memref<!tpu.dma_semaphore, #tpu.memory_space<semaphore_mem>>)
      %dma_wait3A_236 = arith.constant 0 : i32
      %dma_wait3A_237 = arith.constant 0 : i32
      %dma_wait3A_238 = arith.constant 0 : i32
      %dma_wait3A_239 = tpu.memref_slice %arg5[%dma_wait3A_236, %dma_wait3A_237, %dma_wait3A_238] : memref<8x2x128xi32, #tpu.memory_space<vmem>> -> memref<1x1x128xi32, #tpu.memory_space<vmem>>
      %dma_wait3A_240 = tpu.memref_squeeze %dma_wait3A_239 : memref<1x1x128xi32, #tpu.memory_space<vmem>> -> memref<128xi32, #tpu.memory_space<vmem>>
      %dma_wait3A_241 = arith.constant 0 : i32
      %dma_wait3A_242 = arith.constant 0 : i32
      %dma_wait3A_243 = tpu.memref_slice %arg2[%dma_wait3A_241, %dma_wait3A_242] : memref<10240x128xf32, #tpu.memory_space<hbm>> -> memref<10240x128xf32, #tpu.memory_space<hbm>>
      tpu.wait_indirect_dma semaphore(%arg12 : memref<!tpu.dma_semaphore, #tpu.memory_space<semaphore_mem>>) src(%dma_wait3A_243 : memref<10240x128xf32, #tpu.memory_space<hbm>>) dst(%arg7 : memref<128x128xf32, #tpu.memory_space<vmem>>)
      %dma_start3A_244 = arith.constant 4 : i32
      %dma_start3A_245 = arith.constant 1 : i32
      %dma_start3A_246 = arith.constant 0 : i32
      %dma_start3A_247 = tpu.memref_slice %arg5[%dma_start3A_244, %dma_start3A_245, %dma_start3A_246] : memref<8x2x128xi32, #tpu.memory_space<vmem>> -> memref<1x1x128xi32, #tpu.memory_space<vmem>>
      %dma_start3A_248 = tpu.memref_squeeze %dma_start3A_247 : memref<1x1x128xi32, #tpu.memory_space<vmem>> -> memref<128xi32, #tpu.memory_space<vmem>>
      %dma_start3A_249 = arith.constant 0 : i32
      %dma_start3A_250 = arith.constant 0 : i32
      %dma_start3A_251 = tpu.memref_slice %arg9[%dma_start3A_249, %dma_start3A_250] : memref<10240x128xf32, #tpu.memory_space<vmem_shared>> -> memref<10240x128xf32, #tpu.memory_space<vmem_shared>>
      tpu.enqueue_indirect_dma source(%arg7 : memref<128x128xf32, #tpu.memory_space<vmem>>) target(%dma_start3A_251 : memref<10240x128xf32, #tpu.memory_space<vmem_shared>>) offsets(%dma_start3A_248 : memref<128xi32, #tpu.memory_space<vmem>>) semaphore(%arg14 : memref<!tpu.dma_semaphore, #tpu.memory_space<semaphore_mem>>) {add = true}
      %dma_wait3A_252 = arith.constant 0 : i32
      %dma_wait3A_253 = arith.constant 1 : i32
      %dma_wait3A_254 = arith.constant 0 : i32
      %dma_wait3A_255 = tpu.memref_slice %arg5[%dma_wait3A_252, %dma_wait3A_253, %dma_wait3A_254] : memref<8x2x128xi32, #tpu.memory_space<vmem>> -> memref<1x1x128xi32, #tpu.memory_space<vmem>>
      %dma_wait3A_256 = tpu.memref_squeeze %dma_wait3A_255 : memref<1x1x128xi32, #tpu.memory_space<vmem>> -> memref<128xi32, #tpu.memory_space<vmem>>
      %dma_wait3A_257 = arith.constant 0 : i32
      %dma_wait3A_258 = arith.constant 0 : i32
      %dma_wait3A_259 = tpu.memref_slice %arg9[%dma_wait3A_257, %dma_wait3A_258] : memref<10240x128xf32, #tpu.memory_space<vmem_shared>> -> memref<10240x128xf32, #tpu.memory_space<vmem_shared>>
      tpu.wait_indirect_dma semaphore(%arg14 : memref<!tpu.dma_semaphore, #tpu.memory_space<semaphore_mem>>) src(%arg7 : memref<128x128xf32, #tpu.memory_space<vmem>>) dst(%dma_wait3A_259 : memref<10240x128xf32, #tpu.memory_space<vmem_shared>>)
      %dma_start3A_260 = arith.constant 6 : i32
      %dma_start3A_261 = arith.constant 0 : i32
      %dma_start3A_262 = arith.constant 0 : i32
      %dma_start3A_263 = tpu.memref_slice %arg5[%dma_start3A_260, %dma_start3A_261, %dma_start3A_262] : memref<8x2x128xi32, #tpu.memory_space<vmem>> -> memref<1x1x128xi32, #tpu.memory_space<vmem>>
      %dma_start3A_264 = tpu.memref_squeeze %dma_start3A_263 : memref<1x1x128xi32, #tpu.memory_space<vmem>> -> memref<128xi32, #tpu.memory_space<vmem>>
      %dma_start3A_265 = arith.constant 0 : i32
      %dma_start3A_266 = arith.constant 0 : i32
      %dma_start3A_267 = tpu.memref_slice %arg2[%dma_start3A_265, %dma_start3A_266] : memref<10240x128xf32, #tpu.memory_space<hbm>> -> memref<10240x128xf32, #tpu.memory_space<hbm>>
      tpu.enqueue_indirect_dma source(%dma_start3A_267 : memref<10240x128xf32, #tpu.memory_space<hbm>>) target(%arg7 : memref<128x128xf32, #tpu.memory_space<vmem>>) offsets(%dma_start3A_264 : memref<128xi32, #tpu.memory_space<vmem>>) semaphore(%arg12 : memref<!tpu.dma_semaphore, #tpu.memory_space<semaphore_mem>>)
      %dma_wait3A_268 = arith.constant 0 : i32
      %dma_wait3A_269 = arith.constant 0 : i32
      %dma_wait3A_270 = arith.constant 0 : i32
      %dma_wait3A_271 = tpu.memref_slice %arg5[%dma_wait3A_268, %dma_wait3A_269, %dma_wait3A_270] : memref<8x2x128xi32, #tpu.memory_space<vmem>> -> memref<1x1x128xi32, #tpu.memory_space<vmem>>
      %dma_wait3A_272 = tpu.memref_squeeze %dma_wait3A_271 : memref<1x1x128xi32, #tpu.memory_space<vmem>> -> memref<128xi32, #tpu.memory_space<vmem>>
      %dma_wait3A_273 = arith.constant 0 : i32
      %dma_wait3A_274 = arith.constant 0 : i32
      %dma_wait3A_275 = tpu.memref_slice %arg2[%dma_wait3A_273, %dma_wait3A_274] : memref<10240x128xf32, #tpu.memory_space<hbm>> -> memref<10240x128xf32, #tpu.memory_space<hbm>>
      tpu.wait_indirect_dma semaphore(%arg13 : memref<!tpu.dma_semaphore, #tpu.memory_space<semaphore_mem>>) src(%dma_wait3A_275 : memref<10240x128xf32, #tpu.memory_space<hbm>>) dst(%arg8 : memref<128x128xf32, #tpu.memory_space<vmem>>)
      %dma_start3A_276 = arith.constant 5 : i32
      %dma_start3A_277 = arith.constant 1 : i32
      %dma_start3A_278 = arith.constant 0 : i32
      %dma_start3A_279 = tpu.memref_slice %arg5[%dma_start3A_276, %dma_start3A_277, %dma_start3A_278] : memref<8x2x128xi32, #tpu.memory_space<vmem>> -> memref<1x1x128xi32, #tpu.memory_space<vmem>>
      %dma_start3A_280 = tpu.memref_squeeze %dma_start3A_279 : memref<1x1x128xi32, #tpu.memory_space<vmem>> -> memref<128xi32, #tpu.memory_space<vmem>>
      %dma_start3A_281 = arith.constant 0 : i32
      %dma_start3A_282 = arith.constant 0 : i32
      %dma_start3A_283 = tpu.memref_slice %arg9[%dma_start3A_281, %dma_start3A_282] : memref<10240x128xf32, #tpu.memory_space<vmem_shared>> -> memref<10240x128xf32, #tpu.memory_space<vmem_shared>>
      tpu.enqueue_indirect_dma source(%arg8 : memref<128x128xf32, #tpu.memory_space<vmem>>) target(%dma_start3A_283 : memref<10240x128xf32, #tpu.memory_space<vmem_shared>>) offsets(%dma_start3A_280 : memref<128xi32, #tpu.memory_space<vmem>>) semaphore(%arg15 : memref<!tpu.dma_semaphore, #tpu.memory_space<semaphore_mem>>) {add = true}
      %dma_wait3A_284 = arith.constant 0 : i32
      %dma_wait3A_285 = arith.constant 1 : i32
      %dma_wait3A_286 = arith.constant 0 : i32
      %dma_wait3A_287 = tpu.memref_slice %arg5[%dma_wait3A_284, %dma_wait3A_285, %dma_wait3A_286] : memref<8x2x128xi32, #tpu.memory_space<vmem>> -> memref<1x1x128xi32, #tpu.memory_space<vmem>>
      %dma_wait3A_288 = tpu.memref_squeeze %dma_wait3A_287 : memref<1x1x128xi32, #tpu.memory_space<vmem>> -> memref<128xi32, #tpu.memory_space<vmem>>
      %dma_wait3A_289 = arith.constant 0 : i32
      %dma_wait3A_290 = arith.constant 0 : i32
      %dma_wait3A_291 = tpu.memref_slice %arg9[%dma_wait3A_289, %dma_wait3A_290] : memref<10240x128xf32, #tpu.memory_space<vmem_shared>> -> memref<10240x128xf32, #tpu.memory_space<vmem_shared>>
      tpu.wait_indirect_dma semaphore(%arg15 : memref<!tpu.dma_semaphore, #tpu.memory_space<semaphore_mem>>) src(%arg8 : memref<128x128xf32, #tpu.memory_space<vmem>>) dst(%dma_wait3A_291 : memref<10240x128xf32, #tpu.memory_space<vmem_shared>>)
      %dma_start3A_292 = arith.constant 7 : i32
      %dma_start3A_293 = arith.constant 0 : i32
      %dma_start3A_294 = arith.constant 0 : i32
      %dma_start3A_295 = tpu.memref_slice %arg5[%dma_start3A_292, %dma_start3A_293, %dma_start3A_294] : memref<8x2x128xi32, #tpu.memory_space<vmem>> -> memref<1x1x128xi32, #tpu.memory_space<vmem>>
      %dma_start3A_296 = tpu.memref_squeeze %dma_start3A_295 : memref<1x1x128xi32, #tpu.memory_space<vmem>> -> memref<128xi32, #tpu.memory_space<vmem>>
      %dma_start3A_297 = arith.constant 0 : i32
      %dma_start3A_298 = arith.constant 0 : i32
      %dma_start3A_299 = tpu.memref_slice %arg2[%dma_start3A_297, %dma_start3A_298] : memref<10240x128xf32, #tpu.memory_space<hbm>> -> memref<10240x128xf32, #tpu.memory_space<hbm>>
      tpu.enqueue_indirect_dma source(%dma_start3A_299 : memref<10240x128xf32, #tpu.memory_space<hbm>>) target(%arg8 : memref<128x128xf32, #tpu.memory_space<vmem>>) offsets(%dma_start3A_296 : memref<128xi32, #tpu.memory_space<vmem>>) semaphore(%arg13 : memref<!tpu.dma_semaphore, #tpu.memory_space<semaphore_mem>>)
      %dma_wait3A_300 = arith.constant 0 : i32
      %dma_wait3A_301 = arith.constant 0 : i32
      %dma_wait3A_302 = arith.constant 0 : i32
      %dma_wait3A_303 = tpu.memref_slice %arg5[%dma_wait3A_300, %dma_wait3A_301, %dma_wait3A_302] : memref<8x2x128xi32, #tpu.memory_space<vmem>> -> memref<1x1x128xi32, #tpu.memory_space<vmem>>
      %dma_wait3A_304 = tpu.memref_squeeze %dma_wait3A_303 : memref<1x1x128xi32, #tpu.memory_space<vmem>> -> memref<128xi32, #tpu.memory_space<vmem>>
      %dma_wait3A_305 = arith.constant 0 : i32
      %dma_wait3A_306 = arith.constant 0 : i32
      %dma_wait3A_307 = tpu.memref_slice %arg2[%dma_wait3A_305, %dma_wait3A_306] : memref<10240x128xf32, #tpu.memory_space<hbm>> -> memref<10240x128xf32, #tpu.memory_space<hbm>>
      tpu.wait_indirect_dma semaphore(%arg12 : memref<!tpu.dma_semaphore, #tpu.memory_space<semaphore_mem>>) src(%dma_wait3A_307 : memref<10240x128xf32, #tpu.memory_space<hbm>>) dst(%arg7 : memref<128x128xf32, #tpu.memory_space<vmem>>)
      %dma_start3A_308 = arith.constant 6 : i32
      %dma_start3A_309 = arith.constant 1 : i32
      %dma_start3A_310 = arith.constant 0 : i32
      %dma_start3A_311 = tpu.memref_slice %arg5[%dma_start3A_308, %dma_start3A_309, %dma_start3A_310] : memref<8x2x128xi32, #tpu.memory_space<vmem>> -> memref<1x1x128xi32, #tpu.memory_space<vmem>>
      %dma_start3A_312 = tpu.memref_squeeze %dma_start3A_311 : memref<1x1x128xi32, #tpu.memory_space<vmem>> -> memref<128xi32, #tpu.memory_space<vmem>>
      %dma_start3A_313 = arith.constant 0 : i32
      %dma_start3A_314 = arith.constant 0 : i32
      %dma_start3A_315 = tpu.memref_slice %arg9[%dma_start3A_313, %dma_start3A_314] : memref<10240x128xf32, #tpu.memory_space<vmem_shared>> -> memref<10240x128xf32, #tpu.memory_space<vmem_shared>>
      tpu.enqueue_indirect_dma source(%arg7 : memref<128x128xf32, #tpu.memory_space<vmem>>) target(%dma_start3A_315 : memref<10240x128xf32, #tpu.memory_space<vmem_shared>>) offsets(%dma_start3A_312 : memref<128xi32, #tpu.memory_space<vmem>>) semaphore(%arg14 : memref<!tpu.dma_semaphore, #tpu.memory_space<semaphore_mem>>) {add = true}
      %dma_wait3A_316 = arith.constant 0 : i32
      %dma_wait3A_317 = arith.constant 1 : i32
      %dma_wait3A_318 = arith.constant 0 : i32
      %dma_wait3A_319 = tpu.memref_slice %arg5[%dma_wait3A_316, %dma_wait3A_317, %dma_wait3A_318] : memref<8x2x128xi32, #tpu.memory_space<vmem>> -> memref<1x1x128xi32, #tpu.memory_space<vmem>>
      %dma_wait3A_320 = tpu.memref_squeeze %dma_wait3A_319 : memref<1x1x128xi32, #tpu.memory_space<vmem>> -> memref<128xi32, #tpu.memory_space<vmem>>
      %dma_wait3A_321 = arith.constant 0 : i32
      %dma_wait3A_322 = arith.constant 0 : i32
      %dma_wait3A_323 = tpu.memref_slice %arg9[%dma_wait3A_321, %dma_wait3A_322] : memref<10240x128xf32, #tpu.memory_space<vmem_shared>> -> memref<10240x128xf32, #tpu.memory_space<vmem_shared>>
      tpu.wait_indirect_dma semaphore(%arg14 : memref<!tpu.dma_semaphore, #tpu.memory_space<semaphore_mem>>) src(%arg7 : memref<128x128xf32, #tpu.memory_space<vmem>>) dst(%dma_wait3A_323 : memref<10240x128xf32, #tpu.memory_space<vmem_shared>>)
      %add3A_324 = arith.constant 1 : i32
      %add3A_325 = arith.addi %mul3A_107, %add3A_324 : i32
      %lt3A = arith.cmpi slt, %add3A_325, %select_n3A_8 : i32
      %convert_element_type3A = arith.extui %lt3A : i1 to i32
      %cond3A = arith.constant 0 : i32
      %cond3A_326 = arith.cmpi ne, %convert_element_type3A, %cond3A : i32
      scf.if %cond3A_326 {
        %dma_wait3A_626 = arith.constant 0 : i32
        %dma_wait3A_627 = arith.constant 0 : i32
        %dma_wait3A_628 = arith.constant 0 : i32
        %dma_wait3A_629 = tpu.memref_slice %arg3[%select_n3A, %dma_wait3A_626, %dma_wait3A_627, %dma_wait3A_628] : memref<320x8x2x128xi32, #tpu.memory_space<hbm>> -> memref<1x8x2x128xi32, #tpu.memory_space<hbm>>
        %dma_wait3A_630 = tpu.memref_squeeze %dma_wait3A_629 : memref<1x8x2x128xi32, #tpu.memory_space<hbm>> -> memref<8x2x128xi32, #tpu.memory_space<hbm>>
        %dma_wait3A_631 = arith.constant 0 : i32
        %dma_wait3A_632 = arith.constant 0 : i32
        %dma_wait3A_633 = arith.constant 0 : i32
        %dma_wait3A_634 = tpu.memref_slice %arg3[%select_n3A, %dma_wait3A_631, %dma_wait3A_632, %dma_wait3A_633] : memref<320x8x2x128xi32, #tpu.memory_space<hbm>> -> memref<1x8x2x128xi32, #tpu.memory_space<hbm>>
        %dma_wait3A_635 = tpu.memref_squeeze %dma_wait3A_634 : memref<1x8x2x128xi32, #tpu.memory_space<hbm>> -> memref<8x2x128xi32, #tpu.memory_space<hbm>>
        tpu.wait_dma2 semaphore(%arg11 : memref<!tpu.dma_semaphore, #tpu.memory_space<semaphore_mem>>) src(%dma_wait3A_635 : memref<8x2x128xi32, #tpu.memory_space<hbm>>) dst(%arg6 : memref<8x2x128xi32, #tpu.memory_space<vmem>>)
        %dma_start3A_636 = arith.constant 0 : i32
        %dma_start3A_637 = arith.constant 0 : i32
        %dma_start3A_638 = arith.constant 0 : i32
        %dma_start3A_639 = tpu.memref_slice %arg6[%dma_start3A_636, %dma_start3A_637, %dma_start3A_638] : memref<8x2x128xi32, #tpu.memory_space<vmem>> -> memref<1x1x128xi32, #tpu.memory_space<vmem>>
        %dma_start3A_640 = tpu.memref_squeeze %dma_start3A_639 : memref<1x1x128xi32, #tpu.memory_space<vmem>> -> memref<128xi32, #tpu.memory_space<vmem>>
        %dma_start3A_641 = arith.constant 0 : i32
        %dma_start3A_642 = arith.constant 0 : i32
        %dma_start3A_643 = tpu.memref_slice %arg2[%dma_start3A_641, %dma_start3A_642] : memref<10240x128xf32, #tpu.memory_space<hbm>> -> memref<10240x128xf32, #tpu.memory_space<hbm>>
        tpu.enqueue_indirect_dma source(%dma_start3A_643 : memref<10240x128xf32, #tpu.memory_space<hbm>>) target(%arg7 : memref<128x128xf32, #tpu.memory_space<vmem>>) offsets(%dma_start3A_640 : memref<128xi32, #tpu.memory_space<vmem>>) semaphore(%arg12 : memref<!tpu.dma_semaphore, #tpu.memory_space<semaphore_mem>>)
      } else {
      }
      %dma_wait3A_327 = arith.constant 0 : i32
      %dma_wait3A_328 = arith.constant 0 : i32
      %dma_wait3A_329 = arith.constant 0 : i32
      %dma_wait3A_330 = tpu.memref_slice %arg5[%dma_wait3A_327, %dma_wait3A_328, %dma_wait3A_329] : memref<8x2x128xi32, #tpu.memory_space<vmem>> -> memref<1x1x128xi32, #tpu.memory_space<vmem>>
      %dma_wait3A_331 = tpu.memref_squeeze %dma_wait3A_330 : memref<1x1x128xi32, #tpu.memory_space<vmem>> -> memref<128xi32, #tpu.memory_space<vmem>>
      %dma_wait3A_332 = arith.constant 0 : i32
      %dma_wait3A_333 = arith.constant 0 : i32
      %dma_wait3A_334 = tpu.memref_slice %arg2[%dma_wait3A_332, %dma_wait3A_333] : memref<10240x128xf32, #tpu.memory_space<hbm>> -> memref<10240x128xf32, #tpu.memory_space<hbm>>
      tpu.wait_indirect_dma semaphore(%arg13 : memref<!tpu.dma_semaphore, #tpu.memory_space<semaphore_mem>>) src(%dma_wait3A_334 : memref<10240x128xf32, #tpu.memory_space<hbm>>) dst(%arg8 : memref<128x128xf32, #tpu.memory_space<vmem>>)
      %dma_start3A_335 = arith.constant 7 : i32
      %dma_start3A_336 = arith.constant 1 : i32
      %dma_start3A_337 = arith.constant 0 : i32
      %dma_start3A_338 = tpu.memref_slice %arg5[%dma_start3A_335, %dma_start3A_336, %dma_start3A_337] : memref<8x2x128xi32, #tpu.memory_space<vmem>> -> memref<1x1x128xi32, #tpu.memory_space<vmem>>
      %dma_start3A_339 = tpu.memref_squeeze %dma_start3A_338 : memref<1x1x128xi32, #tpu.memory_space<vmem>> -> memref<128xi32, #tpu.memory_space<vmem>>
      %dma_start3A_340 = arith.constant 0 : i32
      %dma_start3A_341 = arith.constant 0 : i32
      %dma_start3A_342 = tpu.memref_slice %arg9[%dma_start3A_340, %dma_start3A_341] : memref<10240x128xf32, #tpu.memory_space<vmem_shared>> -> memref<10240x128xf32, #tpu.memory_space<vmem_shared>>
      tpu.enqueue_indirect_dma source(%arg8 : memref<128x128xf32, #tpu.memory_space<vmem>>) target(%dma_start3A_342 : memref<10240x128xf32, #tpu.memory_space<vmem_shared>>) offsets(%dma_start3A_339 : memref<128xi32, #tpu.memory_space<vmem>>) semaphore(%arg15 : memref<!tpu.dma_semaphore, #tpu.memory_space<semaphore_mem>>) {add = true}
      %dma_wait3A_343 = arith.constant 0 : i32
      %dma_wait3A_344 = arith.constant 1 : i32
      %dma_wait3A_345 = arith.constant 0 : i32
      %dma_wait3A_346 = tpu.memref_slice %arg5[%dma_wait3A_343, %dma_wait3A_344, %dma_wait3A_345] : memref<8x2x128xi32, #tpu.memory_space<vmem>> -> memref<1x1x128xi32, #tpu.memory_space<vmem>>
      %dma_wait3A_347 = tpu.memref_squeeze %dma_wait3A_346 : memref<1x1x128xi32, #tpu.memory_space<vmem>> -> memref<128xi32, #tpu.memory_space<vmem>>
      %dma_wait3A_348 = arith.constant 0 : i32
      %dma_wait3A_349 = arith.constant 0 : i32
      %dma_wait3A_350 = tpu.memref_slice %arg9[%dma_wait3A_348, %dma_wait3A_349] : memref<10240x128xf32, #tpu.memory_space<vmem_shared>> -> memref<10240x128xf32, #tpu.memory_space<vmem_shared>>
      tpu.wait_indirect_dma semaphore(%arg15 : memref<!tpu.dma_semaphore, #tpu.memory_space<semaphore_mem>>) src(%arg8 : memref<128x128xf32, #tpu.memory_space<vmem>>) dst(%dma_wait3A_350 : memref<10240x128xf32, #tpu.memory_space<vmem_shared>>)
      %add3A_351 = arith.constant 1 : i32
      %add3A_352 = arith.addi %mul3A_107, %add3A_351 : i32
      %lt3A_353 = arith.cmpi slt, %add3A_352, %select_n3A_8 : i32
      %convert_element_type3A_354 = arith.extui %lt3A_353 : i1 to i32
      %cond3A_355 = arith.constant 0 : i32
      %cond3A_356 = arith.cmpi ne, %convert_element_type3A_354, %cond3A_355 : i32
      scf.if %cond3A_356 {
        %dma_start3A_626 = arith.constant 1 : i32
        %dma_start3A_627 = arith.constant 0 : i32
        %dma_start3A_628 = arith.constant 0 : i32
        %dma_start3A_629 = tpu.memref_slice %arg6[%dma_start3A_626, %dma_start3A_627, %dma_start3A_628] : memref<8x2x128xi32, #tpu.memory_space<vmem>> -> memref<1x1x128xi32, #tpu.memory_space<vmem>>
        %dma_start3A_630 = tpu.memref_squeeze %dma_start3A_629 : memref<1x1x128xi32, #tpu.memory_space<vmem>> -> memref<128xi32, #tpu.memory_space<vmem>>
        %dma_start3A_631 = arith.constant 0 : i32
        %dma_start3A_632 = arith.constant 0 : i32
        %dma_start3A_633 = tpu.memref_slice %arg2[%dma_start3A_631, %dma_start3A_632] : memref<10240x128xf32, #tpu.memory_space<hbm>> -> memref<10240x128xf32, #tpu.memory_space<hbm>>
        tpu.enqueue_indirect_dma source(%dma_start3A_633 : memref<10240x128xf32, #tpu.memory_space<hbm>>) target(%arg8 : memref<128x128xf32, #tpu.memory_space<vmem>>) offsets(%dma_start3A_630 : memref<128xi32, #tpu.memory_space<vmem>>) semaphore(%arg13 : memref<!tpu.dma_semaphore, #tpu.memory_space<semaphore_mem>>)
      } else {
      }
      %add3A_357 = arith.constant 2 : i32
      %add3A_358 = arith.addi %mul3A_107, %add3A_357 : i32
      %lt3A_359 = arith.cmpi slt, %add3A_358, %select_n3A_8 : i32
      %convert_element_type3A_360 = arith.extui %lt3A_359 : i1 to i32
      %cond3A_361 = arith.constant 0 : i32
      %cond3A_362 = arith.cmpi ne, %convert_element_type3A_360, %cond3A_361 : i32
      scf.if %cond3A_362 {
        %add3A_626 = arith.constant 2 : i32
        %add3A_627 = arith.addi %mul3A_107, %add3A_626 : i32
        %add3A_628 = arith.addi %select_n3A, %add3A_627 : i32
        %dma_start3A_629 = arith.constant 0 : i32
        %dma_start3A_630 = arith.constant 0 : i32
        %dma_start3A_631 = arith.constant 0 : i32
        %dma_start3A_632 = tpu.memref_slice %arg3[%add3A_628, %dma_start3A_629, %dma_start3A_630, %dma_start3A_631] : memref<320x8x2x128xi32, #tpu.memory_space<hbm>> -> memref<1x8x2x128xi32, #tpu.memory_space<hbm>>
        %dma_start3A_633 = tpu.memref_squeeze %dma_start3A_632 : memref<1x8x2x128xi32, #tpu.memory_space<hbm>> -> memref<8x2x128xi32, #tpu.memory_space<hbm>>
        %dma_start3A_634 = arith.constant 0 : i32
        %dma_start3A_635 = arith.constant 0 : i32
        %dma_start3A_636 = arith.constant 0 : i32
        %dma_start3A_637 = tpu.memref_slice %arg3[%add3A_628, %dma_start3A_634, %dma_start3A_635, %dma_start3A_636] : memref<320x8x2x128xi32, #tpu.memory_space<hbm>> -> memref<1x8x2x128xi32, #tpu.memory_space<hbm>>
        %dma_start3A_638 = tpu.memref_squeeze %dma_start3A_637 : memref<1x8x2x128xi32, #tpu.memory_space<hbm>> -> memref<8x2x128xi32, #tpu.memory_space<hbm>>
        tpu.enqueue_dma source(%dma_start3A_638 : memref<8x2x128xi32, #tpu.memory_space<hbm>>) target(%arg5 : memref<8x2x128xi32, #tpu.memory_space<vmem>>) target_semaphore(%arg10 : memref<!tpu.dma_semaphore, #tpu.memory_space<semaphore_mem>>)
      } else {
      }
      %mul3A_363 = arith.constant 2 : i32
      %mul3A_364 = arith.muli %mul3A_363, %while3A_104 : i32
      %add3A_365 = arith.constant 1 : i32
      %add3A_366 = arith.addi %mul3A_364, %add3A_365 : i32
      %dma_wait3A_367 = arith.constant 0 : i32
      %dma_wait3A_368 = arith.constant 0 : i32
      %dma_wait3A_369 = arith.constant 0 : i32
      %dma_wait3A_370 = tpu.memref_slice %arg5[%dma_wait3A_367, %dma_wait3A_368, %dma_wait3A_369] : memref<8x2x128xi32, #tpu.memory_space<vmem>> -> memref<1x1x128xi32, #tpu.memory_space<vmem>>
      %dma_wait3A_371 = tpu.memref_squeeze %dma_wait3A_370 : memref<1x1x128xi32, #tpu.memory_space<vmem>> -> memref<128xi32, #tpu.memory_space<vmem>>
      %dma_wait3A_372 = arith.constant 0 : i32
      %dma_wait3A_373 = arith.constant 0 : i32
      %dma_wait3A_374 = tpu.memref_slice %arg2[%dma_wait3A_372, %dma_wait3A_373] : memref<10240x128xf32, #tpu.memory_space<hbm>> -> memref<10240x128xf32, #tpu.memory_space<hbm>>
      tpu.wait_indirect_dma semaphore(%arg12 : memref<!tpu.dma_semaphore, #tpu.memory_space<semaphore_mem>>) src(%dma_wait3A_374 : memref<10240x128xf32, #tpu.memory_space<hbm>>) dst(%arg7 : memref<128x128xf32, #tpu.memory_space<vmem>>)
      %dma_start3A_375 = arith.constant 0 : i32
      %dma_start3A_376 = arith.constant 1 : i32
      %dma_start3A_377 = arith.constant 0 : i32
      %dma_start3A_378 = tpu.memref_slice %arg6[%dma_start3A_375, %dma_start3A_376, %dma_start3A_377] : memref<8x2x128xi32, #tpu.memory_space<vmem>> -> memref<1x1x128xi32, #tpu.memory_space<vmem>>
      %dma_start3A_379 = tpu.memref_squeeze %dma_start3A_378 : memref<1x1x128xi32, #tpu.memory_space<vmem>> -> memref<128xi32, #tpu.memory_space<vmem>>
      %dma_start3A_380 = arith.constant 0 : i32
      %dma_start3A_381 = arith.constant 0 : i32
      %dma_start3A_382 = tpu.memref_slice %arg9[%dma_start3A_380, %dma_start3A_381] : memref<10240x128xf32, #tpu.memory_space<vmem_shared>> -> memref<10240x128xf32, #tpu.memory_space<vmem_shared>>
      tpu.enqueue_indirect_dma source(%arg7 : memref<128x128xf32, #tpu.memory_space<vmem>>) target(%dma_start3A_382 : memref<10240x128xf32, #tpu.memory_space<vmem_shared>>) offsets(%dma_start3A_379 : memref<128xi32, #tpu.memory_space<vmem>>) semaphore(%arg14 : memref<!tpu.dma_semaphore, #tpu.memory_space<semaphore_mem>>) {add = true}
      %dma_wait3A_383 = arith.constant 0 : i32
      %dma_wait3A_384 = arith.constant 1 : i32
      %dma_wait3A_385 = arith.constant 0 : i32
      %dma_wait3A_386 = tpu.memref_slice %arg5[%dma_wait3A_383, %dma_wait3A_384, %dma_wait3A_385] : memref<8x2x128xi32, #tpu.memory_space<vmem>> -> memref<1x1x128xi32, #tpu.memory_space<vmem>>
      %dma_wait3A_387 = tpu.memref_squeeze %dma_wait3A_386 : memref<1x1x128xi32, #tpu.memory_space<vmem>> -> memref<128xi32, #tpu.memory_space<vmem>>
      %dma_wait3A_388 = arith.constant 0 : i32
      %dma_wait3A_389 = arith.constant 0 : i32
      %dma_wait3A_390 = tpu.memref_slice %arg9[%dma_wait3A_388, %dma_wait3A_389] : memref<10240x128xf32, #tpu.memory_space<vmem_shared>> -> memref<10240x128xf32, #tpu.memory_space<vmem_shared>>
      tpu.wait_indirect_dma semaphore(%arg14 : memref<!tpu.dma_semaphore, #tpu.memory_space<semaphore_mem>>) src(%arg7 : memref<128x128xf32, #tpu.memory_space<vmem>>) dst(%dma_wait3A_390 : memref<10240x128xf32, #tpu.memory_space<vmem_shared>>)
      %dma_start3A_391 = arith.constant 2 : i32
      %dma_start3A_392 = arith.constant 0 : i32
      %dma_start3A_393 = arith.constant 0 : i32
      %dma_start3A_394 = tpu.memref_slice %arg6[%dma_start3A_391, %dma_start3A_392, %dma_start3A_393] : memref<8x2x128xi32, #tpu.memory_space<vmem>> -> memref<1x1x128xi32, #tpu.memory_space<vmem>>
      %dma_start3A_395 = tpu.memref_squeeze %dma_start3A_394 : memref<1x1x128xi32, #tpu.memory_space<vmem>> -> memref<128xi32, #tpu.memory_space<vmem>>
      %dma_start3A_396 = arith.constant 0 : i32
      %dma_start3A_397 = arith.constant 0 : i32
      %dma_start3A_398 = tpu.memref_slice %arg2[%dma_start3A_396, %dma_start3A_397] : memref<10240x128xf32, #tpu.memory_space<hbm>> -> memref<10240x128xf32, #tpu.memory_space<hbm>>
      tpu.enqueue_indirect_dma source(%dma_start3A_398 : memref<10240x128xf32, #tpu.memory_space<hbm>>) target(%arg7 : memref<128x128xf32, #tpu.memory_space<vmem>>) offsets(%dma_start3A_395 : memref<128xi32, #tpu.memory_space<vmem>>) semaphore(%arg12 : memref<!tpu.dma_semaphore, #tpu.memory_space<semaphore_mem>>)
      %dma_wait3A_399 = arith.constant 0 : i32
      %dma_wait3A_400 = arith.constant 0 : i32
      %dma_wait3A_401 = arith.constant 0 : i32
      %dma_wait3A_402 = tpu.memref_slice %arg5[%dma_wait3A_399, %dma_wait3A_400, %dma_wait3A_401] : memref<8x2x128xi32, #tpu.memory_space<vmem>> -> memref<1x1x128xi32, #tpu.memory_space<vmem>>
      %dma_wait3A_403 = tpu.memref_squeeze %dma_wait3A_402 : memref<1x1x128xi32, #tpu.memory_space<vmem>> -> memref<128xi32, #tpu.memory_space<vmem>>
      %dma_wait3A_404 = arith.constant 0 : i32
      %dma_wait3A_405 = arith.constant 0 : i32
      %dma_wait3A_406 = tpu.memref_slice %arg2[%dma_wait3A_404, %dma_wait3A_405] : memref<10240x128xf32, #tpu.memory_space<hbm>> -> memref<10240x128xf32, #tpu.memory_space<hbm>>
      tpu.wait_indirect_dma semaphore(%arg13 : memref<!tpu.dma_semaphore, #tpu.memory_space<semaphore_mem>>) src(%dma_wait3A_406 : memref<10240x128xf32, #tpu.memory_space<hbm>>) dst(%arg8 : memref<128x128xf32, #tpu.memory_space<vmem>>)
      %dma_start3A_407 = arith.constant 1 : i32
      %dma_start3A_408 = arith.constant 1 : i32
      %dma_start3A_409 = arith.constant 0 : i32
      %dma_start3A_410 = tpu.memref_slice %arg6[%dma_start3A_407, %dma_start3A_408, %dma_start3A_409] : memref<8x2x128xi32, #tpu.memory_space<vmem>> -> memref<1x1x128xi32, #tpu.memory_space<vmem>>
      %dma_start3A_411 = tpu.memref_squeeze %dma_start3A_410 : memref<1x1x128xi32, #tpu.memory_space<vmem>> -> memref<128xi32, #tpu.memory_space<vmem>>
      %dma_start3A_412 = arith.constant 0 : i32
      %dma_start3A_413 = arith.constant 0 : i32
      %dma_start3A_414 = tpu.memref_slice %arg9[%dma_start3A_412, %dma_start3A_413] : memref<10240x128xf32, #tpu.memory_space<vmem_shared>> -> memref<10240x128xf32, #tpu.memory_space<vmem_shared>>
      tpu.enqueue_indirect_dma source(%arg8 : memref<128x128xf32, #tpu.memory_space<vmem>>) target(%dma_start3A_414 : memref<10240x128xf32, #tpu.memory_space<vmem_shared>>) offsets(%dma_start3A_411 : memref<128xi32, #tpu.memory_space<vmem>>) semaphore(%arg15 : memref<!tpu.dma_semaphore, #tpu.memory_space<semaphore_mem>>) {add = true}
      %dma_wait3A_415 = arith.constant 0 : i32
      %dma_wait3A_416 = arith.constant 1 : i32
      %dma_wait3A_417 = arith.constant 0 : i32
      %dma_wait3A_418 = tpu.memref_slice %arg5[%dma_wait3A_415, %dma_wait3A_416, %dma_wait3A_417] : memref<8x2x128xi32, #tpu.memory_space<vmem>> -> memref<1x1x128xi32, #tpu.memory_space<vmem>>
      %dma_wait3A_419 = tpu.memref_squeeze %dma_wait3A_418 : memref<1x1x128xi32, #tpu.memory_space<vmem>> -> memref<128xi32, #tpu.memory_space<vmem>>
      %dma_wait3A_420 = arith.constant 0 : i32
      %dma_wait3A_421 = arith.constant 0 : i32
      %dma_wait3A_422 = tpu.memref_slice %arg9[%dma_wait3A_420, %dma_wait3A_421] : memref<10240x128xf32, #tpu.memory_space<vmem_shared>> -> memref<10240x128xf32, #tpu.memory_space<vmem_shared>>
      tpu.wait_indirect_dma semaphore(%arg15 : memref<!tpu.dma_semaphore, #tpu.memory_space<semaphore_mem>>) src(%arg8 : memref<128x128xf32, #tpu.memory_space<vmem>>) dst(%dma_wait3A_422 : memref<10240x128xf32, #tpu.memory_space<vmem_shared>>)
      %dma_start3A_423 = arith.constant 3 : i32
      %dma_start3A_424 = arith.constant 0 : i32
      %dma_start3A_425 = arith.constant 0 : i32
      %dma_start3A_426 = tpu.memref_slice %arg6[%dma_start3A_423, %dma_start3A_424, %dma_start3A_425] : memref<8x2x128xi32, #tpu.memory_space<vmem>> -> memref<1x1x128xi32, #tpu.memory_space<vmem>>
      %dma_start3A_427 = tpu.memref_squeeze %dma_start3A_426 : memref<1x1x128xi32, #tpu.memory_space<vmem>> -> memref<128xi32, #tpu.memory_space<vmem>>
      %dma_start3A_428 = arith.constant 0 : i32
      %dma_start3A_429 = arith.constant 0 : i32
      %dma_start3A_430 = tpu.memref_slice %arg2[%dma_start3A_428, %dma_start3A_429] : memref<10240x128xf32, #tpu.memory_space<hbm>> -> memref<10240x128xf32, #tpu.memory_space<hbm>>
      tpu.enqueue_indirect_dma source(%dma_start3A_430 : memref<10240x128xf32, #tpu.memory_space<hbm>>) target(%arg8 : memref<128x128xf32, #tpu.memory_space<vmem>>) offsets(%dma_start3A_427 : memref<128xi32, #tpu.memory_space<vmem>>) semaphore(%arg13 : memref<!tpu.dma_semaphore, #tpu.memory_space<semaphore_mem>>)
      %dma_wait3A_431 = arith.constant 0 : i32
      %dma_wait3A_432 = arith.constant 0 : i32
      %dma_wait3A_433 = arith.constant 0 : i32
      %dma_wait3A_434 = tpu.memref_slice %arg5[%dma_wait3A_431, %dma_wait3A_432, %dma_wait3A_433] : memref<8x2x128xi32, #tpu.memory_space<vmem>> -> memref<1x1x128xi32, #tpu.memory_space<vmem>>
      %dma_wait3A_435 = tpu.memref_squeeze %dma_wait3A_434 : memref<1x1x128xi32, #tpu.memory_space<vmem>> -> memref<128xi32, #tpu.memory_space<vmem>>
      %dma_wait3A_436 = arith.constant 0 : i32
      %dma_wait3A_437 = arith.constant 0 : i32
      %dma_wait3A_438 = tpu.memref_slice %arg2[%dma_wait3A_436, %dma_wait3A_437] : memref<10240x128xf32, #tpu.memory_space<hbm>> -> memref<10240x128xf32, #tpu.memory_space<hbm>>
      tpu.wait_indirect_dma semaphore(%arg12 : memref<!tpu.dma_semaphore, #tpu.memory_space<semaphore_mem>>) src(%dma_wait3A_438 : memref<10240x128xf32, #tpu.memory_space<hbm>>) dst(%arg7 : memref<128x128xf32, #tpu.memory_space<vmem>>)
      %dma_start3A_439 = arith.constant 2 : i32
      %dma_start3A_440 = arith.constant 1 : i32
      %dma_start3A_441 = arith.constant 0 : i32
      %dma_start3A_442 = tpu.memref_slice %arg6[%dma_start3A_439, %dma_start3A_440, %dma_start3A_441] : memref<8x2x128xi32, #tpu.memory_space<vmem>> -> memref<1x1x128xi32, #tpu.memory_space<vmem>>
      %dma_start3A_443 = tpu.memref_squeeze %dma_start3A_442 : memref<1x1x128xi32, #tpu.memory_space<vmem>> -> memref<128xi32, #tpu.memory_space<vmem>>
      %dma_start3A_444 = arith.constant 0 : i32
      %dma_start3A_445 = arith.constant 0 : i32
      %dma_start3A_446 = tpu.memref_slice %arg9[%dma_start3A_444, %dma_start3A_445] : memref<10240x128xf32, #tpu.memory_space<vmem_shared>> -> memref<10240x128xf32, #tpu.memory_space<vmem_shared>>
      tpu.enqueue_indirect_dma source(%arg7 : memref<128x128xf32, #tpu.memory_space<vmem>>) target(%dma_start3A_446 : memref<10240x128xf32, #tpu.memory_space<vmem_shared>>) offsets(%dma_start3A_443 : memref<128xi32, #tpu.memory_space<vmem>>) semaphore(%arg14 : memref<!tpu.dma_semaphore, #tpu.memory_space<semaphore_mem>>) {add = true}
      %dma_wait3A_447 = arith.constant 0 : i32
      %dma_wait3A_448 = arith.constant 1 : i32
      %dma_wait3A_449 = arith.constant 0 : i32
      %dma_wait3A_450 = tpu.memref_slice %arg5[%dma_wait3A_447, %dma_wait3A_448, %dma_wait3A_449] : memref<8x2x128xi32, #tpu.memory_space<vmem>> -> memref<1x1x128xi32, #tpu.memory_space<vmem>>
      %dma_wait3A_451 = tpu.memref_squeeze %dma_wait3A_450 : memref<1x1x128xi32, #tpu.memory_space<vmem>> -> memref<128xi32, #tpu.memory_space<vmem>>
      %dma_wait3A_452 = arith.constant 0 : i32
      %dma_wait3A_453 = arith.constant 0 : i32
      %dma_wait3A_454 = tpu.memref_slice %arg9[%dma_wait3A_452, %dma_wait3A_453] : memref<10240x128xf32, #tpu.memory_space<vmem_shared>> -> memref<10240x128xf32, #tpu.memory_space<vmem_shared>>
      tpu.wait_indirect_dma semaphore(%arg14 : memref<!tpu.dma_semaphore, #tpu.memory_space<semaphore_mem>>) src(%arg7 : memref<128x128xf32, #tpu.memory_space<vmem>>) dst(%dma_wait3A_454 : memref<10240x128xf32, #tpu.memory_space<vmem_shared>>)
      %dma_start3A_455 = arith.constant 4 : i32
      %dma_start3A_456 = arith.constant 0 : i32
      %dma_start3A_457 = arith.constant 0 : i32
      %dma_start3A_458 = tpu.memref_slice %arg6[%dma_start3A_455, %dma_start3A_456, %dma_start3A_457] : memref<8x2x128xi32, #tpu.memory_space<vmem>> -> memref<1x1x128xi32, #tpu.memory_space<vmem>>
      %dma_start3A_459 = tpu.memref_squeeze %dma_start3A_458 : memref<1x1x128xi32, #tpu.memory_space<vmem>> -> memref<128xi32, #tpu.memory_space<vmem>>
      %dma_start3A_460 = arith.constant 0 : i32
      %dma_start3A_461 = arith.constant 0 : i32
      %dma_start3A_462 = tpu.memref_slice %arg2[%dma_start3A_460, %dma_start3A_461] : memref<10240x128xf32, #tpu.memory_space<hbm>> -> memref<10240x128xf32, #tpu.memory_space<hbm>>
      tpu.enqueue_indirect_dma source(%dma_start3A_462 : memref<10240x128xf32, #tpu.memory_space<hbm>>) target(%arg7 : memref<128x128xf32, #tpu.memory_space<vmem>>) offsets(%dma_start3A_459 : memref<128xi32, #tpu.memory_space<vmem>>) semaphore(%arg12 : memref<!tpu.dma_semaphore, #tpu.memory_space<semaphore_mem>>)
      %dma_wait3A_463 = arith.constant 0 : i32
      %dma_wait3A_464 = arith.constant 0 : i32
      %dma_wait3A_465 = arith.constant 0 : i32
      %dma_wait3A_466 = tpu.memref_slice %arg5[%dma_wait3A_463, %dma_wait3A_464, %dma_wait3A_465] : memref<8x2x128xi32, #tpu.memory_space<vmem>> -> memref<1x1x128xi32, #tpu.memory_space<vmem>>
      %dma_wait3A_467 = tpu.memref_squeeze %dma_wait3A_466 : memref<1x1x128xi32, #tpu.memory_space<vmem>> -> memref<128xi32, #tpu.memory_space<vmem>>
      %dma_wait3A_468 = arith.constant 0 : i32
      %dma_wait3A_469 = arith.constant 0 : i32
      %dma_wait3A_470 = tpu.memref_slice %arg2[%dma_wait3A_468, %dma_wait3A_469] : memref<10240x128xf32, #tpu.memory_space<hbm>> -> memref<10240x128xf32, #tpu.memory_space<hbm>>
      tpu.wait_indirect_dma semaphore(%arg13 : memref<!tpu.dma_semaphore, #tpu.memory_space<semaphore_mem>>) src(%dma_wait3A_470 : memref<10240x128xf32, #tpu.memory_space<hbm>>) dst(%arg8 : memref<128x128xf32, #tpu.memory_space<vmem>>)
      %dma_start3A_471 = arith.constant 3 : i32
      %dma_start3A_472 = arith.constant 1 : i32
      %dma_start3A_473 = arith.constant 0 : i32
      %dma_start3A_474 = tpu.memref_slice %arg6[%dma_start3A_471, %dma_start3A_472, %dma_start3A_473] : memref<8x2x128xi32, #tpu.memory_space<vmem>> -> memref<1x1x128xi32, #tpu.memory_space<vmem>>
      %dma_start3A_475 = tpu.memref_squeeze %dma_start3A_474 : memref<1x1x128xi32, #tpu.memory_space<vmem>> -> memref<128xi32, #tpu.memory_space<vmem>>
      %dma_start3A_476 = arith.constant 0 : i32
      %dma_start3A_477 = arith.constant 0 : i32
      %dma_start3A_478 = tpu.memref_slice %arg9[%dma_start3A_476, %dma_start3A_477] : memref<10240x128xf32, #tpu.memory_space<vmem_shared>> -> memref<10240x128xf32, #tpu.memory_space<vmem_shared>>
      tpu.enqueue_indirect_dma source(%arg8 : memref<128x128xf32, #tpu.memory_space<vmem>>) target(%dma_start3A_478 : memref<10240x128xf32, #tpu.memory_space<vmem_shared>>) offsets(%dma_start3A_475 : memref<128xi32, #tpu.memory_space<vmem>>) semaphore(%arg15 : memref<!tpu.dma_semaphore, #tpu.memory_space<semaphore_mem>>) {add = true}
      %dma_wait3A_479 = arith.constant 0 : i32
      %dma_wait3A_480 = arith.constant 1 : i32
      %dma_wait3A_481 = arith.constant 0 : i32
      %dma_wait3A_482 = tpu.memref_slice %arg5[%dma_wait3A_479, %dma_wait3A_480, %dma_wait3A_481] : memref<8x2x128xi32, #tpu.memory_space<vmem>> -> memref<1x1x128xi32, #tpu.memory_space<vmem>>
      %dma_wait3A_483 = tpu.memref_squeeze %dma_wait3A_482 : memref<1x1x128xi32, #tpu.memory_space<vmem>> -> memref<128xi32, #tpu.memory_space<vmem>>
      %dma_wait3A_484 = arith.constant 0 : i32
      %dma_wait3A_485 = arith.constant 0 : i32
      %dma_wait3A_486 = tpu.memref_slice %arg9[%dma_wait3A_484, %dma_wait3A_485] : memref<10240x128xf32, #tpu.memory_space<vmem_shared>> -> memref<10240x128xf32, #tpu.memory_space<vmem_shared>>
      tpu.wait_indirect_dma semaphore(%arg15 : memref<!tpu.dma_semaphore, #tpu.memory_space<semaphore_mem>>) src(%arg8 : memref<128x128xf32, #tpu.memory_space<vmem>>) dst(%dma_wait3A_486 : memref<10240x128xf32, #tpu.memory_space<vmem_shared>>)
      %dma_start3A_487 = arith.constant 5 : i32
      %dma_start3A_488 = arith.constant 0 : i32
      %dma_start3A_489 = arith.constant 0 : i32
      %dma_start3A_490 = tpu.memref_slice %arg6[%dma_start3A_487, %dma_start3A_488, %dma_start3A_489] : memref<8x2x128xi32, #tpu.memory_space<vmem>> -> memref<1x1x128xi32, #tpu.memory_space<vmem>>
      %dma_start3A_491 = tpu.memref_squeeze %dma_start3A_490 : memref<1x1x128xi32, #tpu.memory_space<vmem>> -> memref<128xi32, #tpu.memory_space<vmem>>
      %dma_start3A_492 = arith.constant 0 : i32
      %dma_start3A_493 = arith.constant 0 : i32
      %dma_start3A_494 = tpu.memref_slice %arg2[%dma_start3A_492, %dma_start3A_493] : memref<10240x128xf32, #tpu.memory_space<hbm>> -> memref<10240x128xf32, #tpu.memory_space<hbm>>
      tpu.enqueue_indirect_dma source(%dma_start3A_494 : memref<10240x128xf32, #tpu.memory_space<hbm>>) target(%arg8 : memref<128x128xf32, #tpu.memory_space<vmem>>) offsets(%dma_start3A_491 : memref<128xi32, #tpu.memory_space<vmem>>) semaphore(%arg13 : memref<!tpu.dma_semaphore, #tpu.memory_space<semaphore_mem>>)
      %dma_wait3A_495 = arith.constant 0 : i32
      %dma_wait3A_496 = arith.constant 0 : i32
      %dma_wait3A_497 = arith.constant 0 : i32
      %dma_wait3A_498 = tpu.memref_slice %arg5[%dma_wait3A_495, %dma_wait3A_496, %dma_wait3A_497] : memref<8x2x128xi32, #tpu.memory_space<vmem>> -> memref<1x1x128xi32, #tpu.memory_space<vmem>>
      %dma_wait3A_499 = tpu.memref_squeeze %dma_wait3A_498 : memref<1x1x128xi32, #tpu.memory_space<vmem>> -> memref<128xi32, #tpu.memory_space<vmem>>
      %dma_wait3A_500 = arith.constant 0 : i32
      %dma_wait3A_501 = arith.constant 0 : i32
      %dma_wait3A_502 = tpu.memref_slice %arg2[%dma_wait3A_500, %dma_wait3A_501] : memref<10240x128xf32, #tpu.memory_space<hbm>> -> memref<10240x128xf32, #tpu.memory_space<hbm>>
      tpu.wait_indirect_dma semaphore(%arg12 : memref<!tpu.dma_semaphore, #tpu.memory_space<semaphore_mem>>) src(%dma_wait3A_502 : memref<10240x128xf32, #tpu.memory_space<hbm>>) dst(%arg7 : memref<128x128xf32, #tpu.memory_space<vmem>>)
      %dma_start3A_503 = arith.constant 4 : i32
      %dma_start3A_504 = arith.constant 1 : i32
      %dma_start3A_505 = arith.constant 0 : i32
      %dma_start3A_506 = tpu.memref_slice %arg6[%dma_start3A_503, %dma_start3A_504, %dma_start3A_505] : memref<8x2x128xi32, #tpu.memory_space<vmem>> -> memref<1x1x128xi32, #tpu.memory_space<vmem>>
      %dma_start3A_507 = tpu.memref_squeeze %dma_start3A_506 : memref<1x1x128xi32, #tpu.memory_space<vmem>> -> memref<128xi32, #tpu.memory_space<vmem>>
      %dma_start3A_508 = arith.constant 0 : i32
      %dma_start3A_509 = arith.constant 0 : i32
      %dma_start3A_510 = tpu.memref_slice %arg9[%dma_start3A_508, %dma_start3A_509] : memref<10240x128xf32, #tpu.memory_space<vmem_shared>> -> memref<10240x128xf32, #tpu.memory_space<vmem_shared>>
      tpu.enqueue_indirect_dma source(%arg7 : memref<128x128xf32, #tpu.memory_space<vmem>>) target(%dma_start3A_510 : memref<10240x128xf32, #tpu.memory_space<vmem_shared>>) offsets(%dma_start3A_507 : memref<128xi32, #tpu.memory_space<vmem>>) semaphore(%arg14 : memref<!tpu.dma_semaphore, #tpu.memory_space<semaphore_mem>>) {add = true}
      %dma_wait3A_511 = arith.constant 0 : i32
      %dma_wait3A_512 = arith.constant 1 : i32
      %dma_wait3A_513 = arith.constant 0 : i32
      %dma_wait3A_514 = tpu.memref_slice %arg5[%dma_wait3A_511, %dma_wait3A_512, %dma_wait3A_513] : memref<8x2x128xi32, #tpu.memory_space<vmem>> -> memref<1x1x128xi32, #tpu.memory_space<vmem>>
      %dma_wait3A_515 = tpu.memref_squeeze %dma_wait3A_514 : memref<1x1x128xi32, #tpu.memory_space<vmem>> -> memref<128xi32, #tpu.memory_space<vmem>>
      %dma_wait3A_516 = arith.constant 0 : i32
      %dma_wait3A_517 = arith.constant 0 : i32
      %dma_wait3A_518 = tpu.memref_slice %arg9[%dma_wait3A_516, %dma_wait3A_517] : memref<10240x128xf32, #tpu.memory_space<vmem_shared>> -> memref<10240x128xf32, #tpu.memory_space<vmem_shared>>
      tpu.wait_indirect_dma semaphore(%arg14 : memref<!tpu.dma_semaphore, #tpu.memory_space<semaphore_mem>>) src(%arg7 : memref<128x128xf32, #tpu.memory_space<vmem>>) dst(%dma_wait3A_518 : memref<10240x128xf32, #tpu.memory_space<vmem_shared>>)
      %dma_start3A_519 = arith.constant 6 : i32
      %dma_start3A_520 = arith.constant 0 : i32
      %dma_start3A_521 = arith.constant 0 : i32
      %dma_start3A_522 = tpu.memref_slice %arg6[%dma_start3A_519, %dma_start3A_520, %dma_start3A_521] : memref<8x2x128xi32, #tpu.memory_space<vmem>> -> memref<1x1x128xi32, #tpu.memory_space<vmem>>
      %dma_start3A_523 = tpu.memref_squeeze %dma_start3A_522 : memref<1x1x128xi32, #tpu.memory_space<vmem>> -> memref<128xi32, #tpu.memory_space<vmem>>
      %dma_start3A_524 = arith.constant 0 : i32
      %dma_start3A_525 = arith.constant 0 : i32
      %dma_start3A_526 = tpu.memref_slice %arg2[%dma_start3A_524, %dma_start3A_525] : memref<10240x128xf32, #tpu.memory_space<hbm>> -> memref<10240x128xf32, #tpu.memory_space<hbm>>
      tpu.enqueue_indirect_dma source(%dma_start3A_526 : memref<10240x128xf32, #tpu.memory_space<hbm>>) target(%arg7 : memref<128x128xf32, #tpu.memory_space<vmem>>) offsets(%dma_start3A_523 : memref<128xi32, #tpu.memory_space<vmem>>) semaphore(%arg12 : memref<!tpu.dma_semaphore, #tpu.memory_space<semaphore_mem>>)
      %dma_wait3A_527 = arith.constant 0 : i32
      %dma_wait3A_528 = arith.constant 0 : i32
      %dma_wait3A_529 = arith.constant 0 : i32
      %dma_wait3A_530 = tpu.memref_slice %arg5[%dma_wait3A_527, %dma_wait3A_528, %dma_wait3A_529] : memref<8x2x128xi32, #tpu.memory_space<vmem>> -> memref<1x1x128xi32, #tpu.memory_space<vmem>>
      %dma_wait3A_531 = tpu.memref_squeeze %dma_wait3A_530 : memref<1x1x128xi32, #tpu.memory_space<vmem>> -> memref<128xi32, #tpu.memory_space<vmem>>
      %dma_wait3A_532 = arith.constant 0 : i32
      %dma_wait3A_533 = arith.constant 0 : i32
      %dma_wait3A_534 = tpu.memref_slice %arg2[%dma_wait3A_532, %dma_wait3A_533] : memref<10240x128xf32, #tpu.memory_space<hbm>> -> memref<10240x128xf32, #tpu.memory_space<hbm>>
      tpu.wait_indirect_dma semaphore(%arg13 : memref<!tpu.dma_semaphore, #tpu.memory_space<semaphore_mem>>) src(%dma_wait3A_534 : memref<10240x128xf32, #tpu.memory_space<hbm>>) dst(%arg8 : memref<128x128xf32, #tpu.memory_space<vmem>>)
      %dma_start3A_535 = arith.constant 5 : i32
      %dma_start3A_536 = arith.constant 1 : i32
      %dma_start3A_537 = arith.constant 0 : i32
      %dma_start3A_538 = tpu.memref_slice %arg6[%dma_start3A_535, %dma_start3A_536, %dma_start3A_537] : memref<8x2x128xi32, #tpu.memory_space<vmem>> -> memref<1x1x128xi32, #tpu.memory_space<vmem>>
      %dma_start3A_539 = tpu.memref_squeeze %dma_start3A_538 : memref<1x1x128xi32, #tpu.memory_space<vmem>> -> memref<128xi32, #tpu.memory_space<vmem>>
      %dma_start3A_540 = arith.constant 0 : i32
      %dma_start3A_541 = arith.constant 0 : i32
      %dma_start3A_542 = tpu.memref_slice %arg9[%dma_start3A_540, %dma_start3A_541] : memref<10240x128xf32, #tpu.memory_space<vmem_shared>> -> memref<10240x128xf32, #tpu.memory_space<vmem_shared>>
      tpu.enqueue_indirect_dma source(%arg8 : memref<128x128xf32, #tpu.memory_space<vmem>>) target(%dma_start3A_542 : memref<10240x128xf32, #tpu.memory_space<vmem_shared>>) offsets(%dma_start3A_539 : memref<128xi32, #tpu.memory_space<vmem>>) semaphore(%arg15 : memref<!tpu.dma_semaphore, #tpu.memory_space<semaphore_mem>>) {add = true}
      %dma_wait3A_543 = arith.constant 0 : i32
      %dma_wait3A_544 = arith.constant 1 : i32
      %dma_wait3A_545 = arith.constant 0 : i32
      %dma_wait3A_546 = tpu.memref_slice %arg5[%dma_wait3A_543, %dma_wait3A_544, %dma_wait3A_545] : memref<8x2x128xi32, #tpu.memory_space<vmem>> -> memref<1x1x128xi32, #tpu.memory_space<vmem>>
      %dma_wait3A_547 = tpu.memref_squeeze %dma_wait3A_546 : memref<1x1x128xi32, #tpu.memory_space<vmem>> -> memref<128xi32, #tpu.memory_space<vmem>>
      %dma_wait3A_548 = arith.constant 0 : i32
      %dma_wait3A_549 = arith.constant 0 : i32
      %dma_wait3A_550 = tpu.memref_slice %arg9[%dma_wait3A_548, %dma_wait3A_549] : memref<10240x128xf32, #tpu.memory_space<vmem_shared>> -> memref<10240x128xf32, #tpu.memory_space<vmem_shared>>
      tpu.wait_indirect_dma semaphore(%arg15 : memref<!tpu.dma_semaphore, #tpu.memory_space<semaphore_mem>>) src(%arg8 : memref<128x128xf32, #tpu.memory_space<vmem>>) dst(%dma_wait3A_550 : memref<10240x128xf32, #tpu.memory_space<vmem_shared>>)
      %dma_start3A_551 = arith.constant 7 : i32
      %dma_start3A_552 = arith.constant 0 : i32
      %dma_start3A_553 = arith.constant 0 : i32
      %dma_start3A_554 = tpu.memref_slice %arg6[%dma_start3A_551, %dma_start3A_552, %dma_start3A_553] : memref<8x2x128xi32, #tpu.memory_space<vmem>> -> memref<1x1x128xi32, #tpu.memory_space<vmem>>
      %dma_start3A_555 = tpu.memref_squeeze %dma_start3A_554 : memref<1x1x128xi32, #tpu.memory_space<vmem>> -> memref<128xi32, #tpu.memory_space<vmem>>
      %dma_start3A_556 = arith.constant 0 : i32
      %dma_start3A_557 = arith.constant 0 : i32
      %dma_start3A_558 = tpu.memref_slice %arg2[%dma_start3A_556, %dma_start3A_557] : memref<10240x128xf32, #tpu.memory_space<hbm>> -> memref<10240x128xf32, #tpu.memory_space<hbm>>
      tpu.enqueue_indirect_dma source(%dma_start3A_558 : memref<10240x128xf32, #tpu.memory_space<hbm>>) target(%arg8 : memref<128x128xf32, #tpu.memory_space<vmem>>) offsets(%dma_start3A_555 : memref<128xi32, #tpu.memory_space<vmem>>) semaphore(%arg13 : memref<!tpu.dma_semaphore, #tpu.memory_space<semaphore_mem>>)
      %dma_wait3A_559 = arith.constant 0 : i32
      %dma_wait3A_560 = arith.constant 0 : i32
      %dma_wait3A_561 = arith.constant 0 : i32
      %dma_wait3A_562 = tpu.memref_slice %arg5[%dma_wait3A_559, %dma_wait3A_560, %dma_wait3A_561] : memref<8x2x128xi32, #tpu.memory_space<vmem>> -> memref<1x1x128xi32, #tpu.memory_space<vmem>>
      %dma_wait3A_563 = tpu.memref_squeeze %dma_wait3A_562 : memref<1x1x128xi32, #tpu.memory_space<vmem>> -> memref<128xi32, #tpu.memory_space<vmem>>
      %dma_wait3A_564 = arith.constant 0 : i32
      %dma_wait3A_565 = arith.constant 0 : i32
      %dma_wait3A_566 = tpu.memref_slice %arg2[%dma_wait3A_564, %dma_wait3A_565] : memref<10240x128xf32, #tpu.memory_space<hbm>> -> memref<10240x128xf32, #tpu.memory_space<hbm>>
      tpu.wait_indirect_dma semaphore(%arg12 : memref<!tpu.dma_semaphore, #tpu.memory_space<semaphore_mem>>) src(%dma_wait3A_566 : memref<10240x128xf32, #tpu.memory_space<hbm>>) dst(%arg7 : memref<128x128xf32, #tpu.memory_space<vmem>>)
      %dma_start3A_567 = arith.constant 6 : i32
      %dma_start3A_568 = arith.constant 1 : i32
      %dma_start3A_569 = arith.constant 0 : i32
      %dma_start3A_570 = tpu.memref_slice %arg6[%dma_start3A_567, %dma_start3A_568, %dma_start3A_569] : memref<8x2x128xi32, #tpu.memory_space<vmem>> -> memref<1x1x128xi32, #tpu.memory_space<vmem>>
      %dma_start3A_571 = tpu.memref_squeeze %dma_start3A_570 : memref<1x1x128xi32, #tpu.memory_space<vmem>> -> memref<128xi32, #tpu.memory_space<vmem>>
      %dma_start3A_572 = arith.constant 0 : i32
      %dma_start3A_573 = arith.constant 0 : i32
      %dma_start3A_574 = tpu.memref_slice %arg9[%dma_start3A_572, %dma_start3A_573] : memref<10240x128xf32, #tpu.memory_space<vmem_shared>> -> memref<10240x128xf32, #tpu.memory_space<vmem_shared>>
      tpu.enqueue_indirect_dma source(%arg7 : memref<128x128xf32, #tpu.memory_space<vmem>>) target(%dma_start3A_574 : memref<10240x128xf32, #tpu.memory_space<vmem_shared>>) offsets(%dma_start3A_571 : memref<128xi32, #tpu.memory_space<vmem>>) semaphore(%arg14 : memref<!tpu.dma_semaphore, #tpu.memory_space<semaphore_mem>>) {add = true}
      %dma_wait3A_575 = arith.constant 0 : i32
      %dma_wait3A_576 = arith.constant 1 : i32
      %dma_wait3A_577 = arith.constant 0 : i32
      %dma_wait3A_578 = tpu.memref_slice %arg5[%dma_wait3A_575, %dma_wait3A_576, %dma_wait3A_577] : memref<8x2x128xi32, #tpu.memory_space<vmem>> -> memref<1x1x128xi32, #tpu.memory_space<vmem>>
      %dma_wait3A_579 = tpu.memref_squeeze %dma_wait3A_578 : memref<1x1x128xi32, #tpu.memory_space<vmem>> -> memref<128xi32, #tpu.memory_space<vmem>>
      %dma_wait3A_580 = arith.constant 0 : i32
      %dma_wait3A_581 = arith.constant 0 : i32
      %dma_wait3A_582 = tpu.memref_slice %arg9[%dma_wait3A_580, %dma_wait3A_581] : memref<10240x128xf32, #tpu.memory_space<vmem_shared>> -> memref<10240x128xf32, #tpu.memory_space<vmem_shared>>
      tpu.wait_indirect_dma semaphore(%arg14 : memref<!tpu.dma_semaphore, #tpu.memory_space<semaphore_mem>>) src(%arg7 : memref<128x128xf32, #tpu.memory_space<vmem>>) dst(%dma_wait3A_582 : memref<10240x128xf32, #tpu.memory_space<vmem_shared>>)
      %add3A_583 = arith.constant 1 : i32
      %add3A_584 = arith.addi %add3A_366, %add3A_583 : i32
      %lt3A_585 = arith.cmpi slt, %add3A_584, %select_n3A_8 : i32
      %convert_element_type3A_586 = arith.extui %lt3A_585 : i1 to i32
      %cond3A_587 = arith.constant 0 : i32
      %cond3A_588 = arith.cmpi ne, %convert_element_type3A_586, %cond3A_587 : i32
      scf.if %cond3A_588 {
        %dma_wait3A_626 = arith.constant 0 : i32
        %dma_wait3A_627 = arith.constant 0 : i32
        %dma_wait3A_628 = arith.constant 0 : i32
        %dma_wait3A_629 = tpu.memref_slice %arg3[%select_n3A, %dma_wait3A_626, %dma_wait3A_627, %dma_wait3A_628] : memref<320x8x2x128xi32, #tpu.memory_space<hbm>> -> memref<1x8x2x128xi32, #tpu.memory_space<hbm>>
        %dma_wait3A_630 = tpu.memref_squeeze %dma_wait3A_629 : memref<1x8x2x128xi32, #tpu.memory_space<hbm>> -> memref<8x2x128xi32, #tpu.memory_space<hbm>>
        %dma_wait3A_631 = arith.constant 0 : i32
        %dma_wait3A_632 = arith.constant 0 : i32
        %dma_wait3A_633 = arith.constant 0 : i32
        %dma_wait3A_634 = tpu.memref_slice %arg3[%select_n3A, %dma_wait3A_631, %dma_wait3A_632, %dma_wait3A_633] : memref<320x8x2x128xi32, #tpu.memory_space<hbm>> -> memref<1x8x2x128xi32, #tpu.memory_space<hbm>>
        %dma_wait3A_635 = tpu.memref_squeeze %dma_wait3A_634 : memref<1x8x2x128xi32, #tpu.memory_space<hbm>> -> memref<8x2x128xi32, #tpu.memory_space<hbm>>
        tpu.wait_dma2 semaphore(%arg10 : memref<!tpu.dma_semaphore, #tpu.memory_space<semaphore_mem>>) src(%dma_wait3A_635 : memref<8x2x128xi32, #tpu.memory_space<hbm>>) dst(%arg5 : memref<8x2x128xi32, #tpu.memory_space<vmem>>)
        %dma_start3A_636 = arith.constant 0 : i32
        %dma_start3A_637 = arith.constant 0 : i32
        %dma_start3A_638 = arith.constant 0 : i32
        %dma_start3A_639 = tpu.memref_slice %arg5[%dma_start3A_636, %dma_start3A_637, %dma_start3A_638] : memref<8x2x128xi32, #tpu.memory_space<vmem>> -> memref<1x1x128xi32, #tpu.memory_space<vmem>>
        %dma_start3A_640 = tpu.memref_squeeze %dma_start3A_639 : memref<1x1x128xi32, #tpu.memory_space<vmem>> -> memref<128xi32, #tpu.memory_space<vmem>>
        %dma_start3A_641 = arith.constant 0 : i32
        %dma_start3A_642 = arith.constant 0 : i32
        %dma_start3A_643 = tpu.memref_slice %arg2[%dma_start3A_641, %dma_start3A_642] : memref<10240x128xf32, #tpu.memory_space<hbm>> -> memref<10240x128xf32, #tpu.memory_space<hbm>>
        tpu.enqueue_indirect_dma source(%dma_start3A_643 : memref<10240x128xf32, #tpu.memory_space<hbm>>) target(%arg7 : memref<128x128xf32, #tpu.memory_space<vmem>>) offsets(%dma_start3A_640 : memref<128xi32, #tpu.memory_space<vmem>>) semaphore(%arg12 : memref<!tpu.dma_semaphore, #tpu.memory_space<semaphore_mem>>)
      } else {
      }
      %dma_wait3A_589 = arith.constant 0 : i32
      %dma_wait3A_590 = arith.constant 0 : i32
      %dma_wait3A_591 = arith.constant 0 : i32
      %dma_wait3A_592 = tpu.memref_slice %arg5[%dma_wait3A_589, %dma_wait3A_590, %dma_wait3A_591] : memref<8x2x128xi32, #tpu.memory_space<vmem>> -> memref<1x1x128xi32, #tpu.memory_space<vmem>>
      %dma_wait3A_593 = tpu.memref_squeeze %dma_wait3A_592 : memref<1x1x128xi32, #tpu.memory_space<vmem>> -> memref<128xi32, #tpu.memory_space<vmem>>
      %dma_wait3A_594 = arith.constant 0 : i32
      %dma_wait3A_595 = arith.constant 0 : i32
      %dma_wait3A_596 = tpu.memref_slice %arg2[%dma_wait3A_594, %dma_wait3A_595] : memref<10240x128xf32, #tpu.memory_space<hbm>> -> memref<10240x128xf32, #tpu.memory_space<hbm>>
      tpu.wait_indirect_dma semaphore(%arg13 : memref<!tpu.dma_semaphore, #tpu.memory_space<semaphore_mem>>) src(%dma_wait3A_596 : memref<10240x128xf32, #tpu.memory_space<hbm>>) dst(%arg8 : memref<128x128xf32, #tpu.memory_space<vmem>>)
      %dma_start3A_597 = arith.constant 7 : i32
      %dma_start3A_598 = arith.constant 1 : i32
      %dma_start3A_599 = arith.constant 0 : i32
      %dma_start3A_600 = tpu.memref_slice %arg6[%dma_start3A_597, %dma_start3A_598, %dma_start3A_599] : memref<8x2x128xi32, #tpu.memory_space<vmem>> -> memref<1x1x128xi32, #tpu.memory_space<vmem>>
      %dma_start3A_601 = tpu.memref_squeeze %dma_start3A_600 : memref<1x1x128xi32, #tpu.memory_space<vmem>> -> memref<128xi32, #tpu.memory_space<vmem>>
      %dma_start3A_602 = arith.constant 0 : i32
      %dma_start3A_603 = arith.constant 0 : i32
      %dma_start3A_604 = tpu.memref_slice %arg9[%dma_start3A_602, %dma_start3A_603] : memref<10240x128xf32, #tpu.memory_space<vmem_shared>> -> memref<10240x128xf32, #tpu.memory_space<vmem_shared>>
      tpu.enqueue_indirect_dma source(%arg8 : memref<128x128xf32, #tpu.memory_space<vmem>>) target(%dma_start3A_604 : memref<10240x128xf32, #tpu.memory_space<vmem_shared>>) offsets(%dma_start3A_601 : memref<128xi32, #tpu.memory_space<vmem>>) semaphore(%arg15 : memref<!tpu.dma_semaphore, #tpu.memory_space<semaphore_mem>>) {add = true}
      %dma_wait3A_605 = arith.constant 0 : i32
      %dma_wait3A_606 = arith.constant 1 : i32
      %dma_wait3A_607 = arith.constant 0 : i32
      %dma_wait3A_608 = tpu.memref_slice %arg5[%dma_wait3A_605, %dma_wait3A_606, %dma_wait3A_607] : memref<8x2x128xi32, #tpu.memory_space<vmem>> -> memref<1x1x128xi32, #tpu.memory_space<vmem>>
      %dma_wait3A_609 = tpu.memref_squeeze %dma_wait3A_608 : memref<1x1x128xi32, #tpu.memory_space<vmem>> -> memref<128xi32, #tpu.memory_space<vmem>>
      %dma_wait3A_610 = arith.constant 0 : i32
      %dma_wait3A_611 = arith.constant 0 : i32
      %dma_wait3A_612 = tpu.memref_slice %arg9[%dma_wait3A_610, %dma_wait3A_611] : memref<10240x128xf32, #tpu.memory_space<vmem_shared>> -> memref<10240x128xf32, #tpu.memory_space<vmem_shared>>
      tpu.wait_indirect_dma semaphore(%arg15 : memref<!tpu.dma_semaphore, #tpu.memory_space<semaphore_mem>>) src(%arg8 : memref<128x128xf32, #tpu.memory_space<vmem>>) dst(%dma_wait3A_612 : memref<10240x128xf32, #tpu.memory_space<vmem_shared>>)
      %add3A_613 = arith.constant 1 : i32
      %add3A_614 = arith.addi %add3A_366, %add3A_613 : i32
      %lt3A_615 = arith.cmpi slt, %add3A_614, %select_n3A_8 : i32
      %convert_element_type3A_616 = arith.extui %lt3A_615 : i1 to i32
      %cond3A_617 = arith.constant 0 : i32
      %cond3A_618 = arith.cmpi ne, %convert_element_type3A_616, %cond3A_617 : i32
      scf.if %cond3A_618 {
        %dma_start3A_626 = arith.constant 1 : i32
        %dma_start3A_627 = arith.constant 0 : i32
        %dma_start3A_628 = arith.constant 0 : i32
        %dma_start3A_629 = tpu.memref_slice %arg5[%dma_start3A_626, %dma_start3A_627, %dma_start3A_628] : memref<8x2x128xi32, #tpu.memory_space<vmem>> -> memref<1x1x128xi32, #tpu.memory_space<vmem>>
        %dma_start3A_630 = tpu.memref_squeeze %dma_start3A_629 : memref<1x1x128xi32, #tpu.memory_space<vmem>> -> memref<128xi32, #tpu.memory_space<vmem>>
        %dma_start3A_631 = arith.constant 0 : i32
        %dma_start3A_632 = arith.constant 0 : i32
        %dma_start3A_633 = tpu.memref_slice %arg2[%dma_start3A_631, %dma_start3A_632] : memref<10240x128xf32, #tpu.memory_space<hbm>> -> memref<10240x128xf32, #tpu.memory_space<hbm>>
        tpu.enqueue_indirect_dma source(%dma_start3A_633 : memref<10240x128xf32, #tpu.memory_space<hbm>>) target(%arg8 : memref<128x128xf32, #tpu.memory_space<vmem>>) offsets(%dma_start3A_630 : memref<128xi32, #tpu.memory_space<vmem>>) semaphore(%arg13 : memref<!tpu.dma_semaphore, #tpu.memory_space<semaphore_mem>>)
      } else {
      }
      %add3A_619 = arith.constant 2 : i32
      %add3A_620 = arith.addi %add3A_366, %add3A_619 : i32
      %lt3A_621 = arith.cmpi slt, %add3A_620, %select_n3A_8 : i32
      %convert_element_type3A_622 = arith.extui %lt3A_621 : i1 to i32
      %cond3A_623 = arith.constant 0 : i32
      %cond3A_624 = arith.cmpi ne, %convert_element_type3A_622, %cond3A_623 : i32
      scf.if %cond3A_624 {
        %add3A_626 = arith.constant 2 : i32
        %add3A_627 = arith.addi %add3A_366, %add3A_626 : i32
        %add3A_628 = arith.addi %select_n3A, %add3A_627 : i32
        %dma_start3A_629 = arith.constant 0 : i32
        %dma_start3A_630 = arith.constant 0 : i32
        %dma_start3A_631 = arith.constant 0 : i32
        %dma_start3A_632 = tpu.memref_slice %arg3[%add3A_628, %dma_start3A_629, %dma_start3A_630, %dma_start3A_631] : memref<320x8x2x128xi32, #tpu.memory_space<hbm>> -> memref<1x8x2x128xi32, #tpu.memory_space<hbm>>
        %dma_start3A_633 = tpu.memref_squeeze %dma_start3A_632 : memref<1x8x2x128xi32, #tpu.memory_space<hbm>> -> memref<8x2x128xi32, #tpu.memory_space<hbm>>
        %dma_start3A_634 = arith.constant 0 : i32
        %dma_start3A_635 = arith.constant 0 : i32
        %dma_start3A_636 = arith.constant 0 : i32
        %dma_start3A_637 = tpu.memref_slice %arg3[%add3A_628, %dma_start3A_634, %dma_start3A_635, %dma_start3A_636] : memref<320x8x2x128xi32, #tpu.memory_space<hbm>> -> memref<1x8x2x128xi32, #tpu.memory_space<hbm>>
        %dma_start3A_638 = tpu.memref_squeeze %dma_start3A_637 : memref<1x8x2x128xi32, #tpu.memory_space<hbm>> -> memref<8x2x128xi32, #tpu.memory_space<hbm>>
        tpu.enqueue_dma source(%dma_start3A_638 : memref<8x2x128xi32, #tpu.memory_space<hbm>>) target(%arg6 : memref<8x2x128xi32, #tpu.memory_space<vmem>>) target_semaphore(%arg11 : memref<!tpu.dma_semaphore, #tpu.memory_space<semaphore_mem>>)
      } else {
      }
      %while3A_625 = arith.constant 0 : i32
      scf.yield %while3A_625 : i32
    }
    %while3A_101 = arith.constant 1 : i32
    %while3A_102 = scf.for %while3A_104 = %while3A_98 to %while3A_94 step %while3A_101 iter_args(%while3A_105 = %while3A_100) -> (i32)  : i32 {
      %mul3A_106 = arith.constant 2 : i32
      %mul3A_107 = arith.muli %mul3A_106, %while3A_104 : i32
      %dma_wait3A_108 = arith.constant 0 : i32
      %dma_wait3A_109 = arith.constant 0 : i32
      %dma_wait3A_110 = arith.constant 0 : i32
      %dma_wait3A_111 = tpu.memref_slice %arg5[%dma_wait3A_108, %dma_wait3A_109, %dma_wait3A_110] : memref<8x2x128xi32, #tpu.memory_space<vmem>> -> memref<1x1x128xi32, #tpu.memory_space<vmem>>
      %dma_wait3A_112 = tpu.memref_squeeze %dma_wait3A_111 : memref<1x1x128xi32, #tpu.memory_space<vmem>> -> memref<128xi32, #tpu.memory_space<vmem>>
      %dma_wait3A_113 = arith.constant 0 : i32
      %dma_wait3A_114 = arith.constant 0 : i32
      %dma_wait3A_115 = tpu.memref_slice %arg2[%dma_wait3A_113, %dma_wait3A_114] : memref<10240x128xf32, #tpu.memory_space<hbm>> -> memref<10240x128xf32, #tpu.memory_space<hbm>>
      tpu.wait_indirect_dma semaphore(%arg12 : memref<!tpu.dma_semaphore, #tpu.memory_space<semaphore_mem>>) src(%dma_wait3A_115 : memref<10240x128xf32, #tpu.memory_space<hbm>>) dst(%arg7 : memref<128x128xf32, #tpu.memory_space<vmem>>)
      %dma_start3A_116 = arith.constant 0 : i32
      %dma_start3A_117 = arith.constant 1 : i32
      %dma_start3A_118 = arith.constant 0 : i32
      %dma_start3A_119 = tpu.memref_slice %arg5[%dma_start3A_116, %dma_start3A_117, %dma_start3A_118] : memref<8x2x128xi32, #tpu.memory_space<vmem>> -> memref<1x1x128xi32, #tpu.memory_space<vmem>>
      %dma_start3A_120 = tpu.memref_squeeze %dma_start3A_119 : memref<1x1x128xi32, #tpu.memory_space<vmem>> -> memref<128xi32, #tpu.memory_space<vmem>>
      %dma_start3A_121 = arith.constant 0 : i32
      %dma_start3A_122 = arith.constant 0 : i32
      %dma_start3A_123 = tpu.memref_slice %arg9[%dma_start3A_121, %dma_start3A_122] : memref<10240x128xf32, #tpu.memory_space<vmem_shared>> -> memref<10240x128xf32, #tpu.memory_space<vmem_shared>>
      tpu.enqueue_indirect_dma source(%arg7 : memref<128x128xf32, #tpu.memory_space<vmem>>) target(%dma_start3A_123 : memref<10240x128xf32, #tpu.memory_space<vmem_shared>>) offsets(%dma_start3A_120 : memref<128xi32, #tpu.memory_space<vmem>>) semaphore(%arg14 : memref<!tpu.dma_semaphore, #tpu.memory_space<semaphore_mem>>) {add = true}
      %dma_wait3A_124 = arith.constant 0 : i32
      %dma_wait3A_125 = arith.constant 1 : i32
      %dma_wait3A_126 = arith.constant 0 : i32
      %dma_wait3A_127 = tpu.memref_slice %arg5[%dma_wait3A_124, %dma_wait3A_125, %dma_wait3A_126] : memref<8x2x128xi32, #tpu.memory_space<vmem>> -> memref<1x1x128xi32, #tpu.memory_space<vmem>>
      %dma_wait3A_128 = tpu.memref_squeeze %dma_wait3A_127 : memref<1x1x128xi32, #tpu.memory_space<vmem>> -> memref<128xi32, #tpu.memory_space<vmem>>
      %dma_wait3A_129 = arith.constant 0 : i32
      %dma_wait3A_130 = arith.constant 0 : i32
      %dma_wait3A_131 = tpu.memref_slice %arg9[%dma_wait3A_129, %dma_wait3A_130] : memref<10240x128xf32, #tpu.memory_space<vmem_shared>> -> memref<10240x128xf32, #tpu.memory_space<vmem_shared>>
      tpu.wait_indirect_dma semaphore(%arg14 : memref<!tpu.dma_semaphore, #tpu.memory_space<semaphore_mem>>) src(%arg7 : memref<128x128xf32, #tpu.memory_space<vmem>>) dst(%dma_wait3A_131 : memref<10240x128xf32, #tpu.memory_space<vmem_shared>>)
      %dma_start3A_132 = arith.constant 2 : i32
      %dma_start3A_133 = arith.constant 0 : i32
      %dma_start3A_134 = arith.constant 0 : i32
      %dma_start3A_135 = tpu.memref_slice %arg5[%dma_start3A_132, %dma_start3A_133, %dma_start3A_134] : memref<8x2x128xi32, #tpu.memory_space<vmem>> -> memref<1x1x128xi32, #tpu.memory_space<vmem>>
      %dma_start3A_136 = tpu.memref_squeeze %dma_start3A_135 : memref<1x1x128xi32, #tpu.memory_space<vmem>> -> memref<128xi32, #tpu.memory_space<vmem>>
      %dma_start3A_137 = arith.constant 0 : i32
      %dma_start3A_138 = arith.constant 0 : i32
      %dma_start3A_139 = tpu.memref_slice %arg2[%dma_start3A_137, %dma_start3A_138] : memref<10240x128xf32, #tpu.memory_space<hbm>> -> memref<10240x128xf32, #tpu.memory_space<hbm>>
      tpu.enqueue_indirect_dma source(%dma_start3A_139 : memref<10240x128xf32, #tpu.memory_space<hbm>>) target(%arg7 : memref<128x128xf32, #tpu.memory_space<vmem>>) offsets(%dma_start3A_136 : memref<128xi32, #tpu.memory_space<vmem>>) semaphore(%arg12 : memref<!tpu.dma_semaphore, #tpu.memory_space<semaphore_mem>>)
      %dma_wait3A_140 = arith.constant 0 : i32
      %dma_wait3A_141 = arith.constant 0 : i32
      %dma_wait3A_142 = arith.constant 0 : i32
      %dma_wait3A_143 = tpu.memref_slice %arg5[%dma_wait3A_140, %dma_wait3A_141, %dma_wait3A_142] : memref<8x2x128xi32, #tpu.memory_space<vmem>> -> memref<1x1x128xi32, #tpu.memory_space<vmem>>
      %dma_wait3A_144 = tpu.memref_squeeze %dma_wait3A_143 : memref<1x1x128xi32, #tpu.memory_space<vmem>> -> memref<128xi32, #tpu.memory_space<vmem>>
      %dma_wait3A_145 = arith.constant 0 : i32
      %dma_wait3A_146 = arith.constant 0 : i32
      %dma_wait3A_147 = tpu.memref_slice %arg2[%dma_wait3A_145, %dma_wait3A_146] : memref<10240x128xf32, #tpu.memory_space<hbm>> -> memref<10240x128xf32, #tpu.memory_space<hbm>>
      tpu.wait_indirect_dma semaphore(%arg13 : memref<!tpu.dma_semaphore, #tpu.memory_space<semaphore_mem>>) src(%dma_wait3A_147 : memref<10240x128xf32, #tpu.memory_space<hbm>>) dst(%arg8 : memref<128x128xf32, #tpu.memory_space<vmem>>)
      %dma_start3A_148 = arith.constant 1 : i32
      %dma_start3A_149 = arith.constant 1 : i32
      %dma_start3A_150 = arith.constant 0 : i32
      %dma_start3A_151 = tpu.memref_slice %arg5[%dma_start3A_148, %dma_start3A_149, %dma_start3A_150] : memref<8x2x128xi32, #tpu.memory_space<vmem>> -> memref<1x1x128xi32, #tpu.memory_space<vmem>>
      %dma_start3A_152 = tpu.memref_squeeze %dma_start3A_151 : memref<1x1x128xi32, #tpu.memory_space<vmem>> -> memref<128xi32, #tpu.memory_space<vmem>>
      %dma_start3A_153 = arith.constant 0 : i32
      %dma_start3A_154 = arith.constant 0 : i32
      %dma_start3A_155 = tpu.memref_slice %arg9[%dma_start3A_153, %dma_start3A_154] : memref<10240x128xf32, #tpu.memory_space<vmem_shared>> -> memref<10240x128xf32, #tpu.memory_space<vmem_shared>>
      tpu.enqueue_indirect_dma source(%arg8 : memref<128x128xf32, #tpu.memory_space<vmem>>) target(%dma_start3A_155 : memref<10240x128xf32, #tpu.memory_space<vmem_shared>>) offsets(%dma_start3A_152 : memref<128xi32, #tpu.memory_space<vmem>>) semaphore(%arg15 : memref<!tpu.dma_semaphore, #tpu.memory_space<semaphore_mem>>) {add = true}
      %dma_wait3A_156 = arith.constant 0 : i32
      %dma_wait3A_157 = arith.constant 1 : i32
      %dma_wait3A_158 = arith.constant 0 : i32
      %dma_wait3A_159 = tpu.memref_slice %arg5[%dma_wait3A_156, %dma_wait3A_157, %dma_wait3A_158] : memref<8x2x128xi32, #tpu.memory_space<vmem>> -> memref<1x1x128xi32, #tpu.memory_space<vmem>>
      %dma_wait3A_160 = tpu.memref_squeeze %dma_wait3A_159 : memref<1x1x128xi32, #tpu.memory_space<vmem>> -> memref<128xi32, #tpu.memory_space<vmem>>
      %dma_wait3A_161 = arith.constant 0 : i32
      %dma_wait3A_162 = arith.constant 0 : i32
      %dma_wait3A_163 = tpu.memref_slice %arg9[%dma_wait3A_161, %dma_wait3A_162] : memref<10240x128xf32, #tpu.memory_space<vmem_shared>> -> memref<10240x128xf32, #tpu.memory_space<vmem_shared>>
      tpu.wait_indirect_dma semaphore(%arg15 : memref<!tpu.dma_semaphore, #tpu.memory_space<semaphore_mem>>) src(%arg8 : memref<128x128xf32, #tpu.memory_space<vmem>>) dst(%dma_wait3A_163 : memref<10240x128xf32, #tpu.memory_space<vmem_shared>>)
      %dma_start3A_164 = arith.constant 3 : i32
      %dma_start3A_165 = arith.constant 0 : i32
      %dma_start3A_166 = arith.constant 0 : i32
      %dma_start3A_167 = tpu.memref_slice %arg5[%dma_start3A_164, %dma_start3A_165, %dma_start3A_166] : memref<8x2x128xi32, #tpu.memory_space<vmem>> -> memref<1x1x128xi32, #tpu.memory_space<vmem>>
      %dma_start3A_168 = tpu.memref_squeeze %dma_start3A_167 : memref<1x1x128xi32, #tpu.memory_space<vmem>> -> memref<128xi32, #tpu.memory_space<vmem>>
      %dma_start3A_169 = arith.constant 0 : i32
      %dma_start3A_170 = arith.constant 0 : i32
      %dma_start3A_171 = tpu.memref_slice %arg2[%dma_start3A_169, %dma_start3A_170] : memref<10240x128xf32, #tpu.memory_space<hbm>> -> memref<10240x128xf32, #tpu.memory_space<hbm>>
      tpu.enqueue_indirect_dma source(%dma_start3A_171 : memref<10240x128xf32, #tpu.memory_space<hbm>>) target(%arg8 : memref<128x128xf32, #tpu.memory_space<vmem>>) offsets(%dma_start3A_168 : memref<128xi32, #tpu.memory_space<vmem>>) semaphore(%arg13 : memref<!tpu.dma_semaphore, #tpu.memory_space<semaphore_mem>>)
      %dma_wait3A_172 = arith.constant 0 : i32
      %dma_wait3A_173 = arith.constant 0 : i32
      %dma_wait3A_174 = arith.constant 0 : i32
      %dma_wait3A_175 = tpu.memref_slice %arg5[%dma_wait3A_172, %dma_wait3A_173, %dma_wait3A_174] : memref<8x2x128xi32, #tpu.memory_space<vmem>> -> memref<1x1x128xi32, #tpu.memory_space<vmem>>
      %dma_wait3A_176 = tpu.memref_squeeze %dma_wait3A_175 : memref<1x1x128xi32, #tpu.memory_space<vmem>> -> memref<128xi32, #tpu.memory_space<vmem>>
      %dma_wait3A_177 = arith.constant 0 : i32
      %dma_wait3A_178 = arith.constant 0 : i32
      %dma_wait3A_179 = tpu.memref_slice %arg2[%dma_wait3A_177, %dma_wait3A_178] : memref<10240x128xf32, #tpu.memory_space<hbm>> -> memref<10240x128xf32, #tpu.memory_space<hbm>>
      tpu.wait_indirect_dma semaphore(%arg12 : memref<!tpu.dma_semaphore, #tpu.memory_space<semaphore_mem>>) src(%dma_wait3A_179 : memref<10240x128xf32, #tpu.memory_space<hbm>>) dst(%arg7 : memref<128x128xf32, #tpu.memory_space<vmem>>)
      %dma_start3A_180 = arith.constant 2 : i32
      %dma_start3A_181 = arith.constant 1 : i32
      %dma_start3A_182 = arith.constant 0 : i32
      %dma_start3A_183 = tpu.memref_slice %arg5[%dma_start3A_180, %dma_start3A_181, %dma_start3A_182] : memref<8x2x128xi32, #tpu.memory_space<vmem>> -> memref<1x1x128xi32, #tpu.memory_space<vmem>>
      %dma_start3A_184 = tpu.memref_squeeze %dma_start3A_183 : memref<1x1x128xi32, #tpu.memory_space<vmem>> -> memref<128xi32, #tpu.memory_space<vmem>>
      %dma_start3A_185 = arith.constant 0 : i32
      %dma_start3A_186 = arith.constant 0 : i32
      %dma_start3A_187 = tpu.memref_slice %arg9[%dma_start3A_185, %dma_start3A_186] : memref<10240x128xf32, #tpu.memory_space<vmem_shared>> -> memref<10240x128xf32, #tpu.memory_space<vmem_shared>>
      tpu.enqueue_indirect_dma source(%arg7 : memref<128x128xf32, #tpu.memory_space<vmem>>) target(%dma_start3A_187 : memref<10240x128xf32, #tpu.memory_space<vmem_shared>>) offsets(%dma_start3A_184 : memref<128xi32, #tpu.memory_space<vmem>>) semaphore(%arg14 : memref<!tpu.dma_semaphore, #tpu.memory_space<semaphore_mem>>) {add = true}
      %dma_wait3A_188 = arith.constant 0 : i32
      %dma_wait3A_189 = arith.constant 1 : i32
      %dma_wait3A_190 = arith.constant 0 : i32
      %dma_wait3A_191 = tpu.memref_slice %arg5[%dma_wait3A_188, %dma_wait3A_189, %dma_wait3A_190] : memref<8x2x128xi32, #tpu.memory_space<vmem>> -> memref<1x1x128xi32, #tpu.memory_space<vmem>>
      %dma_wait3A_192 = tpu.memref_squeeze %dma_wait3A_191 : memref<1x1x128xi32, #tpu.memory_space<vmem>> -> memref<128xi32, #tpu.memory_space<vmem>>
      %dma_wait3A_193 = arith.constant 0 : i32
      %dma_wait3A_194 = arith.constant 0 : i32
      %dma_wait3A_195 = tpu.memref_slice %arg9[%dma_wait3A_193, %dma_wait3A_194] : memref<10240x128xf32, #tpu.memory_space<vmem_shared>> -> memref<10240x128xf32, #tpu.memory_space<vmem_shared>>
      tpu.wait_indirect_dma semaphore(%arg14 : memref<!tpu.dma_semaphore, #tpu.memory_space<semaphore_mem>>) src(%arg7 : memref<128x128xf32, #tpu.memory_space<vmem>>) dst(%dma_wait3A_195 : memref<10240x128xf32, #tpu.memory_space<vmem_shared>>)
      %dma_start3A_196 = arith.constant 4 : i32
      %dma_start3A_197 = arith.constant 0 : i32
      %dma_start3A_198 = arith.constant 0 : i32
      %dma_start3A_199 = tpu.memref_slice %arg5[%dma_start3A_196, %dma_start3A_197, %dma_start3A_198] : memref<8x2x128xi32, #tpu.memory_space<vmem>> -> memref<1x1x128xi32, #tpu.memory_space<vmem>>
      %dma_start3A_200 = tpu.memref_squeeze %dma_start3A_199 : memref<1x1x128xi32, #tpu.memory_space<vmem>> -> memref<128xi32, #tpu.memory_space<vmem>>
      %dma_start3A_201 = arith.constant 0 : i32
      %dma_start3A_202 = arith.constant 0 : i32
      %dma_start3A_203 = tpu.memref_slice %arg2[%dma_start3A_201, %dma_start3A_202] : memref<10240x128xf32, #tpu.memory_space<hbm>> -> memref<10240x128xf32, #tpu.memory_space<hbm>>
      tpu.enqueue_indirect_dma source(%dma_start3A_203 : memref<10240x128xf32, #tpu.memory_space<hbm>>) target(%arg7 : memref<128x128xf32, #tpu.memory_space<vmem>>) offsets(%dma_start3A_200 : memref<128xi32, #tpu.memory_space<vmem>>) semaphore(%arg12 : memref<!tpu.dma_semaphore, #tpu.memory_space<semaphore_mem>>)
      %dma_wait3A_204 = arith.constant 0 : i32
      %dma_wait3A_205 = arith.constant 0 : i32
      %dma_wait3A_206 = arith.constant 0 : i32
      %dma_wait3A_207 = tpu.memref_slice %arg5[%dma_wait3A_204, %dma_wait3A_205, %dma_wait3A_206] : memref<8x2x128xi32, #tpu.memory_space<vmem>> -> memref<1x1x128xi32, #tpu.memory_space<vmem>>
      %dma_wait3A_208 = tpu.memref_squeeze %dma_wait3A_207 : memref<1x1x128xi32, #tpu.memory_space<vmem>> -> memref<128xi32, #tpu.memory_space<vmem>>
      %dma_wait3A_209 = arith.constant 0 : i32
      %dma_wait3A_210 = arith.constant 0 : i32
      %dma_wait3A_211 = tpu.memref_slice %arg2[%dma_wait3A_209, %dma_wait3A_210] : memref<10240x128xf32, #tpu.memory_space<hbm>> -> memref<10240x128xf32, #tpu.memory_space<hbm>>
      tpu.wait_indirect_dma semaphore(%arg13 : memref<!tpu.dma_semaphore, #tpu.memory_space<semaphore_mem>>) src(%dma_wait3A_211 : memref<10240x128xf32, #tpu.memory_space<hbm>>) dst(%arg8 : memref<128x128xf32, #tpu.memory_space<vmem>>)
      %dma_start3A_212 = arith.constant 3 : i32
      %dma_start3A_213 = arith.constant 1 : i32
      %dma_start3A_214 = arith.constant 0 : i32
      %dma_start3A_215 = tpu.memref_slice %arg5[%dma_start3A_212, %dma_start3A_213, %dma_start3A_214] : memref<8x2x128xi32, #tpu.memory_space<vmem>> -> memref<1x1x128xi32, #tpu.memory_space<vmem>>
      %dma_start3A_216 = tpu.memref_squeeze %dma_start3A_215 : memref<1x1x128xi32, #tpu.memory_space<vmem>> -> memref<128xi32, #tpu.memory_space<vmem>>
      %dma_start3A_217 = arith.constant 0 : i32
      %dma_start3A_218 = arith.constant 0 : i32
      %dma_start3A_219 = tpu.memref_slice %arg9[%dma_start3A_217, %dma_start3A_218] : memref<10240x128xf32, #tpu.memory_space<vmem_shared>> -> memref<10240x128xf32, #tpu.memory_space<vmem_shared>>
      tpu.enqueue_indirect_dma source(%arg8 : memref<128x128xf32, #tpu.memory_space<vmem>>) target(%dma_start3A_219 : memref<10240x128xf32, #tpu.memory_space<vmem_shared>>) offsets(%dma_start3A_216 : memref<128xi32, #tpu.memory_space<vmem>>) semaphore(%arg15 : memref<!tpu.dma_semaphore, #tpu.memory_space<semaphore_mem>>) {add = true}
      %dma_wait3A_220 = arith.constant 0 : i32
      %dma_wait3A_221 = arith.constant 1 : i32
      %dma_wait3A_222 = arith.constant 0 : i32
      %dma_wait3A_223 = tpu.memref_slice %arg5[%dma_wait3A_220, %dma_wait3A_221, %dma_wait3A_222] : memref<8x2x128xi32, #tpu.memory_space<vmem>> -> memref<1x1x128xi32, #tpu.memory_space<vmem>>
      %dma_wait3A_224 = tpu.memref_squeeze %dma_wait3A_223 : memref<1x1x128xi32, #tpu.memory_space<vmem>> -> memref<128xi32, #tpu.memory_space<vmem>>
      %dma_wait3A_225 = arith.constant 0 : i32
      %dma_wait3A_226 = arith.constant 0 : i32
      %dma_wait3A_227 = tpu.memref_slice %arg9[%dma_wait3A_225, %dma_wait3A_226] : memref<10240x128xf32, #tpu.memory_space<vmem_shared>> -> memref<10240x128xf32, #tpu.memory_space<vmem_shared>>
      tpu.wait_indirect_dma semaphore(%arg15 : memref<!tpu.dma_semaphore, #tpu.memory_space<semaphore_mem>>) src(%arg8 : memref<128x128xf32, #tpu.memory_space<vmem>>) dst(%dma_wait3A_227 : memref<10240x128xf32, #tpu.memory_space<vmem_shared>>)
      %dma_start3A_228 = arith.constant 5 : i32
      %dma_start3A_229 = arith.constant 0 : i32
      %dma_start3A_230 = arith.constant 0 : i32
      %dma_start3A_231 = tpu.memref_slice %arg5[%dma_start3A_228, %dma_start3A_229, %dma_start3A_230] : memref<8x2x128xi32, #tpu.memory_space<vmem>> -> memref<1x1x128xi32, #tpu.memory_space<vmem>>
      %dma_start3A_232 = tpu.memref_squeeze %dma_start3A_231 : memref<1x1x128xi32, #tpu.memory_space<vmem>> -> memref<128xi32, #tpu.memory_space<vmem>>
      %dma_start3A_233 = arith.constant 0 : i32
      %dma_start3A_234 = arith.constant 0 : i32
      %dma_start3A_235 = tpu.memref_slice %arg2[%dma_start3A_233, %dma_start3A_234] : memref<10240x128xf32, #tpu.memory_space<hbm>> -> memref<10240x128xf32, #tpu.memory_space<hbm>>
      tpu.enqueue_indirect_dma source(%dma_start3A_235 : memref<10240x128xf32, #tpu.memory_space<hbm>>) target(%arg8 : memref<128x128xf32, #tpu.memory_space<vmem>>) offsets(%dma_start3A_232 : memref<128xi32, #tpu.memory_space<vmem>>) semaphore(%arg13 : memref<!tpu.dma_semaphore, #tpu.memory_space<semaphore_mem>>)
      %dma_wait3A_236 = arith.constant 0 : i32
      %dma_wait3A_237 = arith.constant 0 : i32
      %dma_wait3A_238 = arith.constant 0 : i32
      %dma_wait3A_239 = tpu.memref_slice %arg5[%dma_wait3A_236, %dma_wait3A_237, %dma_wait3A_238] : memref<8x2x128xi32, #tpu.memory_space<vmem>> -> memref<1x1x128xi32, #tpu.memory_space<vmem>>
      %dma_wait3A_240 = tpu.memref_squeeze %dma_wait3A_239 : memref<1x1x128xi32, #tpu.memory_space<vmem>> -> memref<128xi32, #tpu.memory_space<vmem>>
      %dma_wait3A_241 = arith.constant 0 : i32
      %dma_wait3A_242 = arith.constant 0 : i32
      %dma_wait3A_243 = tpu.memref_slice %arg2[%dma_wait3A_241, %dma_wait3A_242] : memref<10240x128xf32, #tpu.memory_space<hbm>> -> memref<10240x128xf32, #tpu.memory_space<hbm>>
      tpu.wait_indirect_dma semaphore(%arg12 : memref<!tpu.dma_semaphore, #tpu.memory_space<semaphore_mem>>) src(%dma_wait3A_243 : memref<10240x128xf32, #tpu.memory_space<hbm>>) dst(%arg7 : memref<128x128xf32, #tpu.memory_space<vmem>>)
      %dma_start3A_244 = arith.constant 4 : i32
      %dma_start3A_245 = arith.constant 1 : i32
      %dma_start3A_246 = arith.constant 0 : i32
      %dma_start3A_247 = tpu.memref_slice %arg5[%dma_start3A_244, %dma_start3A_245, %dma_start3A_246] : memref<8x2x128xi32, #tpu.memory_space<vmem>> -> memref<1x1x128xi32, #tpu.memory_space<vmem>>
      %dma_start3A_248 = tpu.memref_squeeze %dma_start3A_247 : memref<1x1x128xi32, #tpu.memory_space<vmem>> -> memref<128xi32, #tpu.memory_space<vmem>>
      %dma_start3A_249 = arith.constant 0 : i32
      %dma_start3A_250 = arith.constant 0 : i32
      %dma_start3A_251 = tpu.memref_slice %arg9[%dma_start3A_249, %dma_start3A_250] : memref<10240x128xf32, #tpu.memory_space<vmem_shared>> -> memref<10240x128xf32, #tpu.memory_space<vmem_shared>>
      tpu.enqueue_indirect_dma source(%arg7 : memref<128x128xf32, #tpu.memory_space<vmem>>) target(%dma_start3A_251 : memref<10240x128xf32, #tpu.memory_space<vmem_shared>>) offsets(%dma_start3A_248 : memref<128xi32, #tpu.memory_space<vmem>>) semaphore(%arg14 : memref<!tpu.dma_semaphore, #tpu.memory_space<semaphore_mem>>) {add = true}
      %dma_wait3A_252 = arith.constant 0 : i32
      %dma_wait3A_253 = arith.constant 1 : i32
      %dma_wait3A_254 = arith.constant 0 : i32
      %dma_wait3A_255 = tpu.memref_slice %arg5[%dma_wait3A_252, %dma_wait3A_253, %dma_wait3A_254] : memref<8x2x128xi32, #tpu.memory_space<vmem>> -> memref<1x1x128xi32, #tpu.memory_space<vmem>>
      %dma_wait3A_256 = tpu.memref_squeeze %dma_wait3A_255 : memref<1x1x128xi32, #tpu.memory_space<vmem>> -> memref<128xi32, #tpu.memory_space<vmem>>
      %dma_wait3A_257 = arith.constant 0 : i32
      %dma_wait3A_258 = arith.constant 0 : i32
      %dma_wait3A_259 = tpu.memref_slice %arg9[%dma_wait3A_257, %dma_wait3A_258] : memref<10240x128xf32, #tpu.memory_space<vmem_shared>> -> memref<10240x128xf32, #tpu.memory_space<vmem_shared>>
      tpu.wait_indirect_dma semaphore(%arg14 : memref<!tpu.dma_semaphore, #tpu.memory_space<semaphore_mem>>) src(%arg7 : memref<128x128xf32, #tpu.memory_space<vmem>>) dst(%dma_wait3A_259 : memref<10240x128xf32, #tpu.memory_space<vmem_shared>>)
      %dma_start3A_260 = arith.constant 6 : i32
      %dma_start3A_261 = arith.constant 0 : i32
      %dma_start3A_262 = arith.constant 0 : i32
      %dma_start3A_263 = tpu.memref_slice %arg5[%dma_start3A_260, %dma_start3A_261, %dma_start3A_262] : memref<8x2x128xi32, #tpu.memory_space<vmem>> -> memref<1x1x128xi32, #tpu.memory_space<vmem>>
      %dma_start3A_264 = tpu.memref_squeeze %dma_start3A_263 : memref<1x1x128xi32, #tpu.memory_space<vmem>> -> memref<128xi32, #tpu.memory_space<vmem>>
      %dma_start3A_265 = arith.constant 0 : i32
      %dma_start3A_266 = arith.constant 0 : i32
      %dma_start3A_267 = tpu.memref_slice %arg2[%dma_start3A_265, %dma_start3A_266] : memref<10240x128xf32, #tpu.memory_space<hbm>> -> memref<10240x128xf32, #tpu.memory_space<hbm>>
      tpu.enqueue_indirect_dma source(%dma_start3A_267 : memref<10240x128xf32, #tpu.memory_space<hbm>>) target(%arg7 : memref<128x128xf32, #tpu.memory_space<vmem>>) offsets(%dma_start3A_264 : memref<128xi32, #tpu.memory_space<vmem>>) semaphore(%arg12 : memref<!tpu.dma_semaphore, #tpu.memory_space<semaphore_mem>>)
      %dma_wait3A_268 = arith.constant 0 : i32
      %dma_wait3A_269 = arith.constant 0 : i32
      %dma_wait3A_270 = arith.constant 0 : i32
      %dma_wait3A_271 = tpu.memref_slice %arg5[%dma_wait3A_268, %dma_wait3A_269, %dma_wait3A_270] : memref<8x2x128xi32, #tpu.memory_space<vmem>> -> memref<1x1x128xi32, #tpu.memory_space<vmem>>
      %dma_wait3A_272 = tpu.memref_squeeze %dma_wait3A_271 : memref<1x1x128xi32, #tpu.memory_space<vmem>> -> memref<128xi32, #tpu.memory_space<vmem>>
      %dma_wait3A_273 = arith.constant 0 : i32
      %dma_wait3A_274 = arith.constant 0 : i32
      %dma_wait3A_275 = tpu.memref_slice %arg2[%dma_wait3A_273, %dma_wait3A_274] : memref<10240x128xf32, #tpu.memory_space<hbm>> -> memref<10240x128xf32, #tpu.memory_space<hbm>>
      tpu.wait_indirect_dma semaphore(%arg13 : memref<!tpu.dma_semaphore, #tpu.memory_space<semaphore_mem>>) src(%dma_wait3A_275 : memref<10240x128xf32, #tpu.memory_space<hbm>>) dst(%arg8 : memref<128x128xf32, #tpu.memory_space<vmem>>)
      %dma_start3A_276 = arith.constant 5 : i32
      %dma_start3A_277 = arith.constant 1 : i32
      %dma_start3A_278 = arith.constant 0 : i32
      %dma_start3A_279 = tpu.memref_slice %arg5[%dma_start3A_276, %dma_start3A_277, %dma_start3A_278] : memref<8x2x128xi32, #tpu.memory_space<vmem>> -> memref<1x1x128xi32, #tpu.memory_space<vmem>>
      %dma_start3A_280 = tpu.memref_squeeze %dma_start3A_279 : memref<1x1x128xi32, #tpu.memory_space<vmem>> -> memref<128xi32, #tpu.memory_space<vmem>>
      %dma_start3A_281 = arith.constant 0 : i32
      %dma_start3A_282 = arith.constant 0 : i32
      %dma_start3A_283 = tpu.memref_slice %arg9[%dma_start3A_281, %dma_start3A_282] : memref<10240x128xf32, #tpu.memory_space<vmem_shared>> -> memref<10240x128xf32, #tpu.memory_space<vmem_shared>>
      tpu.enqueue_indirect_dma source(%arg8 : memref<128x128xf32, #tpu.memory_space<vmem>>) target(%dma_start3A_283 : memref<10240x128xf32, #tpu.memory_space<vmem_shared>>) offsets(%dma_start3A_280 : memref<128xi32, #tpu.memory_space<vmem>>) semaphore(%arg15 : memref<!tpu.dma_semaphore, #tpu.memory_space<semaphore_mem>>) {add = true}
      %dma_wait3A_284 = arith.constant 0 : i32
      %dma_wait3A_285 = arith.constant 1 : i32
      %dma_wait3A_286 = arith.constant 0 : i32
      %dma_wait3A_287 = tpu.memref_slice %arg5[%dma_wait3A_284, %dma_wait3A_285, %dma_wait3A_286] : memref<8x2x128xi32, #tpu.memory_space<vmem>> -> memref<1x1x128xi32, #tpu.memory_space<vmem>>
      %dma_wait3A_288 = tpu.memref_squeeze %dma_wait3A_287 : memref<1x1x128xi32, #tpu.memory_space<vmem>> -> memref<128xi32, #tpu.memory_space<vmem>>
      %dma_wait3A_289 = arith.constant 0 : i32
      %dma_wait3A_290 = arith.constant 0 : i32
      %dma_wait3A_291 = tpu.memref_slice %arg9[%dma_wait3A_289, %dma_wait3A_290] : memref<10240x128xf32, #tpu.memory_space<vmem_shared>> -> memref<10240x128xf32, #tpu.memory_space<vmem_shared>>
      tpu.wait_indirect_dma semaphore(%arg15 : memref<!tpu.dma_semaphore, #tpu.memory_space<semaphore_mem>>) src(%arg8 : memref<128x128xf32, #tpu.memory_space<vmem>>) dst(%dma_wait3A_291 : memref<10240x128xf32, #tpu.memory_space<vmem_shared>>)
      %dma_start3A_292 = arith.constant 7 : i32
      %dma_start3A_293 = arith.constant 0 : i32
      %dma_start3A_294 = arith.constant 0 : i32
      %dma_start3A_295 = tpu.memref_slice %arg5[%dma_start3A_292, %dma_start3A_293, %dma_start3A_294] : memref<8x2x128xi32, #tpu.memory_space<vmem>> -> memref<1x1x128xi32, #tpu.memory_space<vmem>>
      %dma_start3A_296 = tpu.memref_squeeze %dma_start3A_295 : memref<1x1x128xi32, #tpu.memory_space<vmem>> -> memref<128xi32, #tpu.memory_space<vmem>>
      %dma_start3A_297 = arith.constant 0 : i32
      %dma_start3A_298 = arith.constant 0 : i32
      %dma_start3A_299 = tpu.memref_slice %arg2[%dma_start3A_297, %dma_start3A_298] : memref<10240x128xf32, #tpu.memory_space<hbm>> -> memref<10240x128xf32, #tpu.memory_space<hbm>>
      tpu.enqueue_indirect_dma source(%dma_start3A_299 : memref<10240x128xf32, #tpu.memory_space<hbm>>) target(%arg8 : memref<128x128xf32, #tpu.memory_space<vmem>>) offsets(%dma_start3A_296 : memref<128xi32, #tpu.memory_space<vmem>>) semaphore(%arg13 : memref<!tpu.dma_semaphore, #tpu.memory_space<semaphore_mem>>)
      %dma_wait3A_300 = arith.constant 0 : i32
      %dma_wait3A_301 = arith.constant 0 : i32
      %dma_wait3A_302 = arith.constant 0 : i32
      %dma_wait3A_303 = tpu.memref_slice %arg5[%dma_wait3A_300, %dma_wait3A_301, %dma_wait3A_302] : memref<8x2x128xi32, #tpu.memory_space<vmem>> -> memref<1x1x128xi32, #tpu.memory_space<vmem>>
      %dma_wait3A_304 = tpu.memref_squeeze %dma_wait3A_303 : memref<1x1x128xi32, #tpu.memory_space<vmem>> -> memref<128xi32, #tpu.memory_space<vmem>>
      %dma_wait3A_305 = arith.constant 0 : i32
      %dma_wait3A_306 = arith.constant 0 : i32
      %dma_wait3A_307 = tpu.memref_slice %arg2[%dma_wait3A_305, %dma_wait3A_306] : memref<10240x128xf32, #tpu.memory_space<hbm>> -> memref<10240x128xf32, #tpu.memory_space<hbm>>
      tpu.wait_indirect_dma semaphore(%arg12 : memref<!tpu.dma_semaphore, #tpu.memory_space<semaphore_mem>>) src(%dma_wait3A_307 : memref<10240x128xf32, #tpu.memory_space<hbm>>) dst(%arg7 : memref<128x128xf32, #tpu.memory_space<vmem>>)
      %dma_start3A_308 = arith.constant 6 : i32
      %dma_start3A_309 = arith.constant 1 : i32
      %dma_start3A_310 = arith.constant 0 : i32
      %dma_start3A_311 = tpu.memref_slice %arg5[%dma_start3A_308, %dma_start3A_309, %dma_start3A_310] : memref<8x2x128xi32, #tpu.memory_space<vmem>> -> memref<1x1x128xi32, #tpu.memory_space<vmem>>
      %dma_start3A_312 = tpu.memref_squeeze %dma_start3A_311 : memref<1x1x128xi32, #tpu.memory_space<vmem>> -> memref<128xi32, #tpu.memory_space<vmem>>
      %dma_start3A_313 = arith.constant 0 : i32
      %dma_start3A_314 = arith.constant 0 : i32
      %dma_start3A_315 = tpu.memref_slice %arg9[%dma_start3A_313, %dma_start3A_314] : memref<10240x128xf32, #tpu.memory_space<vmem_shared>> -> memref<10240x128xf32, #tpu.memory_space<vmem_shared>>
      tpu.enqueue_indirect_dma source(%arg7 : memref<128x128xf32, #tpu.memory_space<vmem>>) target(%dma_start3A_315 : memref<10240x128xf32, #tpu.memory_space<vmem_shared>>) offsets(%dma_start3A_312 : memref<128xi32, #tpu.memory_space<vmem>>) semaphore(%arg14 : memref<!tpu.dma_semaphore, #tpu.memory_space<semaphore_mem>>) {add = true}
      %dma_wait3A_316 = arith.constant 0 : i32
      %dma_wait3A_317 = arith.constant 1 : i32
      %dma_wait3A_318 = arith.constant 0 : i32
      %dma_wait3A_319 = tpu.memref_slice %arg5[%dma_wait3A_316, %dma_wait3A_317, %dma_wait3A_318] : memref<8x2x128xi32, #tpu.memory_space<vmem>> -> memref<1x1x128xi32, #tpu.memory_space<vmem>>
      %dma_wait3A_320 = tpu.memref_squeeze %dma_wait3A_319 : memref<1x1x128xi32, #tpu.memory_space<vmem>> -> memref<128xi32, #tpu.memory_space<vmem>>
      %dma_wait3A_321 = arith.constant 0 : i32
      %dma_wait3A_322 = arith.constant 0 : i32
      %dma_wait3A_323 = tpu.memref_slice %arg9[%dma_wait3A_321, %dma_wait3A_322] : memref<10240x128xf32, #tpu.memory_space<vmem_shared>> -> memref<10240x128xf32, #tpu.memory_space<vmem_shared>>
      tpu.wait_indirect_dma semaphore(%arg14 : memref<!tpu.dma_semaphore, #tpu.memory_space<semaphore_mem>>) src(%arg7 : memref<128x128xf32, #tpu.memory_space<vmem>>) dst(%dma_wait3A_323 : memref<10240x128xf32, #tpu.memory_space<vmem_shared>>)
      %add3A_324 = arith.constant 1 : i32
      %add3A_325 = arith.addi %mul3A_107, %add3A_324 : i32
      %lt3A = arith.cmpi slt, %add3A_325, %select_n3A_8 : i32
      %convert_element_type3A = arith.extui %lt3A : i1 to i32
      %cond3A = arith.constant 0 : i32
      %cond3A_326 = arith.cmpi ne, %convert_element_type3A, %cond3A : i32
      scf.if %cond3A_326 {
        %dma_wait3A_626 = arith.constant 0 : i32
        %dma_wait3A_627 = arith.constant 0 : i32
        %dma_wait3A_628 = arith.constant 0 : i32
        %dma_wait3A_629 = tpu.memref_slice %arg3[%select_n3A, %dma_wait3A_626, %dma_wait3A_627, %dma_wait3A_628] : memref<320x8x2x128xi32, #tpu.memory_space<hbm>> -> memref<1x8x2x128xi32, #tpu.memory_space<hbm>>
        %dma_wait3A_630 = tpu.memref_squeeze %dma_wait3A_629 : memref<1x8x2x128xi32, #tpu.memory_space<hbm>> -> memref<8x2x128xi32, #tpu.memory_space<hbm>>
        %dma_wait3A_631 = arith.constant 0 : i32
        %dma_wait3A_632 = arith.constant 0 : i32
        %dma_wait3A_633 = arith.constant 0 : i32
        %dma_wait3A_634 = tpu.memref_slice %arg3[%select_n3A, %dma_wait3A_631, %dma_wait3A_632, %dma_wait3A_633] : memref<320x8x2x128xi32, #tpu.memory_space<hbm>> -> memref<1x8x2x128xi32, #tpu.memory_space<hbm>>
        %dma_wait3A_635 = tpu.memref_squeeze %dma_wait3A_634 : memref<1x8x2x128xi32, #tpu.memory_space<hbm>> -> memref<8x2x128xi32, #tpu.memory_space<hbm>>
        tpu.wait_dma2 semaphore(%arg11 : memref<!tpu.dma_semaphore, #tpu.memory_space<semaphore_mem>>) src(%dma_wait3A_635 : memref<8x2x128xi32, #tpu.memory_space<hbm>>) dst(%arg6 : memref<8x2x128xi32, #tpu.memory_space<vmem>>)
        %dma_start3A_636 = arith.constant 0 : i32
        %dma_start3A_637 = arith.constant 0 : i32
        %dma_start3A_638 = arith.constant 0 : i32
        %dma_start3A_639 = tpu.memref_slice %arg6[%dma_start3A_636, %dma_start3A_637, %dma_start3A_638] : memref<8x2x128xi32, #tpu.memory_space<vmem>> -> memref<1x1x128xi32, #tpu.memory_space<vmem>>
        %dma_start3A_640 = tpu.memref_squeeze %dma_start3A_639 : memref<1x1x128xi32, #tpu.memory_space<vmem>> -> memref<128xi32, #tpu.memory_space<vmem>>
        %dma_start3A_641 = arith.constant 0 : i32
        %dma_start3A_642 = arith.constant 0 : i32
        %dma_start3A_643 = tpu.memref_slice %arg2[%dma_start3A_641, %dma_start3A_642] : memref<10240x128xf32, #tpu.memory_space<hbm>> -> memref<10240x128xf32, #tpu.memory_space<hbm>>
        tpu.enqueue_indirect_dma source(%dma_start3A_643 : memref<10240x128xf32, #tpu.memory_space<hbm>>) target(%arg7 : memref<128x128xf32, #tpu.memory_space<vmem>>) offsets(%dma_start3A_640 : memref<128xi32, #tpu.memory_space<vmem>>) semaphore(%arg12 : memref<!tpu.dma_semaphore, #tpu.memory_space<semaphore_mem>>)
      } else {
      }
      %dma_wait3A_327 = arith.constant 0 : i32
      %dma_wait3A_328 = arith.constant 0 : i32
      %dma_wait3A_329 = arith.constant 0 : i32
      %dma_wait3A_330 = tpu.memref_slice %arg5[%dma_wait3A_327, %dma_wait3A_328, %dma_wait3A_329] : memref<8x2x128xi32, #tpu.memory_space<vmem>> -> memref<1x1x128xi32, #tpu.memory_space<vmem>>
      %dma_wait3A_331 = tpu.memref_squeeze %dma_wait3A_330 : memref<1x1x128xi32, #tpu.memory_space<vmem>> -> memref<128xi32, #tpu.memory_space<vmem>>
      %dma_wait3A_332 = arith.constant 0 : i32
      %dma_wait3A_333 = arith.constant 0 : i32
      %dma_wait3A_334 = tpu.memref_slice %arg2[%dma_wait3A_332, %dma_wait3A_333] : memref<10240x128xf32, #tpu.memory_space<hbm>> -> memref<10240x128xf32, #tpu.memory_space<hbm>>
      tpu.wait_indirect_dma semaphore(%arg13 : memref<!tpu.dma_semaphore, #tpu.memory_space<semaphore_mem>>) src(%dma_wait3A_334 : memref<10240x128xf32, #tpu.memory_space<hbm>>) dst(%arg8 : memref<128x128xf32, #tpu.memory_space<vmem>>)
      %dma_start3A_335 = arith.constant 7 : i32
      %dma_start3A_336 = arith.constant 1 : i32
      %dma_start3A_337 = arith.constant 0 : i32
      %dma_start3A_338 = tpu.memref_slice %arg5[%dma_start3A_335, %dma_start3A_336, %dma_start3A_337] : memref<8x2x128xi32, #tpu.memory_space<vmem>> -> memref<1x1x128xi32, #tpu.memory_space<vmem>>
      %dma_start3A_339 = tpu.memref_squeeze %dma_start3A_338 : memref<1x1x128xi32, #tpu.memory_space<vmem>> -> memref<128xi32, #tpu.memory_space<vmem>>
      %dma_start3A_340 = arith.constant 0 : i32
      %dma_start3A_341 = arith.constant 0 : i32
      %dma_start3A_342 = tpu.memref_slice %arg9[%dma_start3A_340, %dma_start3A_341] : memref<10240x128xf32, #tpu.memory_space<vmem_shared>> -> memref<10240x128xf32, #tpu.memory_space<vmem_shared>>
      tpu.enqueue_indirect_dma source(%arg8 : memref<128x128xf32, #tpu.memory_space<vmem>>) target(%dma_start3A_342 : memref<10240x128xf32, #tpu.memory_space<vmem_shared>>) offsets(%dma_start3A_339 : memref<128xi32, #tpu.memory_space<vmem>>) semaphore(%arg15 : memref<!tpu.dma_semaphore, #tpu.memory_space<semaphore_mem>>) {add = true}
      %dma_wait3A_343 = arith.constant 0 : i32
      %dma_wait3A_344 = arith.constant 1 : i32
      %dma_wait3A_345 = arith.constant 0 : i32
      %dma_wait3A_346 = tpu.memref_slice %arg5[%dma_wait3A_343, %dma_wait3A_344, %dma_wait3A_345] : memref<8x2x128xi32, #tpu.memory_space<vmem>> -> memref<1x1x128xi32, #tpu.memory_space<vmem>>
      %dma_wait3A_347 = tpu.memref_squeeze %dma_wait3A_346 : memref<1x1x128xi32, #tpu.memory_space<vmem>> -> memref<128xi32, #tpu.memory_space<vmem>>
      %dma_wait3A_348 = arith.constant 0 : i32
      %dma_wait3A_349 = arith.constant 0 : i32
      %dma_wait3A_350 = tpu.memref_slice %arg9[%dma_wait3A_348, %dma_wait3A_349] : memref<10240x128xf32, #tpu.memory_space<vmem_shared>> -> memref<10240x128xf32, #tpu.memory_space<vmem_shared>>
      tpu.wait_indirect_dma semaphore(%arg15 : memref<!tpu.dma_semaphore, #tpu.memory_space<semaphore_mem>>) src(%arg8 : memref<128x128xf32, #tpu.memory_space<vmem>>) dst(%dma_wait3A_350 : memref<10240x128xf32, #tpu.memory_space<vmem_shared>>)
      %add3A_351 = arith.constant 1 : i32
      %add3A_352 = arith.addi %mul3A_107, %add3A_351 : i32
      %lt3A_353 = arith.cmpi slt, %add3A_352, %select_n3A_8 : i32
      %convert_element_type3A_354 = arith.extui %lt3A_353 : i1 to i32
      %cond3A_355 = arith.constant 0 : i32
      %cond3A_356 = arith.cmpi ne, %convert_element_type3A_354, %cond3A_355 : i32
      scf.if %cond3A_356 {
        %dma_start3A_626 = arith.constant 1 : i32
        %dma_start3A_627 = arith.constant 0 : i32
        %dma_start3A_628 = arith.constant 0 : i32
        %dma_start3A_629 = tpu.memref_slice %arg6[%dma_start3A_626, %dma_start3A_627, %dma_start3A_628] : memref<8x2x128xi32, #tpu.memory_space<vmem>> -> memref<1x1x128xi32, #tpu.memory_space<vmem>>
        %dma_start3A_630 = tpu.memref_squeeze %dma_start3A_629 : memref<1x1x128xi32, #tpu.memory_space<vmem>> -> memref<128xi32, #tpu.memory_space<vmem>>
        %dma_start3A_631 = arith.constant 0 : i32
        %dma_start3A_632 = arith.constant 0 : i32
        %dma_start3A_633 = tpu.memref_slice %arg2[%dma_start3A_631, %dma_start3A_632] : memref<10240x128xf32, #tpu.memory_space<hbm>> -> memref<10240x128xf32, #tpu.memory_space<hbm>>
        tpu.enqueue_indirect_dma source(%dma_start3A_633 : memref<10240x128xf32, #tpu.memory_space<hbm>>) target(%arg8 : memref<128x128xf32, #tpu.memory_space<vmem>>) offsets(%dma_start3A_630 : memref<128xi32, #tpu.memory_space<vmem>>) semaphore(%arg13 : memref<!tpu.dma_semaphore, #tpu.memory_space<semaphore_mem>>)
      } else {
      }
      %add3A_357 = arith.constant 2 : i32
      %add3A_358 = arith.addi %mul3A_107, %add3A_357 : i32
      %lt3A_359 = arith.cmpi slt, %add3A_358, %select_n3A_8 : i32
      %convert_element_type3A_360 = arith.extui %lt3A_359 : i1 to i32
      %cond3A_361 = arith.constant 0 : i32
      %cond3A_362 = arith.cmpi ne, %convert_element_type3A_360, %cond3A_361 : i32
      scf.if %cond3A_362 {
        %add3A_626 = arith.constant 2 : i32
        %add3A_627 = arith.addi %mul3A_107, %add3A_626 : i32
        %add3A_628 = arith.addi %select_n3A, %add3A_627 : i32
        %dma_start3A_629 = arith.constant 0 : i32
        %dma_start3A_630 = arith.constant 0 : i32
        %dma_start3A_631 = arith.constant 0 : i32
        %dma_start3A_632 = tpu.memref_slice %arg3[%add3A_628, %dma_start3A_629, %dma_start3A_630, %dma_start3A_631] : memref<320x8x2x128xi32, #tpu.memory_space<hbm>> -> memref<1x8x2x128xi32, #tpu.memory_space<hbm>>
        %dma_start3A_633 = tpu.memref_squeeze %dma_start3A_632 : memref<1x8x2x128xi32, #tpu.memory_space<hbm>> -> memref<8x2x128xi32, #tpu.memory_space<hbm>>
        %dma_start3A_634 = arith.constant 0 : i32
        %dma_start3A_635 = arith.constant 0 : i32
        %dma_start3A_636 = arith.constant 0 : i32
        %dma_start3A_637 = tpu.memref_slice %arg3[%add3A_628, %dma_start3A_634, %dma_start3A_635, %dma_start3A_636] : memref<320x8x2x128xi32, #tpu.memory_space<hbm>> -> memref<1x8x2x128xi32, #tpu.memory_space<hbm>>
        %dma_start3A_638 = tpu.memref_squeeze %dma_start3A_637 : memref<1x8x2x128xi32, #tpu.memory_space<hbm>> -> memref<8x2x128xi32, #tpu.memory_space<hbm>>
        tpu.enqueue_dma source(%dma_start3A_638 : memref<8x2x128xi32, #tpu.memory_space<hbm>>) target(%arg5 : memref<8x2x128xi32, #tpu.memory_space<vmem>>) target_semaphore(%arg10 : memref<!tpu.dma_semaphore, #tpu.memory_space<semaphore_mem>>)
      } else {
      }
      %mul3A_363 = arith.constant 2 : i32
      %mul3A_364 = arith.muli %mul3A_363, %while3A_104 : i32
      %add3A_365 = arith.constant 1 : i32
      %add3A_366 = arith.addi %mul3A_364, %add3A_365 : i32
      %dma_wait3A_367 = arith.constant 0 : i32
      %dma_wait3A_368 = arith.constant 0 : i32
      %dma_wait3A_369 = arith.constant 0 : i32
      %dma_wait3A_370 = tpu.memref_slice %arg5[%dma_wait3A_367, %dma_wait3A_368, %dma_wait3A_369] : memref<8x2x128xi32, #tpu.memory_space<vmem>> -> memref<1x1x128xi32, #tpu.memory_space<vmem>>
      %dma_wait3A_371 = tpu.memref_squeeze %dma_wait3A_370 : memref<1x1x128xi32, #tpu.memory_space<vmem>> -> memref<128xi32, #tpu.memory_space<vmem>>
      %dma_wait3A_372 = arith.constant 0 : i32
      %dma_wait3A_373 = arith.constant 0 : i32
      %dma_wait3A_374 = tpu.memref_slice %arg2[%dma_wait3A_372, %dma_wait3A_373] : memref<10240x128xf32, #tpu.memory_space<hbm>> -> memref<10240x128xf32, #tpu.memory_space<hbm>>
      tpu.wait_indirect_dma semaphore(%arg12 : memref<!tpu.dma_semaphore, #tpu.memory_space<semaphore_mem>>) src(%dma_wait3A_374 : memref<10240x128xf32, #tpu.memory_space<hbm>>) dst(%arg7 : memref<128x128xf32, #tpu.memory_space<vmem>>)
      %dma_start3A_375 = arith.constant 0 : i32
      %dma_start3A_376 = arith.constant 1 : i32
      %dma_start3A_377 = arith.constant 0 : i32
      %dma_start3A_378 = tpu.memref_slice %arg6[%dma_start3A_375, %dma_start3A_376, %dma_start3A_377] : memref<8x2x128xi32, #tpu.memory_space<vmem>> -> memref<1x1x128xi32, #tpu.memory_space<vmem>>
      %dma_start3A_379 = tpu.memref_squeeze %dma_start3A_378 : memref<1x1x128xi32, #tpu.memory_space<vmem>> -> memref<128xi32, #tpu.memory_space<vmem>>
      %dma_start3A_380 = arith.constant 0 : i32
      %dma_start3A_381 = arith.constant 0 : i32
      %dma_start3A_382 = tpu.memref_slice %arg9[%dma_start3A_380, %dma_start3A_381] : memref<10240x128xf32, #tpu.memory_space<vmem_shared>> -> memref<10240x128xf32, #tpu.memory_space<vmem_shared>>
      tpu.enqueue_indirect_dma source(%arg7 : memref<128x128xf32, #tpu.memory_space<vmem>>) target(%dma_start3A_382 : memref<10240x128xf32, #tpu.memory_space<vmem_shared>>) offsets(%dma_start3A_379 : memref<128xi32, #tpu.memory_space<vmem>>) semaphore(%arg14 : memref<!tpu.dma_semaphore, #tpu.memory_space<semaphore_mem>>) {add = true}
      %dma_wait3A_383 = arith.constant 0 : i32
      %dma_wait3A_384 = arith.constant 1 : i32
      %dma_wait3A_385 = arith.constant 0 : i32
      %dma_wait3A_386 = tpu.memref_slice %arg5[%dma_wait3A_383, %dma_wait3A_384, %dma_wait3A_385] : memref<8x2x128xi32, #tpu.memory_space<vmem>> -> memref<1x1x128xi32, #tpu.memory_space<vmem>>
      %dma_wait3A_387 = tpu.memref_squeeze %dma_wait3A_386 : memref<1x1x128xi32, #tpu.memory_space<vmem>> -> memref<128xi32, #tpu.memory_space<vmem>>
      %dma_wait3A_388 = arith.constant 0 : i32
      %dma_wait3A_389 = arith.constant 0 : i32
      %dma_wait3A_390 = tpu.memref_slice %arg9[%dma_wait3A_388, %dma_wait3A_389] : memref<10240x128xf32, #tpu.memory_space<vmem_shared>> -> memref<10240x128xf32, #tpu.memory_space<vmem_shared>>
      tpu.wait_indirect_dma semaphore(%arg14 : memref<!tpu.dma_semaphore, #tpu.memory_space<semaphore_mem>>) src(%arg7 : memref<128x128xf32, #tpu.memory_space<vmem>>) dst(%dma_wait3A_390 : memref<10240x128xf32, #tpu.memory_space<vmem_shared>>)
      %dma_start3A_391 = arith.constant 2 : i32
      %dma_start3A_392 = arith.constant 0 : i32
      %dma_start3A_393 = arith.constant 0 : i32
      %dma_start3A_394 = tpu.memref_slice %arg6[%dma_start3A_391, %dma_start3A_392, %dma_start3A_393] : memref<8x2x128xi32, #tpu.memory_space<vmem>> -> memref<1x1x128xi32, #tpu.memory_space<vmem>>
      %dma_start3A_395 = tpu.memref_squeeze %dma_start3A_394 : memref<1x1x128xi32, #tpu.memory_space<vmem>> -> memref<128xi32, #tpu.memory_space<vmem>>
      %dma_start3A_396 = arith.constant 0 : i32
      %dma_start3A_397 = arith.constant 0 : i32
      %dma_start3A_398 = tpu.memref_slice %arg2[%dma_start3A_396, %dma_start3A_397] : memref<10240x128xf32, #tpu.memory_space<hbm>> -> memref<10240x128xf32, #tpu.memory_space<hbm>>
      tpu.enqueue_indirect_dma source(%dma_start3A_398 : memref<10240x128xf32, #tpu.memory_space<hbm>>) target(%arg7 : memref<128x128xf32, #tpu.memory_space<vmem>>) offsets(%dma_start3A_395 : memref<128xi32, #tpu.memory_space<vmem>>) semaphore(%arg12 : memref<!tpu.dma_semaphore, #tpu.memory_space<semaphore_mem>>)
      %dma_wait3A_399 = arith.constant 0 : i32
      %dma_wait3A_400 = arith.constant 0 : i32
      %dma_wait3A_401 = arith.constant 0 : i32
      %dma_wait3A_402 = tpu.memref_slice %arg5[%dma_wait3A_399, %dma_wait3A_400, %dma_wait3A_401] : memref<8x2x128xi32, #tpu.memory_space<vmem>> -> memref<1x1x128xi32, #tpu.memory_space<vmem>>
      %dma_wait3A_403 = tpu.memref_squeeze %dma_wait3A_402 : memref<1x1x128xi32, #tpu.memory_space<vmem>> -> memref<128xi32, #tpu.memory_space<vmem>>
      %dma_wait3A_404 = arith.constant 0 : i32
      %dma_wait3A_405 = arith.constant 0 : i32
      %dma_wait3A_406 = tpu.memref_slice %arg2[%dma_wait3A_404, %dma_wait3A_405] : memref<10240x128xf32, #tpu.memory_space<hbm>> -> memref<10240x128xf32, #tpu.memory_space<hbm>>
      tpu.wait_indirect_dma semaphore(%arg13 : memref<!tpu.dma_semaphore, #tpu.memory_space<semaphore_mem>>) src(%dma_wait3A_406 : memref<10240x128xf32, #tpu.memory_space<hbm>>) dst(%arg8 : memref<128x128xf32, #tpu.memory_space<vmem>>)
      %dma_start3A_407 = arith.constant 1 : i32
      %dma_start3A_408 = arith.constant 1 : i32
      %dma_start3A_409 = arith.constant 0 : i32
      %dma_start3A_410 = tpu.memref_slice %arg6[%dma_start3A_407, %dma_start3A_408, %dma_start3A_409] : memref<8x2x128xi32, #tpu.memory_space<vmem>> -> memref<1x1x128xi32, #tpu.memory_space<vmem>>
      %dma_start3A_411 = tpu.memref_squeeze %dma_start3A_410 : memref<1x1x128xi32, #tpu.memory_space<vmem>> -> memref<128xi32, #tpu.memory_space<vmem>>
      %dma_start3A_412 = arith.constant 0 : i32
      %dma_start3A_413 = arith.constant 0 : i32
      %dma_start3A_414 = tpu.memref_slice %arg9[%dma_start3A_412, %dma_start3A_413] : memref<10240x128xf32, #tpu.memory_space<vmem_shared>> -> memref<10240x128xf32, #tpu.memory_space<vmem_shared>>
      tpu.enqueue_indirect_dma source(%arg8 : memref<128x128xf32, #tpu.memory_space<vmem>>) target(%dma_start3A_414 : memref<10240x128xf32, #tpu.memory_space<vmem_shared>>) offsets(%dma_start3A_411 : memref<128xi32, #tpu.memory_space<vmem>>) semaphore(%arg15 : memref<!tpu.dma_semaphore, #tpu.memory_space<semaphore_mem>>) {add = true}
      %dma_wait3A_415 = arith.constant 0 : i32
      %dma_wait3A_416 = arith.constant 1 : i32
      %dma_wait3A_417 = arith.constant 0 : i32
      %dma_wait3A_418 = tpu.memref_slice %arg5[%dma_wait3A_415, %dma_wait3A_416, %dma_wait3A_417] : memref<8x2x128xi32, #tpu.memory_space<vmem>> -> memref<1x1x128xi32, #tpu.memory_space<vmem>>
      %dma_wait3A_419 = tpu.memref_squeeze %dma_wait3A_418 : memref<1x1x128xi32, #tpu.memory_space<vmem>> -> memref<128xi32, #tpu.memory_space<vmem>>
      %dma_wait3A_420 = arith.constant 0 : i32
      %dma_wait3A_421 = arith.constant 0 : i32
      %dma_wait3A_422 = tpu.memref_slice %arg9[%dma_wait3A_420, %dma_wait3A_421] : memref<10240x128xf32, #tpu.memory_space<vmem_shared>> -> memref<10240x128xf32, #tpu.memory_space<vmem_shared>>
      tpu.wait_indirect_dma semaphore(%arg15 : memref<!tpu.dma_semaphore, #tpu.memory_space<semaphore_mem>>) src(%arg8 : memref<128x128xf32, #tpu.memory_space<vmem>>) dst(%dma_wait3A_422 : memref<10240x128xf32, #tpu.memory_space<vmem_shared>>)
      %dma_start3A_423 = arith.constant 3 : i32
      %dma_start3A_424 = arith.constant 0 : i32
      %dma_start3A_425 = arith.constant 0 : i32
      %dma_start3A_426 = tpu.memref_slice %arg6[%dma_start3A_423, %dma_start3A_424, %dma_start3A_425] : memref<8x2x128xi32, #tpu.memory_space<vmem>> -> memref<1x1x128xi32, #tpu.memory_space<vmem>>
      %dma_start3A_427 = tpu.memref_squeeze %dma_start3A_426 : memref<1x1x128xi32, #tpu.memory_space<vmem>> -> memref<128xi32, #tpu.memory_space<vmem>>
      %dma_start3A_428 = arith.constant 0 : i32
      %dma_start3A_429 = arith.constant 0 : i32
      %dma_start3A_430 = tpu.memref_slice %arg2[%dma_start3A_428, %dma_start3A_429] : memref<10240x128xf32, #tpu.memory_space<hbm>> -> memref<10240x128xf32, #tpu.memory_space<hbm>>
      tpu.enqueue_indirect_dma source(%dma_start3A_430 : memref<10240x128xf32, #tpu.memory_space<hbm>>) target(%arg8 : memref<128x128xf32, #tpu.memory_space<vmem>>) offsets(%dma_start3A_427 : memref<128xi32, #tpu.memory_space<vmem>>) semaphore(%arg13 : memref<!tpu.dma_semaphore, #tpu.memory_space<semaphore_mem>>)
      %dma_wait3A_431 = arith.constant 0 : i32
      %dma_wait3A_432 = arith.constant 0 : i32
      %dma_wait3A_433 = arith.constant 0 : i32
      %dma_wait3A_434 = tpu.memref_slice %arg5[%dma_wait3A_431, %dma_wait3A_432, %dma_wait3A_433] : memref<8x2x128xi32, #tpu.memory_space<vmem>> -> memref<1x1x128xi32, #tpu.memory_space<vmem>>
      %dma_wait3A_435 = tpu.memref_squeeze %dma_wait3A_434 : memref<1x1x128xi32, #tpu.memory_space<vmem>> -> memref<128xi32, #tpu.memory_space<vmem>>
      %dma_wait3A_436 = arith.constant 0 : i32
      %dma_wait3A_437 = arith.constant 0 : i32
      %dma_wait3A_438 = tpu.memref_slice %arg2[%dma_wait3A_436, %dma_wait3A_437] : memref<10240x128xf32, #tpu.memory_space<hbm>> -> memref<10240x128xf32, #tpu.memory_space<hbm>>
      tpu.wait_indirect_dma semaphore(%arg12 : memref<!tpu.dma_semaphore, #tpu.memory_space<semaphore_mem>>) src(%dma_wait3A_438 : memref<10240x128xf32, #tpu.memory_space<hbm>>) dst(%arg7 : memref<128x128xf32, #tpu.memory_space<vmem>>)
      %dma_start3A_439 = arith.constant 2 : i32
      %dma_start3A_440 = arith.constant 1 : i32
      %dma_start3A_441 = arith.constant 0 : i32
      %dma_start3A_442 = tpu.memref_slice %arg6[%dma_start3A_439, %dma_start3A_440, %dma_start3A_441] : memref<8x2x128xi32, #tpu.memory_space<vmem>> -> memref<1x1x128xi32, #tpu.memory_space<vmem>>
      %dma_start3A_443 = tpu.memref_squeeze %dma_start3A_442 : memref<1x1x128xi32, #tpu.memory_space<vmem>> -> memref<128xi32, #tpu.memory_space<vmem>>
      %dma_start3A_444 = arith.constant 0 : i32
      %dma_start3A_445 = arith.constant 0 : i32
      %dma_start3A_446 = tpu.memref_slice %arg9[%dma_start3A_444, %dma_start3A_445] : memref<10240x128xf32, #tpu.memory_space<vmem_shared>> -> memref<10240x128xf32, #tpu.memory_space<vmem_shared>>
      tpu.enqueue_indirect_dma source(%arg7 : memref<128x128xf32, #tpu.memory_space<vmem>>) target(%dma_start3A_446 : memref<10240x128xf32, #tpu.memory_space<vmem_shared>>) offsets(%dma_start3A_443 : memref<128xi32, #tpu.memory_space<vmem>>) semaphore(%arg14 : memref<!tpu.dma_semaphore, #tpu.memory_space<semaphore_mem>>) {add = true}
      %dma_wait3A_447 = arith.constant 0 : i32
      %dma_wait3A_448 = arith.constant 1 : i32
      %dma_wait3A_449 = arith.constant 0 : i32
      %dma_wait3A_450 = tpu.memref_slice %arg5[%dma_wait3A_447, %dma_wait3A_448, %dma_wait3A_449] : memref<8x2x128xi32, #tpu.memory_space<vmem>> -> memref<1x1x128xi32, #tpu.memory_space<vmem>>
      %dma_wait3A_451 = tpu.memref_squeeze %dma_wait3A_450 : memref<1x1x128xi32, #tpu.memory_space<vmem>> -> memref<128xi32, #tpu.memory_space<vmem>>
      %dma_wait3A_452 = arith.constant 0 : i32
      %dma_wait3A_453 = arith.constant 0 : i32
      %dma_wait3A_454 = tpu.memref_slice %arg9[%dma_wait3A_452, %dma_wait3A_453] : memref<10240x128xf32, #tpu.memory_space<vmem_shared>> -> memref<10240x128xf32, #tpu.memory_space<vmem_shared>>
      tpu.wait_indirect_dma semaphore(%arg14 : memref<!tpu.dma_semaphore, #tpu.memory_space<semaphore_mem>>) src(%arg7 : memref<128x128xf32, #tpu.memory_space<vmem>>) dst(%dma_wait3A_454 : memref<10240x128xf32, #tpu.memory_space<vmem_shared>>)
      %dma_start3A_455 = arith.constant 4 : i32
      %dma_start3A_456 = arith.constant 0 : i32
      %dma_start3A_457 = arith.constant 0 : i32
      %dma_start3A_458 = tpu.memref_slice %arg6[%dma_start3A_455, %dma_start3A_456, %dma_start3A_457] : memref<8x2x128xi32, #tpu.memory_space<vmem>> -> memref<1x1x128xi32, #tpu.memory_space<vmem>>
      %dma_start3A_459 = tpu.memref_squeeze %dma_start3A_458 : memref<1x1x128xi32, #tpu.memory_space<vmem>> -> memref<128xi32, #tpu.memory_space<vmem>>
      %dma_start3A_460 = arith.constant 0 : i32
      %dma_start3A_461 = arith.constant 0 : i32
      %dma_start3A_462 = tpu.memref_slice %arg2[%dma_start3A_460, %dma_start3A_461] : memref<10240x128xf32, #tpu.memory_space<hbm>> -> memref<10240x128xf32, #tpu.memory_space<hbm>>
      tpu.enqueue_indirect_dma source(%dma_start3A_462 : memref<10240x128xf32, #tpu.memory_space<hbm>>) target(%arg7 : memref<128x128xf32, #tpu.memory_space<vmem>>) offsets(%dma_start3A_459 : memref<128xi32, #tpu.memory_space<vmem>>) semaphore(%arg12 : memref<!tpu.dma_semaphore, #tpu.memory_space<semaphore_mem>>)
      %dma_wait3A_463 = arith.constant 0 : i32
      %dma_wait3A_464 = arith.constant 0 : i32
      %dma_wait3A_465 = arith.constant 0 : i32
      %dma_wait3A_466 = tpu.memref_slice %arg5[%dma_wait3A_463, %dma_wait3A_464, %dma_wait3A_465] : memref<8x2x128xi32, #tpu.memory_space<vmem>> -> memref<1x1x128xi32, #tpu.memory_space<vmem>>
      %dma_wait3A_467 = tpu.memref_squeeze %dma_wait3A_466 : memref<1x1x128xi32, #tpu.memory_space<vmem>> -> memref<128xi32, #tpu.memory_space<vmem>>
      %dma_wait3A_468 = arith.constant 0 : i32
      %dma_wait3A_469 = arith.constant 0 : i32
      %dma_wait3A_470 = tpu.memref_slice %arg2[%dma_wait3A_468, %dma_wait3A_469] : memref<10240x128xf32, #tpu.memory_space<hbm>> -> memref<10240x128xf32, #tpu.memory_space<hbm>>
      tpu.wait_indirect_dma semaphore(%arg13 : memref<!tpu.dma_semaphore, #tpu.memory_space<semaphore_mem>>) src(%dma_wait3A_470 : memref<10240x128xf32, #tpu.memory_space<hbm>>) dst(%arg8 : memref<128x128xf32, #tpu.memory_space<vmem>>)
      %dma_start3A_471 = arith.constant 3 : i32
      %dma_start3A_472 = arith.constant 1 : i32
      %dma_start3A_473 = arith.constant 0 : i32
      %dma_start3A_474 = tpu.memref_slice %arg6[%dma_start3A_471, %dma_start3A_472, %dma_start3A_473] : memref<8x2x128xi32, #tpu.memory_space<vmem>> -> memref<1x1x128xi32, #tpu.memory_space<vmem>>
      %dma_start3A_475 = tpu.memref_squeeze %dma_start3A_474 : memref<1x1x128xi32, #tpu.memory_space<vmem>> -> memref<128xi32, #tpu.memory_space<vmem>>
      %dma_start3A_476 = arith.constant 0 : i32
      %dma_start3A_477 = arith.constant 0 : i32
      %dma_start3A_478 = tpu.memref_slice %arg9[%dma_start3A_476, %dma_start3A_477] : memref<10240x128xf32, #tpu.memory_space<vmem_shared>> -> memref<10240x128xf32, #tpu.memory_space<vmem_shared>>
      tpu.enqueue_indirect_dma source(%arg8 : memref<128x128xf32, #tpu.memory_space<vmem>>) target(%dma_start3A_478 : memref<10240x128xf32, #tpu.memory_space<vmem_shared>>) offsets(%dma_start3A_475 : memref<128xi32, #tpu.memory_space<vmem>>) semaphore(%arg15 : memref<!tpu.dma_semaphore, #tpu.memory_space<semaphore_mem>>) {add = true}
      %dma_wait3A_479 = arith.constant 0 : i32
      %dma_wait3A_480 = arith.constant 1 : i32
      %dma_wait3A_481 = arith.constant 0 : i32
      %dma_wait3A_482 = tpu.memref_slice %arg5[%dma_wait3A_479, %dma_wait3A_480, %dma_wait3A_481] : memref<8x2x128xi32, #tpu.memory_space<vmem>> -> memref<1x1x128xi32, #tpu.memory_space<vmem>>
      %dma_wait3A_483 = tpu.memref_squeeze %dma_wait3A_482 : memref<1x1x128xi32, #tpu.memory_space<vmem>> -> memref<128xi32, #tpu.memory_space<vmem>>
      %dma_wait3A_484 = arith.constant 0 : i32
      %dma_wait3A_485 = arith.constant 0 : i32
      %dma_wait3A_486 = tpu.memref_slice %arg9[%dma_wait3A_484, %dma_wait3A_485] : memref<10240x128xf32, #tpu.memory_space<vmem_shared>> -> memref<10240x128xf32, #tpu.memory_space<vmem_shared>>
      tpu.wait_indirect_dma semaphore(%arg15 : memref<!tpu.dma_semaphore, #tpu.memory_space<semaphore_mem>>) src(%arg8 : memref<128x128xf32, #tpu.memory_space<vmem>>) dst(%dma_wait3A_486 : memref<10240x128xf32, #tpu.memory_space<vmem_shared>>)
      %dma_start3A_487 = arith.constant 5 : i32
      %dma_start3A_488 = arith.constant 0 : i32
      %dma_start3A_489 = arith.constant 0 : i32
      %dma_start3A_490 = tpu.memref_slice %arg6[%dma_start3A_487, %dma_start3A_488, %dma_start3A_489] : memref<8x2x128xi32, #tpu.memory_space<vmem>> -> memref<1x1x128xi32, #tpu.memory_space<vmem>>
      %dma_start3A_491 = tpu.memref_squeeze %dma_start3A_490 : memref<1x1x128xi32, #tpu.memory_space<vmem>> -> memref<128xi32, #tpu.memory_space<vmem>>
      %dma_start3A_492 = arith.constant 0 : i32
      %dma_start3A_493 = arith.constant 0 : i32
      %dma_start3A_494 = tpu.memref_slice %arg2[%dma_start3A_492, %dma_start3A_493] : memref<10240x128xf32, #tpu.memory_space<hbm>> -> memref<10240x128xf32, #tpu.memory_space<hbm>>
      tpu.enqueue_indirect_dma source(%dma_start3A_494 : memref<10240x128xf32, #tpu.memory_space<hbm>>) target(%arg8 : memref<128x128xf32, #tpu.memory_space<vmem>>) offsets(%dma_start3A_491 : memref<128xi32, #tpu.memory_space<vmem>>) semaphore(%arg13 : memref<!tpu.dma_semaphore, #tpu.memory_space<semaphore_mem>>)
      %dma_wait3A_495 = arith.constant 0 : i32
      %dma_wait3A_496 = arith.constant 0 : i32
      %dma_wait3A_497 = arith.constant 0 : i32
      %dma_wait3A_498 = tpu.memref_slice %arg5[%dma_wait3A_495, %dma_wait3A_496, %dma_wait3A_497] : memref<8x2x128xi32, #tpu.memory_space<vmem>> -> memref<1x1x128xi32, #tpu.memory_space<vmem>>
      %dma_wait3A_499 = tpu.memref_squeeze %dma_wait3A_498 : memref<1x1x128xi32, #tpu.memory_space<vmem>> -> memref<128xi32, #tpu.memory_space<vmem>>
      %dma_wait3A_500 = arith.constant 0 : i32
      %dma_wait3A_501 = arith.constant 0 : i32
      %dma_wait3A_502 = tpu.memref_slice %arg2[%dma_wait3A_500, %dma_wait3A_501] : memref<10240x128xf32, #tpu.memory_space<hbm>> -> memref<10240x128xf32, #tpu.memory_space<hbm>>
      tpu.wait_indirect_dma semaphore(%arg12 : memref<!tpu.dma_semaphore, #tpu.memory_space<semaphore_mem>>) src(%dma_wait3A_502 : memref<10240x128xf32, #tpu.memory_space<hbm>>) dst(%arg7 : memref<128x128xf32, #tpu.memory_space<vmem>>)
      %dma_start3A_503 = arith.constant 4 : i32
      %dma_start3A_504 = arith.constant 1 : i32
      %dma_start3A_505 = arith.constant 0 : i32
      %dma_start3A_506 = tpu.memref_slice %arg6[%dma_start3A_503, %dma_start3A_504, %dma_start3A_505] : memref<8x2x128xi32, #tpu.memory_space<vmem>> -> memref<1x1x128xi32, #tpu.memory_space<vmem>>
      %dma_start3A_507 = tpu.memref_squeeze %dma_start3A_506 : memref<1x1x128xi32, #tpu.memory_space<vmem>> -> memref<128xi32, #tpu.memory_space<vmem>>
      %dma_start3A_508 = arith.constant 0 : i32
      %dma_start3A_509 = arith.constant 0 : i32
      %dma_start3A_510 = tpu.memref_slice %arg9[%dma_start3A_508, %dma_start3A_509] : memref<10240x128xf32, #tpu.memory_space<vmem_shared>> -> memref<10240x128xf32, #tpu.memory_space<vmem_shared>>
      tpu.enqueue_indirect_dma source(%arg7 : memref<128x128xf32, #tpu.memory_space<vmem>>) target(%dma_start3A_510 : memref<10240x128xf32, #tpu.memory_space<vmem_shared>>) offsets(%dma_start3A_507 : memref<128xi32, #tpu.memory_space<vmem>>) semaphore(%arg14 : memref<!tpu.dma_semaphore, #tpu.memory_space<semaphore_mem>>) {add = true}
      %dma_wait3A_511 = arith.constant 0 : i32
      %dma_wait3A_512 = arith.constant 1 : i32
      %dma_wait3A_513 = arith.constant 0 : i32
      %dma_wait3A_514 = tpu.memref_slice %arg5[%dma_wait3A_511, %dma_wait3A_512, %dma_wait3A_513] : memref<8x2x128xi32, #tpu.memory_space<vmem>> -> memref<1x1x128xi32, #tpu.memory_space<vmem>>
      %dma_wait3A_515 = tpu.memref_squeeze %dma_wait3A_514 : memref<1x1x128xi32, #tpu.memory_space<vmem>> -> memref<128xi32, #tpu.memory_space<vmem>>
      %dma_wait3A_516 = arith.constant 0 : i32
      %dma_wait3A_517 = arith.constant 0 : i32
      %dma_wait3A_518 = tpu.memref_slice %arg9[%dma_wait3A_516, %dma_wait3A_517] : memref<10240x128xf32, #tpu.memory_space<vmem_shared>> -> memref<10240x128xf32, #tpu.memory_space<vmem_shared>>
      tpu.wait_indirect_dma semaphore(%arg14 : memref<!tpu.dma_semaphore, #tpu.memory_space<semaphore_mem>>) src(%arg7 : memref<128x128xf32, #tpu.memory_space<vmem>>) dst(%dma_wait3A_518 : memref<10240x128xf32, #tpu.memory_space<vmem_shared>>)
      %dma_start3A_519 = arith.constant 6 : i32
      %dma_start3A_520 = arith.constant 0 : i32
      %dma_start3A_521 = arith.constant 0 : i32
      %dma_start3A_522 = tpu.memref_slice %arg6[%dma_start3A_519, %dma_start3A_520, %dma_start3A_521] : memref<8x2x128xi32, #tpu.memory_space<vmem>> -> memref<1x1x128xi32, #tpu.memory_space<vmem>>
      %dma_start3A_523 = tpu.memref_squeeze %dma_start3A_522 : memref<1x1x128xi32, #tpu.memory_space<vmem>> -> memref<128xi32, #tpu.memory_space<vmem>>
      %dma_start3A_524 = arith.constant 0 : i32
      %dma_start3A_525 = arith.constant 0 : i32
      %dma_start3A_526 = tpu.memref_slice %arg2[%dma_start3A_524, %dma_start3A_525] : memref<10240x128xf32, #tpu.memory_space<hbm>> -> memref<10240x128xf32, #tpu.memory_space<hbm>>
      tpu.enqueue_indirect_dma source(%dma_start3A_526 : memref<10240x128xf32, #tpu.memory_space<hbm>>) target(%arg7 : memref<128x128xf32, #tpu.memory_space<vmem>>) offsets(%dma_start3A_523 : memref<128xi32, #tpu.memory_space<vmem>>) semaphore(%arg12 : memref<!tpu.dma_semaphore, #tpu.memory_space<semaphore_mem>>)
      %dma_wait3A_527 = arith.constant 0 : i32
      %dma_wait3A_528 = arith.constant 0 : i32
      %dma_wait3A_529 = arith.constant 0 : i32
      %dma_wait3A_530 = tpu.memref_slice %arg5[%dma_wait3A_527, %dma_wait3A_528, %dma_wait3A_529] : memref<8x2x128xi32, #tpu.memory_space<vmem>> -> memref<1x1x128xi32, #tpu.memory_space<vmem>>
      %dma_wait3A_531 = tpu.memref_squeeze %dma_wait3A_530 : memref<1x1x128xi32, #tpu.memory_space<vmem>> -> memref<128xi32, #tpu.memory_space<vmem>>
      %dma_wait3A_532 = arith.constant 0 : i32
      %dma_wait3A_533 = arith.constant 0 : i32
      %dma_wait3A_534 = tpu.memref_slice %arg2[%dma_wait3A_532, %dma_wait3A_533] : memref<10240x128xf32, #tpu.memory_space<hbm>> -> memref<10240x128xf32, #tpu.memory_space<hbm>>
      tpu.wait_indirect_dma semaphore(%arg13 : memref<!tpu.dma_semaphore, #tpu.memory_space<semaphore_mem>>) src(%dma_wait3A_534 : memref<10240x128xf32, #tpu.memory_space<hbm>>) dst(%arg8 : memref<128x128xf32, #tpu.memory_space<vmem>>)
      %dma_start3A_535 = arith.constant 5 : i32
      %dma_start3A_536 = arith.constant 1 : i32
      %dma_start3A_537 = arith.constant 0 : i32
      %dma_start3A_538 = tpu.memref_slice %arg6[%dma_start3A_535, %dma_start3A_536, %dma_start3A_537] : memref<8x2x128xi32, #tpu.memory_space<vmem>> -> memref<1x1x128xi32, #tpu.memory_space<vmem>>
      %dma_start3A_539 = tpu.memref_squeeze %dma_start3A_538 : memref<1x1x128xi32, #tpu.memory_space<vmem>> -> memref<128xi32, #tpu.memory_space<vmem>>
      %dma_start3A_540 = arith.constant 0 : i32
      %dma_start3A_541 = arith.constant 0 : i32
      %dma_start3A_542 = tpu.memref_slice %arg9[%dma_start3A_540, %dma_start3A_541] : memref<10240x128xf32, #tpu.memory_space<vmem_shared>> -> memref<10240x128xf32, #tpu.memory_space<vmem_shared>>
      tpu.enqueue_indirect_dma source(%arg8 : memref<128x128xf32, #tpu.memory_space<vmem>>) target(%dma_start3A_542 : memref<10240x128xf32, #tpu.memory_space<vmem_shared>>) offsets(%dma_start3A_539 : memref<128xi32, #tpu.memory_space<vmem>>) semaphore(%arg15 : memref<!tpu.dma_semaphore, #tpu.memory_space<semaphore_mem>>) {add = true}
      %dma_wait3A_543 = arith.constant 0 : i32
      %dma_wait3A_544 = arith.constant 1 : i32
      %dma_wait3A_545 = arith.constant 0 : i32
      %dma_wait3A_546 = tpu.memref_slice %arg5[%dma_wait3A_543, %dma_wait3A_544, %dma_wait3A_545] : memref<8x2x128xi32, #tpu.memory_space<vmem>> -> memref<1x1x128xi32, #tpu.memory_space<vmem>>
      %dma_wait3A_547 = tpu.memref_squeeze %dma_wait3A_546 : memref<1x1x128xi32, #tpu.memory_space<vmem>> -> memref<128xi32, #tpu.memory_space<vmem>>
      %dma_wait3A_548 = arith.constant 0 : i32
      %dma_wait3A_549 = arith.constant 0 : i32
      %dma_wait3A_550 = tpu.memref_slice %arg9[%dma_wait3A_548, %dma_wait3A_549] : memref<10240x128xf32, #tpu.memory_space<vmem_shared>> -> memref<10240x128xf32, #tpu.memory_space<vmem_shared>>
      tpu.wait_indirect_dma semaphore(%arg15 : memref<!tpu.dma_semaphore, #tpu.memory_space<semaphore_mem>>) src(%arg8 : memref<128x128xf32, #tpu.memory_space<vmem>>) dst(%dma_wait3A_550 : memref<10240x128xf32, #tpu.memory_space<vmem_shared>>)
      %dma_start3A_551 = arith.constant 7 : i32
      %dma_start3A_552 = arith.constant 0 : i32
      %dma_start3A_553 = arith.constant 0 : i32
      %dma_start3A_554 = tpu.memref_slice %arg6[%dma_start3A_551, %dma_start3A_552, %dma_start3A_553] : memref<8x2x128xi32, #tpu.memory_space<vmem>> -> memref<1x1x128xi32, #tpu.memory_space<vmem>>
      %dma_start3A_555 = tpu.memref_squeeze %dma_start3A_554 : memref<1x1x128xi32, #tpu.memory_space<vmem>> -> memref<128xi32, #tpu.memory_space<vmem>>
      %dma_start3A_556 = arith.constant 0 : i32
      %dma_start3A_557 = arith.constant 0 : i32
      %dma_start3A_558 = tpu.memref_slice %arg2[%dma_start3A_556, %dma_start3A_557] : memref<10240x128xf32, #tpu.memory_space<hbm>> -> memref<10240x128xf32, #tpu.memory_space<hbm>>
      tpu.enqueue_indirect_dma source(%dma_start3A_558 : memref<10240x128xf32, #tpu.memory_space<hbm>>) target(%arg8 : memref<128x128xf32, #tpu.memory_space<vmem>>) offsets(%dma_start3A_555 : memref<128xi32, #tpu.memory_space<vmem>>) semaphore(%arg13 : memref<!tpu.dma_semaphore, #tpu.memory_space<semaphore_mem>>)
      %dma_wait3A_559 = arith.constant 0 : i32
      %dma_wait3A_560 = arith.constant 0 : i32
      %dma_wait3A_561 = arith.constant 0 : i32
      %dma_wait3A_562 = tpu.memref_slice %arg5[%dma_wait3A_559, %dma_wait3A_560, %dma_wait3A_561] : memref<8x2x128xi32, #tpu.memory_space<vmem>> -> memref<1x1x128xi32, #tpu.memory_space<vmem>>
      %dma_wait3A_563 = tpu.memref_squeeze %dma_wait3A_562 : memref<1x1x128xi32, #tpu.memory_space<vmem>> -> memref<128xi32, #tpu.memory_space<vmem>>
      %dma_wait3A_564 = arith.constant 0 : i32
      %dma_wait3A_565 = arith.constant 0 : i32
      %dma_wait3A_566 = tpu.memref_slice %arg2[%dma_wait3A_564, %dma_wait3A_565] : memref<10240x128xf32, #tpu.memory_space<hbm>> -> memref<10240x128xf32, #tpu.memory_space<hbm>>
      tpu.wait_indirect_dma semaphore(%arg12 : memref<!tpu.dma_semaphore, #tpu.memory_space<semaphore_mem>>) src(%dma_wait3A_566 : memref<10240x128xf32, #tpu.memory_space<hbm>>) dst(%arg7 : memref<128x128xf32, #tpu.memory_space<vmem>>)
      %dma_start3A_567 = arith.constant 6 : i32
      %dma_start3A_568 = arith.constant 1 : i32
      %dma_start3A_569 = arith.constant 0 : i32
      %dma_start3A_570 = tpu.memref_slice %arg6[%dma_start3A_567, %dma_start3A_568, %dma_start3A_569] : memref<8x2x128xi32, #tpu.memory_space<vmem>> -> memref<1x1x128xi32, #tpu.memory_space<vmem>>
      %dma_start3A_571 = tpu.memref_squeeze %dma_start3A_570 : memref<1x1x128xi32, #tpu.memory_space<vmem>> -> memref<128xi32, #tpu.memory_space<vmem>>
      %dma_start3A_572 = arith.constant 0 : i32
      %dma_start3A_573 = arith.constant 0 : i32
      %dma_start3A_574 = tpu.memref_slice %arg9[%dma_start3A_572, %dma_start3A_573] : memref<10240x128xf32, #tpu.memory_space<vmem_shared>> -> memref<10240x128xf32, #tpu.memory_space<vmem_shared>>
      tpu.enqueue_indirect_dma source(%arg7 : memref<128x128xf32, #tpu.memory_space<vmem>>) target(%dma_start3A_574 : memref<10240x128xf32, #tpu.memory_space<vmem_shared>>) offsets(%dma_start3A_571 : memref<128xi32, #tpu.memory_space<vmem>>) semaphore(%arg14 : memref<!tpu.dma_semaphore, #tpu.memory_space<semaphore_mem>>) {add = true}
      %dma_wait3A_575 = arith.constant 0 : i32
      %dma_wait3A_576 = arith.constant 1 : i32
      %dma_wait3A_577 = arith.constant 0 : i32
      %dma_wait3A_578 = tpu.memref_slice %arg5[%dma_wait3A_575, %dma_wait3A_576, %dma_wait3A_577] : memref<8x2x128xi32, #tpu.memory_space<vmem>> -> memref<1x1x128xi32, #tpu.memory_space<vmem>>
      %dma_wait3A_579 = tpu.memref_squeeze %dma_wait3A_578 : memref<1x1x128xi32, #tpu.memory_space<vmem>> -> memref<128xi32, #tpu.memory_space<vmem>>
      %dma_wait3A_580 = arith.constant 0 : i32
      %dma_wait3A_581 = arith.constant 0 : i32
      %dma_wait3A_582 = tpu.memref_slice %arg9[%dma_wait3A_580, %dma_wait3A_581] : memref<10240x128xf32, #tpu.memory_space<vmem_shared>> -> memref<10240x128xf32, #tpu.memory_space<vmem_shared>>
      tpu.wait_indirect_dma semaphore(%arg14 : memref<!tpu.dma_semaphore, #tpu.memory_space<semaphore_mem>>) src(%arg7 : memref<128x128xf32, #tpu.memory_space<vmem>>) dst(%dma_wait3A_582 : memref<10240x128xf32, #tpu.memory_space<vmem_shared>>)
      %add3A_583 = arith.constant 1 : i32
      %add3A_584 = arith.addi %add3A_366, %add3A_583 : i32
      %lt3A_585 = arith.cmpi slt, %add3A_584, %select_n3A_8 : i32
      %convert_element_type3A_586 = arith.extui %lt3A_585 : i1 to i32
      %cond3A_587 = arith.constant 0 : i32
      %cond3A_588 = arith.cmpi ne, %convert_element_type3A_586, %cond3A_587 : i32
      scf.if %cond3A_588 {
        %dma_wait3A_626 = arith.constant 0 : i32
        %dma_wait3A_627 = arith.constant 0 : i32
        %dma_wait3A_628 = arith.constant 0 : i32
        %dma_wait3A_629 = tpu.memref_slice %arg3[%select_n3A, %dma_wait3A_626, %dma_wait3A_627, %dma_wait3A_628] : memref<320x8x2x128xi32, #tpu.memory_space<hbm>> -> memref<1x8x2x128xi32, #tpu.memory_space<hbm>>
        %dma_wait3A_630 = tpu.memref_squeeze %dma_wait3A_629 : memref<1x8x2x128xi32, #tpu.memory_space<hbm>> -> memref<8x2x128xi32, #tpu.memory_space<hbm>>
        %dma_wait3A_631 = arith.constant 0 : i32
        %dma_wait3A_632 = arith.constant 0 : i32
        %dma_wait3A_633 = arith.constant 0 : i32
        %dma_wait3A_634 = tpu.memref_slice %arg3[%select_n3A, %dma_wait3A_631, %dma_wait3A_632, %dma_wait3A_633] : memref<320x8x2x128xi32, #tpu.memory_space<hbm>> -> memref<1x8x2x128xi32, #tpu.memory_space<hbm>>
        %dma_wait3A_635 = tpu.memref_squeeze %dma_wait3A_634 : memref<1x8x2x128xi32, #tpu.memory_space<hbm>> -> memref<8x2x128xi32, #tpu.memory_space<hbm>>
        tpu.wait_dma2 semaphore(%arg10 : memref<!tpu.dma_semaphore, #tpu.memory_space<semaphore_mem>>) src(%dma_wait3A_635 : memref<8x2x128xi32, #tpu.memory_space<hbm>>) dst(%arg5 : memref<8x2x128xi32, #tpu.memory_space<vmem>>)
        %dma_start3A_636 = arith.constant 0 : i32
        %dma_start3A_637 = arith.constant 0 : i32
        %dma_start3A_638 = arith.constant 0 : i32
        %dma_start3A_639 = tpu.memref_slice %arg5[%dma_start3A_636, %dma_start3A_637, %dma_start3A_638] : memref<8x2x128xi32, #tpu.memory_space<vmem>> -> memref<1x1x128xi32, #tpu.memory_space<vmem>>
        %dma_start3A_640 = tpu.memref_squeeze %dma_start3A_639 : memref<1x1x128xi32, #tpu.memory_space<vmem>> -> memref<128xi32, #tpu.memory_space<vmem>>
        %dma_start3A_641 = arith.constant 0 : i32
        %dma_start3A_642 = arith.constant 0 : i32
        %dma_start3A_643 = tpu.memref_slice %arg2[%dma_start3A_641, %dma_start3A_642] : memref<10240x128xf32, #tpu.memory_space<hbm>> -> memref<10240x128xf32, #tpu.memory_space<hbm>>
        tpu.enqueue_indirect_dma source(%dma_start3A_643 : memref<10240x128xf32, #tpu.memory_space<hbm>>) target(%arg7 : memref<128x128xf32, #tpu.memory_space<vmem>>) offsets(%dma_start3A_640 : memref<128xi32, #tpu.memory_space<vmem>>) semaphore(%arg12 : memref<!tpu.dma_semaphore, #tpu.memory_space<semaphore_mem>>)
      } else {
      }
      %dma_wait3A_589 = arith.constant 0 : i32
      %dma_wait3A_590 = arith.constant 0 : i32
      %dma_wait3A_591 = arith.constant 0 : i32
      %dma_wait3A_592 = tpu.memref_slice %arg5[%dma_wait3A_589, %dma_wait3A_590, %dma_wait3A_591] : memref<8x2x128xi32, #tpu.memory_space<vmem>> -> memref<1x1x128xi32, #tpu.memory_space<vmem>>
      %dma_wait3A_593 = tpu.memref_squeeze %dma_wait3A_592 : memref<1x1x128xi32, #tpu.memory_space<vmem>> -> memref<128xi32, #tpu.memory_space<vmem>>
      %dma_wait3A_594 = arith.constant 0 : i32
      %dma_wait3A_595 = arith.constant 0 : i32
      %dma_wait3A_596 = tpu.memref_slice %arg2[%dma_wait3A_594, %dma_wait3A_595] : memref<10240x128xf32, #tpu.memory_space<hbm>> -> memref<10240x128xf32, #tpu.memory_space<hbm>>
      tpu.wait_indirect_dma semaphore(%arg13 : memref<!tpu.dma_semaphore, #tpu.memory_space<semaphore_mem>>) src(%dma_wait3A_596 : memref<10240x128xf32, #tpu.memory_space<hbm>>) dst(%arg8 : memref<128x128xf32, #tpu.memory_space<vmem>>)
      %dma_start3A_597 = arith.constant 7 : i32
      %dma_start3A_598 = arith.constant 1 : i32
      %dma_start3A_599 = arith.constant 0 : i32
      %dma_start3A_600 = tpu.memref_slice %arg6[%dma_start3A_597, %dma_start3A_598, %dma_start3A_599] : memref<8x2x128xi32, #tpu.memory_space<vmem>> -> memref<1x1x128xi32, #tpu.memory_space<vmem>>
      %dma_start3A_601 = tpu.memref_squeeze %dma_start3A_600 : memref<1x1x128xi32, #tpu.memory_space<vmem>> -> memref<128xi32, #tpu.memory_space<vmem>>
      %dma_start3A_602 = arith.constant 0 : i32
      %dma_start3A_603 = arith.constant 0 : i32
      %dma_start3A_604 = tpu.memref_slice %arg9[%dma_start3A_602, %dma_start3A_603] : memref<10240x128xf32, #tpu.memory_space<vmem_shared>> -> memref<10240x128xf32, #tpu.memory_space<vmem_shared>>
      tpu.enqueue_indirect_dma source(%arg8 : memref<128x128xf32, #tpu.memory_space<vmem>>) target(%dma_start3A_604 : memref<10240x128xf32, #tpu.memory_space<vmem_shared>>) offsets(%dma_start3A_601 : memref<128xi32, #tpu.memory_space<vmem>>) semaphore(%arg15 : memref<!tpu.dma_semaphore, #tpu.memory_space<semaphore_mem>>) {add = true}
      %dma_wait3A_605 = arith.constant 0 : i32
      %dma_wait3A_606 = arith.constant 1 : i32
      %dma_wait3A_607 = arith.constant 0 : i32
      %dma_wait3A_608 = tpu.memref_slice %arg5[%dma_wait3A_605, %dma_wait3A_606, %dma_wait3A_607] : memref<8x2x128xi32, #tpu.memory_space<vmem>> -> memref<1x1x128xi32, #tpu.memory_space<vmem>>
      %dma_wait3A_609 = tpu.memref_squeeze %dma_wait3A_608 : memref<1x1x128xi32, #tpu.memory_space<vmem>> -> memref<128xi32, #tpu.memory_space<vmem>>
      %dma_wait3A_610 = arith.constant 0 : i32
      %dma_wait3A_611 = arith.constant 0 : i32
      %dma_wait3A_612 = tpu.memref_slice %arg9[%dma_wait3A_610, %dma_wait3A_611] : memref<10240x128xf32, #tpu.memory_space<vmem_shared>> -> memref<10240x128xf32, #tpu.memory_space<vmem_shared>>
      tpu.wait_indirect_dma semaphore(%arg15 : memref<!tpu.dma_semaphore, #tpu.memory_space<semaphore_mem>>) src(%arg8 : memref<128x128xf32, #tpu.memory_space<vmem>>) dst(%dma_wait3A_612 : memref<10240x128xf32, #tpu.memory_space<vmem_shared>>)
      %add3A_613 = arith.constant 1 : i32
      %add3A_614 = arith.addi %add3A_366, %add3A_613 : i32
      %lt3A_615 = arith.cmpi slt, %add3A_614, %select_n3A_8 : i32
      %convert_element_type3A_616 = arith.extui %lt3A_615 : i1 to i32
      %cond3A_617 = arith.constant 0 : i32
      %cond3A_618 = arith.cmpi ne, %convert_element_type3A_616, %cond3A_617 : i32
      scf.if %cond3A_618 {
        %dma_start3A_626 = arith.constant 1 : i32
        %dma_start3A_627 = arith.constant 0 : i32
        %dma_start3A_628 = arith.constant 0 : i32
        %dma_start3A_629 = tpu.memref_slice %arg5[%dma_start3A_626, %dma_start3A_627, %dma_start3A_628] : memref<8x2x128xi32, #tpu.memory_space<vmem>> -> memref<1x1x128xi32, #tpu.memory_space<vmem>>
        %dma_start3A_630 = tpu.memref_squeeze %dma_start3A_629 : memref<1x1x128xi32, #tpu.memory_space<vmem>> -> memref<128xi32, #tpu.memory_space<vmem>>
        %dma_start3A_631 = arith.constant 0 : i32
        %dma_start3A_632 = arith.constant 0 : i32
        %dma_start3A_633 = tpu.memref_slice %arg2[%dma_start3A_631, %dma_start3A_632] : memref<10240x128xf32, #tpu.memory_space<hbm>> -> memref<10240x128xf32, #tpu.memory_space<hbm>>
        tpu.enqueue_indirect_dma source(%dma_start3A_633 : memref<10240x128xf32, #tpu.memory_space<hbm>>) target(%arg8 : memref<128x128xf32, #tpu.memory_space<vmem>>) offsets(%dma_start3A_630 : memref<128xi32, #tpu.memory_space<vmem>>) semaphore(%arg13 : memref<!tpu.dma_semaphore, #tpu.memory_space<semaphore_mem>>)
      } else {
      }
      %add3A_619 = arith.constant 2 : i32
      %add3A_620 = arith.addi %add3A_366, %add3A_619 : i32
      %lt3A_621 = arith.cmpi slt, %add3A_620, %select_n3A_8 : i32
      %convert_element_type3A_622 = arith.extui %lt3A_621 : i1 to i32
      %cond3A_623 = arith.constant 0 : i32
      %cond3A_624 = arith.cmpi ne, %convert_element_type3A_622, %cond3A_623 : i32
      scf.if %cond3A_624 {
        %add3A_626 = arith.constant 2 : i32
        %add3A_627 = arith.addi %add3A_366, %add3A_626 : i32
        %add3A_628 = arith.addi %select_n3A, %add3A_627 : i32
        %dma_start3A_629 = arith.constant 0 : i32
        %dma_start3A_630 = arith.constant 0 : i32
        %dma_start3A_631 = arith.constant 0 : i32
        %dma_start3A_632 = tpu.memref_slice %arg3[%add3A_628, %dma_start3A_629, %dma_start3A_630, %dma_start3A_631] : memref<320x8x2x128xi32, #tpu.memory_space<hbm>> -> memref<1x8x2x128xi32, #tpu.memory_space<hbm>>
        %dma_start3A_633 = tpu.memref_squeeze %dma_start3A_632 : memref<1x8x2x128xi32, #tpu.memory_space<hbm>> -> memref<8x2x128xi32, #tpu.memory_space<hbm>>
        %dma_start3A_634 = arith.constant 0 : i32
        %dma_start3A_635 = arith.constant 0 : i32
        %dma_start3A_636 = arith.constant 0 : i32
        %dma_start3A_637 = tpu.memref_slice %arg3[%add3A_628, %dma_start3A_634, %dma_start3A_635, %dma_start3A_636] : memref<320x8x2x128xi32, #tpu.memory_space<hbm>> -> memref<1x8x2x128xi32, #tpu.memory_space<hbm>>
        %dma_start3A_638 = tpu.memref_squeeze %dma_start3A_637 : memref<1x8x2x128xi32, #tpu.memory_space<hbm>> -> memref<8x2x128xi32, #tpu.memory_space<hbm>>
        tpu.enqueue_dma source(%dma_start3A_638 : memref<8x2x128xi32, #tpu.memory_space<hbm>>) target(%arg6 : memref<8x2x128xi32, #tpu.memory_space<vmem>>) target_semaphore(%arg11 : memref<!tpu.dma_semaphore, #tpu.memory_space<semaphore_mem>>)
      } else {
      }
      %while3A_625 = arith.constant 0 : i32
      scf.yield %while3A_625 : i32
    }
    %barrier3A_103 = arith.constant 0 : index
    tpu.barrier barrier_id(%barrier3A_103)
    "tpu.region"() ({
      %run_scoped3A = tpu.sem_alloc : memref<!tpu.dma_semaphore, #tpu.memory_space<semaphore_mem>>
      %dma_start3A_104 = arith.constant 0 : i32
      %dma_start3A_105 = tpu.memref_slice %arg4[%arg0, %mul3A_31, %dma_start3A_104] : memref<2x10240x128xf32, #tpu.memory_space<hbm>> -> memref<1x640x128xf32, #tpu.memory_space<hbm>>
      %dma_start3A_106 = tpu.memref_squeeze %dma_start3A_105 : memref<1x640x128xf32, #tpu.memory_space<hbm>> -> memref<640x128xf32, #tpu.memory_space<hbm>>
      %dma_start3A_107 = arith.constant 0 : i32
      %dma_start3A_108 = tpu.memref_slice %arg9[%mul3A_31, %dma_start3A_107] : memref<10240x128xf32, #tpu.memory_space<vmem_shared>> -> memref<640x128xf32, #tpu.memory_space<vmem_shared>>
      tpu.enqueue_dma source(%dma_start3A_108 : memref<640x128xf32, #tpu.memory_space<vmem_shared>>) target(%dma_start3A_106 : memref<640x128xf32, #tpu.memory_space<hbm>>) target_semaphore(%run_scoped3A : memref<!tpu.dma_semaphore, #tpu.memory_space<semaphore_mem>>)
      %dma_wait3A_109 = arith.constant 0 : i32
      %dma_wait3A_110 = tpu.memref_slice %arg4[%arg0, %mul3A_31, %dma_wait3A_109] : memref<2x10240x128xf32, #tpu.memory_space<hbm>> -> memref<1x640x128xf32, #tpu.memory_space<hbm>>
      %dma_wait3A_111 = tpu.memref_squeeze %dma_wait3A_110 : memref<1x640x128xf32, #tpu.memory_space<hbm>> -> memref<640x128xf32, #tpu.memory_space<hbm>>
      %dma_wait3A_112 = arith.constant 0 : i32
      %dma_wait3A_113 = tpu.memref_slice %arg9[%mul3A_31, %dma_wait3A_112] : memref<10240x128xf32, #tpu.memory_space<vmem_shared>> -> memref<640x128xf32, #tpu.memory_space<vmem_shared>>
      tpu.wait_dma2 semaphore(%run_scoped3A : memref<!tpu.dma_semaphore, #tpu.memory_space<semaphore_mem>>) src(%dma_wait3A_113 : memref<640x128xf32, #tpu.memory_space<vmem_shared>>) dst(%dma_wait3A_111 : memref<640x128xf32, #tpu.memory_space<hbm>>)
      tpu.yield
    }) : () -> ()
    return
  }
}

module attributes {stable_mosaic.version = 14 : i64} {
  func.func @_pre_block(%arg0: i32, %arg1: memref<512x128xf32, #tpu.memory_space<vmem>>, %arg2: memref<128x128xf32, #tpu.memory_space<vmem>>, %arg3: memref<1x128xf32, #tpu.memory_space<vmem>>, %arg4: memref<128x128xf32, #tpu.memory_space<vmem>>, %arg5: memref<512x128xf32, #tpu.memory_space<vmem>>) attributes {dimension_semantics = [#tpu.dimension_semantics<arbitrary>], iteration_bounds = array<i64: 20>, scalar_prefetch = 0 : i64, scratch_operands = 0 : i64, tpu.core_type = #tpu.core_type<tc>, window_params = [{transform_indices = @transform_0, window_bounds = array<i64: 512, 128>}, {pipeline_mode = #tpu.pipeline_mode<synchronous>, transform_indices = @transform_1, window_bounds = array<i64: 128, 128>}, {pipeline_mode = #tpu.pipeline_mode<synchronous>, transform_indices = @transform_2, window_bounds = array<i64: 1, 128>}, {pipeline_mode = #tpu.pipeline_mode<synchronous>, transform_indices = @transform_3, window_bounds = array<i64: 128, 128>}, {transform_indices = @transform_4, window_bounds = array<i64: 512, 128>}]} {
    %get3A = arith.constant 0 : index
    %get3A_0 = arith.constant 0 : index
    %get3A_1 = vector.load %arg1[%get3A, %get3A_0] : memref<512x128xf32, #tpu.memory_space<vmem>>, vector<512x128xf32>
    %get3A_2 = arith.constant 0 : index
    %get3A_3 = arith.constant 0 : index
    %get3A_4 = vector.load %arg2[%get3A_2, %get3A_3] : memref<128x128xf32, #tpu.memory_space<vmem>>, vector<128x128xf32>
    %dot_general3A = arith.constant dense<0.000000e+00> : vector<512x128xf32>
    %dot_general3A_5 = tpu.matmul %get3A_1, %get3A_4, %dot_general3A {dimension_numbers = #tpu.dot_dimension_numbers<[1], [1], [0], [0], [0, 0, 1, 0], [], []>, precision = #tpu.contract_precision<fp32>, transpose_lhs_hint = false} : vector<512x128xf32>, vector<128x128xf32>, vector<512x128xf32> -> vector<512x128xf32>
    %get3A_6 = arith.constant 0 : index
    %get3A_7 = arith.constant 0 : index
    %get3A_8 = vector.load %arg3[%get3A_6, %get3A_7] : memref<1x128xf32, #tpu.memory_space<vmem>>, vector<1x128xf32>
    %add3A = vector.broadcast %get3A_8 : vector<1x128xf32> to vector<512x128xf32>
    %add3A_9 = arith.addf %dot_general3A_5, %add3A : vector<512x128xf32>
    %get3A_10 = arith.constant 0 : index
    %get3A_11 = arith.constant 0 : index
    %get3A_12 = vector.load %arg4[%get3A_10, %get3A_11] : memref<128x128xf32, #tpu.memory_space<vmem>>, vector<128x128xf32>
    %dot_general3A_13 = arith.constant dense<0.000000e+00> : vector<512x128xf32>
    %dot_general3A_14 = tpu.matmul %add3A_9, %get3A_12, %dot_general3A_13 {dimension_numbers = #tpu.dot_dimension_numbers<[1], [1], [0], [0], [0, 0, 1, 0], [], []>, precision = #tpu.contract_precision<fp32>, transpose_lhs_hint = false} : vector<512x128xf32>, vector<128x128xf32>, vector<512x128xf32> -> vector<512x128xf32>
    %swap3A = arith.constant 0 : index
    %swap3A_15 = arith.constant 0 : index
    %swap3A_16 = vector.load %arg5[%swap3A, %swap3A_15] : memref<512x128xf32, #tpu.memory_space<vmem>>, vector<512x128xf32>
    tpu.vector_store %arg5[%swap3A, %swap3A_15], %dot_general3A_14 {strides = array<i32>} : memref<512x128xf32, #tpu.memory_space<vmem>>, vector<512x128xf32>,
    return
  }
  func.func @transform_0(%arg0: i32) -> (i32, i32) {
    %c0_i32 = arith.constant 0 : i32
    %c0_i32_0 = arith.constant 0 : i32
    return %arg0, %c0_i32 : i32, i32
  }
  func.func @transform_1(%arg0: i32) -> (i32, i32) {
    %c0_i32 = arith.constant 0 : i32
    %c0_i32_0 = arith.constant 0 : i32
    %c0_i32_1 = arith.constant 0 : i32
    return %c0_i32, %c0_i32_0 : i32, i32
  }
  func.func @transform_2(%arg0: i32) -> (i32, i32) {
    %c0_i32 = arith.constant 0 : i32
    %c0_i32_0 = arith.constant 0 : i32
    %c0_i32_1 = arith.constant 0 : i32
    return %c0_i32, %c0_i32_0 : i32, i32
  }
  func.func @transform_3(%arg0: i32) -> (i32, i32) {
    %c0_i32 = arith.constant 0 : i32
    %c0_i32_0 = arith.constant 0 : i32
    %c0_i32_1 = arith.constant 0 : i32
    return %c0_i32, %c0_i32_0 : i32, i32
  }
  func.func @transform_4(%arg0: i32) -> (i32, i32) {
    %c0_i32 = arith.constant 0 : i32
    %c0_i32_0 = arith.constant 0 : i32
    return %arg0, %c0_i32 : i32, i32
  }
}

module attributes {stable_mosaic.version = 14 : i64} {
  func.func @_mid_block(%arg0: i32, %arg1: memref<512x128xf32, #tpu.memory_space<vmem>>, %arg2: memref<512x128xf32, #tpu.memory_space<vmem>>, %arg3: memref<512x128xf32, #tpu.memory_space<vmem>>, %arg4: memref<1x128xf32, #tpu.memory_space<vmem>>, %arg5: memref<128x128xf32, #tpu.memory_space<vmem>>, %arg6: memref<512x128xf32, #tpu.memory_space<vmem>>) attributes {dimension_semantics = [#tpu.dimension_semantics<arbitrary>], iteration_bounds = array<i64: 20>, scalar_prefetch = 0 : i64, scratch_operands = 0 : i64, tpu.core_type = #tpu.core_type<tc>, window_params = [{transform_indices = @transform_0, window_bounds = array<i64: 512, 128>}, {transform_indices = @transform_1, window_bounds = array<i64: 512, 128>}, {transform_indices = @transform_2, window_bounds = array<i64: 512, 128>}, {pipeline_mode = #tpu.pipeline_mode<synchronous>, transform_indices = @transform_3, window_bounds = array<i64: 1, 128>}, {pipeline_mode = #tpu.pipeline_mode<synchronous>, transform_indices = @transform_4, window_bounds = array<i64: 128, 128>}, {transform_indices = @transform_5, window_bounds = array<i64: 512, 128>}]} {
    %get3A = arith.constant 0 : index
    %get3A_0 = arith.constant 0 : index
    %get3A_1 = vector.load %arg1[%get3A, %get3A_0] : memref<512x128xf32, #tpu.memory_space<vmem>>, vector<512x128xf32>
    %get3A_2 = arith.constant 0 : index
    %get3A_3 = arith.constant 0 : index
    %get3A_4 = vector.load %arg2[%get3A_2, %get3A_3] : memref<512x128xf32, #tpu.memory_space<vmem>>, vector<512x128xf32>
    %add3A = arith.addf %get3A_1, %get3A_4 : vector<512x128xf32>
    %get3A_5 = arith.constant 0 : index
    %get3A_6 = arith.constant 0 : index
    %get3A_7 = vector.load %arg3[%get3A_5, %get3A_6] : memref<512x128xf32, #tpu.memory_space<vmem>>, vector<512x128xf32>
    %add3A_8 = arith.addf %add3A, %get3A_7 : vector<512x128xf32>
    %get3A_9 = arith.constant 0 : index
    %get3A_10 = arith.constant 0 : index
    %get3A_11 = vector.load %arg4[%get3A_9, %get3A_10] : memref<1x128xf32, #tpu.memory_space<vmem>>, vector<1x128xf32>
    %add3A_12 = vector.broadcast %get3A_11 : vector<1x128xf32> to vector<512x128xf32>
    %add3A_13 = arith.addf %add3A_8, %add3A_12 : vector<512x128xf32>
    %max3A = arith.constant 0.000000e+00 : f32
    %max3A_14 = vector.broadcast %max3A : f32 to vector<512x128xf32>
    %max3A_15 = arith.maximumf %add3A_13, %max3A_14 : vector<512x128xf32>
    %get3A_16 = arith.constant 0 : index
    %get3A_17 = arith.constant 0 : index
    %get3A_18 = vector.load %arg5[%get3A_16, %get3A_17] : memref<128x128xf32, #tpu.memory_space<vmem>>, vector<128x128xf32>
    %dot_general3A = arith.constant dense<0.000000e+00> : vector<512x128xf32>
    %dot_general3A_19 = tpu.matmul %max3A_15, %get3A_18, %dot_general3A {dimension_numbers = #tpu.dot_dimension_numbers<[1], [1], [0], [0], [0, 0, 1, 0], [], []>, precision = #tpu.contract_precision<fp32>, transpose_lhs_hint = false} : vector<512x128xf32>, vector<128x128xf32>, vector<512x128xf32> -> vector<512x128xf32>
    %swap3A = arith.constant 0 : index
    %swap3A_20 = arith.constant 0 : index
    %swap3A_21 = vector.load %arg6[%swap3A, %swap3A_20] : memref<512x128xf32, #tpu.memory_space<vmem>>, vector<512x128xf32>
    tpu.vector_store %arg6[%swap3A, %swap3A_20], %dot_general3A_19 {strides = array<i32>} : memref<512x128xf32, #tpu.memory_space<vmem>>, vector<512x128xf32>,
    return
  }
  func.func @transform_0(%arg0: i32) -> (i32, i32) {
    %c0_i32 = arith.constant 0 : i32
    %c0_i32_0 = arith.constant 0 : i32
    return %arg0, %c0_i32 : i32, i32
  }
  func.func @transform_1(%arg0: i32) -> (i32, i32) {
    %c0_i32 = arith.constant 0 : i32
    %c0_i32_0 = arith.constant 0 : i32
    return %arg0, %c0_i32 : i32, i32
  }
  func.func @transform_2(%arg0: i32) -> (i32, i32) {
    %c0_i32 = arith.constant 0 : i32
    %c0_i32_0 = arith.constant 0 : i32
    return %arg0, %c0_i32 : i32, i32
  }
  func.func @transform_3(%arg0: i32) -> (i32, i32) {
    %c0_i32 = arith.constant 0 : i32
    %c0_i32_0 = arith.constant 0 : i32
    %c0_i32_1 = arith.constant 0 : i32
    return %c0_i32, %c0_i32_0 : i32, i32
  }
  func.func @transform_4(%arg0: i32) -> (i32, i32) {
    %c0_i32 = arith.constant 0 : i32
    %c0_i32_0 = arith.constant 0 : i32
    %c0_i32_1 = arith.constant 0 : i32
    return %c0_i32, %c0_i32_0 : i32, i32
  }
  func.func @transform_5(%arg0: i32) -> (i32, i32) {
    %c0_i32 = arith.constant 0 : i32
    %c0_i32_0 = arith.constant 0 : i32
    return %arg0, %c0_i32 : i32, i32
  }
}

module attributes {stable_mosaic.version = 14 : i64} {
  func.func @_fin_block(%arg0: i32, %arg1: memref<400x128xf32, #tpu.memory_space<vmem>>, %arg2: memref<1x400x128xf32, #tpu.memory_space<vmem>>, %arg3: memref<1x400x128xf32, #tpu.memory_space<vmem>>, %arg4: memref<1x128xf32, #tpu.memory_space<vmem>>, %arg5: memref<400x128xf32, #tpu.memory_space<vmem>>) attributes {dimension_semantics = [#tpu.dimension_semantics<arbitrary>], iteration_bounds = array<i64: 25>, scalar_prefetch = 0 : i64, scratch_operands = 0 : i64, tpu.core_type = #tpu.core_type<tc>, window_params = [{transform_indices = @transform_0, window_bounds = array<i64: 400, 128>}, {transform_indices = @transform_1, window_bounds = array<i64: 1, 400, 128>}, {transform_indices = @transform_2, window_bounds = array<i64: 1, 400, 128>}, {pipeline_mode = #tpu.pipeline_mode<synchronous>, transform_indices = @transform_3, window_bounds = array<i64: 1, 128>}, {transform_indices = @transform_4, window_bounds = array<i64: 400, 128>}]} {
    %get3A = arith.constant 0 : index
    %get3A_0 = arith.constant 0 : index
    %get3A_1 = vector.load %arg1[%get3A, %get3A_0] : memref<400x128xf32, #tpu.memory_space<vmem>>, vector<400x128xf32>
    %get3A_2 = arith.constant 0 : index
    %get3A_3 = arith.constant 0 : index
    %get3A_4 = arith.constant 0 : index
    %get3A_5 = vector.load %arg2[%get3A_2, %get3A_3, %get3A_4] : memref<1x400x128xf32, #tpu.memory_space<vmem>>, vector<1x400x128xf32>
    %get3A_6 = vector.shape_cast %get3A_5 : vector<1x400x128xf32> to vector<400x128xf32>
    %add3A = arith.addf %get3A_1, %get3A_6 : vector<400x128xf32>
    %get3A_7 = arith.constant 0 : index
    %get3A_8 = arith.constant 0 : index
    %get3A_9 = arith.constant 0 : index
    %get3A_10 = vector.load %arg3[%get3A_7, %get3A_8, %get3A_9] : memref<1x400x128xf32, #tpu.memory_space<vmem>>, vector<1x400x128xf32>
    %get3A_11 = vector.shape_cast %get3A_10 : vector<1x400x128xf32> to vector<400x128xf32>
    %add3A_12 = arith.addf %add3A, %get3A_11 : vector<400x128xf32>
    %get3A_13 = arith.constant 0 : index
    %get3A_14 = arith.constant 0 : index
    %get3A_15 = vector.load %arg4[%get3A_13, %get3A_14] : memref<1x128xf32, #tpu.memory_space<vmem>>, vector<1x128xf32>
    %add3A_16 = vector.broadcast %get3A_15 : vector<1x128xf32> to vector<400x128xf32>
    %add3A_17 = arith.addf %add3A_12, %add3A_16 : vector<400x128xf32>
    %swap3A = arith.constant 0 : index
    %swap3A_18 = arith.constant 0 : index
    %swap3A_19 = vector.load %arg5[%swap3A, %swap3A_18] : memref<400x128xf32, #tpu.memory_space<vmem>>, vector<400x128xf32>
    tpu.vector_store %arg5[%swap3A, %swap3A_18], %add3A_17 {strides = array<i32>} : memref<400x128xf32, #tpu.memory_space<vmem>>, vector<400x128xf32>,
    return
  }
  func.func @transform_0(%arg0: i32) -> (i32, i32) {
    %c0_i32 = arith.constant 0 : i32
    %c0_i32_0 = arith.constant 0 : i32
    return %arg0, %c0_i32 : i32, i32
  }
  func.func @transform_1(%arg0: i32) -> (i32, i32, i32) {
    %c0_i32 = arith.constant 0 : i32
    %c0_i32_0 = arith.constant 0 : i32
    %c0_i32_1 = arith.constant 0 : i32
    return %c0_i32, %arg0, %c0_i32_0 : i32, i32, i32
  }
  func.func @transform_2(%arg0: i32) -> (i32, i32, i32) {
    %c1_i32 = arith.constant 1 : i32
    %c0_i32 = arith.constant 0 : i32
    %c0_i32_0 = arith.constant 0 : i32
    return %c1_i32, %arg0, %c0_i32 : i32, i32, i32
  }
  func.func @transform_3(%arg0: i32) -> (i32, i32) {
    %c0_i32 = arith.constant 0 : i32
    %c0_i32_0 = arith.constant 0 : i32
    %c0_i32_1 = arith.constant 0 : i32
    return %c0_i32, %c0_i32_0 : i32, i32
  }
  func.func @transform_4(%arg0: i32) -> (i32, i32) {
    %c0_i32 = arith.constant 0 : i32
    %c0_i32_0 = arith.constant 0 : i32
    return %arg0, %c0_i32 : i32, i32
  }
}

</mosaic_0001>

<sc_bundles>
// kernel: kernel.10.cloned.1.call-start
scs
__scs_entry_jumppad:
0x0: {  	(pc) =	sbr.rel $0x88, $3  }
0x1: {  	(tag) =	ssettag $0x0;
	lr =	simm.s32 $0x1  }
0x2: {  	[smem:$0x3F99] =	sst lr;
	_ =	strace $0xD0000000  }
0x3: {  	_ = 	snop  }
0x4: {  	_ = 	snop  }
0x5: {  	_ = 	snop  }
0x6: {  	_ = 	snop  }
0x7: {  	_ = 	snop  }
__scs_overlays_trampoline_lowered:
0x8: {  	[smem:$0x3FA8] =	sst s0  }
0x9: {  	[smem:$0x3FA9] =	sst s1  }
0xa: {  	[smem:$0x3FAA] =	sst s2  }
0xb: {  	[smem:$0x3FAB] =	sst s3  }
0xc: {  	[smem:$0x3FAC] =	sst s4  }
0xd: {  	[smem:$0x3FAD] =	sst s5  }
0xe: {  	[smem:$0x3FAE] =	sst s6  }
0xf: {  	[smem:$0x3FAF] =	sst s7  }
0x10: {  	[smem:$0x3FB0] =	sst s8  }
0x11: {  	[smem:$0x3FB1] =	sst s9;
	s0 =	simm.s32 @!p0 $0x0  }
0x12: {  	s1 =	sld [smem:$0x3F97];
	s0 =	simm.s32 @p0 $0x1  }
0x13: {  	[smem:$0x3FB2] =	sst s0;
	s0 =	simm.s32 @!p1 $0x0  }
0x14: {  	s2 =	sld [smem:$0x3F96];
	s0 =	simm.s32 @p1 $0x1  }
0x15: {  	[smem:$0x3FB3] =	sst s0;
	s0 =	simm.s32 @!p2 $0x0  }
0x16: {  	s3 =	sld [smem:$0x3FDB];
	s0 =	simm.s32 @p2 $0x1  }
0x17: {  	s4 =	simm.s32 $0x1BF5;
	[smem:$0x3FB5] =	sst s0  }
0x18: {  	s0 =	sld [smem:$0x3F98];
	_ =	swait.ge [sflag:s4], $0x0  }
0x19: {  	s7 =	sld [smem:$0x3F99]  }
0x1a: {  	s8 =	sadd.s32 $0xFFFFE003, lr  }
0x1b: {  	s9 =	sadd.s32 $0xFFFFFEF7, lr;
	s5 =	simm.s32 $0xFFFFFFFF;
	p2 =	slt.u32 s8, $0xFFFFF086  }
0x1c: {  	p1 =	slt.u32 s9, $0xF7A;
	s5 =	simm.s32 @!p2 $0x0  }
0x1d: {  	s5 =	simm.s32 @p1 $0x1;
	p0 =	seq.s32 s7, s2  }
0x1e: {  	s7 =	smul.u32 @!p0 $0xF7A, s2;
	p2 =	seq.s32 @!p0 s5, $0x0  }
0x1f: {  	s9 =	smul.u32 $0xF7A, s1;
	s8 =	simm.s32 @!p0 $0x1BF5;
	p2 =	por !p2, p0  }
0x20: {  	[sflag:s8] =	ssyncset.s32 @!p0 $0xFFFFF086;
	s6 =	sadd.s32 @!p0 s3, s7;
	s7 =	simm.s32 @!p0 $0x108  }
0x21: {  	s3 =	sadd.s32 s3, s9;
	s6 =	sadd.s32 @!p0 $0x88, s6;
	s7 =	simm.s32 @p2 $0x1082  }
0x22: {  	[simem:s7], [sflag:s8] =	dma.local @!p0 [hbm:s6], $0xF7A  }
0x23: {  	s9 =	sor.u32 $0xD0000000, s2;
	s6 =	simm.s32 $0x108;
	_ =	swait.ge @!p0 [sflag:s8], $0x0  }
0x24: {  	s3 =	sadd.s32 $0x88, s3;
	s6 =	simm.s32 @!p1 $0x1082;
	[sflag:s4] =	ssyncset.s32 $0xFFFFF086  }
0x25: {  	[simem:s6], [sflag:s4] =	dma.local [hbm:s3], $0xF7A  }
0x26: {  	[smem:$0x3F99] =	sst s1;
	(tag) =	ssettag s2;
	_ =	strace s9  }
0x27: {  	s1 =	sld [smem:$0x3FA9]  }
0x28: {  	s2 =	sld [smem:$0x3FAA]  }
0x29: {  	s4 =	sld [smem:$0x3FAC]  }
0x2a: {  	p0 =	seq.s32 s5, $0x0;
	s5 =	sld [smem:$0x3FAD]  }
0x2b: {  	s6 =	sld [smem:$0x3FAE]  }
0x2c: {  	s7 =	sld [smem:$0x3FAF]  }
0x2d: {  	s3 =	simm.s32 $0x108;
	s8 =	sld [smem:$0x3FB0]  }
0x2e: {  	s3 =	simm.s32 @!p0 $0x1082;
	s9 =	sld [smem:$0x3FB1]  }
0x2f: {  	lr =	sadd.s32 s0, s3;
	s0 =	sld [smem:$0x3FA8]  }
0x30: {  	s3 =	sld [smem:$0x3FAB]  }
0x31: {  	[smem:$0x3FB4] =	sst s10  }
0x32: {  	s10 =	sld [smem:$0x3FB2];
	_ =	sdelay $0x3  }
0x33: {  	p0 =	seq.s32 s10, $0x1;
	s10 =	sld [smem:$0x3FB4];
	_ =	sdelay $0x3  }
0x34: {  	[smem:$0x3FB4] =	sst s10  }
0x35: {  	s10 =	sld [smem:$0x3FB3];
	_ =	sdelay $0x3  }
0x36: {  	p1 =	seq.s32 s10, $0x1;
	s10 =	sld [smem:$0x3FB4];
	_ =	sdelay $0x3  }
0x37: {  	[smem:$0x3FB4] =	sst s10  }
0x38: {  	s10 =	sld [smem:$0x3FB5]  }
0x39: {  	_ = 	snop;
	(pc) =	sbr.ind lr, $3  }
0x3a: {  	_ = 	snop  }
0x3b: {  	_ = 	snop  }
0x3c: {  	p2 =	seq.s32 s10, $0x1;
	s10 =	sld [smem:$0x3FB4]  }
0x3d: {  	_ =	shalt  }
0x3e: {  	_ =	shalt  }
0x3f: {  	_ =	shalt  }
0x40: {  	_ =	shalt  }
0x41: {  	_ =	shalt  }
0x42: {  	_ =	shalt  }
0x43: {  	_ =	shalt  }
0x44: {  	_ =	shalt  }
0x45: {  	_ =	shalt  }
0x46: {  	_ =	shalt  }
0x47: {  	_ =	shalt  }
0x48: {  	_ =	shalt  }
0x49: {  	_ =	shalt  }
0x4a: {  	_ =	shalt  }
0x4b: {  	_ =	shalt  }
0x4c: {  	_ =	shalt  }
0x4d: {  	_ =	shalt  }
0x4e: {  	_ =	shalt  }
0x4f: {  	_ =	shalt  }
0x50: {  	_ =	shalt  }
0x51: {  	_ =	shalt  }
0x52: {  	_ =	shalt  }
0x53: {  	_ =	shalt  }
0x54: {  	_ =	shalt  }
0x55: {  	_ =	shalt  }
0x56: {  	_ =	shalt  }
0x57: {  	_ =	shalt  }
0x58: {  	_ =	shalt  }
0x59: {  	_ =	shalt  }
0x5a: {  	_ =	shalt  }
0x5b: {  	_ =	shalt  }
0x5c: {  	_ =	shalt  }
0x5d: {  	_ =	shalt  }
0x5e: {  	_ =	shalt  }
0x5f: {  	_ =	shalt  }
0x60: {  	_ =	shalt  }
0x61: {  	_ =	shalt  }
0x62: {  	_ =	shalt  }
0x63: {  	_ =	shalt  }
0x64: {  	_ =	shalt  }
0x65: {  	_ =	shalt  }
0x66: {  	_ =	shalt  }
0x67: {  	_ =	shalt  }
0x68: {  	_ =	shalt  }
0x69: {  	_ =	shalt  }
0x6a: {  	_ =	shalt  }
0x6b: {  	_ =	shalt  }
0x6c: {  	_ =	shalt  }
0x6d: {  	_ =	shalt  }
0x6e: {  	_ =	shalt  }
0x6f: {  	_ =	shalt  }
0x70: {  	_ =	shalt  }
0x71: {  	_ =	shalt  }
0x72: {  	_ =	shalt  }
0x73: {  	_ =	shalt  }
0x74: {  	_ =	shalt  }
0x75: {  	_ =	shalt  }
0x76: {  	_ =	shalt  }
0x77: {  	_ =	shalt  }
0x78: {  	_ =	shalt  }
0x79: {  	_ =	shalt  }
0x7a: {  	_ =	shalt  }
0x7b: {  	_ =	shalt  }
0x7c: {  	_ =	shalt  }
0x7d: {  	_ =	shalt  }
0x7e: {  	_ =	shalt  }
0x7f: {  	_ =	shalt  }
0x80: {  	_ =	shalt  }
0x81: {  	_ =	shalt  }
0x82: {  	_ =	shalt  }
0x83: {  	_ =	shalt  }
0x84: {  	_ =	shalt  }
0x85: {  	_ =	shalt  }
0x86: {  	_ =	shalt  }
0x87: {  	_ =	shalt  }
.Lfunc_end0:
.L_simem_size_0:
called_computation.1_lowered:
.L_overlay_start_0:
0x88: {  	s2 =	sld [smem:$0x3FD9]  }
0x89: {  	s3 =	sld [smem:$0x3FFE];
	_ =	sdelay $0x1  }
0x8a: {  	s1 =	srdreg.scid  }
0x8b: {  	s0 =	sand.u32 $0x1, s1  }
0x8c: {  	s17 =	sshll.u32 s0, $0xA;
	s2 =	sadd.s32 s3, s2  }
0x8d: {  	s2 =	sadd.s32 s2, s17  }
0x8e: {  	[smem:$0x3FC0] =	sst s2  }
0x8f: {  	_ = 	snop  }
0x90: {  	s2 =	sld [smem:$0x3FD0];
	(tm) =	ssettm $0x1  }
0x91: {  	s18 =	sld [smem:$0x3FFB];
	_ =	sdelay $0x3  }
0x92: {  	_ =	strace s18  }
0x93: {  	s3 =	sld [smem:$0x3FFC];
	_ =	sdelay $0x3  }
0x94: {  	_ =	strace s3  }
0x95: {  	s3 =	sld [smem:$0x3FFD];
	_ =	sdelay $0x3  }
0x96: {  	_ =	strace s3  }
0x97: {  	_ =	strace $0x8FFFFFFF  }
0x98: {  	s19 =	sld [smem:$0x3FDB];
	_ =	sdelay $0x1  }
0x99: {  	s4 =	simm.s32 $_scs_section_size  }
0x9a: {  	s5 =	simm.s32 $_size__tile_overlayer_lowered;
	s6 =	simm.s32 $_tile_overlayer_lowered  }
0x9b: {  	s22 =	simm.s32 $0x1BFF;
	s21 =	sshll.u32 s6, $0x1;
	s3 =	sadd.s32 s4, s19  }
0x9c: {  	s7 =	simm.s32 $0x0;
	s20 =	sshll.u32 s5, $0x1;
	s5 =	sadd.s32 s21, s3  }
0x9d: {  	[timem:s7], [sflag:s22] =	dma.local [hbm:s5], s20  }
0x9e: {  	_ =	swait.ge [sflag:s22], s20  }
0x9f: {  	s4 =	ssub.s32 $0x0, s20;
	[sflag:s22] =	ssyncset.done $0x0  }
0xa0: {  	[sflag:s22] =	ssyncadd.s32 s4;
	_ =	sdelay $0x1  }
0xa1: {  	s23 =	simm.s32 $0x1B8B  }
0xa2: {  	_ =	swait.ge [sflag:s23], $0x1  }
0xa3: {  	[sflag:s23] =	ssyncset.done $0x0  }
0xa4: {  	s25 =	simm.s32 $0x1B8E;
	s24 =	sld [smem:$0x3FFE];
	[sflag:s23] =	ssyncadd.s32 $0xFFFFFFFF  }
0xa5: {  	s26 =	simm.s32 $execute0_lowered;
	[smem:$0x3FD2] =	sst s25  }
0xa6: {  	s5 =	sshll.u32 s26, $0x1;
	_ =	strace $0x80000049;
	[dreg:$0x1] =	wrdreg $0xFFFFFFFF  }
0xa7: {  	s28 =	simm.s32 $_size_execute0_lowered;
	s3 =	sadd.s32 s3, s5;
	[dreg:$0x0] =	wrdreg $0x0  }
0xa8: {  	s5 =	sshll.u32 s28, $0x1;
	[dreg:$0x2] =	wrdreg s3  }
0xa9: {  	[dreg:$0x3] =	wrdreg s5  }
0xaa: {  	[dreg:$0x4] =	wrdreg $0xC0  }
0xab: {  	_ =	task [dreg:s7], $0x5FFFF  }
0xac: {  	[dreg:$0x1] =	wrdreg $0xFFFFFFFF  }
0xad: {  	[dreg:$0x0] =	wrdreg $0x60  }
0xae: {  	[dreg:$0x2] =	wrdreg s24  }
0xaf: {  	[dreg:$0x3] =	wrdreg s2  }
0xb0: {  	[dreg:$0x4] =	wrdreg $0x90000  }
0xb1: {  	[dreg:$0x5] =	wrdreg $0x9  }
0xb2: {  	_ =	task.clear_ibuf [dreg:s7], $0x6FFFF;
	_ =	strace $0x90000049  }
0xb3: {  	s29 =	simm.s32 $0x9;
	_ =	strace $0x8000004B  }
0xb4: {  	_ =	swait.ge [sflag:s29], $0x1  }
0xb5: {  	[sflag:s29] =	ssyncadd.s32 $0xFFFFFFFF  }
0xb6: {  	_ =	strace $0x9000004B  }
0xb7: {  	_ =	sfence  }
0xb8: {  	s30 =	sld [smem:$0x0];
	_ =	sdelay $0x2  }
0xb9: {  	s31 =	sshll.u32 s1, $0xD;
	s1 =	sshrl.u32 s1, $0x2  }
0xba: {  	s3 =	sand.u32 $0x4000, s31;
	s1 =	sadd.s32 s1, s30  }
0xbb: {  	s0 =	sor.u32 s3, s0;
	s1 =	sshll.u32 s1, $0x11  }
0xbc: {  	s0 =	sor.u32 s1, s0  }
0xbd: {  	s0 =	sadd.s32 $0x8F2B, s0  }
0xbe: {  	[sflag:s0] =	ssyncadd.remote.s32 $0x1  }
0xbf: {  	_ =	sfence.sel $0xFFFF  }
0xc0: {  	[dreg:$0x0] =	wrdreg $0xFFFFFFFF;
	(pc) =	sbr.abs _section_cstart, $3  }
0xc1: {  	[dreg:$0x1] =	wrdreg $0xFFFFFFFF  }
0xc2: {  	_ =	task.clear_ibuf [dreg:s7], $0x2FFFF;
	_ =	strace $0x9FFFFFFF  }
0xc3: {  	(tm) =	ssettm $0x7FFFFFFF  }
tec
execute0_lowered:
.L_overlay_start_1:
0x0: {  	(tag) =	ssettag $0x1  }
0x1: {  	s0 =	rddreg [dreg:$0x0]  }
0x2: {  	s1 =	rddreg [dreg:$0x1]  }
0x3: {  	s2 =	rddreg [dreg:$0x2];
	s4 =	simm.s32 $0x0  }
0x4: {  	s20 =	simm.s32 $0x200;
	[smem:$0x7FF] =	sst s4  }
0x5: {  	s21 =	simm.s32 $0x180;
	_ =	strace $0x8000004A;
	[dreg:$0x5] =	wrdreg s20  }
0x6: {  	s3 =	srdreg.scid;
	s22 =	simm.s32 $0x300;
	[dreg:$0x6] =	wrdreg s21  }
0x7: {  	s9 =	stileid.u32;
	s23 =	simm.s32 $0x280;
	[dreg:$0x7] =	wrdreg s22  }
0x8: {  	s24 =	simm.s32 $0x400;
	s25 =	simm.s32 $0x380;
	[dreg:$0x8] =	wrdreg s23  }
0x9: {  	s30 =	simm.s32 $0x500;
	s10 =	simm.s32 $0x600;
	[dreg:$0x9] =	wrdreg s24  }
0xa: {  	s11 =	simm.s32 $0x580;
	s12 =	simm.s32 $0x700;
	[dreg:$0xa] =	wrdreg s25  }
0xb: {  	s14 =	simm.s32 $0x680;
	s16 =	simm.s32 $0x880;
	[dreg:$0xb] =	wrdreg s30  }
0xc: {  	s28 =	simm.s32 $0x6;
	s29 =	simm.s32 $0x0;
	[dreg:$0xd] =	wrdreg s10  }
0xd: {  	s3 =	sand.u32 $0x1, s3;
	s6 =	smul.u32 $0x14000, s9;
	[dreg:$0xe] =	wrdreg s11  }
0xe: {  	s4 =	sadd.s32 $0x2600, s0;
	s26 =	smul.u32 $0x50000, s9;
	[dreg:$0xf] =	wrdreg s12  }
0xf: {  	s8 =	sshll.u32 s9, $0x1;
	s5 =	smul.u32 $0x140000, s3;
	[dreg:$0x10] =	wrdreg s14  }
0x10: {  	s7 =	ssub.s32 $0x2, s3;
	[dreg:$0x11] =	wrdreg s16;
	s20 =	simm.s32 $0xA80  }
0x11: {  	p0 =	seq.s32 s3, $0x0;
	s21 =	simm.s32 $0xC00;
	[dreg:$0x15] =	wrdreg s20  }
0x12: {  	s8 =	sor.u32 $0x120, s8;
	s22 =	simm.s32 $0xB80;
	[dreg:$0x16] =	wrdreg s21  }
0x13: {  	s23 =	simm.s32 $0xD00;
	s24 =	simm.s32 $0xC80;
	[dreg:$0x17] =	wrdreg s22  }
0x14: {  	s25 =	simm.s32 $0xE00;
	s30 =	simm.s32 $0xF00;
	[dreg:$0x18] =	wrdreg s23  }
0x15: {  	s18 =	sshrl.u32 s7, $0x1;
	s20 =	simm.s32 $0x1;
	[dreg:$0x19] =	wrdreg s24  }
0x16: {  	s21 =	simm.s32 $0x80;
	[dreg:$0x1a] =	wrdreg s25;
	s23 =	simm.s32 $0x5000  }
0x17: {  	[dreg:$0x1c] =	wrdreg s30;
	s24 =	simm.s32 $0x3;
	s25 =	simm.s32 $0x5  }
0x18: {  	s6 =	sadd.s32 s6, s5;
	s5 =	simm.s32 $0x12;
	s3 =	ssub.s32 s7, s18  }
0x19: {  	s7 =	smul.u32 $0x12, s9;
	s9 =	simm.s32 $0x480;
	s18 =	simm.s32 $0x980  }
0x1a: {  	s17 =	sshrl.u32 s6, $0x3;
	s5 =	simm.s32 @!p0 $0x2;
	[dreg:$0xc] =	wrdreg s9  }
0x1b: {  	[dreg:$0x13] =	wrdreg s18;
	s0 =	sadd.s32 s17, s0;
	s19 =	sadd.s32 $0xFFFFFFFF, s5  }
0x1c: {  	s8 =	smov.u32 @p0 s7;
	s17 =	simm.s32 $0xA00;
	[dreg:$0x4] =	wrdreg s19  }
0x1d: {  	s18 =	simm.s32 $0x1000;
	s7 =	sshll.u32 s8, $0x8;
	[dreg:$0x12] =	wrdreg s17  }
0x1e: {  	s14 =	sadd.s32 $0x2A600, s0;
	s19 =	simm.s32 $0xB00;
	s6 =	sadd.s32 s1, s7  }
0x1f: {  	s7 =	sshrl.u32 s26, $0x2;
	[dreg:$0x14] =	wrdreg s19;
	s26 =	simm.s32 $0xD80  }
0x20: {  	s31 =	sadd.s32 $0x100, s6;
	s8 =	sadd.s32 s7, s2;
	[dreg:$0x1b] =	wrdreg s26  }
0x21: {  	s19 =	simm.s32 $0x7;
	[dreg:$0x1e] =	wrdreg s31;
	s7 =	sadd.s32 $0x4000, s8  }
0x22: {  	s16 =	sadd.s32 $0x200, s6;
	s13 =	sadd.s32 $0x8000, s8;
	[dreg:$0x1f] =	wrdreg s7  }
0x23: {  	s26 =	simm.s32 $0x4;
	s15 =	sadd.s32 $0xC000, s8;
	[smem:$0x7FC] =	sst s13  }
0x24: {  	s12 =	sadd.s32 $0x10000, s8;
	s31 =	simm.s32 $0xE80;
	[smem:$0x7FD] =	sst s15  }
0x25: {  	v0 =	vimm.f32 $0.0e+00;
	s13 =	sshrl.u32 s5, $0x1;
	s15 =	smax.u32 s3, $0x1;
	[dreg:$0x1d] =	wrdreg s31  }
.LBB2_1:
0x26: {  	s0 =	simm.s32 $0x0  }
0x27: {  	[tilespmem:s0], [sflag:$0x1] =	stream.linear.gather [hbm4b:s6+s0], $0x800, $0x38;
	[tilespmem:$0x1D000] =	vst v63  }
0x28: {  	s1 =	rddreg [dreg:$0x1e];
	s3 =	simm.s32 $0x800  }
0x29: {  	[tilespmem:s3], [sflag:$0x2] =	stream.linear.gather [hbm4b:s1+s0], $0x800, $0x38;
	[tilespmem:$0x1D000] =	vst v63  }
0x2a: {  	s0 =	simm.s32 $0x0;
	s1 =	simm.s32 $0x200  }
.LBB2_2:
0x2b: {  	p0 =	sne.s32 s1, $0xFE00;
	[tilespmem:s0+$0x1070] =	vst v0  }
0x2c: {  	[tilespmem:s0+$0x1000] =	vst v0  }
0x2d: {  	[tilespmem:s0+$0x1010] =	vst v0  }
.Ltmp0:
0x2e: {  	[tilespmem:s0+$0x1020] =	vst v0;
	(pc) =	sbr.rel @p0 .LBB2_2-.Ltmp0, $4  }
0x2f: {  	[tilespmem:s0+$0x1030] =	vst v0  }
0x30: {  	[tilespmem:s0+$0x1040] =	vst v0  }
0x31: {  	[tilespmem:s0+$0x1050] =	vst v0  }
0x32: {  	[tilespmem:s0+$0x1060] =	vst v0;
	s0 =	sshra.s32 s1, $0x2;
	s1 =	sadd.s32 $0x200, s1  }
0x33: {  	[tilespmem:s0+$0x1070] =	vst v0  }
0x34: {  	[tilespmem:s0+$0x1000] =	vst v0  }
0x35: {  	[tilespmem:s0+$0x1010] =	vst v0  }
0x36: {  	[tilespmem:s0+$0x1020] =	vst v0  }
0x37: {  	[tilespmem:s0+$0x1030] =	vst v0  }
0x38: {  	[tilespmem:s0+$0x1040] =	vst v0  }
0x39: {  	[tilespmem:s0+$0x1050] =	vst v0  }
0x3a: {  	[tilespmem:s0+$0x1060] =	vst v0  }
0x3b: {  	[spmem:s8] =	stream.linear.scatter [tilespmem:s18], [sflag:$0x7], $0x4000, $0x38;
	[tilespmem:$0x1D000] =	vst v63  }
0x3c: {  	_ =	swait.ge [sflag:s19], $0x4000  }
0x3d: {  	[sflag:s19] =	ssyncset.done $0x0  }
0x3e: {  	s1 =	rddreg [dreg:$0x1f];
	[sflag:s19] =	ssyncadd.s32 $0xFFFFC000  }
0x3f: {  	[spmem:s1] =	stream.linear.scatter [tilespmem:s18], [sflag:$0x7], $0x4000, $0x38;
	[tilespmem:$0x1D000] =	vst v63  }
0x40: {  	_ =	swait.ge [sflag:s19], $0x4000  }
0x41: {  	s3 =	sld [smem:$0x7FC]  }
0x42: {  	[sflag:s19] =	ssyncset.done $0x0  }
0x43: {  	[sflag:s19] =	ssyncadd.s32 $0xFFFFC000  }
0x44: {  	[spmem:s3] =	stream.linear.scatter [tilespmem:s18], [sflag:$0x7], $0x4000, $0x38;
	[tilespmem:$0x1D000] =	vst v63  }
0x45: {  	_ =	swait.ge [sflag:s19], $0x4000  }
0x46: {  	s7 =	sld [smem:$0x7FD]  }
0x47: {  	[sflag:s19] =	ssyncset.done $0x0  }
0x48: {  	[sflag:s19] =	ssyncadd.s32 $0xFFFFC000  }
0x49: {  	[spmem:s7] =	stream.linear.scatter [tilespmem:s18], [sflag:$0x7], $0x4000, $0x38;
	[tilespmem:$0x1D000] =	vst v63  }
0x4a: {  	_ =	swait.ge [sflag:s19], $0x4000  }
0x4b: {  	[sflag:s19] =	ssyncset.done $0x0  }
0x4c: {  	[sflag:s19] =	ssyncadd.s32 $0xFFFFC000  }
0x4d: {  	[spmem:s12] =	stream.linear.scatter [tilespmem:s18], [sflag:$0x7], $0x4000, $0x38;
	[tilespmem:$0x1D000] =	vst v63  }
0x4e: {  	_ =	swait.ge [sflag:s19], $0x4000  }
0x4f: {  	[sflag:s19] =	ssyncset.done $0x0  }
0x50: {  	[sflag:s19] =	ssyncadd.s32 $0xFFFFC000  }
0x51: {  	[bflag:$0x0] =	sbarrier.arrive $0xFFFF  }
0x52: {  	_ =	swait.ge [sflag:s20], $0x800  }
0x53: {  	[sflag:s20] =	ssyncset.done $0x0  }
0x54: {  	s9 =	simm.s32 $0x0;
	[sflag:s20] =	ssyncadd.s32 $0xFFFFF800  }
0x55: {  	[tilespmem:s18], [sflag:$0x3] =	stream.indirect.gather [hbm4b:s4+s21], $0x80, s9, s21, $0xb8;
	[tilespmem:$0x1D000] =	vst v63  }
0x56: {  	s10 =	simm.s32 $0x100  }
0x57: {  	[tilespmem:s23], [sflag:$0x4] =	stream.indirect.gather [hbm4b:s4+s21], $0x80, s10, s21, $0xb8;
	[tilespmem:$0x1D000] =	vst v63  }
0x58: {  	_ =	swait.ge [sflag:s24], $0x4000  }
0x59: {  	[sflag:s24] =	ssyncset.done $0x0  }
0x5a: {  	[sflag:s24] =	ssyncadd.s32 $0xFFFFC000  }
0x5b: {  	[spmem:s2] =	stream.indirect.scatter.add.f32 [tilespmem:s18], [sflag:$0x5], $0x80, s21, s21, $0xb8;
	[tilespmem:$0x1D000] =	vst v63  }
0x5c: {  	_ =	swait.ge [sflag:s25], $0x4000  }
0x5d: {  	[sflag:s25] =	ssyncset.done $0x0  }
0x5e: {  	s11 =	rddreg [dreg:$0x5];
	[sflag:s25] =	ssyncadd.s32 $0xFFFFC000  }
0x5f: {  	[tilespmem:s18], [sflag:$0x3] =	stream.indirect.gather [hbm4b:s4+s21], $0x80, s11, s21, $0xb8;
	[tilespmem:$0x1D000] =	vst v63  }
0x60: {  	_ =	swait.ge [sflag:s26], $0x4000  }
0x61: {  	[sflag:s26] =	ssyncset.done $0x0  }
0x62: {  	s17 =	rddreg [dreg:$0x6];
	[sflag:s26] =	ssyncadd.s32 $0xFFFFC000  }
0x63: {  	[spmem:s2] =	stream.indirect.scatter.add.f32 [tilespmem:s23], [sflag:$0x6], $0x80, s17, s21, $0xb8;
	[tilespmem:$0x1D000] =	vst v63  }
0x64: {  	_ =	swait.ge [sflag:s28], $0x4000  }
0x65: {  	[sflag:s28] =	ssyncset.done $0x0  }
0x66: {  	s22 =	rddreg [dreg:$0x7];
	[sflag:s28] =	ssyncadd.s32 $0xFFFFC000  }
0x67: {  	[tilespmem:s23], [sflag:$0x4] =	stream.indirect.gather [hbm4b:s4+s21], $0x80, s22, s21, $0xb8;
	[tilespmem:$0x1D000] =	vst v63  }
0x68: {  	_ =	swait.ge [sflag:s24], $0x4000  }
0x69: {  	[sflag:s24] =	ssyncset.done $0x0  }
0x6a: {  	s1 =	rddreg [dreg:$0x8];
	[sflag:s24] =	ssyncadd.s32 $0xFFFFC000  }
0x6b: {  	[spmem:s2] =	stream.indirect.scatter.add.f32 [tilespmem:s18], [sflag:$0x5], $0x80, s1, s21, $0xb8;
	[tilespmem:$0x1D000] =	vst v63  }
0x6c: {  	_ =	swait.ge [sflag:s25], $0x4000  }
0x6d: {  	[sflag:s25] =	ssyncset.done $0x0  }
0x6e: {  	s3 =	rddreg [dreg:$0x9];
	[sflag:s25] =	ssyncadd.s32 $0xFFFFC000  }
0x6f: {  	[tilespmem:s18], [sflag:$0x3] =	stream.indirect.gather [hbm4b:s4+s21], $0x80, s3, s21, $0xb8;
	[tilespmem:$0x1D000] =	vst v63  }
0x70: {  	_ =	swait.ge [sflag:s26], $0x4000  }
0x71: {  	[sflag:s26] =	ssyncset.done $0x0  }
0x72: {  	s7 =	rddreg [dreg:$0xa];
	[sflag:s26] =	ssyncadd.s32 $0xFFFFC000  }
0x73: {  	[spmem:s2] =	stream.indirect.scatter.add.f32 [tilespmem:s23], [sflag:$0x6], $0x80, s7, s21, $0xb8;
	[tilespmem:$0x1D000] =	vst v63  }
0x74: {  	_ =	swait.ge [sflag:s28], $0x4000  }
0x75: {  	[sflag:s28] =	ssyncset.done $0x0  }
0x76: {  	s9 =	rddreg [dreg:$0xb];
	[sflag:s28] =	ssyncadd.s32 $0xFFFFC000  }
0x77: {  	[tilespmem:s23], [sflag:$0x4] =	stream.indirect.gather [hbm4b:s4+s21], $0x80, s9, s21, $0xb8;
	[tilespmem:$0x1D000] =	vst v63  }
0x78: {  	_ =	swait.ge [sflag:s24], $0x4000  }
0x79: {  	[sflag:s24] =	ssyncset.done $0x0  }
0x7a: {  	s10 =	rddreg [dreg:$0xc];
	[sflag:s24] =	ssyncadd.s32 $0xFFFFC000  }
0x7b: {  	[spmem:s2] =	stream.indirect.scatter.add.f32 [tilespmem:s18], [sflag:$0x5], $0x80, s10, s21, $0xb8;
	[tilespmem:$0x1D000] =	vst v63  }
0x7c: {  	_ =	swait.ge [sflag:s25], $0x4000  }
0x7d: {  	[sflag:s25] =	ssyncset.done $0x0  }
0x7e: {  	s11 =	rddreg [dreg:$0xd];
	[sflag:s25] =	ssyncadd.s32 $0xFFFFC000  }
0x7f: {  	[tilespmem:s18], [sflag:$0x3] =	stream.indirect.gather [hbm4b:s4+s21], $0x80, s11, s21, $0xb8;
	[tilespmem:$0x1D000] =	vst v63  }
0x80: {  	_ =	swait.ge [sflag:s26], $0x4000  }
0x81: {  	[sflag:s26] =	ssyncset.done $0x0  }
0x82: {  	s17 =	rddreg [dreg:$0xe];
	[sflag:s26] =	ssyncadd.s32 $0xFFFFC000  }
0x83: {  	[spmem:s2] =	stream.indirect.scatter.add.f32 [tilespmem:s23], [sflag:$0x6], $0x80, s17, s21, $0xb8;
	[tilespmem:$0x1D000] =	vst v63  }
0x84: {  	_ =	swait.ge [sflag:s28], $0x4000  }
0x85: {  	[sflag:s28] =	ssyncset.done $0x0  }
0x86: {  	s22 =	rddreg [dreg:$0xf];
	[sflag:s28] =	ssyncadd.s32 $0xFFFFC000  }
0x87: {  	[tilespmem:s23], [sflag:$0x4] =	stream.indirect.gather [hbm4b:s4+s21], $0x80, s22, s21, $0xb8;
	[tilespmem:$0x1D000] =	vst v63  }
0x88: {  	_ =	swait.ge [sflag:s24], $0x4000  }
0x89: {  	[sflag:s24] =	ssyncset.done $0x0  }
0x8a: {  	s1 =	rddreg [dreg:$0x10];
	[sflag:s24] =	ssyncadd.s32 $0xFFFFC000  }
0x8b: {  	[spmem:s2] =	stream.indirect.scatter.add.f32 [tilespmem:s18], [sflag:$0x5], $0x80, s1, s21, $0xb8;
	[tilespmem:$0x1D000] =	vst v63  }
0x8c: {  	_ =	swait.ge [sflag:s25], $0x4000  }
0x8d: {  	s3 =	rddreg [dreg:$0x4]  }
0x8e: {  	[sflag:s25] =	ssyncset.done $0x0;
	p0 =	sle.u32 s3, $0x0  }
0x8f: {  	[sflag:s25] =	ssyncadd.s32 $0xFFFFC000;
	s0 =	simm.s32 @p0 $0x4  }
0x90: {  	_ =	swait.ge @p0 [sflag:s0], $0x4000  }
0x91: {  	s1 =	simm.s32 @p0 $0x5000;
	s3 =	simm.s32 @p0 $0x6;
	[sflag:s0] =	ssyncset.done @p0 $0x0  }
0x92: {  	s7 =	simm.s32 @p0 $0x80;
	s9 =	simm.s32 @p0 $0x780;
	[sflag:s0] =	ssyncadd.s32 @p0 $0xFFFFC000  }
0x93: {  	[spmem:s2] =	stream.indirect.scatter.add.f32 @p0 [tilespmem:s1], [sflag:$0x6], $0x80, s9, s7, $0xb8;
	[tilespmem:$0x1D000] =	vst v63  }
0x94: {  	_ =	swait.ge @p0 [sflag:s3], $0x4000  }
0x95: {  	[sflag:s3] =	ssyncset.done @p0 $0x0  }
0x96: {  	s0 =	simm.s32 @!p0 $0x2;
	[sflag:s3] =	ssyncadd.s32 @p0 $0xFFFFC000  }
0x97: {  	_ =	swait.ge @!p0 [sflag:s0], $0x800  }
0x98: {  	s1 =	simm.s32 @!p0 $0x1000;
	s7 =	simm.s32 @!p0 $0x80;
	[sflag:s0] =	ssyncset.done @!p0 $0x0  }
0x99: {  	s9 =	simm.s32 @!p0 $0x800;
	s3 =	simm.s32 @!p0 $0x4;
	[sflag:s0] =	ssyncadd.s32 @!p0 $0xFFFFF800  }
0x9a: {  	[tilespmem:s1], [sflag:$0x3] =	stream.indirect.gather @!p0 [hbm4b:s4+s7], $0x80, s9, s7, $0xb8;
	[tilespmem:$0x1D000] =	vst v63  }
0x9b: {  	_ =	swait.ge @!p0 [sflag:s3], $0x4000  }
0x9c: {  	s0 =	simm.s32 @!p0 $0x6;
	[sflag:s3] =	ssyncset.done @!p0 $0x0  }
0x9d: {  	s1 =	simm.s32 @!p0 $0x780;
	s9 =	simm.s32 @!p0 $0x5000;
	[sflag:s3] =	ssyncadd.s32 @!p0 $0xFFFFC000  }
0x9e: {  	[spmem:s2] =	stream.indirect.scatter.add.f32 @!p0 [tilespmem:s9], [sflag:$0x6], $0x80, s1, s7, $0xb8;
	[tilespmem:$0x1D000] =	vst v63  }
0x9f: {  	_ =	swait.ge @!p0 [sflag:s0], $0x4000  }
0xa0: {  	[sflag:s0] =	ssyncset.done @!p0 $0x0  }
0xa1: {  	p1 =	sle.u32 s5, $0x2;
	s1 =	simm.s32 @!p0 $0x900;
	[sflag:s0] =	ssyncadd.s32 @!p0 $0xFFFFC000  }
0xa2: {  	[tilespmem:s9], [sflag:$0x4] =	stream.indirect.gather @!p0 [hbm4b:s4+s7], $0x80, s1, s7, $0xb8;
	[tilespmem:$0x1D000] =	vst v63  }
0xa3: {  	s0 =	simm.s32 @!p1 $0x0  }
0xa4: {  	[tilespmem:s0], [sflag:$0x1] =	stream.linear.gather @!p1 [hbm4b:s16+s0], $0x800, $0x38;
	[tilespmem:$0x1D000] =	vst v63  }
0xa5: {  	_ =	swait.ge [sflag:s24], $0x4000  }
0xa6: {  	[sflag:s24] =	ssyncset.done $0x0  }
0xa7: {  	s7 =	rddreg [dreg:$0x11];
	[sflag:s24] =	ssyncadd.s32 $0xFFFFC000  }
0xa8: {  	[spmem:s2] =	stream.indirect.scatter.add.f32 [tilespmem:s18], [sflag:$0x5], $0x80, s7, s21, $0xb8;
	[tilespmem:$0x1D000] =	vst v63  }
0xa9: {  	_ =	swait.ge [sflag:s25], $0x4000  }
0xaa: {  	[sflag:s25] =	ssyncset.done $0x0  }
0xab: {  	s9 =	rddreg [dreg:$0x12];
	[sflag:s25] =	ssyncadd.s32 $0xFFFFC000  }
0xac: {  	[tilespmem:s18], [sflag:$0x3] =	stream.indirect.gather [hbm4b:s4+s21], $0x80, s9, s21, $0xb8;
	[tilespmem:$0x1D000] =	vst v63  }
0xad: {  	_ =	swait.ge [sflag:s26], $0x4000  }
0xae: {  	[sflag:s26] =	ssyncset.done $0x0  }
0xaf: {  	s10 =	rddreg [dreg:$0x13];
	[sflag:s26] =	ssyncadd.s32 $0xFFFFC000  }
0xb0: {  	[spmem:s2] =	stream.indirect.scatter.add.f32 [tilespmem:s23], [sflag:$0x6], $0x80, s10, s21, $0xb8;
	[tilespmem:$0x1D000] =	vst v63  }
0xb1: {  	_ =	swait.ge [sflag:s28], $0x4000  }
0xb2: {  	[sflag:s28] =	ssyncset.done $0x0  }
0xb3: {  	s11 =	rddreg [dreg:$0x14];
	[sflag:s28] =	ssyncadd.s32 $0xFFFFC000  }
0xb4: {  	[tilespmem:s23], [sflag:$0x4] =	stream.indirect.gather [hbm4b:s4+s21], $0x80, s11, s21, $0xb8;
	[tilespmem:$0x1D000] =	vst v63  }
0xb5: {  	_ =	swait.ge [sflag:s24], $0x4000  }
0xb6: {  	[sflag:s24] =	ssyncset.done $0x0  }
0xb7: {  	s17 =	rddreg [dreg:$0x15];
	[sflag:s24] =	ssyncadd.s32 $0xFFFFC000  }
0xb8: {  	[spmem:s2] =	stream.indirect.scatter.add.f32 [tilespmem:s18], [sflag:$0x5], $0x80, s17, s21, $0xb8;
	[tilespmem:$0x1D000] =	vst v63  }
0xb9: {  	_ =	swait.ge [sflag:s25], $0x4000  }
0xba: {  	[sflag:s25] =	ssyncset.done $0x0  }
0xbb: {  	s22 =	rddreg [dreg:$0x16];
	[sflag:s25] =	ssyncadd.s32 $0xFFFFC000  }
0xbc: {  	[tilespmem:s18], [sflag:$0x3] =	stream.indirect.gather [hbm4b:s4+s21], $0x80, s22, s21, $0xb8;
	[tilespmem:$0x1D000] =	vst v63  }
0xbd: {  	_ =	swait.ge [sflag:s26], $0x4000  }
0xbe: {  	[sflag:s26] =	ssyncset.done $0x0  }
0xbf: {  	s3 =	rddreg [dreg:$0x17];
	[sflag:s26] =	ssyncadd.s32 $0xFFFFC000  }
0xc0: {  	[spmem:s2] =	stream.indirect.scatter.add.f32 [tilespmem:s23], [sflag:$0x6], $0x80, s3, s21, $0xb8;
	[tilespmem:$0x1D000] =	vst v63  }
0xc1: {  	_ =	swait.ge [sflag:s28], $0x4000  }
0xc2: {  	[sflag:s28] =	ssyncset.done $0x0  }
0xc3: {  	s7 =	rddreg [dreg:$0x18];
	[sflag:s28] =	ssyncadd.s32 $0xFFFFC000  }
0xc4: {  	[tilespmem:s23], [sflag:$0x4] =	stream.indirect.gather [hbm4b:s4+s21], $0x80, s7, s21, $0xb8;
	[tilespmem:$0x1D000] =	vst v63  }
0xc5: {  	_ =	swait.ge [sflag:s24], $0x4000  }
0xc6: {  	[sflag:s24] =	ssyncset.done $0x0  }
0xc7: {  	s9 =	rddreg [dreg:$0x19];
	[sflag:s24] =	ssyncadd.s32 $0xFFFFC000  }
0xc8: {  	[spmem:s2] =	stream.indirect.scatter.add.f32 [tilespmem:s18], [sflag:$0x5], $0x80, s9, s21, $0xb8;
	[tilespmem:$0x1D000] =	vst v63  }
0xc9: {  	_ =	swait.ge [sflag:s25], $0x4000  }
0xca: {  	[sflag:s25] =	ssyncset.done $0x0  }
0xcb: {  	s10 =	rddreg [dreg:$0x1a];
	[sflag:s25] =	ssyncadd.s32 $0xFFFFC000  }
0xcc: {  	[tilespmem:s18], [sflag:$0x3] =	stream.indirect.gather [hbm4b:s4+s21], $0x80, s10, s21, $0xb8;
	[tilespmem:$0x1D000] =	vst v63  }
0xcd: {  	_ =	swait.ge [sflag:s26], $0x4000  }
0xce: {  	[sflag:s26] =	ssyncset.done $0x0  }
0xcf: {  	s11 =	rddreg [dreg:$0x1b];
	[sflag:s26] =	ssyncadd.s32 $0xFFFFC000  }
0xd0: {  	[spmem:s2] =	stream.indirect.scatter.add.f32 [tilespmem:s23], [sflag:$0x6], $0x80, s11, s21, $0xb8;
	[tilespmem:$0x1D000] =	vst v63  }
0xd1: {  	_ =	swait.ge [sflag:s28], $0x4000  }
0xd2: {  	[sflag:s28] =	ssyncset.done $0x0  }
0xd3: {  	s17 =	rddreg [dreg:$0x1c];
	[sflag:s28] =	ssyncadd.s32 $0xFFFFC000  }
0xd4: {  	[tilespmem:s23], [sflag:$0x4] =	stream.indirect.gather [hbm4b:s4+s21], $0x80, s17, s21, $0xb8;
	[tilespmem:$0x1D000] =	vst v63  }
0xd5: {  	_ =	swait.ge [sflag:s24], $0x4000  }
0xd6: {  	[sflag:s24] =	ssyncset.done $0x0  }
0xd7: {  	s22 =	rddreg [dreg:$0x1d];
	[sflag:s24] =	ssyncadd.s32 $0xFFFFC000  }
0xd8: {  	[spmem:s2] =	stream.indirect.scatter.add.f32 [tilespmem:s18], [sflag:$0x5], $0x80, s22, s21, $0xb8;
	[tilespmem:$0x1D000] =	vst v63  }
0xd9: {  	_ =	swait.ge [sflag:s25], $0x4000  }
0xda: {  	[sflag:s25] =	ssyncset.done $0x0  }
0xdb: {  	s1 =	simm.s32 @p1 $0x4;
	[sflag:s25] =	ssyncadd.s32 $0xFFFFC000  }
0xdc: {  	_ =	swait.ge @p1 [sflag:s1], $0x4000  }
0xdd: {  	s3 =	simm.s32 @p1 $0x5000;
	s7 =	simm.s32 @p1 $0x80;
	[sflag:s1] =	ssyncset.done @p1 $0x0  }
0xde: {  	s9 =	simm.s32 @p1 $0xF80;
	[sflag:s1] =	ssyncadd.s32 @p1 $0xFFFFC000;
	s1 =	simm.s32 @p1 $0x6  }
0xdf: {  	[spmem:s2] =	stream.indirect.scatter.add.f32 @p1 [tilespmem:s3], [sflag:$0x6], $0x80, s9, s7, $0xb8;
	[tilespmem:$0x1D000] =	vst v63  }
0xe0: {  	_ =	swait.ge @p1 [sflag:s1], $0x4000  }
0xe1: {  	[sflag:s1] =	ssyncset.done @p1 $0x0  }
0xe2: {  	s7 =	simm.s32 @!p1 $0x1;
	[sflag:s1] =	ssyncadd.s32 @p1 $0xFFFFC000  }
0xe3: {  	_ =	swait.ge @!p1 [sflag:s7], $0x800  }
0xe4: {  	s30 =	sadd.s32 $0xFFFFFFFF, s13;
	s3 =	simm.s32 @!p1 $0x80;
	[sflag:s7] =	ssyncset.done @!p1 $0x0  }
0xe5: {  	s1 =	simm.s32 @!p1 $0x1000;
	[sflag:s7] =	ssyncadd.s32 @!p1 $0xFFFFF800;
	s7 =	simm.s32 @!p1 $0x4  }
0xe6: {  	[tilespmem:s1], [sflag:$0x3] =	stream.indirect.gather @!p1 [hbm4b:s4+s3], $0x80, s0, s3, $0xb8;
	[tilespmem:$0x1D000] =	vst v63  }
0xe7: {  	p2 =	sle.u32 s5, $0x3;
	p0 =	sne.s32 s30, $0x0;
	_ =	swait.ge @!p1 [sflag:s7], $0x4000  }
0xe8: {  	s9 =	simm.s32 @!p1 $0x6;
	s0 =	simm.s32 @!p1 $0xF80;
	[sflag:s7] =	ssyncset.done @!p1 $0x0  }
.Ltmp1:
0xe9: {  	s1 =	simm.s32 @!p1 $0x5000;
	[sflag:s7] =	ssyncadd.s32 @!p1 $0xFFFFC000;
	(pc) =	sbr.rel @!p0 .LBB2_5-.Ltmp1, $4  }
0xea: {  	[spmem:s2] =	stream.indirect.scatter.add.f32 @!p1 [tilespmem:s1], [sflag:$0x6], $0x80, s0, s3, $0xb8;
	[tilespmem:$0x1D000] =	vst v63  }
0xeb: {  	s31 =	simm.s32 $0x2;
	s10 =	simm.s32 @!p2 $0x0;
	_ =	swait.ge @!p1 [sflag:s9], $0x4000  }
0xec: {  	s11 =	simm.s32 @!p2 $0x800;
	s7 =	simm.s32 @!p1 $0x100;
	[sflag:s9] =	ssyncset.done @!p1 $0x0  }
0xed: {  	s0 =	sadd.s32 $0x200, s16;
	[sflag:s9] =	ssyncadd.s32 @!p1 $0xFFFFC000;
	s9 =	sadd.s32 @!p2 $0x100, s16  }
.LBB2_4:
0xee: {  	[tilespmem:s1], [sflag:$0x4] =	stream.indirect.gather @!p1 [hbm4b:s4+s3], $0x80, s7, s3, $0xb8;
	[tilespmem:$0x1D000] =	vst v63  }
0xef: {  	_ = 	snop  }
0xf0: {  	[tilespmem:s11], [sflag:$0x2] =	stream.linear.gather @!p2 [hbm4b:s9+s10], $0x800, $0x38;
	[tilespmem:$0x1D000] =	vst v63  }
0xf1: {  	_ =	swait.ge [sflag:s24], $0x4000  }
0xf2: {  	[sflag:s24] =	ssyncset.done $0x0  }
0xf3: {  	[sflag:s24] =	ssyncadd.s32 $0xFFFFC000  }
0xf4: {  	[spmem:s2] =	stream.indirect.scatter.add.f32 [tilespmem:s18], [sflag:$0x5], $0x80, s21, s21, $0xb8;
	[tilespmem:$0x1D000] =	vst v63  }
0xf5: {  	_ =	swait.ge [sflag:s25], $0x4000  }
0xf6: {  	[sflag:s25] =	ssyncset.done $0x0  }
0xf7: {  	s7 =	rddreg [dreg:$0x5];
	[sflag:s25] =	ssyncadd.s32 $0xFFFFC000  }
0xf8: {  	[tilespmem:s18], [sflag:$0x3] =	stream.indirect.gather [hbm4b:s4+s21], $0x80, s7, s21, $0xb8;
	[tilespmem:$0x1D000] =	vst v63  }
0xf9: {  	_ =	swait.ge [sflag:s26], $0x4000  }
0xfa: {  	[sflag:s26] =	ssyncset.done $0x0  }
0xfb: {  	s9 =	rddreg [dreg:$0x6];
	[sflag:s26] =	ssyncadd.s32 $0xFFFFC000  }
0xfc: {  	[spmem:s2] =	stream.indirect.scatter.add.f32 [tilespmem:s23], [sflag:$0x6], $0x80, s9, s21, $0xb8;
	[tilespmem:$0x1D000] =	vst v63  }
0xfd: {  	_ =	swait.ge [sflag:s28], $0x4000  }
0xfe: {  	[sflag:s28] =	ssyncset.done $0x0  }
0xff: {  	s10 =	rddreg [dreg:$0x7];
	[sflag:s28] =	ssyncadd.s32 $0xFFFFC000  }
0x100: {  	[tilespmem:s23], [sflag:$0x4] =	stream.indirect.gather [hbm4b:s4+s21], $0x80, s10, s21, $0xb8;
	[tilespmem:$0x1D000] =	vst v63  }
0x101: {  	_ =	swait.ge [sflag:s24], $0x4000  }
0x102: {  	[sflag:s24] =	ssyncset.done $0x0  }
0x103: {  	s11 =	rddreg [dreg:$0x8];
	[sflag:s24] =	ssyncadd.s32 $0xFFFFC000  }
0x104: {  	[spmem:s2] =	stream.indirect.scatter.add.f32 [tilespmem:s18], [sflag:$0x5], $0x80, s11, s21, $0xb8;
	[tilespmem:$0x1D000] =	vst v63  }
0x105: {  	_ =	swait.ge [sflag:s25], $0x4000  }
0x106: {  	[sflag:s25] =	ssyncset.done $0x0  }
0x107: {  	s3 =	rddreg [dreg:$0x9];
	[sflag:s25] =	ssyncadd.s32 $0xFFFFC000  }
0x108: {  	[tilespmem:s18], [sflag:$0x3] =	stream.indirect.gather [hbm4b:s4+s21], $0x80, s3, s21, $0xb8;
	[tilespmem:$0x1D000] =	vst v63  }
0x109: {  	_ =	swait.ge [sflag:s26], $0x4000  }
0x10a: {  	[sflag:s26] =	ssyncset.done $0x0  }
0x10b: {  	s7 =	rddreg [dreg:$0xa];
	[sflag:s26] =	ssyncadd.s32 $0xFFFFC000  }
0x10c: {  	[spmem:s2] =	stream.indirect.scatter.add.f32 [tilespmem:s23], [sflag:$0x6], $0x80, s7, s21, $0xb8;
	[tilespmem:$0x1D000] =	vst v63  }
0x10d: {  	_ =	swait.ge [sflag:s28], $0x4000  }
0x10e: {  	[sflag:s28] =	ssyncset.done $0x0  }
0x10f: {  	s9 =	rddreg [dreg:$0xb];
	[sflag:s28] =	ssyncadd.s32 $0xFFFFC000  }
0x110: {  	[tilespmem:s23], [sflag:$0x4] =	stream.indirect.gather [hbm4b:s4+s21], $0x80, s9, s21, $0xb8;
	[tilespmem:$0x1D000] =	vst v63  }
0x111: {  	_ =	swait.ge [sflag:s24], $0x4000  }
0x112: {  	[sflag:s24] =	ssyncset.done $0x0  }
0x113: {  	s10 =	rddreg [dreg:$0xc];
	[sflag:s24] =	ssyncadd.s32 $0xFFFFC000  }
0x114: {  	[spmem:s2] =	stream.indirect.scatter.add.f32 [tilespmem:s18], [sflag:$0x5], $0x80, s10, s21, $0xb8;
	[tilespmem:$0x1D000] =	vst v63  }
0x115: {  	_ =	swait.ge [sflag:s25], $0x4000  }
0x116: {  	[sflag:s25] =	ssyncset.done $0x0  }
0x117: {  	s11 =	rddreg [dreg:$0xd];
	[sflag:s25] =	ssyncadd.s32 $0xFFFFC000  }
0x118: {  	[tilespmem:s18], [sflag:$0x3] =	stream.indirect.gather [hbm4b:s4+s21], $0x80, s11, s21, $0xb8;
	[tilespmem:$0x1D000] =	vst v63  }
0x119: {  	_ =	swait.ge [sflag:s26], $0x4000  }
0x11a: {  	[sflag:s26] =	ssyncset.done $0x0  }
0x11b: {  	s3 =	rddreg [dreg:$0xe];
	[sflag:s26] =	ssyncadd.s32 $0xFFFFC000  }
0x11c: {  	[spmem:s2] =	stream.indirect.scatter.add.f32 [tilespmem:s23], [sflag:$0x6], $0x80, s3, s21, $0xb8;
	[tilespmem:$0x1D000] =	vst v63  }
0x11d: {  	_ =	swait.ge [sflag:s28], $0x4000  }
0x11e: {  	[sflag:s28] =	ssyncset.done $0x0  }
0x11f: {  	s7 =	rddreg [dreg:$0xf];
	[sflag:s28] =	ssyncadd.s32 $0xFFFFC000  }
0x120: {  	[tilespmem:s23], [sflag:$0x4] =	stream.indirect.gather [hbm4b:s4+s21], $0x80, s7, s21, $0xb8;
	[tilespmem:$0x1D000] =	vst v63  }
0x121: {  	_ =	swait.ge [sflag:s24], $0x4000  }
0x122: {  	[sflag:s24] =	ssyncset.done $0x0  }
0x123: {  	s9 =	rddreg [dreg:$0x10];
	[sflag:s24] =	ssyncadd.s32 $0xFFFFC000  }
0x124: {  	[spmem:s2] =	stream.indirect.scatter.add.f32 [tilespmem:s18], [sflag:$0x5], $0x80, s9, s21, $0xb8;
	[tilespmem:$0x1D000] =	vst v63  }
0x125: {  	_ =	swait.ge [sflag:s25], $0x4000  }
0x126: {  	s10 =	rddreg [dreg:$0x4]  }
0x127: {  	[sflag:s25] =	ssyncset.done $0x0;
	p2 =	sge.u32 s31, s10  }
0x128: {  	[sflag:s25] =	ssyncadd.s32 $0xFFFFC000;
	s1 =	simm.s32 @p2 $0x4  }
0x129: {  	_ =	swait.ge @p2 [sflag:s1], $0x4000  }
0x12a: {  	s3 =	simm.s32 @p2 $0x5000;
	s7 =	simm.s32 @p2 $0x6;
	[sflag:s1] =	ssyncset.done @p2 $0x0  }
0x12b: {  	s9 =	simm.s32 @p2 $0x80;
	s10 =	simm.s32 @p2 $0x780;
	[sflag:s1] =	ssyncadd.s32 @p2 $0xFFFFC000  }
0x12c: {  	[spmem:s2] =	stream.indirect.scatter.add.f32 @p2 [tilespmem:s3], [sflag:$0x6], $0x80, s10, s9, $0xb8;
	[tilespmem:$0x1D000] =	vst v63  }
0x12d: {  	_ =	swait.ge @p2 [sflag:s7], $0x4000  }
0x12e: {  	[sflag:s7] =	ssyncset.done @p2 $0x0  }
0x12f: {  	s1 =	simm.s32 @!p2 $0x2;
	[sflag:s7] =	ssyncadd.s32 @p2 $0xFFFFC000  }
0x130: {  	_ =	swait.ge @!p2 [sflag:s1], $0x800  }
0x131: {  	s3 =	simm.s32 @!p2 $0x1000;
	s9 =	simm.s32 @!p2 $0x80;
	[sflag:s1] =	ssyncset.done @!p2 $0x0  }
0x132: {  	s10 =	simm.s32 @!p2 $0x800;
	s7 =	simm.s32 @!p2 $0x4;
	[sflag:s1] =	ssyncadd.s32 @!p2 $0xFFFFF800  }
0x133: {  	[tilespmem:s3], [sflag:$0x3] =	stream.indirect.gather @!p2 [hbm4b:s4+s9], $0x80, s10, s9, $0xb8;
	[tilespmem:$0x1D000] =	vst v63  }
0x134: {  	_ =	swait.ge @!p2 [sflag:s7], $0x4000  }
0x135: {  	s1 =	simm.s32 @!p2 $0x6;
	[sflag:s7] =	ssyncset.done @!p2 $0x0  }
0x136: {  	s3 =	simm.s32 @!p2 $0x780;
	s10 =	simm.s32 @!p2 $0x5000;
	[sflag:s7] =	ssyncadd.s32 @!p2 $0xFFFFC000  }
0x137: {  	[spmem:s2] =	stream.indirect.scatter.add.f32 @!p2 [tilespmem:s10], [sflag:$0x6], $0x80, s3, s9, $0xb8;
	[tilespmem:$0x1D000] =	vst v63  }
0x138: {  	_ =	swait.ge @!p2 [sflag:s1], $0x4000  }
0x139: {  	s22 =	smov.u32 s31;
	s31 =	sadd.s32 $0x2, s31;
	[sflag:s1] =	ssyncset.done @!p2 $0x0  }
0x13a: {  	p1 =	sge.u32 s31, s5;
	s3 =	simm.s32 @!p2 $0x900;
	[sflag:s1] =	ssyncadd.s32 @!p2 $0xFFFFC000  }
0x13b: {  	[tilespmem:s10], [sflag:$0x4] =	stream.indirect.gather @!p2 [hbm4b:s4+s9], $0x80, s3, s9, $0xb8;
	[tilespmem:$0x1D000] =	vst v63  }
0x13c: {  	s1 =	simm.s32 @!p1 $0x0  }
0x13d: {  	[tilespmem:s1], [sflag:$0x1] =	stream.linear.gather @!p1 [hbm4b:s0+s1], $0x800, $0x38;
	[tilespmem:$0x1D000] =	vst v63  }
0x13e: {  	_ =	swait.ge [sflag:s24], $0x4000  }
0x13f: {  	[sflag:s24] =	ssyncset.done $0x0  }
0x140: {  	s11 =	rddreg [dreg:$0x11];
	[sflag:s24] =	ssyncadd.s32 $0xFFFFC000  }
0x141: {  	[spmem:s2] =	stream.indirect.scatter.add.f32 [tilespmem:s18], [sflag:$0x5], $0x80, s11, s21, $0xb8;
	[tilespmem:$0x1D000] =	vst v63  }
0x142: {  	_ =	swait.ge [sflag:s25], $0x4000  }
0x143: {  	[sflag:s25] =	ssyncset.done $0x0  }
0x144: {  	s7 =	rddreg [dreg:$0x12];
	[sflag:s25] =	ssyncadd.s32 $0xFFFFC000  }
0x145: {  	[tilespmem:s18], [sflag:$0x3] =	stream.indirect.gather [hbm4b:s4+s21], $0x80, s7, s21, $0xb8;
	[tilespmem:$0x1D000] =	vst v63  }
0x146: {  	_ =	swait.ge [sflag:s26], $0x4000  }
0x147: {  	[sflag:s26] =	ssyncset.done $0x0  }
0x148: {  	s9 =	rddreg [dreg:$0x13];
	[sflag:s26] =	ssyncadd.s32 $0xFFFFC000  }
0x149: {  	[spmem:s2] =	stream.indirect.scatter.add.f32 [tilespmem:s23], [sflag:$0x6], $0x80, s9, s21, $0xb8;
	[tilespmem:$0x1D000] =	vst v63  }
0x14a: {  	_ =	swait.ge [sflag:s28], $0x4000  }
0x14b: {  	[sflag:s28] =	ssyncset.done $0x0  }
0x14c: {  	s10 =	rddreg [dreg:$0x14];
	[sflag:s28] =	ssyncadd.s32 $0xFFFFC000  }
0x14d: {  	[tilespmem:s23], [sflag:$0x4] =	stream.indirect.gather [hbm4b:s4+s21], $0x80, s10, s21, $0xb8;
	[tilespmem:$0x1D000] =	vst v63  }
0x14e: {  	_ =	swait.ge [sflag:s24], $0x4000  }
0x14f: {  	[sflag:s24] =	ssyncset.done $0x0  }
0x150: {  	s11 =	rddreg [dreg:$0x15];
	[sflag:s24] =	ssyncadd.s32 $0xFFFFC000  }
0x151: {  	[spmem:s2] =	stream.indirect.scatter.add.f32 [tilespmem:s18], [sflag:$0x5], $0x80, s11, s21, $0xb8;
	[tilespmem:$0x1D000] =	vst v63  }
0x152: {  	_ =	swait.ge [sflag:s25], $0x4000  }
0x153: {  	[sflag:s25] =	ssyncset.done $0x0  }
0x154: {  	s7 =	rddreg [dreg:$0x16];
	[sflag:s25] =	ssyncadd.s32 $0xFFFFC000  }
0x155: {  	[tilespmem:s18], [sflag:$0x3] =	stream.indirect.gather [hbm4b:s4+s21], $0x80, s7, s21, $0xb8;
	[tilespmem:$0x1D000] =	vst v63  }
0x156: {  	_ =	swait.ge [sflag:s26], $0x4000  }
0x157: {  	[sflag:s26] =	ssyncset.done $0x0  }
0x158: {  	s9 =	rddreg [dreg:$0x17];
	[sflag:s26] =	ssyncadd.s32 $0xFFFFC000  }
0x159: {  	[spmem:s2] =	stream.indirect.scatter.add.f32 [tilespmem:s23], [sflag:$0x6], $0x80, s9, s21, $0xb8;
	[tilespmem:$0x1D000] =	vst v63  }
0x15a: {  	_ =	swait.ge [sflag:s28], $0x4000  }
0x15b: {  	[sflag:s28] =	ssyncset.done $0x0  }
0x15c: {  	s10 =	rddreg [dreg:$0x18];
	[sflag:s28] =	ssyncadd.s32 $0xFFFFC000  }
0x15d: {  	[tilespmem:s23], [sflag:$0x4] =	stream.indirect.gather [hbm4b:s4+s21], $0x80, s10, s21, $0xb8;
	[tilespmem:$0x1D000] =	vst v63  }
0x15e: {  	_ =	swait.ge [sflag:s24], $0x4000  }
0x15f: {  	[sflag:s24] =	ssyncset.done $0x0  }
0x160: {  	s11 =	rddreg [dreg:$0x19];
	[sflag:s24] =	ssyncadd.s32 $0xFFFFC000  }
0x161: {  	[spmem:s2] =	stream.indirect.scatter.add.f32 [tilespmem:s18], [sflag:$0x5], $0x80, s11, s21, $0xb8;
	[tilespmem:$0x1D000] =	vst v63  }
0x162: {  	_ =	swait.ge [sflag:s25], $0x4000  }
0x163: {  	[sflag:s25] =	ssyncset.done $0x0  }
0x164: {  	s7 =	rddreg [dreg:$0x1a];
	[sflag:s25] =	ssyncadd.s32 $0xFFFFC000  }
0x165: {  	[tilespmem:s18], [sflag:$0x3] =	stream.indirect.gather [hbm4b:s4+s21], $0x80, s7, s21, $0xb8;
	[tilespmem:$0x1D000] =	vst v63  }
0x166: {  	_ =	swait.ge [sflag:s26], $0x4000  }
0x167: {  	[sflag:s26] =	ssyncset.done $0x0  }
0x168: {  	s9 =	rddreg [dreg:$0x1b];
	[sflag:s26] =	ssyncadd.s32 $0xFFFFC000  }
0x169: {  	[spmem:s2] =	stream.indirect.scatter.add.f32 [tilespmem:s23], [sflag:$0x6], $0x80, s9, s21, $0xb8;
	[tilespmem:$0x1D000] =	vst v63  }
0x16a: {  	_ =	swait.ge [sflag:s28], $0x4000  }
0x16b: {  	[sflag:s28] =	ssyncset.done $0x0  }
0x16c: {  	s10 =	rddreg [dreg:$0x1c];
	[sflag:s28] =	ssyncadd.s32 $0xFFFFC000  }
0x16d: {  	[tilespmem:s23], [sflag:$0x4] =	stream.indirect.gather [hbm4b:s4+s21], $0x80, s10, s21, $0xb8;
	[tilespmem:$0x1D000] =	vst v63  }
0x16e: {  	_ =	swait.ge [sflag:s24], $0x4000  }
0x16f: {  	[sflag:s24] =	ssyncset.done $0x0  }
0x170: {  	s11 =	rddreg [dreg:$0x1d];
	[sflag:s24] =	ssyncadd.s32 $0xFFFFC000  }
0x171: {  	[spmem:s2] =	stream.indirect.scatter.add.f32 [tilespmem:s18], [sflag:$0x5], $0x80, s11, s21, $0xb8;
	[tilespmem:$0x1D000] =	vst v63  }
0x172: {  	_ =	swait.ge [sflag:s25], $0x4000  }
0x173: {  	[sflag:s25] =	ssyncset.done $0x0  }
0x174: {  	s3 =	simm.s32 @p1 $0x4;
	[sflag:s25] =	ssyncadd.s32 $0xFFFFC000  }
0x175: {  	_ =	swait.ge @p1 [sflag:s3], $0x4000  }
0x176: {  	s7 =	simm.s32 @p1 $0x5000;
	s9 =	simm.s32 @p1 $0x80;
	[sflag:s3] =	ssyncset.done @p1 $0x0  }
0x177: {  	s10 =	simm.s32 @p1 $0xF80;
	[sflag:s3] =	ssyncadd.s32 @p1 $0xFFFFC000;
	s3 =	simm.s32 @p1 $0x6  }
0x178: {  	[spmem:s2] =	stream.indirect.scatter.add.f32 @p1 [tilespmem:s7], [sflag:$0x6], $0x80, s10, s9, $0xb8;
	[tilespmem:$0x1D000] =	vst v63  }
0x179: {  	_ =	swait.ge @p1 [sflag:s3], $0x4000  }
0x17a: {  	[sflag:s3] =	ssyncset.done @p1 $0x0  }
0x17b: {  	s7 =	simm.s32 @!p1 $0x1;
	[sflag:s3] =	ssyncadd.s32 @p1 $0xFFFFC000  }
0x17c: {  	s30 =	sadd.s32 $0xFFFFFFFF, s30;
	_ =	swait.ge @!p1 [sflag:s7], $0x800  }
0x17d: {  	s17 =	smov.u32 s0;
	s9 =	simm.s32 @!p1 $0x1000;
	[sflag:s7] =	ssyncset.done @!p1 $0x0  }
0x17e: {  	s3 =	simm.s32 @!p1 $0x80;
	[sflag:s7] =	ssyncadd.s32 @!p1 $0xFFFFF800;
	s7 =	simm.s32 @!p1 $0x4  }
0x17f: {  	[tilespmem:s9], [sflag:$0x3] =	stream.indirect.gather @!p1 [hbm4b:s4+s3], $0x80, s1, s3, $0xb8;
	[tilespmem:$0x1D000] =	vst v63  }
0x180: {  	p0 =	sne.s32 s30, $0x0;
	s22 =	sadd.s32 $0x3, s22;
	_ =	swait.ge @!p1 [sflag:s7], $0x4000  }
0x181: {  	s10 =	simm.s32 @!p1 $0x6;
	s9 =	simm.s32 @!p1 $0xF80;
	[sflag:s7] =	ssyncset.done @!p1 $0x0  }
.Ltmp2:
0x182: {  	s1 =	simm.s32 @!p1 $0x5000;
	[sflag:s7] =	ssyncadd.s32 @!p1 $0xFFFFC000;
	(pc) =	sbr.rel @p0 .LBB2_4-.Ltmp2, $4  }
0x183: {  	[spmem:s2] =	stream.indirect.scatter.add.f32 @!p1 [tilespmem:s1], [sflag:$0x6], $0x80, s9, s3, $0xb8;
	[tilespmem:$0x1D000] =	vst v63  }
0x184: {  	p2 =	sge.u32 s22, s5;
	s0 =	sadd.s32 $0x200, s0;
	_ =	swait.ge @!p1 [sflag:s10], $0x4000  }
0x185: {  	s11 =	simm.s32 @!p2 $0x800;
	s7 =	simm.s32 @!p1 $0x100;
	[sflag:s10] =	ssyncset.done @!p1 $0x0  }
0x186: {  	s9 =	sadd.s32 @!p2 $0x100, s17;
	[sflag:s10] =	ssyncadd.s32 @!p1 $0xFFFFC000;
	s10 =	simm.s32 @!p2 $0x0  }
.LBB2_5:
0x187: {  	[tilespmem:s1], [sflag:$0x4] =	stream.indirect.gather @!p1 [hbm4b:s4+s3], $0x80, s7, s3, $0xb8;
	[tilespmem:$0x1D000] =	vst v63  }
0x188: {  	s0 =	stileid.u32;
	s29 =	sadd.s32 $0x1, s29  }
0x189: {  	s31 =	sshrl.u32 s8, $0x3;
	s0 =	sshll.u32 s0, $0x6;
	p0 =	sne.s32 s29, s15  }
0x18a: {  	[tilespmem:s11], [sflag:$0x2] =	stream.linear.gather @!p2 [hbm4b:s9+s10], $0x800, $0x38;
	[tilespmem:$0x1D000] =	vst v63  }
.Ltmp3:
0x18b: {  	s0 =	sor.u32 $0x1C07, s0;
	[bflag:$0x0] =	sbarrier.arrive $0xFFFF;
	(pc) =	sbr.rel @p0 .LBB2_1-.Ltmp3, $4  }
0x18c: {  	[hbm:s14], [sflag:s0] =	dma.local [spmem:s31], $0x2800  }
0x18d: {  	_ =	swait.ge [sflag:s19], $0x2800  }
0x18e: {  	[sflag:s19] =	ssyncset.done $0x0  }
0x18f: {  	[sflag:s19] =	ssyncadd.s32 $0xFFFFD800  }
0x190: {  	_ =	sfence.sel $0x180000  }
0x191: {  	[bflag:$0x0] =	sbarrier.arrive $0xFFFF  }
0x192: {  	_ =	strace $0x9000004A  }
0x193: {  	s0 =	stileid.u32;
	[bflag:$0x2] =	sbarrier.arrive $0xFFFF  }
0x194: {  	p0 =	sne.s32 s0, $0x0;
	s0 =	rddreg [dreg:$0x3]  }
0x195: {  	s0 =	sadd.s32 @!p0 $0x100000, s0  }
0x196: {  	[sflag:s0] =	ssyncadd.tile.s32 @!p0 $0x1;
	_ =	shalt  }
.Lfunc_end2:
_tile_overlayer_lowered:
.L_overlay_start_2:
0x197: {  	(tag) =	ssettag $0x2  }
0x198: {  	s0 =	rddreg [dreg:$0x0];
	s2 =	stileid.u32  }
0x199: {  	s1 =	rddreg [dreg:$0x1];
	p0 =	sne.s32 s2, $0x0  }
0x19a: {  	s3 =	rddreg [dreg:$0x2];
	[bflag:$0x3] =	sbarrier.arrive $0xFFFF;
	s2 =	simm.s32 @!p0 $0x1C07  }
0x19b: {  	[timem:s3], [sflag:s2] =	dma.local @!p0 [hbm:s0], s1  }
0x19c: {  	s0 =	simm.s32 @!p0 $0x7  }
0x19d: {  	_ =	swait.ge @!p0 [sflag:s0], s1  }
0x19e: {  	s1 =	ssub.s32 @!p0 $0x0, s1;
	[sflag:s0] =	ssyncset.done @!p0 $0x0  }
0x19f: {  	[sflag:s0] =	ssyncadd.s32 @!p0 s1  }
0x1a0: {  	[bflag:$0x3] =	sbarrier.arrive $0xFFFF  }
0x1a1: {  	_ =	shalt  }

// kernel: kernel.7.cloned.1.call-start
scs
__scs_entry_jumppad:
0x0: {  	(pc) =	sbr.rel $0x88, $3  }
0x1: {  	(tag) =	ssettag $0x0;
	lr =	simm.s32 $0x1  }
0x2: {  	[smem:$0x3F99] =	sst lr;
	_ =	strace $0xD0000000  }
0x3: {  	_ = 	snop  }
0x4: {  	_ = 	snop  }
0x5: {  	_ = 	snop  }
0x6: {  	_ = 	snop  }
0x7: {  	_ = 	snop  }
__scs_overlays_trampoline_lowered:
0x8: {  	[smem:$0x3FA8] =	sst s0  }
0x9: {  	[smem:$0x3FA9] =	sst s1  }
0xa: {  	[smem:$0x3FAA] =	sst s2  }
0xb: {  	[smem:$0x3FAB] =	sst s3  }
0xc: {  	[smem:$0x3FAC] =	sst s4  }
0xd: {  	[smem:$0x3FAD] =	sst s5  }
0xe: {  	[smem:$0x3FAE] =	sst s6  }
0xf: {  	[smem:$0x3FAF] =	sst s7  }
0x10: {  	[smem:$0x3FB0] =	sst s8  }
0x11: {  	[smem:$0x3FB1] =	sst s9;
	s0 =	simm.s32 @!p0 $0x0  }
0x12: {  	s1 =	sld [smem:$0x3F97];
	s0 =	simm.s32 @p0 $0x1  }
0x13: {  	[smem:$0x3FB2] =	sst s0;
	s0 =	simm.s32 @!p1 $0x0  }
0x14: {  	s2 =	sld [smem:$0x3F96];
	s0 =	simm.s32 @p1 $0x1  }
0x15: {  	[smem:$0x3FB3] =	sst s0;
	s0 =	simm.s32 @!p2 $0x0  }
0x16: {  	s3 =	sld [smem:$0x3FDB];
	s0 =	simm.s32 @p2 $0x1  }
0x17: {  	s4 =	simm.s32 $0x1BF5;
	[smem:$0x3FB5] =	sst s0  }
0x18: {  	s0 =	sld [smem:$0x3F98];
	_ =	swait.ge [sflag:s4], $0x0  }
0x19: {  	s7 =	sld [smem:$0x3F99]  }
0x1a: {  	s8 =	sadd.s32 $0xFFFFE003, lr  }
0x1b: {  	s9 =	sadd.s32 $0xFFFFFEF7, lr;
	s5 =	simm.s32 $0xFFFFFFFF;
	p2 =	slt.u32 s8, $0xFFFFF086  }
0x1c: {  	p1 =	slt.u32 s9, $0xF7A;
	s5 =	simm.s32 @!p2 $0x0  }
0x1d: {  	s5 =	simm.s32 @p1 $0x1;
	p0 =	seq.s32 s7, s2  }
0x1e: {  	s7 =	smul.u32 @!p0 $0xF7A, s2;
	p2 =	seq.s32 @!p0 s5, $0x0  }
0x1f: {  	s9 =	smul.u32 $0xF7A, s1;
	s8 =	simm.s32 @!p0 $0x1BF5;
	p2 =	por !p2, p0  }
0x20: {  	[sflag:s8] =	ssyncset.s32 @!p0 $0xFFFFF086;
	s6 =	sadd.s32 @!p0 s3, s7;
	s7 =	simm.s32 @!p0 $0x108  }
0x21: {  	s3 =	sadd.s32 s3, s9;
	s6 =	sadd.s32 @!p0 $0x88, s6;
	s7 =	simm.s32 @p2 $0x1082  }
0x22: {  	[simem:s7], [sflag:s8] =	dma.local @!p0 [hbm:s6], $0xF7A  }
0x23: {  	s9 =	sor.u32 $0xD0000000, s2;
	s6 =	simm.s32 $0x108;
	_ =	swait.ge @!p0 [sflag:s8], $0x0  }
0x24: {  	s3 =	sadd.s32 $0x88, s3;
	s6 =	simm.s32 @!p1 $0x1082;
	[sflag:s4] =	ssyncset.s32 $0xFFFFF086  }
0x25: {  	[simem:s6], [sflag:s4] =	dma.local [hbm:s3], $0xF7A  }
0x26: {  	[smem:$0x3F99] =	sst s1;
	(tag) =	ssettag s2;
	_ =	strace s9  }
0x27: {  	s1 =	sld [smem:$0x3FA9]  }
0x28: {  	s2 =	sld [smem:$0x3FAA]  }
0x29: {  	s4 =	sld [smem:$0x3FAC]  }
0x2a: {  	p0 =	seq.s32 s5, $0x0;
	s5 =	sld [smem:$0x3FAD]  }
0x2b: {  	s6 =	sld [smem:$0x3FAE]  }
0x2c: {  	s7 =	sld [smem:$0x3FAF]  }
0x2d: {  	s3 =	simm.s32 $0x108;
	s8 =	sld [smem:$0x3FB0]  }
0x2e: {  	s3 =	simm.s32 @!p0 $0x1082;
	s9 =	sld [smem:$0x3FB1]  }
0x2f: {  	lr =	sadd.s32 s0, s3;
	s0 =	sld [smem:$0x3FA8]  }
0x30: {  	s3 =	sld [smem:$0x3FAB]  }
0x31: {  	[smem:$0x3FB4] =	sst s10  }
0x32: {  	s10 =	sld [smem:$0x3FB2];
	_ =	sdelay $0x3  }
0x33: {  	p0 =	seq.s32 s10, $0x1;
	s10 =	sld [smem:$0x3FB4];
	_ =	sdelay $0x3  }
0x34: {  	[smem:$0x3FB4] =	sst s10  }
0x35: {  	s10 =	sld [smem:$0x3FB3];
	_ =	sdelay $0x3  }
0x36: {  	p1 =	seq.s32 s10, $0x1;
	s10 =	sld [smem:$0x3FB4];
	_ =	sdelay $0x3  }
0x37: {  	[smem:$0x3FB4] =	sst s10  }
0x38: {  	s10 =	sld [smem:$0x3FB5]  }
0x39: {  	_ = 	snop;
	(pc) =	sbr.ind lr, $3  }
0x3a: {  	_ = 	snop  }
0x3b: {  	_ = 	snop  }
0x3c: {  	p2 =	seq.s32 s10, $0x1;
	s10 =	sld [smem:$0x3FB4]  }
0x3d: {  	_ =	shalt  }
0x3e: {  	_ =	shalt  }
0x3f: {  	_ =	shalt  }
0x40: {  	_ =	shalt  }
0x41: {  	_ =	shalt  }
0x42: {  	_ =	shalt  }
0x43: {  	_ =	shalt  }
0x44: {  	_ =	shalt  }
0x45: {  	_ =	shalt  }
0x46: {  	_ =	shalt  }
0x47: {  	_ =	shalt  }
0x48: {  	_ =	shalt  }
0x49: {  	_ =	shalt  }
0x4a: {  	_ =	shalt  }
0x4b: {  	_ =	shalt  }
0x4c: {  	_ =	shalt  }
0x4d: {  	_ =	shalt  }
0x4e: {  	_ =	shalt  }
0x4f: {  	_ =	shalt  }
0x50: {  	_ =	shalt  }
0x51: {  	_ =	shalt  }
0x52: {  	_ =	shalt  }
0x53: {  	_ =	shalt  }
0x54: {  	_ =	shalt  }
0x55: {  	_ =	shalt  }
0x56: {  	_ =	shalt  }
0x57: {  	_ =	shalt  }
0x58: {  	_ =	shalt  }
0x59: {  	_ =	shalt  }
0x5a: {  	_ =	shalt  }
0x5b: {  	_ =	shalt  }
0x5c: {  	_ =	shalt  }
0x5d: {  	_ =	shalt  }
0x5e: {  	_ =	shalt  }
0x5f: {  	_ =	shalt  }
0x60: {  	_ =	shalt  }
0x61: {  	_ =	shalt  }
0x62: {  	_ =	shalt  }
0x63: {  	_ =	shalt  }
0x64: {  	_ =	shalt  }
0x65: {  	_ =	shalt  }
0x66: {  	_ =	shalt  }
0x67: {  	_ =	shalt  }
0x68: {  	_ =	shalt  }
0x69: {  	_ =	shalt  }
0x6a: {  	_ =	shalt  }
0x6b: {  	_ =	shalt  }
0x6c: {  	_ =	shalt  }
0x6d: {  	_ =	shalt  }
0x6e: {  	_ =	shalt  }
0x6f: {  	_ =	shalt  }
0x70: {  	_ =	shalt  }
0x71: {  	_ =	shalt  }
0x72: {  	_ =	shalt  }
0x73: {  	_ =	shalt  }
0x74: {  	_ =	shalt  }
0x75: {  	_ =	shalt  }
0x76: {  	_ =	shalt  }
0x77: {  	_ =	shalt  }
0x78: {  	_ =	shalt  }
0x79: {  	_ =	shalt  }
0x7a: {  	_ =	shalt  }
0x7b: {  	_ =	shalt  }
0x7c: {  	_ =	shalt  }
0x7d: {  	_ =	shalt  }
0x7e: {  	_ =	shalt  }
0x7f: {  	_ =	shalt  }
0x80: {  	_ =	shalt  }
0x81: {  	_ =	shalt  }
0x82: {  	_ =	shalt  }
0x83: {  	_ =	shalt  }
0x84: {  	_ =	shalt  }
0x85: {  	_ =	shalt  }
0x86: {  	_ =	shalt  }
0x87: {  	_ =	shalt  }
.Lfunc_end0:
.L_simem_size_0:
called_computation_lowered:
.L_overlay_start_0:
0x88: {  	s2 =	sld [smem:$0x3FD9]  }
0x89: {  	s3 =	sld [smem:$0x3FFE];
	_ =	sdelay $0x1  }
0x8a: {  	s1 =	srdreg.scid  }
0x8b: {  	s0 =	sand.u32 $0x1, s1  }
0x8c: {  	s17 =	sshll.u32 s0, $0xA;
	s2 =	sadd.s32 s3, s2  }
0x8d: {  	s2 =	sadd.s32 s2, s17  }
0x8e: {  	[smem:$0x3FC0] =	sst s2  }
0x8f: {  	_ = 	snop  }
0x90: {  	s2 =	sld [smem:$0x3FD0];
	(tm) =	ssettm $0x1  }
0x91: {  	s18 =	sld [smem:$0x3FFB];
	_ =	sdelay $0x3  }
0x92: {  	_ =	strace s18  }
0x93: {  	s3 =	sld [smem:$0x3FFC];
	_ =	sdelay $0x3  }
0x94: {  	_ =	strace s3  }
0x95: {  	s3 =	sld [smem:$0x3FFD];
	_ =	sdelay $0x3  }
0x96: {  	_ =	strace s3  }
0x97: {  	_ =	strace $0x8FFFFFFF  }
0x98: {  	s19 =	sld [smem:$0x3FDB];
	_ =	sdelay $0x1  }
0x99: {  	s4 =	simm.s32 $_scs_section_size  }
0x9a: {  	s5 =	simm.s32 $_size__tile_overlayer_lowered;
	s6 =	simm.s32 $_tile_overlayer_lowered  }
0x9b: {  	s22 =	simm.s32 $0x1BFF;
	s21 =	sshll.u32 s6, $0x1;
	s3 =	sadd.s32 s4, s19  }
0x9c: {  	s7 =	simm.s32 $0x0;
	s20 =	sshll.u32 s5, $0x1;
	s5 =	sadd.s32 s21, s3  }
0x9d: {  	[timem:s7], [sflag:s22] =	dma.local [hbm:s5], s20  }
0x9e: {  	_ =	swait.ge [sflag:s22], s20  }
0x9f: {  	s4 =	ssub.s32 $0x0, s20;
	[sflag:s22] =	ssyncset.done $0x0  }
0xa0: {  	[sflag:s22] =	ssyncadd.s32 s4;
	_ =	sdelay $0x1  }
0xa1: {  	s23 =	simm.s32 $0x1B8B  }
0xa2: {  	_ =	swait.ge [sflag:s23], $0x1  }
0xa3: {  	[sflag:s23] =	ssyncset.done $0x0  }
0xa4: {  	s25 =	simm.s32 $0x1B8E;
	s24 =	sld [smem:$0x3FFE];
	[sflag:s23] =	ssyncadd.s32 $0xFFFFFFFF  }
0xa5: {  	s26 =	simm.s32 $execute0_lowered;
	[smem:$0x3FD2] =	sst s25  }
0xa6: {  	s5 =	sshll.u32 s26, $0x1;
	_ =	strace $0x80000046;
	[dreg:$0x1] =	wrdreg $0xFFFFFFFF  }
0xa7: {  	s28 =	simm.s32 $_size_execute0_lowered;
	s3 =	sadd.s32 s3, s5;
	[dreg:$0x0] =	wrdreg $0x0  }
0xa8: {  	s5 =	sshll.u32 s28, $0x1;
	[dreg:$0x2] =	wrdreg s3  }
0xa9: {  	[dreg:$0x3] =	wrdreg s5  }
0xaa: {  	[dreg:$0x4] =	wrdreg $0xC0  }
0xab: {  	_ =	task [dreg:s7], $0x5FFFF  }
0xac: {  	[dreg:$0x1] =	wrdreg $0xFFFFFFFF  }
0xad: {  	[dreg:$0x0] =	wrdreg $0x60  }
0xae: {  	[dreg:$0x2] =	wrdreg s24  }
0xaf: {  	[dreg:$0x3] =	wrdreg s2  }
0xb0: {  	[dreg:$0x4] =	wrdreg $0x90000  }
0xb1: {  	[dreg:$0x5] =	wrdreg $0x9  }
0xb2: {  	_ =	task.clear_ibuf [dreg:s7], $0x6FFFF;
	_ =	strace $0x90000046  }
0xb3: {  	s29 =	simm.s32 $0x9;
	_ =	strace $0x80000048  }
0xb4: {  	_ =	swait.ge [sflag:s29], $0x1  }
0xb5: {  	[sflag:s29] =	ssyncadd.s32 $0xFFFFFFFF  }
0xb6: {  	_ =	strace $0x90000048  }
0xb7: {  	_ =	sfence  }
0xb8: {  	s30 =	sld [smem:$0x0];
	_ =	sdelay $0x2  }
0xb9: {  	s31 =	sshll.u32 s1, $0xD;
	s1 =	sshrl.u32 s1, $0x2  }
0xba: {  	s3 =	sand.u32 $0x4000, s31;
	s1 =	sadd.s32 s1, s30  }
0xbb: {  	s0 =	sor.u32 s3, s0;
	s1 =	sshll.u32 s1, $0x11  }
0xbc: {  	s0 =	sor.u32 s1, s0  }
0xbd: {  	s0 =	sadd.s32 $0x8F2B, s0  }
0xbe: {  	[sflag:s0] =	ssyncadd.remote.s32 $0x1  }
0xbf: {  	_ =	sfence.sel $0xFFFF  }
0xc0: {  	[dreg:$0x0] =	wrdreg $0xFFFFFFFF;
	(pc) =	sbr.abs _section_cstart, $3  }
0xc1: {  	[dreg:$0x1] =	wrdreg $0xFFFFFFFF  }
0xc2: {  	_ =	task.clear_ibuf [dreg:s7], $0x2FFFF;
	_ =	strace $0x9FFFFFFF  }
0xc3: {  	(tm) =	ssettm $0x7FFFFFFF  }
tec
execute0_lowered:
.L_overlay_start_1:
0x0: {  	(tag) =	ssettag $0x1  }
0x1: {  	s0 =	rddreg [dreg:$0x0]  }
0x2: {  	s1 =	rddreg [dreg:$0x1]  }
0x3: {  	s2 =	rddreg [dreg:$0x2];
	s4 =	simm.s32 $0x0  }
0x4: {  	s20 =	simm.s32 $0x200;
	[smem:$0x7FF] =	sst s4  }
0x5: {  	s21 =	simm.s32 $0x180;
	_ =	strace $0x80000047;
	[dreg:$0x5] =	wrdreg s20  }
0x6: {  	s3 =	srdreg.scid;
	s22 =	simm.s32 $0x300;
	[dreg:$0x6] =	wrdreg s21  }
0x7: {  	s9 =	stileid.u32;
	s23 =	simm.s32 $0x280;
	[dreg:$0x7] =	wrdreg s22  }
0x8: {  	s24 =	simm.s32 $0x400;
	s25 =	simm.s32 $0x380;
	[dreg:$0x8] =	wrdreg s23  }
0x9: {  	s30 =	simm.s32 $0x500;
	s10 =	simm.s32 $0x600;
	[dreg:$0x9] =	wrdreg s24  }
0xa: {  	s11 =	simm.s32 $0x580;
	s12 =	simm.s32 $0x700;
	[dreg:$0xa] =	wrdreg s25  }
0xb: {  	s14 =	simm.s32 $0x680;
	s16 =	simm.s32 $0x880;
	[dreg:$0xb] =	wrdreg s30  }
0xc: {  	s28 =	simm.s32 $0x6;
	s29 =	simm.s32 $0x0;
	[dreg:$0xd] =	wrdreg s10  }
0xd: {  	s3 =	sand.u32 $0x1, s3;
	s6 =	smul.u32 $0x14000, s9;
	[dreg:$0xe] =	wrdreg s11  }
0xe: {  	s4 =	sadd.s32 $0x2600, s0;
	s26 =	smul.u32 $0x50000, s9;
	[dreg:$0xf] =	wrdreg s12  }
0xf: {  	s8 =	sshll.u32 s9, $0x1;
	s5 =	smul.u32 $0x140000, s3;
	[dreg:$0x10] =	wrdreg s14  }
0x10: {  	s7 =	ssub.s32 $0x2, s3;
	[dreg:$0x11] =	wrdreg s16;
	s20 =	simm.s32 $0xA80  }
0x11: {  	p0 =	seq.s32 s3, $0x0;
	s21 =	simm.s32 $0xC00;
	[dreg:$0x15] =	wrdreg s20  }
0x12: {  	s8 =	sor.u32 $0x120, s8;
	s22 =	simm.s32 $0xB80;
	[dreg:$0x16] =	wrdreg s21  }
0x13: {  	s23 =	simm.s32 $0xD00;
	s24 =	simm.s32 $0xC80;
	[dreg:$0x17] =	wrdreg s22  }
0x14: {  	s25 =	simm.s32 $0xE00;
	s30 =	simm.s32 $0xF00;
	[dreg:$0x18] =	wrdreg s23  }
0x15: {  	s18 =	sshrl.u32 s7, $0x1;
	s20 =	simm.s32 $0x1;
	[dreg:$0x19] =	wrdreg s24  }
0x16: {  	s21 =	simm.s32 $0x80;
	[dreg:$0x1a] =	wrdreg s25;
	s23 =	simm.s32 $0x5000  }
0x17: {  	[dreg:$0x1c] =	wrdreg s30;
	s24 =	simm.s32 $0x3;
	s25 =	simm.s32 $0x5  }
0x18: {  	s6 =	sadd.s32 s6, s5;
	s5 =	simm.s32 $0x12;
	s3 =	ssub.s32 s7, s18  }
0x19: {  	s7 =	smul.u32 $0x12, s9;
	s9 =	simm.s32 $0x480;
	s18 =	simm.s32 $0x980  }
0x1a: {  	s17 =	sshrl.u32 s6, $0x3;
	s5 =	simm.s32 @!p0 $0x2;
	[dreg:$0xc] =	wrdreg s9  }
0x1b: {  	[dreg:$0x13] =	wrdreg s18;
	s0 =	sadd.s32 s17, s0;
	s19 =	sadd.s32 $0xFFFFFFFF, s5  }
0x1c: {  	s8 =	smov.u32 @p0 s7;
	s17 =	simm.s32 $0xA00;
	[dreg:$0x4] =	wrdreg s19  }
0x1d: {  	s18 =	simm.s32 $0x1000;
	s7 =	sshll.u32 s8, $0x8;
	[dreg:$0x12] =	wrdreg s17  }
0x1e: {  	s14 =	sadd.s32 $0x2A600, s0;
	s19 =	simm.s32 $0xB00;
	s6 =	sadd.s32 s1, s7  }
0x1f: {  	s7 =	sshrl.u32 s26, $0x2;
	[dreg:$0x14] =	wrdreg s19;
	s26 =	simm.s32 $0xD80  }
0x20: {  	s31 =	sadd.s32 $0x100, s6;
	s8 =	sadd.s32 s7, s2;
	[dreg:$0x1b] =	wrdreg s26  }
0x21: {  	s19 =	simm.s32 $0x7;
	[dreg:$0x1e] =	wrdreg s31;
	s7 =	sadd.s32 $0x4000, s8  }
0x22: {  	s16 =	sadd.s32 $0x200, s6;
	s13 =	sadd.s32 $0x8000, s8;
	[dreg:$0x1f] =	wrdreg s7  }
0x23: {  	s26 =	simm.s32 $0x4;
	s15 =	sadd.s32 $0xC000, s8;
	[smem:$0x7FC] =	sst s13  }
0x24: {  	s12 =	sadd.s32 $0x10000, s8;
	s31 =	simm.s32 $0xE80;
	[smem:$0x7FD] =	sst s15  }
0x25: {  	v0 =	vimm.f32 $0.0e+00;
	s13 =	sshrl.u32 s5, $0x1;
	s15 =	smax.u32 s3, $0x1;
	[dreg:$0x1d] =	wrdreg s31  }
.LBB2_1:
0x26: {  	s0 =	simm.s32 $0x0  }
0x27: {  	[tilespmem:s0], [sflag:$0x1] =	stream.linear.gather [hbm4b:s6+s0], $0x800, $0x38;
	[tilespmem:$0x1D000] =	vst v63  }
0x28: {  	s1 =	rddreg [dreg:$0x1e];
	s3 =	simm.s32 $0x800  }
0x29: {  	[tilespmem:s3], [sflag:$0x2] =	stream.linear.gather [hbm4b:s1+s0], $0x800, $0x38;
	[tilespmem:$0x1D000] =	vst v63  }
0x2a: {  	s0 =	simm.s32 $0x0;
	s1 =	simm.s32 $0x200  }
.LBB2_2:
0x2b: {  	p0 =	sne.s32 s1, $0xFE00;
	[tilespmem:s0+$0x1070] =	vst v0  }
0x2c: {  	[tilespmem:s0+$0x1000] =	vst v0  }
0x2d: {  	[tilespmem:s0+$0x1010] =	vst v0  }
.Ltmp0:
0x2e: {  	[tilespmem:s0+$0x1020] =	vst v0;
	(pc) =	sbr.rel @p0 .LBB2_2-.Ltmp0, $4  }
0x2f: {  	[tilespmem:s0+$0x1030] =	vst v0  }
0x30: {  	[tilespmem:s0+$0x1040] =	vst v0  }
0x31: {  	[tilespmem:s0+$0x1050] =	vst v0  }
0x32: {  	[tilespmem:s0+$0x1060] =	vst v0;
	s0 =	sshra.s32 s1, $0x2;
	s1 =	sadd.s32 $0x200, s1  }
0x33: {  	[tilespmem:s0+$0x1070] =	vst v0  }
0x34: {  	[tilespmem:s0+$0x1000] =	vst v0  }
0x35: {  	[tilespmem:s0+$0x1010] =	vst v0  }
0x36: {  	[tilespmem:s0+$0x1020] =	vst v0  }
0x37: {  	[tilespmem:s0+$0x1030] =	vst v0  }
0x38: {  	[tilespmem:s0+$0x1040] =	vst v0  }
0x39: {  	[tilespmem:s0+$0x1050] =	vst v0  }
0x3a: {  	[tilespmem:s0+$0x1060] =	vst v0  }
0x3b: {  	[spmem:s8] =	stream.linear.scatter [tilespmem:s18], [sflag:$0x7], $0x4000, $0x38;
	[tilespmem:$0x1D000] =	vst v63  }
0x3c: {  	_ =	swait.ge [sflag:s19], $0x4000  }
0x3d: {  	[sflag:s19] =	ssyncset.done $0x0  }
0x3e: {  	s1 =	rddreg [dreg:$0x1f];
	[sflag:s19] =	ssyncadd.s32 $0xFFFFC000  }
0x3f: {  	[spmem:s1] =	stream.linear.scatter [tilespmem:s18], [sflag:$0x7], $0x4000, $0x38;
	[tilespmem:$0x1D000] =	vst v63  }
0x40: {  	_ =	swait.ge [sflag:s19], $0x4000  }
0x41: {  	s3 =	sld [smem:$0x7FC]  }
0x42: {  	[sflag:s19] =	ssyncset.done $0x0  }
0x43: {  	[sflag:s19] =	ssyncadd.s32 $0xFFFFC000  }
0x44: {  	[spmem:s3] =	stream.linear.scatter [tilespmem:s18], [sflag:$0x7], $0x4000, $0x38;
	[tilespmem:$0x1D000] =	vst v63  }
0x45: {  	_ =	swait.ge [sflag:s19], $0x4000  }
0x46: {  	s7 =	sld [smem:$0x7FD]  }
0x47: {  	[sflag:s19] =	ssyncset.done $0x0  }
0x48: {  	[sflag:s19] =	ssyncadd.s32 $0xFFFFC000  }
0x49: {  	[spmem:s7] =	stream.linear.scatter [tilespmem:s18], [sflag:$0x7], $0x4000, $0x38;
	[tilespmem:$0x1D000] =	vst v63  }
0x4a: {  	_ =	swait.ge [sflag:s19], $0x4000  }
0x4b: {  	[sflag:s19] =	ssyncset.done $0x0  }
0x4c: {  	[sflag:s19] =	ssyncadd.s32 $0xFFFFC000  }
0x4d: {  	[spmem:s12] =	stream.linear.scatter [tilespmem:s18], [sflag:$0x7], $0x4000, $0x38;
	[tilespmem:$0x1D000] =	vst v63  }
0x4e: {  	_ =	swait.ge [sflag:s19], $0x4000  }
0x4f: {  	[sflag:s19] =	ssyncset.done $0x0  }
0x50: {  	[sflag:s19] =	ssyncadd.s32 $0xFFFFC000  }
0x51: {  	[bflag:$0x0] =	sbarrier.arrive $0xFFFF  }
0x52: {  	_ =	swait.ge [sflag:s20], $0x800  }
0x53: {  	[sflag:s20] =	ssyncset.done $0x0  }
0x54: {  	s9 =	simm.s32 $0x0;
	[sflag:s20] =	ssyncadd.s32 $0xFFFFF800  }
0x55: {  	[tilespmem:s18], [sflag:$0x3] =	stream.indirect.gather [hbm4b:s4+s21], $0x80, s9, s21, $0xb8;
	[tilespmem:$0x1D000] =	vst v63  }
0x56: {  	s10 =	simm.s32 $0x100  }
0x57: {  	[tilespmem:s23], [sflag:$0x4] =	stream.indirect.gather [hbm4b:s4+s21], $0x80, s10, s21, $0xb8;
	[tilespmem:$0x1D000] =	vst v63  }
0x58: {  	_ =	swait.ge [sflag:s24], $0x4000  }
0x59: {  	[sflag:s24] =	ssyncset.done $0x0  }
0x5a: {  	[sflag:s24] =	ssyncadd.s32 $0xFFFFC000  }
0x5b: {  	[spmem:s2] =	stream.indirect.scatter.add.f32 [tilespmem:s18], [sflag:$0x5], $0x80, s21, s21, $0xb8;
	[tilespmem:$0x1D000] =	vst v63  }
0x5c: {  	_ =	swait.ge [sflag:s25], $0x4000  }
0x5d: {  	[sflag:s25] =	ssyncset.done $0x0  }
0x5e: {  	s11 =	rddreg [dreg:$0x5];
	[sflag:s25] =	ssyncadd.s32 $0xFFFFC000  }
0x5f: {  	[tilespmem:s18], [sflag:$0x3] =	stream.indirect.gather [hbm4b:s4+s21], $0x80, s11, s21, $0xb8;
	[tilespmem:$0x1D000] =	vst v63  }
0x60: {  	_ =	swait.ge [sflag:s26], $0x4000  }
0x61: {  	[sflag:s26] =	ssyncset.done $0x0  }
0x62: {  	s17 =	rddreg [dreg:$0x6];
	[sflag:s26] =	ssyncadd.s32 $0xFFFFC000  }
0x63: {  	[spmem:s2] =	stream.indirect.scatter.add.f32 [tilespmem:s23], [sflag:$0x6], $0x80, s17, s21, $0xb8;
	[tilespmem:$0x1D000] =	vst v63  }
0x64: {  	_ =	swait.ge [sflag:s28], $0x4000  }
0x65: {  	[sflag:s28] =	ssyncset.done $0x0  }
0x66: {  	s22 =	rddreg [dreg:$0x7];
	[sflag:s28] =	ssyncadd.s32 $0xFFFFC000  }
0x67: {  	[tilespmem:s23], [sflag:$0x4] =	stream.indirect.gather [hbm4b:s4+s21], $0x80, s22, s21, $0xb8;
	[tilespmem:$0x1D000] =	vst v63  }
0x68: {  	_ =	swait.ge [sflag:s24], $0x4000  }
0x69: {  	[sflag:s24] =	ssyncset.done $0x0  }
0x6a: {  	s1 =	rddreg [dreg:$0x8];
	[sflag:s24] =	ssyncadd.s32 $0xFFFFC000  }
0x6b: {  	[spmem:s2] =	stream.indirect.scatter.add.f32 [tilespmem:s18], [sflag:$0x5], $0x80, s1, s21, $0xb8;
	[tilespmem:$0x1D000] =	vst v63  }
0x6c: {  	_ =	swait.ge [sflag:s25], $0x4000  }
0x6d: {  	[sflag:s25] =	ssyncset.done $0x0  }
0x6e: {  	s3 =	rddreg [dreg:$0x9];
	[sflag:s25] =	ssyncadd.s32 $0xFFFFC000  }
0x6f: {  	[tilespmem:s18], [sflag:$0x3] =	stream.indirect.gather [hbm4b:s4+s21], $0x80, s3, s21, $0xb8;
	[tilespmem:$0x1D000] =	vst v63  }
0x70: {  	_ =	swait.ge [sflag:s26], $0x4000  }
0x71: {  	[sflag:s26] =	ssyncset.done $0x0  }
0x72: {  	s7 =	rddreg [dreg:$0xa];
	[sflag:s26] =	ssyncadd.s32 $0xFFFFC000  }
0x73: {  	[spmem:s2] =	stream.indirect.scatter.add.f32 [tilespmem:s23], [sflag:$0x6], $0x80, s7, s21, $0xb8;
	[tilespmem:$0x1D000] =	vst v63  }
0x74: {  	_ =	swait.ge [sflag:s28], $0x4000  }
0x75: {  	[sflag:s28] =	ssyncset.done $0x0  }
0x76: {  	s9 =	rddreg [dreg:$0xb];
	[sflag:s28] =	ssyncadd.s32 $0xFFFFC000  }
0x77: {  	[tilespmem:s23], [sflag:$0x4] =	stream.indirect.gather [hbm4b:s4+s21], $0x80, s9, s21, $0xb8;
	[tilespmem:$0x1D000] =	vst v63  }
0x78: {  	_ =	swait.ge [sflag:s24], $0x4000  }
0x79: {  	[sflag:s24] =	ssyncset.done $0x0  }
0x7a: {  	s10 =	rddreg [dreg:$0xc];
	[sflag:s24] =	ssyncadd.s32 $0xFFFFC000  }
0x7b: {  	[spmem:s2] =	stream.indirect.scatter.add.f32 [tilespmem:s18], [sflag:$0x5], $0x80, s10, s21, $0xb8;
	[tilespmem:$0x1D000] =	vst v63  }
0x7c: {  	_ =	swait.ge [sflag:s25], $0x4000  }
0x7d: {  	[sflag:s25] =	ssyncset.done $0x0  }
0x7e: {  	s11 =	rddreg [dreg:$0xd];
	[sflag:s25] =	ssyncadd.s32 $0xFFFFC000  }
0x7f: {  	[tilespmem:s18], [sflag:$0x3] =	stream.indirect.gather [hbm4b:s4+s21], $0x80, s11, s21, $0xb8;
	[tilespmem:$0x1D000] =	vst v63  }
0x80: {  	_ =	swait.ge [sflag:s26], $0x4000  }
0x81: {  	[sflag:s26] =	ssyncset.done $0x0  }
0x82: {  	s17 =	rddreg [dreg:$0xe];
	[sflag:s26] =	ssyncadd.s32 $0xFFFFC000  }
0x83: {  	[spmem:s2] =	stream.indirect.scatter.add.f32 [tilespmem:s23], [sflag:$0x6], $0x80, s17, s21, $0xb8;
	[tilespmem:$0x1D000] =	vst v63  }
0x84: {  	_ =	swait.ge [sflag:s28], $0x4000  }
0x85: {  	[sflag:s28] =	ssyncset.done $0x0  }
0x86: {  	s22 =	rddreg [dreg:$0xf];
	[sflag:s28] =	ssyncadd.s32 $0xFFFFC000  }
0x87: {  	[tilespmem:s23], [sflag:$0x4] =	stream.indirect.gather [hbm4b:s4+s21], $0x80, s22, s21, $0xb8;
	[tilespmem:$0x1D000] =	vst v63  }
0x88: {  	_ =	swait.ge [sflag:s24], $0x4000  }
0x89: {  	[sflag:s24] =	ssyncset.done $0x0  }
0x8a: {  	s1 =	rddreg [dreg:$0x10];
	[sflag:s24] =	ssyncadd.s32 $0xFFFFC000  }
0x8b: {  	[spmem:s2] =	stream.indirect.scatter.add.f32 [tilespmem:s18], [sflag:$0x5], $0x80, s1, s21, $0xb8;
	[tilespmem:$0x1D000] =	vst v63  }
0x8c: {  	_ =	swait.ge [sflag:s25], $0x4000  }
0x8d: {  	s3 =	rddreg [dreg:$0x4]  }
0x8e: {  	[sflag:s25] =	ssyncset.done $0x0;
	p0 =	sle.u32 s3, $0x0  }
0x8f: {  	[sflag:s25] =	ssyncadd.s32 $0xFFFFC000;
	s0 =	simm.s32 @p0 $0x4  }
0x90: {  	_ =	swait.ge @p0 [sflag:s0], $0x4000  }
0x91: {  	s1 =	simm.s32 @p0 $0x5000;
	s3 =	simm.s32 @p0 $0x6;
	[sflag:s0] =	ssyncset.done @p0 $0x0  }
0x92: {  	s7 =	simm.s32 @p0 $0x80;
	s9 =	simm.s32 @p0 $0x780;
	[sflag:s0] =	ssyncadd.s32 @p0 $0xFFFFC000  }
0x93: {  	[spmem:s2] =	stream.indirect.scatter.add.f32 @p0 [tilespmem:s1], [sflag:$0x6], $0x80, s9, s7, $0xb8;
	[tilespmem:$0x1D000] =	vst v63  }
0x94: {  	_ =	swait.ge @p0 [sflag:s3], $0x4000  }
0x95: {  	[sflag:s3] =	ssyncset.done @p0 $0x0  }
0x96: {  	s0 =	simm.s32 @!p0 $0x2;
	[sflag:s3] =	ssyncadd.s32 @p0 $0xFFFFC000  }
0x97: {  	_ =	swait.ge @!p0 [sflag:s0], $0x800  }
0x98: {  	s1 =	simm.s32 @!p0 $0x1000;
	s7 =	simm.s32 @!p0 $0x80;
	[sflag:s0] =	ssyncset.done @!p0 $0x0  }
0x99: {  	s9 =	simm.s32 @!p0 $0x800;
	s3 =	simm.s32 @!p0 $0x4;
	[sflag:s0] =	ssyncadd.s32 @!p0 $0xFFFFF800  }
0x9a: {  	[tilespmem:s1], [sflag:$0x3] =	stream.indirect.gather @!p0 [hbm4b:s4+s7], $0x80, s9, s7, $0xb8;
	[tilespmem:$0x1D000] =	vst v63  }
0x9b: {  	_ =	swait.ge @!p0 [sflag:s3], $0x4000  }
0x9c: {  	s0 =	simm.s32 @!p0 $0x6;
	[sflag:s3] =	ssyncset.done @!p0 $0x0  }
0x9d: {  	s1 =	simm.s32 @!p0 $0x780;
	s9 =	simm.s32 @!p0 $0x5000;
	[sflag:s3] =	ssyncadd.s32 @!p0 $0xFFFFC000  }
0x9e: {  	[spmem:s2] =	stream.indirect.scatter.add.f32 @!p0 [tilespmem:s9], [sflag:$0x6], $0x80, s1, s7, $0xb8;
	[tilespmem:$0x1D000] =	vst v63  }
0x9f: {  	_ =	swait.ge @!p0 [sflag:s0], $0x4000  }
0xa0: {  	[sflag:s0] =	ssyncset.done @!p0 $0x0  }
0xa1: {  	p1 =	sle.u32 s5, $0x2;
	s1 =	simm.s32 @!p0 $0x900;
	[sflag:s0] =	ssyncadd.s32 @!p0 $0xFFFFC000  }
0xa2: {  	[tilespmem:s9], [sflag:$0x4] =	stream.indirect.gather @!p0 [hbm4b:s4+s7], $0x80, s1, s7, $0xb8;
	[tilespmem:$0x1D000] =	vst v63  }
0xa3: {  	s0 =	simm.s32 @!p1 $0x0  }
0xa4: {  	[tilespmem:s0], [sflag:$0x1] =	stream.linear.gather @!p1 [hbm4b:s16+s0], $0x800, $0x38;
	[tilespmem:$0x1D000] =	vst v63  }
0xa5: {  	_ =	swait.ge [sflag:s24], $0x4000  }
0xa6: {  	[sflag:s24] =	ssyncset.done $0x0  }
0xa7: {  	s7 =	rddreg [dreg:$0x11];
	[sflag:s24] =	ssyncadd.s32 $0xFFFFC000  }
0xa8: {  	[spmem:s2] =	stream.indirect.scatter.add.f32 [tilespmem:s18], [sflag:$0x5], $0x80, s7, s21, $0xb8;
	[tilespmem:$0x1D000] =	vst v63  }
0xa9: {  	_ =	swait.ge [sflag:s25], $0x4000  }
0xaa: {  	[sflag:s25] =	ssyncset.done $0x0  }
0xab: {  	s9 =	rddreg [dreg:$0x12];
	[sflag:s25] =	ssyncadd.s32 $0xFFFFC000  }
0xac: {  	[tilespmem:s18], [sflag:$0x3] =	stream.indirect.gather [hbm4b:s4+s21], $0x80, s9, s21, $0xb8;
	[tilespmem:$0x1D000] =	vst v63  }
0xad: {  	_ =	swait.ge [sflag:s26], $0x4000  }
0xae: {  	[sflag:s26] =	ssyncset.done $0x0  }
0xaf: {  	s10 =	rddreg [dreg:$0x13];
	[sflag:s26] =	ssyncadd.s32 $0xFFFFC000  }
0xb0: {  	[spmem:s2] =	stream.indirect.scatter.add.f32 [tilespmem:s23], [sflag:$0x6], $0x80, s10, s21, $0xb8;
	[tilespmem:$0x1D000] =	vst v63  }
0xb1: {  	_ =	swait.ge [sflag:s28], $0x4000  }
0xb2: {  	[sflag:s28] =	ssyncset.done $0x0  }
0xb3: {  	s11 =	rddreg [dreg:$0x14];
	[sflag:s28] =	ssyncadd.s32 $0xFFFFC000  }
0xb4: {  	[tilespmem:s23], [sflag:$0x4] =	stream.indirect.gather [hbm4b:s4+s21], $0x80, s11, s21, $0xb8;
	[tilespmem:$0x1D000] =	vst v63  }
0xb5: {  	_ =	swait.ge [sflag:s24], $0x4000  }
0xb6: {  	[sflag:s24] =	ssyncset.done $0x0  }
0xb7: {  	s17 =	rddreg [dreg:$0x15];
	[sflag:s24] =	ssyncadd.s32 $0xFFFFC000  }
0xb8: {  	[spmem:s2] =	stream.indirect.scatter.add.f32 [tilespmem:s18], [sflag:$0x5], $0x80, s17, s21, $0xb8;
	[tilespmem:$0x1D000] =	vst v63  }
0xb9: {  	_ =	swait.ge [sflag:s25], $0x4000  }
0xba: {  	[sflag:s25] =	ssyncset.done $0x0  }
0xbb: {  	s22 =	rddreg [dreg:$0x16];
	[sflag:s25] =	ssyncadd.s32 $0xFFFFC000  }
0xbc: {  	[tilespmem:s18], [sflag:$0x3] =	stream.indirect.gather [hbm4b:s4+s21], $0x80, s22, s21, $0xb8;
	[tilespmem:$0x1D000] =	vst v63  }
0xbd: {  	_ =	swait.ge [sflag:s26], $0x4000  }
0xbe: {  	[sflag:s26] =	ssyncset.done $0x0  }
0xbf: {  	s3 =	rddreg [dreg:$0x17];
	[sflag:s26] =	ssyncadd.s32 $0xFFFFC000  }
0xc0: {  	[spmem:s2] =	stream.indirect.scatter.add.f32 [tilespmem:s23], [sflag:$0x6], $0x80, s3, s21, $0xb8;
	[tilespmem:$0x1D000] =	vst v63  }
0xc1: {  	_ =	swait.ge [sflag:s28], $0x4000  }
0xc2: {  	[sflag:s28] =	ssyncset.done $0x0  }
0xc3: {  	s7 =	rddreg [dreg:$0x18];
	[sflag:s28] =	ssyncadd.s32 $0xFFFFC000  }
0xc4: {  	[tilespmem:s23], [sflag:$0x4] =	stream.indirect.gather [hbm4b:s4+s21], $0x80, s7, s21, $0xb8;
	[tilespmem:$0x1D000] =	vst v63  }
0xc5: {  	_ =	swait.ge [sflag:s24], $0x4000  }
0xc6: {  	[sflag:s24] =	ssyncset.done $0x0  }
0xc7: {  	s9 =	rddreg [dreg:$0x19];
	[sflag:s24] =	ssyncadd.s32 $0xFFFFC000  }
0xc8: {  	[spmem:s2] =	stream.indirect.scatter.add.f32 [tilespmem:s18], [sflag:$0x5], $0x80, s9, s21, $0xb8;
	[tilespmem:$0x1D000] =	vst v63  }
0xc9: {  	_ =	swait.ge [sflag:s25], $0x4000  }
0xca: {  	[sflag:s25] =	ssyncset.done $0x0  }
0xcb: {  	s10 =	rddreg [dreg:$0x1a];
	[sflag:s25] =	ssyncadd.s32 $0xFFFFC000  }
0xcc: {  	[tilespmem:s18], [sflag:$0x3] =	stream.indirect.gather [hbm4b:s4+s21], $0x80, s10, s21, $0xb8;
	[tilespmem:$0x1D000] =	vst v63  }
0xcd: {  	_ =	swait.ge [sflag:s26], $0x4000  }
0xce: {  	[sflag:s26] =	ssyncset.done $0x0  }
0xcf: {  	s11 =	rddreg [dreg:$0x1b];
	[sflag:s26] =	ssyncadd.s32 $0xFFFFC000  }
0xd0: {  	[spmem:s2] =	stream.indirect.scatter.add.f32 [tilespmem:s23], [sflag:$0x6], $0x80, s11, s21, $0xb8;
	[tilespmem:$0x1D000] =	vst v63  }
0xd1: {  	_ =	swait.ge [sflag:s28], $0x4000  }
0xd2: {  	[sflag:s28] =	ssyncset.done $0x0  }
0xd3: {  	s17 =	rddreg [dreg:$0x1c];
	[sflag:s28] =	ssyncadd.s32 $0xFFFFC000  }
0xd4: {  	[tilespmem:s23], [sflag:$0x4] =	stream.indirect.gather [hbm4b:s4+s21], $0x80, s17, s21, $0xb8;
	[tilespmem:$0x1D000] =	vst v63  }
0xd5: {  	_ =	swait.ge [sflag:s24], $0x4000  }
0xd6: {  	[sflag:s24] =	ssyncset.done $0x0  }
0xd7: {  	s22 =	rddreg [dreg:$0x1d];
	[sflag:s24] =	ssyncadd.s32 $0xFFFFC000  }
0xd8: {  	[spmem:s2] =	stream.indirect.scatter.add.f32 [tilespmem:s18], [sflag:$0x5], $0x80, s22, s21, $0xb8;
	[tilespmem:$0x1D000] =	vst v63  }
0xd9: {  	_ =	swait.ge [sflag:s25], $0x4000  }
0xda: {  	[sflag:s25] =	ssyncset.done $0x0  }
0xdb: {  	s1 =	simm.s32 @p1 $0x4;
	[sflag:s25] =	ssyncadd.s32 $0xFFFFC000  }
0xdc: {  	_ =	swait.ge @p1 [sflag:s1], $0x4000  }
0xdd: {  	s3 =	simm.s32 @p1 $0x5000;
	s7 =	simm.s32 @p1 $0x80;
	[sflag:s1] =	ssyncset.done @p1 $0x0  }
0xde: {  	s9 =	simm.s32 @p1 $0xF80;
	[sflag:s1] =	ssyncadd.s32 @p1 $0xFFFFC000;
	s1 =	simm.s32 @p1 $0x6  }
0xdf: {  	[spmem:s2] =	stream.indirect.scatter.add.f32 @p1 [tilespmem:s3], [sflag:$0x6], $0x80, s9, s7, $0xb8;
	[tilespmem:$0x1D000] =	vst v63  }
0xe0: {  	_ =	swait.ge @p1 [sflag:s1], $0x4000  }
0xe1: {  	[sflag:s1] =	ssyncset.done @p1 $0x0  }
0xe2: {  	s7 =	simm.s32 @!p1 $0x1;
	[sflag:s1] =	ssyncadd.s32 @p1 $0xFFFFC000  }
0xe3: {  	_ =	swait.ge @!p1 [sflag:s7], $0x800  }
0xe4: {  	s30 =	sadd.s32 $0xFFFFFFFF, s13;
	s3 =	simm.s32 @!p1 $0x80;
	[sflag:s7] =	ssyncset.done @!p1 $0x0  }
0xe5: {  	s1 =	simm.s32 @!p1 $0x1000;
	[sflag:s7] =	ssyncadd.s32 @!p1 $0xFFFFF800;
	s7 =	simm.s32 @!p1 $0x4  }
0xe6: {  	[tilespmem:s1], [sflag:$0x3] =	stream.indirect.gather @!p1 [hbm4b:s4+s3], $0x80, s0, s3, $0xb8;
	[tilespmem:$0x1D000] =	vst v63  }
0xe7: {  	p2 =	sle.u32 s5, $0x3;
	p0 =	sne.s32 s30, $0x0;
	_ =	swait.ge @!p1 [sflag:s7], $0x4000  }
0xe8: {  	s9 =	simm.s32 @!p1 $0x6;
	s0 =	simm.s32 @!p1 $0xF80;
	[sflag:s7] =	ssyncset.done @!p1 $0x0  }
.Ltmp1:
0xe9: {  	s1 =	simm.s32 @!p1 $0x5000;
	[sflag:s7] =	ssyncadd.s32 @!p1 $0xFFFFC000;
	(pc) =	sbr.rel @!p0 .LBB2_5-.Ltmp1, $4  }
0xea: {  	[spmem:s2] =	stream.indirect.scatter.add.f32 @!p1 [tilespmem:s1], [sflag:$0x6], $0x80, s0, s3, $0xb8;
	[tilespmem:$0x1D000] =	vst v63  }
0xeb: {  	s31 =	simm.s32 $0x2;
	s10 =	simm.s32 @!p2 $0x0;
	_ =	swait.ge @!p1 [sflag:s9], $0x4000  }
0xec: {  	s11 =	simm.s32 @!p2 $0x800;
	s7 =	simm.s32 @!p1 $0x100;
	[sflag:s9] =	ssyncset.done @!p1 $0x0  }
0xed: {  	s0 =	sadd.s32 $0x200, s16;
	[sflag:s9] =	ssyncadd.s32 @!p1 $0xFFFFC000;
	s9 =	sadd.s32 @!p2 $0x100, s16  }
.LBB2_4:
0xee: {  	[tilespmem:s1], [sflag:$0x4] =	stream.indirect.gather @!p1 [hbm4b:s4+s3], $0x80, s7, s3, $0xb8;
	[tilespmem:$0x1D000] =	vst v63  }
0xef: {  	_ = 	snop  }
0xf0: {  	[tilespmem:s11], [sflag:$0x2] =	stream.linear.gather @!p2 [hbm4b:s9+s10], $0x800, $0x38;
	[tilespmem:$0x1D000] =	vst v63  }
0xf1: {  	_ =	swait.ge [sflag:s24], $0x4000  }
0xf2: {  	[sflag:s24] =	ssyncset.done $0x0  }
0xf3: {  	[sflag:s24] =	ssyncadd.s32 $0xFFFFC000  }
0xf4: {  	[spmem:s2] =	stream.indirect.scatter.add.f32 [tilespmem:s18], [sflag:$0x5], $0x80, s21, s21, $0xb8;
	[tilespmem:$0x1D000] =	vst v63  }
0xf5: {  	_ =	swait.ge [sflag:s25], $0x4000  }
0xf6: {  	[sflag:s25] =	ssyncset.done $0x0  }
0xf7: {  	s7 =	rddreg [dreg:$0x5];
	[sflag:s25] =	ssyncadd.s32 $0xFFFFC000  }
0xf8: {  	[tilespmem:s18], [sflag:$0x3] =	stream.indirect.gather [hbm4b:s4+s21], $0x80, s7, s21, $0xb8;
	[tilespmem:$0x1D000] =	vst v63  }
0xf9: {  	_ =	swait.ge [sflag:s26], $0x4000  }
0xfa: {  	[sflag:s26] =	ssyncset.done $0x0  }
0xfb: {  	s9 =	rddreg [dreg:$0x6];
	[sflag:s26] =	ssyncadd.s32 $0xFFFFC000  }
0xfc: {  	[spmem:s2] =	stream.indirect.scatter.add.f32 [tilespmem:s23], [sflag:$0x6], $0x80, s9, s21, $0xb8;
	[tilespmem:$0x1D000] =	vst v63  }
0xfd: {  	_ =	swait.ge [sflag:s28], $0x4000  }
0xfe: {  	[sflag:s28] =	ssyncset.done $0x0  }
0xff: {  	s10 =	rddreg [dreg:$0x7];
	[sflag:s28] =	ssyncadd.s32 $0xFFFFC000  }
0x100: {  	[tilespmem:s23], [sflag:$0x4] =	stream.indirect.gather [hbm4b:s4+s21], $0x80, s10, s21, $0xb8;
	[tilespmem:$0x1D000] =	vst v63  }
0x101: {  	_ =	swait.ge [sflag:s24], $0x4000  }
0x102: {  	[sflag:s24] =	ssyncset.done $0x0  }
0x103: {  	s11 =	rddreg [dreg:$0x8];
	[sflag:s24] =	ssyncadd.s32 $0xFFFFC000  }
0x104: {  	[spmem:s2] =	stream.indirect.scatter.add.f32 [tilespmem:s18], [sflag:$0x5], $0x80, s11, s21, $0xb8;
	[tilespmem:$0x1D000] =	vst v63  }
0x105: {  	_ =	swait.ge [sflag:s25], $0x4000  }
0x106: {  	[sflag:s25] =	ssyncset.done $0x0  }
0x107: {  	s3 =	rddreg [dreg:$0x9];
	[sflag:s25] =	ssyncadd.s32 $0xFFFFC000  }
0x108: {  	[tilespmem:s18], [sflag:$0x3] =	stream.indirect.gather [hbm4b:s4+s21], $0x80, s3, s21, $0xb8;
	[tilespmem:$0x1D000] =	vst v63  }
0x109: {  	_ =	swait.ge [sflag:s26], $0x4000  }
0x10a: {  	[sflag:s26] =	ssyncset.done $0x0  }
0x10b: {  	s7 =	rddreg [dreg:$0xa];
	[sflag:s26] =	ssyncadd.s32 $0xFFFFC000  }
0x10c: {  	[spmem:s2] =	stream.indirect.scatter.add.f32 [tilespmem:s23], [sflag:$0x6], $0x80, s7, s21, $0xb8;
	[tilespmem:$0x1D000] =	vst v63  }
0x10d: {  	_ =	swait.ge [sflag:s28], $0x4000  }
0x10e: {  	[sflag:s28] =	ssyncset.done $0x0  }
0x10f: {  	s9 =	rddreg [dreg:$0xb];
	[sflag:s28] =	ssyncadd.s32 $0xFFFFC000  }
0x110: {  	[tilespmem:s23], [sflag:$0x4] =	stream.indirect.gather [hbm4b:s4+s21], $0x80, s9, s21, $0xb8;
	[tilespmem:$0x1D000] =	vst v63  }
0x111: {  	_ =	swait.ge [sflag:s24], $0x4000  }
0x112: {  	[sflag:s24] =	ssyncset.done $0x0  }
0x113: {  	s10 =	rddreg [dreg:$0xc];
	[sflag:s24] =	ssyncadd.s32 $0xFFFFC000  }
0x114: {  	[spmem:s2] =	stream.indirect.scatter.add.f32 [tilespmem:s18], [sflag:$0x5], $0x80, s10, s21, $0xb8;
	[tilespmem:$0x1D000] =	vst v63  }
0x115: {  	_ =	swait.ge [sflag:s25], $0x4000  }
0x116: {  	[sflag:s25] =	ssyncset.done $0x0  }
0x117: {  	s11 =	rddreg [dreg:$0xd];
	[sflag:s25] =	ssyncadd.s32 $0xFFFFC000  }
0x118: {  	[tilespmem:s18], [sflag:$0x3] =	stream.indirect.gather [hbm4b:s4+s21], $0x80, s11, s21, $0xb8;
	[tilespmem:$0x1D000] =	vst v63  }
0x119: {  	_ =	swait.ge [sflag:s26], $0x4000  }
0x11a: {  	[sflag:s26] =	ssyncset.done $0x0  }
0x11b: {  	s3 =	rddreg [dreg:$0xe];
	[sflag:s26] =	ssyncadd.s32 $0xFFFFC000  }
0x11c: {  	[spmem:s2] =	stream.indirect.scatter.add.f32 [tilespmem:s23], [sflag:$0x6], $0x80, s3, s21, $0xb8;
	[tilespmem:$0x1D000] =	vst v63  }
0x11d: {  	_ =	swait.ge [sflag:s28], $0x4000  }
0x11e: {  	[sflag:s28] =	ssyncset.done $0x0  }
0x11f: {  	s7 =	rddreg [dreg:$0xf];
	[sflag:s28] =	ssyncadd.s32 $0xFFFFC000  }
0x120: {  	[tilespmem:s23], [sflag:$0x4] =	stream.indirect.gather [hbm4b:s4+s21], $0x80, s7, s21, $0xb8;
	[tilespmem:$0x1D000] =	vst v63  }
0x121: {  	_ =	swait.ge [sflag:s24], $0x4000  }
0x122: {  	[sflag:s24] =	ssyncset.done $0x0  }
0x123: {  	s9 =	rddreg [dreg:$0x10];
	[sflag:s24] =	ssyncadd.s32 $0xFFFFC000  }
0x124: {  	[spmem:s2] =	stream.indirect.scatter.add.f32 [tilespmem:s18], [sflag:$0x5], $0x80, s9, s21, $0xb8;
	[tilespmem:$0x1D000] =	vst v63  }
0x125: {  	_ =	swait.ge [sflag:s25], $0x4000  }
0x126: {  	s10 =	rddreg [dreg:$0x4]  }
0x127: {  	[sflag:s25] =	ssyncset.done $0x0;
	p2 =	sge.u32 s31, s10  }
0x128: {  	[sflag:s25] =	ssyncadd.s32 $0xFFFFC000;
	s1 =	simm.s32 @p2 $0x4  }
0x129: {  	_ =	swait.ge @p2 [sflag:s1], $0x4000  }
0x12a: {  	s3 =	simm.s32 @p2 $0x5000;
	s7 =	simm.s32 @p2 $0x6;
	[sflag:s1] =	ssyncset.done @p2 $0x0  }
0x12b: {  	s9 =	simm.s32 @p2 $0x80;
	s10 =	simm.s32 @p2 $0x780;
	[sflag:s1] =	ssyncadd.s32 @p2 $0xFFFFC000  }
0x12c: {  	[spmem:s2] =	stream.indirect.scatter.add.f32 @p2 [tilespmem:s3], [sflag:$0x6], $0x80, s10, s9, $0xb8;
	[tilespmem:$0x1D000] =	vst v63  }
0x12d: {  	_ =	swait.ge @p2 [sflag:s7], $0x4000  }
0x12e: {  	[sflag:s7] =	ssyncset.done @p2 $0x0  }
0x12f: {  	s1 =	simm.s32 @!p2 $0x2;
	[sflag:s7] =	ssyncadd.s32 @p2 $0xFFFFC000  }
0x130: {  	_ =	swait.ge @!p2 [sflag:s1], $0x800  }
0x131: {  	s3 =	simm.s32 @!p2 $0x1000;
	s9 =	simm.s32 @!p2 $0x80;
	[sflag:s1] =	ssyncset.done @!p2 $0x0  }
0x132: {  	s10 =	simm.s32 @!p2 $0x800;
	s7 =	simm.s32 @!p2 $0x4;
	[sflag:s1] =	ssyncadd.s32 @!p2 $0xFFFFF800  }
0x133: {  	[tilespmem:s3], [sflag:$0x3] =	stream.indirect.gather @!p2 [hbm4b:s4+s9], $0x80, s10, s9, $0xb8;
	[tilespmem:$0x1D000] =	vst v63  }
0x134: {  	_ =	swait.ge @!p2 [sflag:s7], $0x4000  }
0x135: {  	s1 =	simm.s32 @!p2 $0x6;
	[sflag:s7] =	ssyncset.done @!p2 $0x0  }
0x136: {  	s3 =	simm.s32 @!p2 $0x780;
	s10 =	simm.s32 @!p2 $0x5000;
	[sflag:s7] =	ssyncadd.s32 @!p2 $0xFFFFC000  }
0x137: {  	[spmem:s2] =	stream.indirect.scatter.add.f32 @!p2 [tilespmem:s10], [sflag:$0x6], $0x80, s3, s9, $0xb8;
	[tilespmem:$0x1D000] =	vst v63  }
0x138: {  	_ =	swait.ge @!p2 [sflag:s1], $0x4000  }
0x139: {  	s22 =	smov.u32 s31;
	s31 =	sadd.s32 $0x2, s31;
	[sflag:s1] =	ssyncset.done @!p2 $0x0  }
0x13a: {  	p1 =	sge.u32 s31, s5;
	s3 =	simm.s32 @!p2 $0x900;
	[sflag:s1] =	ssyncadd.s32 @!p2 $0xFFFFC000  }
0x13b: {  	[tilespmem:s10], [sflag:$0x4] =	stream.indirect.gather @!p2 [hbm4b:s4+s9], $0x80, s3, s9, $0xb8;
	[tilespmem:$0x1D000] =	vst v63  }
0x13c: {  	s1 =	simm.s32 @!p1 $0x0  }
0x13d: {  	[tilespmem:s1], [sflag:$0x1] =	stream.linear.gather @!p1 [hbm4b:s0+s1], $0x800, $0x38;
	[tilespmem:$0x1D000] =	vst v63  }
0x13e: {  	_ =	swait.ge [sflag:s24], $0x4000  }
0x13f: {  	[sflag:s24] =	ssyncset.done $0x0  }
0x140: {  	s11 =	rddreg [dreg:$0x11];
	[sflag:s24] =	ssyncadd.s32 $0xFFFFC000  }
0x141: {  	[spmem:s2] =	stream.indirect.scatter.add.f32 [tilespmem:s18], [sflag:$0x5], $0x80, s11, s21, $0xb8;
	[tilespmem:$0x1D000] =	vst v63  }
0x142: {  	_ =	swait.ge [sflag:s25], $0x4000  }
0x143: {  	[sflag:s25] =	ssyncset.done $0x0  }
0x144: {  	s7 =	rddreg [dreg:$0x12];
	[sflag:s25] =	ssyncadd.s32 $0xFFFFC000  }
0x145: {  	[tilespmem:s18], [sflag:$0x3] =	stream.indirect.gather [hbm4b:s4+s21], $0x80, s7, s21, $0xb8;
	[tilespmem:$0x1D000] =	vst v63  }
0x146: {  	_ =	swait.ge [sflag:s26], $0x4000  }
0x147: {  	[sflag:s26] =	ssyncset.done $0x0  }
0x148: {  	s9 =	rddreg [dreg:$0x13];
	[sflag:s26] =	ssyncadd.s32 $0xFFFFC000  }
0x149: {  	[spmem:s2] =	stream.indirect.scatter.add.f32 [tilespmem:s23], [sflag:$0x6], $0x80, s9, s21, $0xb8;
	[tilespmem:$0x1D000] =	vst v63  }
0x14a: {  	_ =	swait.ge [sflag:s28], $0x4000  }
0x14b: {  	[sflag:s28] =	ssyncset.done $0x0  }
0x14c: {  	s10 =	rddreg [dreg:$0x14];
	[sflag:s28] =	ssyncadd.s32 $0xFFFFC000  }
0x14d: {  	[tilespmem:s23], [sflag:$0x4] =	stream.indirect.gather [hbm4b:s4+s21], $0x80, s10, s21, $0xb8;
	[tilespmem:$0x1D000] =	vst v63  }
0x14e: {  	_ =	swait.ge [sflag:s24], $0x4000  }
0x14f: {  	[sflag:s24] =	ssyncset.done $0x0  }
0x150: {  	s11 =	rddreg [dreg:$0x15];
	[sflag:s24] =	ssyncadd.s32 $0xFFFFC000  }
0x151: {  	[spmem:s2] =	stream.indirect.scatter.add.f32 [tilespmem:s18], [sflag:$0x5], $0x80, s11, s21, $0xb8;
	[tilespmem:$0x1D000] =	vst v63  }
0x152: {  	_ =	swait.ge [sflag:s25], $0x4000  }
0x153: {  	[sflag:s25] =	ssyncset.done $0x0  }
0x154: {  	s7 =	rddreg [dreg:$0x16];
	[sflag:s25] =	ssyncadd.s32 $0xFFFFC000  }
0x155: {  	[tilespmem:s18], [sflag:$0x3] =	stream.indirect.gather [hbm4b:s4+s21], $0x80, s7, s21, $0xb8;
	[tilespmem:$0x1D000] =	vst v63  }
0x156: {  	_ =	swait.ge [sflag:s26], $0x4000  }
0x157: {  	[sflag:s26] =	ssyncset.done $0x0  }
0x158: {  	s9 =	rddreg [dreg:$0x17];
	[sflag:s26] =	ssyncadd.s32 $0xFFFFC000  }
0x159: {  	[spmem:s2] =	stream.indirect.scatter.add.f32 [tilespmem:s23], [sflag:$0x6], $0x80, s9, s21, $0xb8;
	[tilespmem:$0x1D000] =	vst v63  }
0x15a: {  	_ =	swait.ge [sflag:s28], $0x4000  }
0x15b: {  	[sflag:s28] =	ssyncset.done $0x0  }
0x15c: {  	s10 =	rddreg [dreg:$0x18];
	[sflag:s28] =	ssyncadd.s32 $0xFFFFC000  }
0x15d: {  	[tilespmem:s23], [sflag:$0x4] =	stream.indirect.gather [hbm4b:s4+s21], $0x80, s10, s21, $0xb8;
	[tilespmem:$0x1D000] =	vst v63  }
0x15e: {  	_ =	swait.ge [sflag:s24], $0x4000  }
0x15f: {  	[sflag:s24] =	ssyncset.done $0x0  }
0x160: {  	s11 =	rddreg [dreg:$0x19];
	[sflag:s24] =	ssyncadd.s32 $0xFFFFC000  }
0x161: {  	[spmem:s2] =	stream.indirect.scatter.add.f32 [tilespmem:s18], [sflag:$0x5], $0x80, s11, s21, $0xb8;
	[tilespmem:$0x1D000] =	vst v63  }
0x162: {  	_ =	swait.ge [sflag:s25], $0x4000  }
0x163: {  	[sflag:s25] =	ssyncset.done $0x0  }
0x164: {  	s7 =	rddreg [dreg:$0x1a];
	[sflag:s25] =	ssyncadd.s32 $0xFFFFC000  }
0x165: {  	[tilespmem:s18], [sflag:$0x3] =	stream.indirect.gather [hbm4b:s4+s21], $0x80, s7, s21, $0xb8;
	[tilespmem:$0x1D000] =	vst v63  }
0x166: {  	_ =	swait.ge [sflag:s26], $0x4000  }
0x167: {  	[sflag:s26] =	ssyncset.done $0x0  }
0x168: {  	s9 =	rddreg [dreg:$0x1b];
	[sflag:s26] =	ssyncadd.s32 $0xFFFFC000  }
0x169: {  	[spmem:s2] =	stream.indirect.scatter.add.f32 [tilespmem:s23], [sflag:$0x6], $0x80, s9, s21, $0xb8;
	[tilespmem:$0x1D000] =	vst v63  }
0x16a: {  	_ =	swait.ge [sflag:s28], $0x4000  }
0x16b: {  	[sflag:s28] =	ssyncset.done $0x0  }
0x16c: {  	s10 =	rddreg [dreg:$0x1c];
	[sflag:s28] =	ssyncadd.s32 $0xFFFFC000  }
0x16d: {  	[tilespmem:s23], [sflag:$0x4] =	stream.indirect.gather [hbm4b:s4+s21], $0x80, s10, s21, $0xb8;
	[tilespmem:$0x1D000] =	vst v63  }
0x16e: {  	_ =	swait.ge [sflag:s24], $0x4000  }
0x16f: {  	[sflag:s24] =	ssyncset.done $0x0  }
0x170: {  	s11 =	rddreg [dreg:$0x1d];
	[sflag:s24] =	ssyncadd.s32 $0xFFFFC000  }
0x171: {  	[spmem:s2] =	stream.indirect.scatter.add.f32 [tilespmem:s18], [sflag:$0x5], $0x80, s11, s21, $0xb8;
	[tilespmem:$0x1D000] =	vst v63  }
0x172: {  	_ =	swait.ge [sflag:s25], $0x4000  }
0x173: {  	[sflag:s25] =	ssyncset.done $0x0  }
0x174: {  	s3 =	simm.s32 @p1 $0x4;
	[sflag:s25] =	ssyncadd.s32 $0xFFFFC000  }
0x175: {  	_ =	swait.ge @p1 [sflag:s3], $0x4000  }
0x176: {  	s7 =	simm.s32 @p1 $0x5000;
	s9 =	simm.s32 @p1 $0x80;
	[sflag:s3] =	ssyncset.done @p1 $0x0  }
0x177: {  	s10 =	simm.s32 @p1 $0xF80;
	[sflag:s3] =	ssyncadd.s32 @p1 $0xFFFFC000;
	s3 =	simm.s32 @p1 $0x6  }
0x178: {  	[spmem:s2] =	stream.indirect.scatter.add.f32 @p1 [tilespmem:s7], [sflag:$0x6], $0x80, s10, s9, $0xb8;
	[tilespmem:$0x1D000] =	vst v63  }
0x179: {  	_ =	swait.ge @p1 [sflag:s3], $0x4000  }
0x17a: {  	[sflag:s3] =	ssyncset.done @p1 $0x0  }
0x17b: {  	s7 =	simm.s32 @!p1 $0x1;
	[sflag:s3] =	ssyncadd.s32 @p1 $0xFFFFC000  }
0x17c: {  	s30 =	sadd.s32 $0xFFFFFFFF, s30;
	_ =	swait.ge @!p1 [sflag:s7], $0x800  }
0x17d: {  	s17 =	smov.u32 s0;
	s9 =	simm.s32 @!p1 $0x1000;
	[sflag:s7] =	ssyncset.done @!p1 $0x0  }
0x17e: {  	s3 =	simm.s32 @!p1 $0x80;
	[sflag:s7] =	ssyncadd.s32 @!p1 $0xFFFFF800;
	s7 =	simm.s32 @!p1 $0x4  }
0x17f: {  	[tilespmem:s9], [sflag:$0x3] =	stream.indirect.gather @!p1 [hbm4b:s4+s3], $0x80, s1, s3, $0xb8;
	[tilespmem:$0x1D000] =	vst v63  }
0x180: {  	p0 =	sne.s32 s30, $0x0;
	s22 =	sadd.s32 $0x3, s22;
	_ =	swait.ge @!p1 [sflag:s7], $0x4000  }
0x181: {  	s10 =	simm.s32 @!p1 $0x6;
	s9 =	simm.s32 @!p1 $0xF80;
	[sflag:s7] =	ssyncset.done @!p1 $0x0  }
.Ltmp2:
0x182: {  	s1 =	simm.s32 @!p1 $0x5000;
	[sflag:s7] =	ssyncadd.s32 @!p1 $0xFFFFC000;
	(pc) =	sbr.rel @p0 .LBB2_4-.Ltmp2, $4  }
0x183: {  	[spmem:s2] =	stream.indirect.scatter.add.f32 @!p1 [tilespmem:s1], [sflag:$0x6], $0x80, s9, s3, $0xb8;
	[tilespmem:$0x1D000] =	vst v63  }
0x184: {  	p2 =	sge.u32 s22, s5;
	s0 =	sadd.s32 $0x200, s0;
	_ =	swait.ge @!p1 [sflag:s10], $0x4000  }
0x185: {  	s11 =	simm.s32 @!p2 $0x800;
	s7 =	simm.s32 @!p1 $0x100;
	[sflag:s10] =	ssyncset.done @!p1 $0x0  }
0x186: {  	s9 =	sadd.s32 @!p2 $0x100, s17;
	[sflag:s10] =	ssyncadd.s32 @!p1 $0xFFFFC000;
	s10 =	simm.s32 @!p2 $0x0  }
.LBB2_5:
0x187: {  	[tilespmem:s1], [sflag:$0x4] =	stream.indirect.gather @!p1 [hbm4b:s4+s3], $0x80, s7, s3, $0xb8;
	[tilespmem:$0x1D000] =	vst v63  }
0x188: {  	s0 =	stileid.u32;
	s29 =	sadd.s32 $0x1, s29  }
0x189: {  	s31 =	sshrl.u32 s8, $0x3;
	s0 =	sshll.u32 s0, $0x6;
	p0 =	sne.s32 s29, s15  }
0x18a: {  	[tilespmem:s11], [sflag:$0x2] =	stream.linear.gather @!p2 [hbm4b:s9+s10], $0x800, $0x38;
	[tilespmem:$0x1D000] =	vst v63  }
.Ltmp3:
0x18b: {  	s0 =	sor.u32 $0x1C07, s0;
	[bflag:$0x0] =	sbarrier.arrive $0xFFFF;
	(pc) =	sbr.rel @p0 .LBB2_1-.Ltmp3, $4  }
0x18c: {  	[hbm:s14], [sflag:s0] =	dma.local [spmem:s31], $0x2800  }
0x18d: {  	_ =	swait.ge [sflag:s19], $0x2800  }
0x18e: {  	[sflag:s19] =	ssyncset.done $0x0  }
0x18f: {  	[sflag:s19] =	ssyncadd.s32 $0xFFFFD800  }
0x190: {  	_ =	sfence.sel $0x180000  }
0x191: {  	[bflag:$0x0] =	sbarrier.arrive $0xFFFF  }
0x192: {  	_ =	strace $0x90000047  }
0x193: {  	s0 =	stileid.u32;
	[bflag:$0x2] =	sbarrier.arrive $0xFFFF  }
0x194: {  	p0 =	sne.s32 s0, $0x0;
	s0 =	rddreg [dreg:$0x3]  }
0x195: {  	s0 =	sadd.s32 @!p0 $0x100000, s0  }
0x196: {  	[sflag:s0] =	ssyncadd.tile.s32 @!p0 $0x1;
	_ =	shalt  }
.Lfunc_end2:
_tile_overlayer_lowered:
.L_overlay_start_2:
0x197: {  	(tag) =	ssettag $0x2  }
0x198: {  	s0 =	rddreg [dreg:$0x0];
	s2 =	stileid.u32  }
0x199: {  	s1 =	rddreg [dreg:$0x1];
	p0 =	sne.s32 s2, $0x0  }
0x19a: {  	s3 =	rddreg [dreg:$0x2];
	[bflag:$0x3] =	sbarrier.arrive $0xFFFF;
	s2 =	simm.s32 @!p0 $0x1C07  }
0x19b: {  	[timem:s3], [sflag:s2] =	dma.local @!p0 [hbm:s0], s1  }
0x19c: {  	s0 =	simm.s32 @!p0 $0x7  }
0x19d: {  	_ =	swait.ge @!p0 [sflag:s0], s1  }
0x19e: {  	s1 =	ssub.s32 @!p0 $0x0, s1;
	[sflag:s0] =	ssyncset.done @!p0 $0x0  }
0x19f: {  	[sflag:s0] =	ssyncadd.s32 @!p0 s1  }
0x1a0: {  	[bflag:$0x3] =	sbarrier.arrive $0xFFFF  }
0x1a1: {  	_ =	shalt  }

</sc_bundles>
